<compile_context>
chip_gen: v7x
topology: tpu7x:2x2x1
jax: 0.10.2.dev20260603
libtpu: 0.0.44.dev20260713+nightly
codegen_flags: <defaults>
</compile_context>

<pallas_src>
import functools

import jax
import jax.numpy as jnp
from jax import lax
from jax.experimental import pallas as pl
from jax.experimental.pallas import tpu as pltpu
from jax.experimental.pallas import tpu_sc as plsc

B, R, H, W = 128, 34, 512, 512
NUM_CATS = 5
NW = 32
B_PER_W = B // NW
CROWS = 64
NCHUNK = H // CROWS
NCOMBO = B_PER_W * 2 * NCHUNK
RPAD = 48

_mesh = plsc.VectorSubcoreMesh(core_axis_name="c", subcore_axis_name="s")


@functools.partial(
    pl.kernel,
    mesh=_mesh,
    compiler_params=pltpu.CompilerParams(needs_layout_passes=False),
    out_type=jax.ShapeDtypeStruct((B, 2, H, W), jnp.float32),
    scratch_types=[
        pltpu.VMEM((CROWS, W), jnp.float32),
        pltpu.VMEM((CROWS, W), jnp.float32),
        pltpu.VMEM((CROWS, W), jnp.float32),
        pltpu.VMEM((B_PER_W * R * 4,), jnp.float32),
        pltpu.VMEM((R,), jnp.float32),
        pltpu.VMEM((R,), jnp.float32),
        pltpu.VMEM((NUM_CATS,), jnp.float32),
        pltpu.VMEM((NUM_CATS,), jnp.float32),
        pltpu.VMEM((B_PER_W, RPAD), jnp.int32),
        pltpu.VMEM((B_PER_W, RPAD), jnp.int32),
        pltpu.VMEM((2 * B_PER_W, RPAD), jnp.float32),
        pltpu.SemaphoreType.DMA,
        pltpu.SemaphoreType.DMA,
        pltpu.SemaphoreType.DMA,
        pltpu.SemaphoreType.DMA,
    ],
)
def _vec2im_sc(x_hbm, dw_hbm, db_hbm, cw_hbm, cb_hbm, out_hbm,
               buf0, buf1, buf2, xvb, dwb, dbb, cwb, cbb, xib, yib, vab,
               sem0, sem1, sem2, sems_stage):
    wid = lax.axis_index("s") * 2 + lax.axis_index("c")
    bufs = (buf0, buf1, buf2)
    sems = (sem0, sem1, sem2)

    stage = [
        pltpu.async_copy(
            x_hbm.at[pl.ds(wid * (B_PER_W * R * 4), B_PER_W * R * 4)],
            xvb, sems_stage),
        pltpu.async_copy(dw_hbm, dwb, sems_stage),
        pltpu.async_copy(db_hbm, dbb, sems_stage),
        pltpu.async_copy(cw_hbm, cwb, sems_stage),
        pltpu.async_copy(cb_hbm, cbb, sems_stage),
    ]

    def _zrow(r, carry):
        z16 = jnp.zeros((16,), jnp.float32)
        for j in range(W // 16):
            buf0[r, pl.ds(j * 16, 16)] = z16
            buf1[r, pl.ds(j * 16, 16)] = z16
            buf2[r, pl.ds(j * 16, 16)] = z16
        return carry

    lax.fori_loop(0, CROWS, _zrow, 0)
    for cp in stage:
        cp.wait()

    lane = lax.iota(jnp.int32, 16)
    for bl in range(B_PER_W):
        for c in range(RPAD // 16):
            rc = jnp.minimum(lane + c * 16, R - 1)
            base = bl * (R * 4) + rc * 4
            p = plsc.load_gather(xvb, [base])
            xf = plsc.load_gather(xvb, [base + 1])
            yf = plsc.load_gather(xvb, [base + 2])
            cf = plsc.load_gather(xvb, [base + 3])
            dw = plsc.load_gather(dwb, [rc])
            db = plsc.load_gather(dbb, [rc])
            cat = cf.astype(jnp.int32)
            cw = plsc.load_gather(cwb, [cat])
            cb = plsc.load_gather(cbb, [cat])
            ind = jnp.where(p != 0.0, 1.0, 0.0)
            v0 = (p * dw + ind * db) * cw + ind * cb
            xib[bl, pl.ds(c * 16, 16)] = xf.astype(jnp.int32)
            yib[bl, pl.ds(c * 16, 16)] = yf.astype(jnp.int32)
            vab[2 * bl, pl.ds(c * 16, 16)] = v0
            vab[2 * bl + 1, pl.ds(c * 16, 16)] = p

    def _combo(c):
        return c // (2 * NCHUNK), (c // NCHUNK) % 2, c % NCHUNK

    def _scatter(buf, bl, chunk, values):
        for cc in range(RPAD // 16):
            xi = xib[bl, pl.ds(cc * 16, 16)]
            yi = yib[bl, pl.ds(cc * 16, 16)]
            mask = (yi // CROWS) == chunk
            vals = values(cc)
            plsc.store_scatter(buf, [yi % CROWS, xi], vals, mask=mask)

    def _emit(c, parity, first):
        bl, ch, chunk = _combo(c)
        gb = wid * B_PER_W + bl
        buf, sem = bufs[parity], sems[parity]
        if not first:
            blp, _, chunkp = _combo(c - 3)
            pltpu.make_async_copy(
                buf, out_hbm.at[gb, ch, pl.ds(chunk * CROWS, CROWS)],
                sem).wait()
            _scatter(buf, blp, chunkp,
                     lambda cc: jnp.zeros((16,), jnp.float32))
        _scatter(buf, bl, chunk,
                 lambda cc: vab[2 * bl + ch, pl.ds(cc * 16, 16)])
        pltpu.async_copy(
            buf, out_hbm.at[gb, ch, pl.ds(chunk * CROWS, CROWS)], sem)

    _emit(0, 0, True)
    _emit(1, 1, True)
    _emit(2, 2, True)

    def _body(k, carry):
        _emit(3 * k, 0, False)
        _emit(3 * k + 1, 1, False)
        _emit(3 * k + 2, 2, False)
        return carry

    lax.fori_loop(1, (NCOMBO - 1) // 3, _body, 0)
    _emit(NCOMBO - 1, (NCOMBO - 1) % 3, False)

    for cz in (NCOMBO - 3, NCOMBO - 2, NCOMBO - 1):
        blz, chz, chkz = _combo(cz)
        gbz = wid * B_PER_W + blz
        pltpu.make_async_copy(
            bufs[cz % 3], out_hbm.at[gbz, chz, pl.ds(chkz * CROWS, CROWS)],
            sems[cz % 3]).wait()


def kernel(x_vecs, device_weights, device_bias, category_weights,
           category_bias):
    return _vec2im_sc(x_vecs.reshape(-1), device_weights, device_bias,
                      category_weights, category_bias)

# --- scband reference (transcript-rebuilt; emitter-appended) ---
"""Pipeline reference for scband-vec2-im-26096221291019 (READ-ONLY COPY).

The authoritative reference and input builder live on the scoring server;
editing this copy changes nothing except your own understanding.
"""

import jax, jax.numpy as jnp
import numpy as np

B, R, H, W = 128, 34, 512, 512
NUM_CATS = 5  # num_rx_categories + 1

def setup_inputs(seed: int = 0) -> dict:
    key = jax.random.key(seed)
    k1, k2, k3, k4, k5, k6, k7 = jax.random.split(key, 7)
    # channel 0: RSS power (nonzero), channels 1:3: integer-valued pixel coords (x, y), channel 3: category id
    powers = jax.random.normal(k1, (B, R), dtype=jnp.float32) * 10.0 - 50.0
    cx = jax.random.randint(k2, (B, R), 0, W).astype(jnp.float32)
    cy = jax.random.randint(k3, (B, R), 0, H).astype(jnp.float32)
    cats = jax.random.randint(k4, (B, R), 0, NUM_CATS).astype(jnp.float32)
    x_vecs = jnp.stack([powers, cx, cy, cats], axis=-1)
    # learned parameters sized per init_kwargs (max_num_rx=34, num_rx_categories=4)
    device_weights = jnp.ones((R,), jnp.float32) + 0.01 * jax.random.normal(k5, (R,), dtype=jnp.float32)
    device_bias = 0.01 * jax.random.normal(k6, (R,), dtype=jnp.float32)
    category_weights = jnp.ones((NUM_CATS,), jnp.float32)
    category_bias = 0.01 * jax.random.normal(k7, (NUM_CATS,), dtype=jnp.float32)
    return {"x_vecs": x_vecs, "device_weights": device_weights, "device_bias": device_bias,
            "category_weights": category_weights, "category_bias": category_bias}

def reference(x_vecs, device_weights, device_bias, category_weights, category_bias):
    batch_size = x_vecs.shape[0]
    # eval mode: sensor_dropout / rss_noise / power_scaling disabled; elevation_map None -> 2 channels
    all_powers = x_vecs[:, :, 0]
    power_inds = (all_powers != 0).astype(jnp.float32)
    # device_multiplication
    all_dbias = power_inds * device_bias
    all_powers = all_powers * device_weights + all_dbias
    # category_multiplication
    all_device_categories = x_vecs[:, :, -1].astype(jnp.int32)
    all_cweights = jnp.take(category_weights, all_device_categories)
    all_cbias = power_inds * jnp.take(category_bias, all_device_categories)
    all_powers = all_powers * all_cweights + all_cbias
    # scatter into image: channel 0 = processed powers, channel 1 = raw powers
    coords = jnp.round(x_vecs[:, :, 1:3]).astype(jnp.int32)
    b_idx = jnp.repeat(jnp.arange(batch_size), R)
    xs = coords[:, :, 0].reshape(-1)
    ys = coords[:, :, 1].reshape(-1)
    x_img = jnp.zeros((batch_size, 2, H, W), dtype=jnp.float32)
    x_img = x_img.at[b_idx, 0, ys, xs].set(all_powers.reshape(-1))
    x_img = x_img.at[b_idx, 1, ys, xs].set(x_vecs[:, :, 0].reshape(-1))
    return x_img

if __name__ == "__main__":
    import jax
    _d = setup_inputs()
    print(jax.jit(kernel)(*tuple(_d.values())))

</pallas_src>

<mosaic_0001>
#map = affine_map<(d0, d1) -> (0)>
#map1 = affine_map<(d0, d1) -> (0, 0, 0, 0)>
module attributes {stable_mosaic.version = 14 : i64} {
  func.func @_vec2im_sc(%arg0: i32, %arg1: i32, %arg2: memref<17408xf32, #tpu.memory_space<hbm>>, %arg3: memref<34xf32, #tpu.memory_space<hbm>>, %arg4: memref<34xf32, #tpu.memory_space<hbm>>, %arg5: memref<5xf32, #tpu.memory_space<hbm>>, %arg6: memref<5xf32, #tpu.memory_space<hbm>>, %arg7: memref<128x2x512x512xf32, #tpu.memory_space<hbm>>, %arg8: memref<64x512xf32, #tpu.memory_space<vmem>>, %arg9: memref<64x512xf32, #tpu.memory_space<vmem>>, %arg10: memref<64x512xf32, #tpu.memory_space<vmem>>, %arg11: memref<544xf32, #tpu.memory_space<vmem>>, %arg12: memref<34xf32, #tpu.memory_space<vmem>>, %arg13: memref<34xf32, #tpu.memory_space<vmem>>, %arg14: memref<5xf32, #tpu.memory_space<vmem>>, %arg15: memref<5xf32, #tpu.memory_space<vmem>>, %arg16: memref<4x48xi32, #tpu.memory_space<vmem>>, %arg17: memref<4x48xi32, #tpu.memory_space<vmem>>, %arg18: memref<8x48xf32, #tpu.memory_space<vmem>>, %arg19: memref<!tpu.dma_semaphore, #tpu.memory_space<semaphore_mem>>, %arg20: memref<!tpu.dma_semaphore, #tpu.memory_space<semaphore_mem>>, %arg21: memref<!tpu.dma_semaphore, #tpu.memory_space<semaphore_mem>>, %arg22: memref<!tpu.dma_semaphore, #tpu.memory_space<semaphore_mem>>) attributes {dimension_semantics = [#tpu.dimension_semantics<core_parallel>, #tpu.dimension_semantics<subcore_parallel>], iteration_bounds = array<i64: 2, 16>, scalar_prefetch = 0 : i64, scratch_operands = 15 : i64, tpu.core_type = #tpu.core_type<sc_vector_subcore>, window_params = [{transform_indices = #map}, {transform_indices = #map}, {transform_indices = #map}, {transform_indices = #map}, {transform_indices = #map}, {transform_indices = #map1}]} {
    %mul3A = arith.constant 2 : i32
    %mul3A_0 = arith.muli %arg1, %mul3A : i32
    %add3A = arith.addi %mul3A_0, %arg0 : i32
    %mul3A_1 = arith.constant 544 : i32
    %mul3A_2 = arith.muli %add3A, %mul3A_1 : i32
    %dma_start3A = tpu.memref_slice %arg2[%mul3A_2] : memref<17408xf32, #tpu.memory_space<hbm>> -> memref<544xf32, #tpu.memory_space<hbm>>
    %dma_start3A_3 = tpu.memref_slice %arg2[%mul3A_2] : memref<17408xf32, #tpu.memory_space<hbm>> -> memref<544xf32, #tpu.memory_space<hbm>>
    tpu.enqueue_dma source(%dma_start3A_3 : memref<544xf32, #tpu.memory_space<hbm>>) target(%arg11 : memref<544xf32, #tpu.memory_space<vmem>>) target_semaphore(%arg22 : memref<!tpu.dma_semaphore, #tpu.memory_space<semaphore_mem>>)
    tpu.enqueue_dma source(%arg3 : memref<34xf32, #tpu.memory_space<hbm>>) target(%arg12 : memref<34xf32, #tpu.memory_space<vmem>>) target_semaphore(%arg22 : memref<!tpu.dma_semaphore, #tpu.memory_space<semaphore_mem>>)
    tpu.enqueue_dma source(%arg4 : memref<34xf32, #tpu.memory_space<hbm>>) target(%arg13 : memref<34xf32, #tpu.memory_space<vmem>>) target_semaphore(%arg22 : memref<!tpu.dma_semaphore, #tpu.memory_space<semaphore_mem>>)
    tpu.enqueue_dma source(%arg5 : memref<5xf32, #tpu.memory_space<hbm>>) target(%arg14 : memref<5xf32, #tpu.memory_space<vmem>>) target_semaphore(%arg22 : memref<!tpu.dma_semaphore, #tpu.memory_space<semaphore_mem>>)
    tpu.enqueue_dma source(%arg6 : memref<5xf32, #tpu.memory_space<hbm>>) target(%arg15 : memref<5xf32, #tpu.memory_space<vmem>>) target_semaphore(%arg22 : memref<!tpu.dma_semaphore, #tpu.memory_space<semaphore_mem>>)
    %scan3A = arith.constant 0 : i32
    %scan3A_4 = arith.constant 0 : i32
    %scan3A_5 = arith.constant 64 : i32
    %scan3A_6 = arith.addi %scan3A_4, %scan3A_5 : i32
    %scan3A_7 = arith.constant 1 : i32
    scf.for %scan3A_1858 = %scan3A_4 to %scan3A_6 step %scan3A_7  : i32 {
      %broadcast_in_dim3A_1859 = arith.constant 0.000000e+00 : f32
      %broadcast_in_dim3A_1860 = vector.broadcast %broadcast_in_dim3A_1859 : f32 to vector<16xf32>
      %swap3A_1861 = arith.index_cast %scan3A_1858 : i32 to index
      %swap3A_1862 = arith.constant 0 : index
      %swap3A_1863 = tpu.vector_load %arg8[%swap3A_1861, %swap3A_1862] {strides = array<i32>} : memref<64x512xf32, #tpu.memory_space<vmem>>, vector<16xf32>,
      tpu.vector_store %arg8[%swap3A_1861, %swap3A_1862], %broadcast_in_dim3A_1860 {strides = array<i32>} : memref<64x512xf32, #tpu.memory_space<vmem>>, vector<16xf32>,
      %swap3A_1864 = arith.index_cast %scan3A_1858 : i32 to index
      %swap3A_1865 = arith.constant 0 : index
      %swap3A_1866 = tpu.vector_load %arg9[%swap3A_1864, %swap3A_1865] {strides = array<i32>} : memref<64x512xf32, #tpu.memory_space<vmem>>, vector<16xf32>,
      tpu.vector_store %arg9[%swap3A_1864, %swap3A_1865], %broadcast_in_dim3A_1860 {strides = array<i32>} : memref<64x512xf32, #tpu.memory_space<vmem>>, vector<16xf32>,
      %swap3A_1867 = arith.index_cast %scan3A_1858 : i32 to index
      %swap3A_1868 = arith.constant 0 : index
      %swap3A_1869 = tpu.vector_load %arg10[%swap3A_1867, %swap3A_1868] {strides = array<i32>} : memref<64x512xf32, #tpu.memory_space<vmem>>, vector<16xf32>,
      tpu.vector_store %arg10[%swap3A_1867, %swap3A_1868], %broadcast_in_dim3A_1860 {strides = array<i32>} : memref<64x512xf32, #tpu.memory_space<vmem>>, vector<16xf32>,
      %swap3A_1870 = arith.index_cast %scan3A_1858 : i32 to index
      %swap3A_1871 = arith.constant 16 : index
      %swap3A_1872 = tpu.vector_load %arg8[%swap3A_1870, %swap3A_1871] {strides = array<i32>} : memref<64x512xf32, #tpu.memory_space<vmem>>, vector<16xf32>,
      tpu.vector_store %arg8[%swap3A_1870, %swap3A_1871], %broadcast_in_dim3A_1860 {strides = array<i32>} : memref<64x512xf32, #tpu.memory_space<vmem>>, vector<16xf32>,
      %swap3A_1873 = arith.index_cast %scan3A_1858 : i32 to index
      %swap3A_1874 = arith.constant 16 : index
      %swap3A_1875 = tpu.vector_load %arg9[%swap3A_1873, %swap3A_1874] {strides = array<i32>} : memref<64x512xf32, #tpu.memory_space<vmem>>, vector<16xf32>,
      tpu.vector_store %arg9[%swap3A_1873, %swap3A_1874], %broadcast_in_dim3A_1860 {strides = array<i32>} : memref<64x512xf32, #tpu.memory_space<vmem>>, vector<16xf32>,
      %swap3A_1876 = arith.index_cast %scan3A_1858 : i32 to index
      %swap3A_1877 = arith.constant 16 : index
      %swap3A_1878 = tpu.vector_load %arg10[%swap3A_1876, %swap3A_1877] {strides = array<i32>} : memref<64x512xf32, #tpu.memory_space<vmem>>, vector<16xf32>,
      tpu.vector_store %arg10[%swap3A_1876, %swap3A_1877], %broadcast_in_dim3A_1860 {strides = array<i32>} : memref<64x512xf32, #tpu.memory_space<vmem>>, vector<16xf32>,
      %swap3A_1879 = arith.index_cast %scan3A_1858 : i32 to index
      %swap3A_1880 = arith.constant 32 : index
      %swap3A_1881 = tpu.vector_load %arg8[%swap3A_1879, %swap3A_1880] {strides = array<i32>} : memref<64x512xf32, #tpu.memory_space<vmem>>, vector<16xf32>,
      tpu.vector_store %arg8[%swap3A_1879, %swap3A_1880], %broadcast_in_dim3A_1860 {strides = array<i32>} : memref<64x512xf32, #tpu.memory_space<vmem>>, vector<16xf32>,
      %swap3A_1882 = arith.index_cast %scan3A_1858 : i32 to index
      %swap3A_1883 = arith.constant 32 : index
      %swap3A_1884 = tpu.vector_load %arg9[%swap3A_1882, %swap3A_1883] {strides = array<i32>} : memref<64x512xf32, #tpu.memory_space<vmem>>, vector<16xf32>,
      tpu.vector_store %arg9[%swap3A_1882, %swap3A_1883], %broadcast_in_dim3A_1860 {strides = array<i32>} : memref<64x512xf32, #tpu.memory_space<vmem>>, vector<16xf32>,
      %swap3A_1885 = arith.index_cast %scan3A_1858 : i32 to index
      %swap3A_1886 = arith.constant 32 : index
      %swap3A_1887 = tpu.vector_load %arg10[%swap3A_1885, %swap3A_1886] {strides = array<i32>} : memref<64x512xf32, #tpu.memory_space<vmem>>, vector<16xf32>,
      tpu.vector_store %arg10[%swap3A_1885, %swap3A_1886], %broadcast_in_dim3A_1860 {strides = array<i32>} : memref<64x512xf32, #tpu.memory_space<vmem>>, vector<16xf32>,
      %swap3A_1888 = arith.index_cast %scan3A_1858 : i32 to index
      %swap3A_1889 = arith.constant 48 : index
      %swap3A_1890 = tpu.vector_load %arg8[%swap3A_1888, %swap3A_1889] {strides = array<i32>} : memref<64x512xf32, #tpu.memory_space<vmem>>, vector<16xf32>,
      tpu.vector_store %arg8[%swap3A_1888, %swap3A_1889], %broadcast_in_dim3A_1860 {strides = array<i32>} : memref<64x512xf32, #tpu.memory_space<vmem>>, vector<16xf32>,
      %swap3A_1891 = arith.index_cast %scan3A_1858 : i32 to index
      %swap3A_1892 = arith.constant 48 : index
      %swap3A_1893 = tpu.vector_load %arg9[%swap3A_1891, %swap3A_1892] {strides = array<i32>} : memref<64x512xf32, #tpu.memory_space<vmem>>, vector<16xf32>,
      tpu.vector_store %arg9[%swap3A_1891, %swap3A_1892], %broadcast_in_dim3A_1860 {strides = array<i32>} : memref<64x512xf32, #tpu.memory_space<vmem>>, vector<16xf32>,
      %swap3A_1894 = arith.index_cast %scan3A_1858 : i32 to index
      %swap3A_1895 = arith.constant 48 : index
      %swap3A_1896 = tpu.vector_load %arg10[%swap3A_1894, %swap3A_1895] {strides = array<i32>} : memref<64x512xf32, #tpu.memory_space<vmem>>, vector<16xf32>,
      tpu.vector_store %arg10[%swap3A_1894, %swap3A_1895], %broadcast_in_dim3A_1860 {strides = array<i32>} : memref<64x512xf32, #tpu.memory_space<vmem>>, vector<16xf32>,
      %swap3A_1897 = arith.index_cast %scan3A_1858 : i32 to index
      %swap3A_1898 = arith.constant 64 : index
      %swap3A_1899 = tpu.vector_load %arg8[%swap3A_1897, %swap3A_1898] {strides = array<i32>} : memref<64x512xf32, #tpu.memory_space<vmem>>, vector<16xf32>,
      tpu.vector_store %arg8[%swap3A_1897, %swap3A_1898], %broadcast_in_dim3A_1860 {strides = array<i32>} : memref<64x512xf32, #tpu.memory_space<vmem>>, vector<16xf32>,
      %swap3A_1900 = arith.index_cast %scan3A_1858 : i32 to index
      %swap3A_1901 = arith.constant 64 : index
      %swap3A_1902 = tpu.vector_load %arg9[%swap3A_1900, %swap3A_1901] {strides = array<i32>} : memref<64x512xf32, #tpu.memory_space<vmem>>, vector<16xf32>,
      tpu.vector_store %arg9[%swap3A_1900, %swap3A_1901], %broadcast_in_dim3A_1860 {strides = array<i32>} : memref<64x512xf32, #tpu.memory_space<vmem>>, vector<16xf32>,
      %swap3A_1903 = arith.index_cast %scan3A_1858 : i32 to index
      %swap3A_1904 = arith.constant 64 : index
      %swap3A_1905 = tpu.vector_load %arg10[%swap3A_1903, %swap3A_1904] {strides = array<i32>} : memref<64x512xf32, #tpu.memory_space<vmem>>, vector<16xf32>,
      tpu.vector_store %arg10[%swap3A_1903, %swap3A_1904], %broadcast_in_dim3A_1860 {strides = array<i32>} : memref<64x512xf32, #tpu.memory_space<vmem>>, vector<16xf32>,
      %swap3A_1906 = arith.index_cast %scan3A_1858 : i32 to index
      %swap3A_1907 = arith.constant 80 : index
      %swap3A_1908 = tpu.vector_load %arg8[%swap3A_1906, %swap3A_1907] {strides = array<i32>} : memref<64x512xf32, #tpu.memory_space<vmem>>, vector<16xf32>,
      tpu.vector_store %arg8[%swap3A_1906, %swap3A_1907], %broadcast_in_dim3A_1860 {strides = array<i32>} : memref<64x512xf32, #tpu.memory_space<vmem>>, vector<16xf32>,
      %swap3A_1909 = arith.index_cast %scan3A_1858 : i32 to index
      %swap3A_1910 = arith.constant 80 : index
      %swap3A_1911 = tpu.vector_load %arg9[%swap3A_1909, %swap3A_1910] {strides = array<i32>} : memref<64x512xf32, #tpu.memory_space<vmem>>, vector<16xf32>,
      tpu.vector_store %arg9[%swap3A_1909, %swap3A_1910], %broadcast_in_dim3A_1860 {strides = array<i32>} : memref<64x512xf32, #tpu.memory_space<vmem>>, vector<16xf32>,
      %swap3A_1912 = arith.index_cast %scan3A_1858 : i32 to index
      %swap3A_1913 = arith.constant 80 : index
      %swap3A_1914 = tpu.vector_load %arg10[%swap3A_1912, %swap3A_1913] {strides = array<i32>} : memref<64x512xf32, #tpu.memory_space<vmem>>, vector<16xf32>,
      tpu.vector_store %arg10[%swap3A_1912, %swap3A_1913], %broadcast_in_dim3A_1860 {strides = array<i32>} : memref<64x512xf32, #tpu.memory_space<vmem>>, vector<16xf32>,
      %swap3A_1915 = arith.index_cast %scan3A_1858 : i32 to index
      %swap3A_1916 = arith.constant 96 : index
      %swap3A_1917 = tpu.vector_load %arg8[%swap3A_1915, %swap3A_1916] {strides = array<i32>} : memref<64x512xf32, #tpu.memory_space<vmem>>, vector<16xf32>,
      tpu.vector_store %arg8[%swap3A_1915, %swap3A_1916], %broadcast_in_dim3A_1860 {strides = array<i32>} : memref<64x512xf32, #tpu.memory_space<vmem>>, vector<16xf32>,
      %swap3A_1918 = arith.index_cast %scan3A_1858 : i32 to index
      %swap3A_1919 = arith.constant 96 : index
      %swap3A_1920 = tpu.vector_load %arg9[%swap3A_1918, %swap3A_1919] {strides = array<i32>} : memref<64x512xf32, #tpu.memory_space<vmem>>, vector<16xf32>,
      tpu.vector_store %arg9[%swap3A_1918, %swap3A_1919], %broadcast_in_dim3A_1860 {strides = array<i32>} : memref<64x512xf32, #tpu.memory_space<vmem>>, vector<16xf32>,
      %swap3A_1921 = arith.index_cast %scan3A_1858 : i32 to index
      %swap3A_1922 = arith.constant 96 : index
      %swap3A_1923 = tpu.vector_load %arg10[%swap3A_1921, %swap3A_1922] {strides = array<i32>} : memref<64x512xf32, #tpu.memory_space<vmem>>, vector<16xf32>,
      tpu.vector_store %arg10[%swap3A_1921, %swap3A_1922], %broadcast_in_dim3A_1860 {strides = array<i32>} : memref<64x512xf32, #tpu.memory_space<vmem>>, vector<16xf32>,
      %swap3A_1924 = arith.index_cast %scan3A_1858 : i32 to index
      %swap3A_1925 = arith.constant 112 : index
      %swap3A_1926 = tpu.vector_load %arg8[%swap3A_1924, %swap3A_1925] {strides = array<i32>} : memref<64x512xf32, #tpu.memory_space<vmem>>, vector<16xf32>,
      tpu.vector_store %arg8[%swap3A_1924, %swap3A_1925], %broadcast_in_dim3A_1860 {strides = array<i32>} : memref<64x512xf32, #tpu.memory_space<vmem>>, vector<16xf32>,
      %swap3A_1927 = arith.index_cast %scan3A_1858 : i32 to index
      %swap3A_1928 = arith.constant 112 : index
      %swap3A_1929 = tpu.vector_load %arg9[%swap3A_1927, %swap3A_1928] {strides = array<i32>} : memref<64x512xf32, #tpu.memory_space<vmem>>, vector<16xf32>,
      tpu.vector_store %arg9[%swap3A_1927, %swap3A_1928], %broadcast_in_dim3A_1860 {strides = array<i32>} : memref<64x512xf32, #tpu.memory_space<vmem>>, vector<16xf32>,
      %swap3A_1930 = arith.index_cast %scan3A_1858 : i32 to index
      %swap3A_1931 = arith.constant 112 : index
      %swap3A_1932 = tpu.vector_load %arg10[%swap3A_1930, %swap3A_1931] {strides = array<i32>} : memref<64x512xf32, #tpu.memory_space<vmem>>, vector<16xf32>,
      tpu.vector_store %arg10[%swap3A_1930, %swap3A_1931], %broadcast_in_dim3A_1860 {strides = array<i32>} : memref<64x512xf32, #tpu.memory_space<vmem>>, vector<16xf32>,
      %swap3A_1933 = arith.index_cast %scan3A_1858 : i32 to index
      %swap3A_1934 = arith.constant 128 : index
      %swap3A_1935 = tpu.vector_load %arg8[%swap3A_1933, %swap3A_1934] {strides = array<i32>} : memref<64x512xf32, #tpu.memory_space<vmem>>, vector<16xf32>,
      tpu.vector_store %arg8[%swap3A_1933, %swap3A_1934], %broadcast_in_dim3A_1860 {strides = array<i32>} : memref<64x512xf32, #tpu.memory_space<vmem>>, vector<16xf32>,
      %swap3A_1936 = arith.index_cast %scan3A_1858 : i32 to index
      %swap3A_1937 = arith.constant 128 : index
      %swap3A_1938 = tpu.vector_load %arg9[%swap3A_1936, %swap3A_1937] {strides = array<i32>} : memref<64x512xf32, #tpu.memory_space<vmem>>, vector<16xf32>,
      tpu.vector_store %arg9[%swap3A_1936, %swap3A_1937], %broadcast_in_dim3A_1860 {strides = array<i32>} : memref<64x512xf32, #tpu.memory_space<vmem>>, vector<16xf32>,
      %swap3A_1939 = arith.index_cast %scan3A_1858 : i32 to index
      %swap3A_1940 = arith.constant 128 : index
      %swap3A_1941 = tpu.vector_load %arg10[%swap3A_1939, %swap3A_1940] {strides = array<i32>} : memref<64x512xf32, #tpu.memory_space<vmem>>, vector<16xf32>,
      tpu.vector_store %arg10[%swap3A_1939, %swap3A_1940], %broadcast_in_dim3A_1860 {strides = array<i32>} : memref<64x512xf32, #tpu.memory_space<vmem>>, vector<16xf32>,
      %swap3A_1942 = arith.index_cast %scan3A_1858 : i32 to index
      %swap3A_1943 = arith.constant 144 : index
      %swap3A_1944 = tpu.vector_load %arg8[%swap3A_1942, %swap3A_1943] {strides = array<i32>} : memref<64x512xf32, #tpu.memory_space<vmem>>, vector<16xf32>,
      tpu.vector_store %arg8[%swap3A_1942, %swap3A_1943], %broadcast_in_dim3A_1860 {strides = array<i32>} : memref<64x512xf32, #tpu.memory_space<vmem>>, vector<16xf32>,
      %swap3A_1945 = arith.index_cast %scan3A_1858 : i32 to index
      %swap3A_1946 = arith.constant 144 : index
      %swap3A_1947 = tpu.vector_load %arg9[%swap3A_1945, %swap3A_1946] {strides = array<i32>} : memref<64x512xf32, #tpu.memory_space<vmem>>, vector<16xf32>,
      tpu.vector_store %arg9[%swap3A_1945, %swap3A_1946], %broadcast_in_dim3A_1860 {strides = array<i32>} : memref<64x512xf32, #tpu.memory_space<vmem>>, vector<16xf32>,
      %swap3A_1948 = arith.index_cast %scan3A_1858 : i32 to index
      %swap3A_1949 = arith.constant 144 : index
      %swap3A_1950 = tpu.vector_load %arg10[%swap3A_1948, %swap3A_1949] {strides = array<i32>} : memref<64x512xf32, #tpu.memory_space<vmem>>, vector<16xf32>,
      tpu.vector_store %arg10[%swap3A_1948, %swap3A_1949], %broadcast_in_dim3A_1860 {strides = array<i32>} : memref<64x512xf32, #tpu.memory_space<vmem>>, vector<16xf32>,
      %swap3A_1951 = arith.index_cast %scan3A_1858 : i32 to index
      %swap3A_1952 = arith.constant 160 : index
      %swap3A_1953 = tpu.vector_load %arg8[%swap3A_1951, %swap3A_1952] {strides = array<i32>} : memref<64x512xf32, #tpu.memory_space<vmem>>, vector<16xf32>,
      tpu.vector_store %arg8[%swap3A_1951, %swap3A_1952], %broadcast_in_dim3A_1860 {strides = array<i32>} : memref<64x512xf32, #tpu.memory_space<vmem>>, vector<16xf32>,
      %swap3A_1954 = arith.index_cast %scan3A_1858 : i32 to index
      %swap3A_1955 = arith.constant 160 : index
      %swap3A_1956 = tpu.vector_load %arg9[%swap3A_1954, %swap3A_1955] {strides = array<i32>} : memref<64x512xf32, #tpu.memory_space<vmem>>, vector<16xf32>,
      tpu.vector_store %arg9[%swap3A_1954, %swap3A_1955], %broadcast_in_dim3A_1860 {strides = array<i32>} : memref<64x512xf32, #tpu.memory_space<vmem>>, vector<16xf32>,
      %swap3A_1957 = arith.index_cast %scan3A_1858 : i32 to index
      %swap3A_1958 = arith.constant 160 : index
      %swap3A_1959 = tpu.vector_load %arg10[%swap3A_1957, %swap3A_1958] {strides = array<i32>} : memref<64x512xf32, #tpu.memory_space<vmem>>, vector<16xf32>,
      tpu.vector_store %arg10[%swap3A_1957, %swap3A_1958], %broadcast_in_dim3A_1860 {strides = array<i32>} : memref<64x512xf32, #tpu.memory_space<vmem>>, vector<16xf32>,
      %swap3A_1960 = arith.index_cast %scan3A_1858 : i32 to index
      %swap3A_1961 = arith.constant 176 : index
      %swap3A_1962 = tpu.vector_load %arg8[%swap3A_1960, %swap3A_1961] {strides = array<i32>} : memref<64x512xf32, #tpu.memory_space<vmem>>, vector<16xf32>,
      tpu.vector_store %arg8[%swap3A_1960, %swap3A_1961], %broadcast_in_dim3A_1860 {strides = array<i32>} : memref<64x512xf32, #tpu.memory_space<vmem>>, vector<16xf32>,
      %swap3A_1963 = arith.index_cast %scan3A_1858 : i32 to index
      %swap3A_1964 = arith.constant 176 : index
      %swap3A_1965 = tpu.vector_load %arg9[%swap3A_1963, %swap3A_1964] {strides = array<i32>} : memref<64x512xf32, #tpu.memory_space<vmem>>, vector<16xf32>,
      tpu.vector_store %arg9[%swap3A_1963, %swap3A_1964], %broadcast_in_dim3A_1860 {strides = array<i32>} : memref<64x512xf32, #tpu.memory_space<vmem>>, vector<16xf32>,
      %swap3A_1966 = arith.index_cast %scan3A_1858 : i32 to index
      %swap3A_1967 = arith.constant 176 : index
      %swap3A_1968 = tpu.vector_load %arg10[%swap3A_1966, %swap3A_1967] {strides = array<i32>} : memref<64x512xf32, #tpu.memory_space<vmem>>, vector<16xf32>,
      tpu.vector_store %arg10[%swap3A_1966, %swap3A_1967], %broadcast_in_dim3A_1860 {strides = array<i32>} : memref<64x512xf32, #tpu.memory_space<vmem>>, vector<16xf32>,
      %swap3A_1969 = arith.index_cast %scan3A_1858 : i32 to index
      %swap3A_1970 = arith.constant 192 : index
      %swap3A_1971 = tpu.vector_load %arg8[%swap3A_1969, %swap3A_1970] {strides = array<i32>} : memref<64x512xf32, #tpu.memory_space<vmem>>, vector<16xf32>,
      tpu.vector_store %arg8[%swap3A_1969, %swap3A_1970], %broadcast_in_dim3A_1860 {strides = array<i32>} : memref<64x512xf32, #tpu.memory_space<vmem>>, vector<16xf32>,
      %swap3A_1972 = arith.index_cast %scan3A_1858 : i32 to index
      %swap3A_1973 = arith.constant 192 : index
      %swap3A_1974 = tpu.vector_load %arg9[%swap3A_1972, %swap3A_1973] {strides = array<i32>} : memref<64x512xf32, #tpu.memory_space<vmem>>, vector<16xf32>,
      tpu.vector_store %arg9[%swap3A_1972, %swap3A_1973], %broadcast_in_dim3A_1860 {strides = array<i32>} : memref<64x512xf32, #tpu.memory_space<vmem>>, vector<16xf32>,
      %swap3A_1975 = arith.index_cast %scan3A_1858 : i32 to index
      %swap3A_1976 = arith.constant 192 : index
      %swap3A_1977 = tpu.vector_load %arg10[%swap3A_1975, %swap3A_1976] {strides = array<i32>} : memref<64x512xf32, #tpu.memory_space<vmem>>, vector<16xf32>,
      tpu.vector_store %arg10[%swap3A_1975, %swap3A_1976], %broadcast_in_dim3A_1860 {strides = array<i32>} : memref<64x512xf32, #tpu.memory_space<vmem>>, vector<16xf32>,
      %swap3A_1978 = arith.index_cast %scan3A_1858 : i32 to index
      %swap3A_1979 = arith.constant 208 : index
      %swap3A_1980 = tpu.vector_load %arg8[%swap3A_1978, %swap3A_1979] {strides = array<i32>} : memref<64x512xf32, #tpu.memory_space<vmem>>, vector<16xf32>,
      tpu.vector_store %arg8[%swap3A_1978, %swap3A_1979], %broadcast_in_dim3A_1860 {strides = array<i32>} : memref<64x512xf32, #tpu.memory_space<vmem>>, vector<16xf32>,
      %swap3A_1981 = arith.index_cast %scan3A_1858 : i32 to index
      %swap3A_1982 = arith.constant 208 : index
      %swap3A_1983 = tpu.vector_load %arg9[%swap3A_1981, %swap3A_1982] {strides = array<i32>} : memref<64x512xf32, #tpu.memory_space<vmem>>, vector<16xf32>,
      tpu.vector_store %arg9[%swap3A_1981, %swap3A_1982], %broadcast_in_dim3A_1860 {strides = array<i32>} : memref<64x512xf32, #tpu.memory_space<vmem>>, vector<16xf32>,
      %swap3A_1984 = arith.index_cast %scan3A_1858 : i32 to index
      %swap3A_1985 = arith.constant 208 : index
      %swap3A_1986 = tpu.vector_load %arg10[%swap3A_1984, %swap3A_1985] {strides = array<i32>} : memref<64x512xf32, #tpu.memory_space<vmem>>, vector<16xf32>,
      tpu.vector_store %arg10[%swap3A_1984, %swap3A_1985], %broadcast_in_dim3A_1860 {strides = array<i32>} : memref<64x512xf32, #tpu.memory_space<vmem>>, vector<16xf32>,
      %swap3A_1987 = arith.index_cast %scan3A_1858 : i32 to index
      %swap3A_1988 = arith.constant 224 : index
      %swap3A_1989 = tpu.vector_load %arg8[%swap3A_1987, %swap3A_1988] {strides = array<i32>} : memref<64x512xf32, #tpu.memory_space<vmem>>, vector<16xf32>,
      tpu.vector_store %arg8[%swap3A_1987, %swap3A_1988], %broadcast_in_dim3A_1860 {strides = array<i32>} : memref<64x512xf32, #tpu.memory_space<vmem>>, vector<16xf32>,
      %swap3A_1990 = arith.index_cast %scan3A_1858 : i32 to index
      %swap3A_1991 = arith.constant 224 : index
      %swap3A_1992 = tpu.vector_load %arg9[%swap3A_1990, %swap3A_1991] {strides = array<i32>} : memref<64x512xf32, #tpu.memory_space<vmem>>, vector<16xf32>,
      tpu.vector_store %arg9[%swap3A_1990, %swap3A_1991], %broadcast_in_dim3A_1860 {strides = array<i32>} : memref<64x512xf32, #tpu.memory_space<vmem>>, vector<16xf32>,
      %swap3A_1993 = arith.index_cast %scan3A_1858 : i32 to index
      %swap3A_1994 = arith.constant 224 : index
      %swap3A_1995 = tpu.vector_load %arg10[%swap3A_1993, %swap3A_1994] {strides = array<i32>} : memref<64x512xf32, #tpu.memory_space<vmem>>, vector<16xf32>,
      tpu.vector_store %arg10[%swap3A_1993, %swap3A_1994], %broadcast_in_dim3A_1860 {strides = array<i32>} : memref<64x512xf32, #tpu.memory_space<vmem>>, vector<16xf32>,
      %swap3A_1996 = arith.index_cast %scan3A_1858 : i32 to index
      %swap3A_1997 = arith.constant 240 : index
      %swap3A_1998 = tpu.vector_load %arg8[%swap3A_1996, %swap3A_1997] {strides = array<i32>} : memref<64x512xf32, #tpu.memory_space<vmem>>, vector<16xf32>,
      tpu.vector_store %arg8[%swap3A_1996, %swap3A_1997], %broadcast_in_dim3A_1860 {strides = array<i32>} : memref<64x512xf32, #tpu.memory_space<vmem>>, vector<16xf32>,
      %swap3A_1999 = arith.index_cast %scan3A_1858 : i32 to index
      %swap3A_2000 = arith.constant 240 : index
      %swap3A_2001 = tpu.vector_load %arg9[%swap3A_1999, %swap3A_2000] {strides = array<i32>} : memref<64x512xf32, #tpu.memory_space<vmem>>, vector<16xf32>,
      tpu.vector_store %arg9[%swap3A_1999, %swap3A_2000], %broadcast_in_dim3A_1860 {strides = array<i32>} : memref<64x512xf32, #tpu.memory_space<vmem>>, vector<16xf32>,
      %swap3A_2002 = arith.index_cast %scan3A_1858 : i32 to index
      %swap3A_2003 = arith.constant 240 : index
      %swap3A_2004 = tpu.vector_load %arg10[%swap3A_2002, %swap3A_2003] {strides = array<i32>} : memref<64x512xf32, #tpu.memory_space<vmem>>, vector<16xf32>,
      tpu.vector_store %arg10[%swap3A_2002, %swap3A_2003], %broadcast_in_dim3A_1860 {strides = array<i32>} : memref<64x512xf32, #tpu.memory_space<vmem>>, vector<16xf32>,
      %swap3A_2005 = arith.index_cast %scan3A_1858 : i32 to index
      %swap3A_2006 = arith.constant 256 : index
      %swap3A_2007 = tpu.vector_load %arg8[%swap3A_2005, %swap3A_2006] {strides = array<i32>} : memref<64x512xf32, #tpu.memory_space<vmem>>, vector<16xf32>,
      tpu.vector_store %arg8[%swap3A_2005, %swap3A_2006], %broadcast_in_dim3A_1860 {strides = array<i32>} : memref<64x512xf32, #tpu.memory_space<vmem>>, vector<16xf32>,
      %swap3A_2008 = arith.index_cast %scan3A_1858 : i32 to index
      %swap3A_2009 = arith.constant 256 : index
      %swap3A_2010 = tpu.vector_load %arg9[%swap3A_2008, %swap3A_2009] {strides = array<i32>} : memref<64x512xf32, #tpu.memory_space<vmem>>, vector<16xf32>,
      tpu.vector_store %arg9[%swap3A_2008, %swap3A_2009], %broadcast_in_dim3A_1860 {strides = array<i32>} : memref<64x512xf32, #tpu.memory_space<vmem>>, vector<16xf32>,
      %swap3A_2011 = arith.index_cast %scan3A_1858 : i32 to index
      %swap3A_2012 = arith.constant 256 : index
      %swap3A_2013 = tpu.vector_load %arg10[%swap3A_2011, %swap3A_2012] {strides = array<i32>} : memref<64x512xf32, #tpu.memory_space<vmem>>, vector<16xf32>,
      tpu.vector_store %arg10[%swap3A_2011, %swap3A_2012], %broadcast_in_dim3A_1860 {strides = array<i32>} : memref<64x512xf32, #tpu.memory_space<vmem>>, vector<16xf32>,
      %swap3A_2014 = arith.index_cast %scan3A_1858 : i32 to index
      %swap3A_2015 = arith.constant 272 : index
      %swap3A_2016 = tpu.vector_load %arg8[%swap3A_2014, %swap3A_2015] {strides = array<i32>} : memref<64x512xf32, #tpu.memory_space<vmem>>, vector<16xf32>,
      tpu.vector_store %arg8[%swap3A_2014, %swap3A_2015], %broadcast_in_dim3A_1860 {strides = array<i32>} : memref<64x512xf32, #tpu.memory_space<vmem>>, vector<16xf32>,
      %swap3A_2017 = arith.index_cast %scan3A_1858 : i32 to index
      %swap3A_2018 = arith.constant 272 : index
      %swap3A_2019 = tpu.vector_load %arg9[%swap3A_2017, %swap3A_2018] {strides = array<i32>} : memref<64x512xf32, #tpu.memory_space<vmem>>, vector<16xf32>,
      tpu.vector_store %arg9[%swap3A_2017, %swap3A_2018], %broadcast_in_dim3A_1860 {strides = array<i32>} : memref<64x512xf32, #tpu.memory_space<vmem>>, vector<16xf32>,
      %swap3A_2020 = arith.index_cast %scan3A_1858 : i32 to index
      %swap3A_2021 = arith.constant 272 : index
      %swap3A_2022 = tpu.vector_load %arg10[%swap3A_2020, %swap3A_2021] {strides = array<i32>} : memref<64x512xf32, #tpu.memory_space<vmem>>, vector<16xf32>,
      tpu.vector_store %arg10[%swap3A_2020, %swap3A_2021], %broadcast_in_dim3A_1860 {strides = array<i32>} : memref<64x512xf32, #tpu.memory_space<vmem>>, vector<16xf32>,
      %swap3A_2023 = arith.index_cast %scan3A_1858 : i32 to index
      %swap3A_2024 = arith.constant 288 : index
      %swap3A_2025 = tpu.vector_load %arg8[%swap3A_2023, %swap3A_2024] {strides = array<i32>} : memref<64x512xf32, #tpu.memory_space<vmem>>, vector<16xf32>,
      tpu.vector_store %arg8[%swap3A_2023, %swap3A_2024], %broadcast_in_dim3A_1860 {strides = array<i32>} : memref<64x512xf32, #tpu.memory_space<vmem>>, vector<16xf32>,
      %swap3A_2026 = arith.index_cast %scan3A_1858 : i32 to index
      %swap3A_2027 = arith.constant 288 : index
      %swap3A_2028 = tpu.vector_load %arg9[%swap3A_2026, %swap3A_2027] {strides = array<i32>} : memref<64x512xf32, #tpu.memory_space<vmem>>, vector<16xf32>,
      tpu.vector_store %arg9[%swap3A_2026, %swap3A_2027], %broadcast_in_dim3A_1860 {strides = array<i32>} : memref<64x512xf32, #tpu.memory_space<vmem>>, vector<16xf32>,
      %swap3A_2029 = arith.index_cast %scan3A_1858 : i32 to index
      %swap3A_2030 = arith.constant 288 : index
      %swap3A_2031 = tpu.vector_load %arg10[%swap3A_2029, %swap3A_2030] {strides = array<i32>} : memref<64x512xf32, #tpu.memory_space<vmem>>, vector<16xf32>,
      tpu.vector_store %arg10[%swap3A_2029, %swap3A_2030], %broadcast_in_dim3A_1860 {strides = array<i32>} : memref<64x512xf32, #tpu.memory_space<vmem>>, vector<16xf32>,
      %swap3A_2032 = arith.index_cast %scan3A_1858 : i32 to index
      %swap3A_2033 = arith.constant 304 : index
      %swap3A_2034 = tpu.vector_load %arg8[%swap3A_2032, %swap3A_2033] {strides = array<i32>} : memref<64x512xf32, #tpu.memory_space<vmem>>, vector<16xf32>,
      tpu.vector_store %arg8[%swap3A_2032, %swap3A_2033], %broadcast_in_dim3A_1860 {strides = array<i32>} : memref<64x512xf32, #tpu.memory_space<vmem>>, vector<16xf32>,
      %swap3A_2035 = arith.index_cast %scan3A_1858 : i32 to index
      %swap3A_2036 = arith.constant 304 : index
      %swap3A_2037 = tpu.vector_load %arg9[%swap3A_2035, %swap3A_2036] {strides = array<i32>} : memref<64x512xf32, #tpu.memory_space<vmem>>, vector<16xf32>,
      tpu.vector_store %arg9[%swap3A_2035, %swap3A_2036], %broadcast_in_dim3A_1860 {strides = array<i32>} : memref<64x512xf32, #tpu.memory_space<vmem>>, vector<16xf32>,
      %swap3A_2038 = arith.index_cast %scan3A_1858 : i32 to index
      %swap3A_2039 = arith.constant 304 : index
      %swap3A_2040 = tpu.vector_load %arg10[%swap3A_2038, %swap3A_2039] {strides = array<i32>} : memref<64x512xf32, #tpu.memory_space<vmem>>, vector<16xf32>,
      tpu.vector_store %arg10[%swap3A_2038, %swap3A_2039], %broadcast_in_dim3A_1860 {strides = array<i32>} : memref<64x512xf32, #tpu.memory_space<vmem>>, vector<16xf32>,
      %swap3A_2041 = arith.index_cast %scan3A_1858 : i32 to index
      %swap3A_2042 = arith.constant 320 : index
      %swap3A_2043 = tpu.vector_load %arg8[%swap3A_2041, %swap3A_2042] {strides = array<i32>} : memref<64x512xf32, #tpu.memory_space<vmem>>, vector<16xf32>,
      tpu.vector_store %arg8[%swap3A_2041, %swap3A_2042], %broadcast_in_dim3A_1860 {strides = array<i32>} : memref<64x512xf32, #tpu.memory_space<vmem>>, vector<16xf32>,
      %swap3A_2044 = arith.index_cast %scan3A_1858 : i32 to index
      %swap3A_2045 = arith.constant 320 : index
      %swap3A_2046 = tpu.vector_load %arg9[%swap3A_2044, %swap3A_2045] {strides = array<i32>} : memref<64x512xf32, #tpu.memory_space<vmem>>, vector<16xf32>,
      tpu.vector_store %arg9[%swap3A_2044, %swap3A_2045], %broadcast_in_dim3A_1860 {strides = array<i32>} : memref<64x512xf32, #tpu.memory_space<vmem>>, vector<16xf32>,
      %swap3A_2047 = arith.index_cast %scan3A_1858 : i32 to index
      %swap3A_2048 = arith.constant 320 : index
      %swap3A_2049 = tpu.vector_load %arg10[%swap3A_2047, %swap3A_2048] {strides = array<i32>} : memref<64x512xf32, #tpu.memory_space<vmem>>, vector<16xf32>,
      tpu.vector_store %arg10[%swap3A_2047, %swap3A_2048], %broadcast_in_dim3A_1860 {strides = array<i32>} : memref<64x512xf32, #tpu.memory_space<vmem>>, vector<16xf32>,
      %swap3A_2050 = arith.index_cast %scan3A_1858 : i32 to index
      %swap3A_2051 = arith.constant 336 : index
      %swap3A_2052 = tpu.vector_load %arg8[%swap3A_2050, %swap3A_2051] {strides = array<i32>} : memref<64x512xf32, #tpu.memory_space<vmem>>, vector<16xf32>,
      tpu.vector_store %arg8[%swap3A_2050, %swap3A_2051], %broadcast_in_dim3A_1860 {strides = array<i32>} : memref<64x512xf32, #tpu.memory_space<vmem>>, vector<16xf32>,
      %swap3A_2053 = arith.index_cast %scan3A_1858 : i32 to index
      %swap3A_2054 = arith.constant 336 : index
      %swap3A_2055 = tpu.vector_load %arg9[%swap3A_2053, %swap3A_2054] {strides = array<i32>} : memref<64x512xf32, #tpu.memory_space<vmem>>, vector<16xf32>,
      tpu.vector_store %arg9[%swap3A_2053, %swap3A_2054], %broadcast_in_dim3A_1860 {strides = array<i32>} : memref<64x512xf32, #tpu.memory_space<vmem>>, vector<16xf32>,
      %swap3A_2056 = arith.index_cast %scan3A_1858 : i32 to index
      %swap3A_2057 = arith.constant 336 : index
      %swap3A_2058 = tpu.vector_load %arg10[%swap3A_2056, %swap3A_2057] {strides = array<i32>} : memref<64x512xf32, #tpu.memory_space<vmem>>, vector<16xf32>,
      tpu.vector_store %arg10[%swap3A_2056, %swap3A_2057], %broadcast_in_dim3A_1860 {strides = array<i32>} : memref<64x512xf32, #tpu.memory_space<vmem>>, vector<16xf32>,
      %swap3A_2059 = arith.index_cast %scan3A_1858 : i32 to index
      %swap3A_2060 = arith.constant 352 : index
      %swap3A_2061 = tpu.vector_load %arg8[%swap3A_2059, %swap3A_2060] {strides = array<i32>} : memref<64x512xf32, #tpu.memory_space<vmem>>, vector<16xf32>,
      tpu.vector_store %arg8[%swap3A_2059, %swap3A_2060], %broadcast_in_dim3A_1860 {strides = array<i32>} : memref<64x512xf32, #tpu.memory_space<vmem>>, vector<16xf32>,
      %swap3A_2062 = arith.index_cast %scan3A_1858 : i32 to index
      %swap3A_2063 = arith.constant 352 : index
      %swap3A_2064 = tpu.vector_load %arg9[%swap3A_2062, %swap3A_2063] {strides = array<i32>} : memref<64x512xf32, #tpu.memory_space<vmem>>, vector<16xf32>,
      tpu.vector_store %arg9[%swap3A_2062, %swap3A_2063], %broadcast_in_dim3A_1860 {strides = array<i32>} : memref<64x512xf32, #tpu.memory_space<vmem>>, vector<16xf32>,
      %swap3A_2065 = arith.index_cast %scan3A_1858 : i32 to index
      %swap3A_2066 = arith.constant 352 : index
      %swap3A_2067 = tpu.vector_load %arg10[%swap3A_2065, %swap3A_2066] {strides = array<i32>} : memref<64x512xf32, #tpu.memory_space<vmem>>, vector<16xf32>,
      tpu.vector_store %arg10[%swap3A_2065, %swap3A_2066], %broadcast_in_dim3A_1860 {strides = array<i32>} : memref<64x512xf32, #tpu.memory_space<vmem>>, vector<16xf32>,
      %swap3A_2068 = arith.index_cast %scan3A_1858 : i32 to index
      %swap3A_2069 = arith.constant 368 : index
      %swap3A_2070 = tpu.vector_load %arg8[%swap3A_2068, %swap3A_2069] {strides = array<i32>} : memref<64x512xf32, #tpu.memory_space<vmem>>, vector<16xf32>,
      tpu.vector_store %arg8[%swap3A_2068, %swap3A_2069], %broadcast_in_dim3A_1860 {strides = array<i32>} : memref<64x512xf32, #tpu.memory_space<vmem>>, vector<16xf32>,
      %swap3A_2071 = arith.index_cast %scan3A_1858 : i32 to index
      %swap3A_2072 = arith.constant 368 : index
      %swap3A_2073 = tpu.vector_load %arg9[%swap3A_2071, %swap3A_2072] {strides = array<i32>} : memref<64x512xf32, #tpu.memory_space<vmem>>, vector<16xf32>,
      tpu.vector_store %arg9[%swap3A_2071, %swap3A_2072], %broadcast_in_dim3A_1860 {strides = array<i32>} : memref<64x512xf32, #tpu.memory_space<vmem>>, vector<16xf32>,
      %swap3A_2074 = arith.index_cast %scan3A_1858 : i32 to index
      %swap3A_2075 = arith.constant 368 : index
      %swap3A_2076 = tpu.vector_load %arg10[%swap3A_2074, %swap3A_2075] {strides = array<i32>} : memref<64x512xf32, #tpu.memory_space<vmem>>, vector<16xf32>,
      tpu.vector_store %arg10[%swap3A_2074, %swap3A_2075], %broadcast_in_dim3A_1860 {strides = array<i32>} : memref<64x512xf32, #tpu.memory_space<vmem>>, vector<16xf32>,
      %swap3A_2077 = arith.index_cast %scan3A_1858 : i32 to index
      %swap3A_2078 = arith.constant 384 : index
      %swap3A_2079 = tpu.vector_load %arg8[%swap3A_2077, %swap3A_2078] {strides = array<i32>} : memref<64x512xf32, #tpu.memory_space<vmem>>, vector<16xf32>,
      tpu.vector_store %arg8[%swap3A_2077, %swap3A_2078], %broadcast_in_dim3A_1860 {strides = array<i32>} : memref<64x512xf32, #tpu.memory_space<vmem>>, vector<16xf32>,
      %swap3A_2080 = arith.index_cast %scan3A_1858 : i32 to index
      %swap3A_2081 = arith.constant 384 : index
      %swap3A_2082 = tpu.vector_load %arg9[%swap3A_2080, %swap3A_2081] {strides = array<i32>} : memref<64x512xf32, #tpu.memory_space<vmem>>, vector<16xf32>,
      tpu.vector_store %arg9[%swap3A_2080, %swap3A_2081], %broadcast_in_dim3A_1860 {strides = array<i32>} : memref<64x512xf32, #tpu.memory_space<vmem>>, vector<16xf32>,
      %swap3A_2083 = arith.index_cast %scan3A_1858 : i32 to index
      %swap3A_2084 = arith.constant 384 : index
      %swap3A_2085 = tpu.vector_load %arg10[%swap3A_2083, %swap3A_2084] {strides = array<i32>} : memref<64x512xf32, #tpu.memory_space<vmem>>, vector<16xf32>,
      tpu.vector_store %arg10[%swap3A_2083, %swap3A_2084], %broadcast_in_dim3A_1860 {strides = array<i32>} : memref<64x512xf32, #tpu.memory_space<vmem>>, vector<16xf32>,
      %swap3A_2086 = arith.index_cast %scan3A_1858 : i32 to index
      %swap3A_2087 = arith.constant 400 : index
      %swap3A_2088 = tpu.vector_load %arg8[%swap3A_2086, %swap3A_2087] {strides = array<i32>} : memref<64x512xf32, #tpu.memory_space<vmem>>, vector<16xf32>,
      tpu.vector_store %arg8[%swap3A_2086, %swap3A_2087], %broadcast_in_dim3A_1860 {strides = array<i32>} : memref<64x512xf32, #tpu.memory_space<vmem>>, vector<16xf32>,
      %swap3A_2089 = arith.index_cast %scan3A_1858 : i32 to index
      %swap3A_2090 = arith.constant 400 : index
      %swap3A_2091 = tpu.vector_load %arg9[%swap3A_2089, %swap3A_2090] {strides = array<i32>} : memref<64x512xf32, #tpu.memory_space<vmem>>, vector<16xf32>,
      tpu.vector_store %arg9[%swap3A_2089, %swap3A_2090], %broadcast_in_dim3A_1860 {strides = array<i32>} : memref<64x512xf32, #tpu.memory_space<vmem>>, vector<16xf32>,
      %swap3A_2092 = arith.index_cast %scan3A_1858 : i32 to index
      %swap3A_2093 = arith.constant 400 : index
      %swap3A_2094 = tpu.vector_load %arg10[%swap3A_2092, %swap3A_2093] {strides = array<i32>} : memref<64x512xf32, #tpu.memory_space<vmem>>, vector<16xf32>,
      tpu.vector_store %arg10[%swap3A_2092, %swap3A_2093], %broadcast_in_dim3A_1860 {strides = array<i32>} : memref<64x512xf32, #tpu.memory_space<vmem>>, vector<16xf32>,
      %swap3A_2095 = arith.index_cast %scan3A_1858 : i32 to index
      %swap3A_2096 = arith.constant 416 : index
      %swap3A_2097 = tpu.vector_load %arg8[%swap3A_2095, %swap3A_2096] {strides = array<i32>} : memref<64x512xf32, #tpu.memory_space<vmem>>, vector<16xf32>,
      tpu.vector_store %arg8[%swap3A_2095, %swap3A_2096], %broadcast_in_dim3A_1860 {strides = array<i32>} : memref<64x512xf32, #tpu.memory_space<vmem>>, vector<16xf32>,
      %swap3A_2098 = arith.index_cast %scan3A_1858 : i32 to index
      %swap3A_2099 = arith.constant 416 : index
      %swap3A_2100 = tpu.vector_load %arg9[%swap3A_2098, %swap3A_2099] {strides = array<i32>} : memref<64x512xf32, #tpu.memory_space<vmem>>, vector<16xf32>,
      tpu.vector_store %arg9[%swap3A_2098, %swap3A_2099], %broadcast_in_dim3A_1860 {strides = array<i32>} : memref<64x512xf32, #tpu.memory_space<vmem>>, vector<16xf32>,
      %swap3A_2101 = arith.index_cast %scan3A_1858 : i32 to index
      %swap3A_2102 = arith.constant 416 : index
      %swap3A_2103 = tpu.vector_load %arg10[%swap3A_2101, %swap3A_2102] {strides = array<i32>} : memref<64x512xf32, #tpu.memory_space<vmem>>, vector<16xf32>,
      tpu.vector_store %arg10[%swap3A_2101, %swap3A_2102], %broadcast_in_dim3A_1860 {strides = array<i32>} : memref<64x512xf32, #tpu.memory_space<vmem>>, vector<16xf32>,
      %swap3A_2104 = arith.index_cast %scan3A_1858 : i32 to index
      %swap3A_2105 = arith.constant 432 : index
      %swap3A_2106 = tpu.vector_load %arg8[%swap3A_2104, %swap3A_2105] {strides = array<i32>} : memref<64x512xf32, #tpu.memory_space<vmem>>, vector<16xf32>,
      tpu.vector_store %arg8[%swap3A_2104, %swap3A_2105], %broadcast_in_dim3A_1860 {strides = array<i32>} : memref<64x512xf32, #tpu.memory_space<vmem>>, vector<16xf32>,
      %swap3A_2107 = arith.index_cast %scan3A_1858 : i32 to index
      %swap3A_2108 = arith.constant 432 : index
      %swap3A_2109 = tpu.vector_load %arg9[%swap3A_2107, %swap3A_2108] {strides = array<i32>} : memref<64x512xf32, #tpu.memory_space<vmem>>, vector<16xf32>,
      tpu.vector_store %arg9[%swap3A_2107, %swap3A_2108], %broadcast_in_dim3A_1860 {strides = array<i32>} : memref<64x512xf32, #tpu.memory_space<vmem>>, vector<16xf32>,
      %swap3A_2110 = arith.index_cast %scan3A_1858 : i32 to index
      %swap3A_2111 = arith.constant 432 : index
      %swap3A_2112 = tpu.vector_load %arg10[%swap3A_2110, %swap3A_2111] {strides = array<i32>} : memref<64x512xf32, #tpu.memory_space<vmem>>, vector<16xf32>,
      tpu.vector_store %arg10[%swap3A_2110, %swap3A_2111], %broadcast_in_dim3A_1860 {strides = array<i32>} : memref<64x512xf32, #tpu.memory_space<vmem>>, vector<16xf32>,
      %swap3A_2113 = arith.index_cast %scan3A_1858 : i32 to index
      %swap3A_2114 = arith.constant 448 : index
      %swap3A_2115 = tpu.vector_load %arg8[%swap3A_2113, %swap3A_2114] {strides = array<i32>} : memref<64x512xf32, #tpu.memory_space<vmem>>, vector<16xf32>,
      tpu.vector_store %arg8[%swap3A_2113, %swap3A_2114], %broadcast_in_dim3A_1860 {strides = array<i32>} : memref<64x512xf32, #tpu.memory_space<vmem>>, vector<16xf32>,
      %swap3A_2116 = arith.index_cast %scan3A_1858 : i32 to index
      %swap3A_2117 = arith.constant 448 : index
      %swap3A_2118 = tpu.vector_load %arg9[%swap3A_2116, %swap3A_2117] {strides = array<i32>} : memref<64x512xf32, #tpu.memory_space<vmem>>, vector<16xf32>,
      tpu.vector_store %arg9[%swap3A_2116, %swap3A_2117], %broadcast_in_dim3A_1860 {strides = array<i32>} : memref<64x512xf32, #tpu.memory_space<vmem>>, vector<16xf32>,
      %swap3A_2119 = arith.index_cast %scan3A_1858 : i32 to index
      %swap3A_2120 = arith.constant 448 : index
      %swap3A_2121 = tpu.vector_load %arg10[%swap3A_2119, %swap3A_2120] {strides = array<i32>} : memref<64x512xf32, #tpu.memory_space<vmem>>, vector<16xf32>,
      tpu.vector_store %arg10[%swap3A_2119, %swap3A_2120], %broadcast_in_dim3A_1860 {strides = array<i32>} : memref<64x512xf32, #tpu.memory_space<vmem>>, vector<16xf32>,
      %swap3A_2122 = arith.index_cast %scan3A_1858 : i32 to index
      %swap3A_2123 = arith.constant 464 : index
      %swap3A_2124 = tpu.vector_load %arg8[%swap3A_2122, %swap3A_2123] {strides = array<i32>} : memref<64x512xf32, #tpu.memory_space<vmem>>, vector<16xf32>,
      tpu.vector_store %arg8[%swap3A_2122, %swap3A_2123], %broadcast_in_dim3A_1860 {strides = array<i32>} : memref<64x512xf32, #tpu.memory_space<vmem>>, vector<16xf32>,
      %swap3A_2125 = arith.index_cast %scan3A_1858 : i32 to index
      %swap3A_2126 = arith.constant 464 : index
      %swap3A_2127 = tpu.vector_load %arg9[%swap3A_2125, %swap3A_2126] {strides = array<i32>} : memref<64x512xf32, #tpu.memory_space<vmem>>, vector<16xf32>,
      tpu.vector_store %arg9[%swap3A_2125, %swap3A_2126], %broadcast_in_dim3A_1860 {strides = array<i32>} : memref<64x512xf32, #tpu.memory_space<vmem>>, vector<16xf32>,
      %swap3A_2128 = arith.index_cast %scan3A_1858 : i32 to index
      %swap3A_2129 = arith.constant 464 : index
      %swap3A_2130 = tpu.vector_load %arg10[%swap3A_2128, %swap3A_2129] {strides = array<i32>} : memref<64x512xf32, #tpu.memory_space<vmem>>, vector<16xf32>,
      tpu.vector_store %arg10[%swap3A_2128, %swap3A_2129], %broadcast_in_dim3A_1860 {strides = array<i32>} : memref<64x512xf32, #tpu.memory_space<vmem>>, vector<16xf32>,
      %swap3A_2131 = arith.index_cast %scan3A_1858 : i32 to index
      %swap3A_2132 = arith.constant 480 : index
      %swap3A_2133 = tpu.vector_load %arg8[%swap3A_2131, %swap3A_2132] {strides = array<i32>} : memref<64x512xf32, #tpu.memory_space<vmem>>, vector<16xf32>,
      tpu.vector_store %arg8[%swap3A_2131, %swap3A_2132], %broadcast_in_dim3A_1860 {strides = array<i32>} : memref<64x512xf32, #tpu.memory_space<vmem>>, vector<16xf32>,
      %swap3A_2134 = arith.index_cast %scan3A_1858 : i32 to index
      %swap3A_2135 = arith.constant 480 : index
      %swap3A_2136 = tpu.vector_load %arg9[%swap3A_2134, %swap3A_2135] {strides = array<i32>} : memref<64x512xf32, #tpu.memory_space<vmem>>, vector<16xf32>,
      tpu.vector_store %arg9[%swap3A_2134, %swap3A_2135], %broadcast_in_dim3A_1860 {strides = array<i32>} : memref<64x512xf32, #tpu.memory_space<vmem>>, vector<16xf32>,
      %swap3A_2137 = arith.index_cast %scan3A_1858 : i32 to index
      %swap3A_2138 = arith.constant 480 : index
      %swap3A_2139 = tpu.vector_load %arg10[%swap3A_2137, %swap3A_2138] {strides = array<i32>} : memref<64x512xf32, #tpu.memory_space<vmem>>, vector<16xf32>,
      tpu.vector_store %arg10[%swap3A_2137, %swap3A_2138], %broadcast_in_dim3A_1860 {strides = array<i32>} : memref<64x512xf32, #tpu.memory_space<vmem>>, vector<16xf32>,
      %swap3A_2140 = arith.index_cast %scan3A_1858 : i32 to index
      %swap3A_2141 = arith.constant 496 : index
      %swap3A_2142 = tpu.vector_load %arg8[%swap3A_2140, %swap3A_2141] {strides = array<i32>} : memref<64x512xf32, #tpu.memory_space<vmem>>, vector<16xf32>,
      tpu.vector_store %arg8[%swap3A_2140, %swap3A_2141], %broadcast_in_dim3A_1860 {strides = array<i32>} : memref<64x512xf32, #tpu.memory_space<vmem>>, vector<16xf32>,
      %swap3A_2143 = arith.index_cast %scan3A_1858 : i32 to index
      %swap3A_2144 = arith.constant 496 : index
      %swap3A_2145 = tpu.vector_load %arg9[%swap3A_2143, %swap3A_2144] {strides = array<i32>} : memref<64x512xf32, #tpu.memory_space<vmem>>, vector<16xf32>,
      tpu.vector_store %arg9[%swap3A_2143, %swap3A_2144], %broadcast_in_dim3A_1860 {strides = array<i32>} : memref<64x512xf32, #tpu.memory_space<vmem>>, vector<16xf32>,
      %swap3A_2146 = arith.index_cast %scan3A_1858 : i32 to index
      %swap3A_2147 = arith.constant 496 : index
      %swap3A_2148 = tpu.vector_load %arg10[%swap3A_2146, %swap3A_2147] {strides = array<i32>} : memref<64x512xf32, #tpu.memory_space<vmem>>, vector<16xf32>,
      tpu.vector_store %arg10[%swap3A_2146, %swap3A_2147], %broadcast_in_dim3A_1860 {strides = array<i32>} : memref<64x512xf32, #tpu.memory_space<vmem>>, vector<16xf32>,
    }
    %scan3A_8 = arith.constant 64 : i32
    %dma_wait3A = tpu.memref_slice %arg2[%mul3A_2] : memref<17408xf32, #tpu.memory_space<hbm>> -> memref<544xf32, #tpu.memory_space<hbm>>
    %dma_wait3A_9 = tpu.memref_slice %arg2[%mul3A_2] : memref<17408xf32, #tpu.memory_space<hbm>> -> memref<544xf32, #tpu.memory_space<hbm>>
    tpu.wait_dma2 semaphore(%arg22 : memref<!tpu.dma_semaphore, #tpu.memory_space<semaphore_mem>>) src(%dma_wait3A_9 : memref<544xf32, #tpu.memory_space<hbm>>) dst(%arg11 : memref<544xf32, #tpu.memory_space<vmem>>)
    tpu.wait_dma2 semaphore(%arg22 : memref<!tpu.dma_semaphore, #tpu.memory_space<semaphore_mem>>) src(%arg3 : memref<34xf32, #tpu.memory_space<hbm>>) dst(%arg12 : memref<34xf32, #tpu.memory_space<vmem>>)
    tpu.wait_dma2 semaphore(%arg22 : memref<!tpu.dma_semaphore, #tpu.memory_space<semaphore_mem>>) src(%arg4 : memref<34xf32, #tpu.memory_space<hbm>>) dst(%arg13 : memref<34xf32, #tpu.memory_space<vmem>>)
    tpu.wait_dma2 semaphore(%arg22 : memref<!tpu.dma_semaphore, #tpu.memory_space<semaphore_mem>>) src(%arg5 : memref<5xf32, #tpu.memory_space<hbm>>) dst(%arg14 : memref<5xf32, #tpu.memory_space<vmem>>)
    tpu.wait_dma2 semaphore(%arg22 : memref<!tpu.dma_semaphore, #tpu.memory_space<semaphore_mem>>) src(%arg6 : memref<5xf32, #tpu.memory_space<hbm>>) dst(%arg15 : memref<5xf32, #tpu.memory_space<vmem>>)
    %iota3A = tpu.iota {dimensions = array<i32: 0>} : vector<16xi32>
    %add3A_10 = arith.constant 0 : i32
    %add3A_11 = vector.broadcast %add3A_10 : i32 to vector<16xi32>
    %add3A_12 = arith.addi %iota3A, %add3A_11 : vector<16xi32>
    %min3A = arith.constant 33 : i32
    %min3A_13 = vector.broadcast %min3A : i32 to vector<16xi32>
    %min3A_14 = arith.minsi %add3A_12, %min3A_13 : vector<16xi32>
    %mul3A_15 = arith.constant 4 : i32
    %mul3A_16 = vector.broadcast %mul3A_15 : i32 to vector<16xi32>
    %mul3A_17 = arith.muli %min3A_14, %mul3A_16 : vector<16xi32>
    %add3A_18 = arith.constant 0 : i32
    %add3A_19 = vector.broadcast %add3A_18 : i32 to vector<16xi32>
    %add3A_20 = arith.addi %add3A_19, %mul3A_17 : vector<16xi32>
    %gather3A = tpu.vector_load_idx %arg11[%add3A_20] : memref<544xf32, #tpu.memory_space<vmem>>[vector<16xi32>], vector<16xf32>,
    %add3A_21 = arith.constant 1 : i32
    %add3A_22 = vector.broadcast %add3A_21 : i32 to vector<16xi32>
    %add3A_23 = arith.addi %add3A_20, %add3A_22 : vector<16xi32>
    %gather3A_24 = tpu.vector_load_idx %arg11[%add3A_23] : memref<544xf32, #tpu.memory_space<vmem>>[vector<16xi32>], vector<16xf32>,
    %add3A_25 = arith.constant 2 : i32
    %add3A_26 = vector.broadcast %add3A_25 : i32 to vector<16xi32>
    %add3A_27 = arith.addi %add3A_20, %add3A_26 : vector<16xi32>
    %gather3A_28 = tpu.vector_load_idx %arg11[%add3A_27] : memref<544xf32, #tpu.memory_space<vmem>>[vector<16xi32>], vector<16xf32>,
    %add3A_29 = arith.constant 3 : i32
    %add3A_30 = vector.broadcast %add3A_29 : i32 to vector<16xi32>
    %add3A_31 = arith.addi %add3A_20, %add3A_30 : vector<16xi32>
    %gather3A_32 = tpu.vector_load_idx %arg11[%add3A_31] : memref<544xf32, #tpu.memory_space<vmem>>[vector<16xi32>], vector<16xf32>,
    %gather3A_33 = tpu.vector_load_idx %arg12[%min3A_14] : memref<34xf32, #tpu.memory_space<vmem>>[vector<16xi32>], vector<16xf32>,
    %gather3A_34 = tpu.vector_load_idx %arg13[%min3A_14] : memref<34xf32, #tpu.memory_space<vmem>>[vector<16xi32>], vector<16xf32>,
    %convert_element_type3A = arith.fptosi %gather3A_32 : vector<16xf32> to vector<16xi32>
    %gather3A_35 = tpu.vector_load_idx %arg14[%convert_element_type3A] : memref<5xf32, #tpu.memory_space<vmem>>[vector<16xi32>], vector<16xf32>,
    %gather3A_36 = tpu.vector_load_idx %arg15[%convert_element_type3A] : memref<5xf32, #tpu.memory_space<vmem>>[vector<16xi32>], vector<16xf32>,
    %ne3A = arith.constant 0.000000e+00 : f32
    %ne3A_37 = vector.broadcast %ne3A : f32 to vector<16xf32>
    %ne3A_38 = arith.cmpf one, %gather3A, %ne3A_37 : vector<16xf32>
    %jit3A = arith.constant 1.000000e+00 : f32
    %jit3A_39 = arith.constant 0.000000e+00 : f32
    %broadcast_in_dim3A = vector.broadcast %jit3A : f32 to vector<16xf32>
    %broadcast_in_dim3A_40 = vector.broadcast %jit3A_39 : f32 to vector<16xf32>
    %select_n3A = arith.select %ne3A_38, %broadcast_in_dim3A, %broadcast_in_dim3A_40 : vector<16xi1>, vector<16xf32>
    %mul3A_41 = arith.mulf %gather3A, %gather3A_33 : vector<16xf32>
    %mul3A_42 = arith.mulf %select_n3A, %gather3A_34 : vector<16xf32>
    %add3A_43 = arith.addf %mul3A_41, %mul3A_42 : vector<16xf32>
    %mul3A_44 = arith.mulf %add3A_43, %gather3A_35 : vector<16xf32>
    %mul3A_45 = arith.mulf %select_n3A, %gather3A_36 : vector<16xf32>
    %add3A_46 = arith.addf %mul3A_44, %mul3A_45 : vector<16xf32>
    %convert_element_type3A_47 = arith.fptosi %gather3A_24 : vector<16xf32> to vector<16xi32>
    %swap3A = arith.constant 0 : i32
    %swap3A_48 = arith.index_cast %swap3A : i32 to index
    %swap3A_49 = arith.constant 0 : index
    %swap3A_50 = tpu.vector_load %arg16[%swap3A_48, %swap3A_49] {strides = array<i32>} : memref<4x48xi32, #tpu.memory_space<vmem>>, vector<16xi32>,
    tpu.vector_store %arg16[%swap3A_48, %swap3A_49], %convert_element_type3A_47 {strides = array<i32>} : memref<4x48xi32, #tpu.memory_space<vmem>>, vector<16xi32>,
    %convert_element_type3A_51 = arith.fptosi %gather3A_28 : vector<16xf32> to vector<16xi32>
    %swap3A_52 = arith.constant 0 : i32
    %swap3A_53 = arith.index_cast %swap3A_52 : i32 to index
    %swap3A_54 = arith.constant 0 : index
    %swap3A_55 = tpu.vector_load %arg17[%swap3A_53, %swap3A_54] {strides = array<i32>} : memref<4x48xi32, #tpu.memory_space<vmem>>, vector<16xi32>,
    tpu.vector_store %arg17[%swap3A_53, %swap3A_54], %convert_element_type3A_51 {strides = array<i32>} : memref<4x48xi32, #tpu.memory_space<vmem>>, vector<16xi32>,
    %swap3A_56 = arith.constant 0 : i32
    %swap3A_57 = arith.index_cast %swap3A_56 : i32 to index
    %swap3A_58 = arith.constant 0 : index
    %swap3A_59 = tpu.vector_load %arg18[%swap3A_57, %swap3A_58] {strides = array<i32>} : memref<8x48xf32, #tpu.memory_space<vmem>>, vector<16xf32>,
    tpu.vector_store %arg18[%swap3A_57, %swap3A_58], %add3A_46 {strides = array<i32>} : memref<8x48xf32, #tpu.memory_space<vmem>>, vector<16xf32>,
    %swap3A_60 = arith.constant 1 : i32
    %swap3A_61 = arith.index_cast %swap3A_60 : i32 to index
    %swap3A_62 = arith.constant 0 : index
    %swap3A_63 = tpu.vector_load %arg18[%swap3A_61, %swap3A_62] {strides = array<i32>} : memref<8x48xf32, #tpu.memory_space<vmem>>, vector<16xf32>,
    tpu.vector_store %arg18[%swap3A_61, %swap3A_62], %gather3A {strides = array<i32>} : memref<8x48xf32, #tpu.memory_space<vmem>>, vector<16xf32>,
    %add3A_64 = arith.constant 16 : i32
    %add3A_65 = vector.broadcast %add3A_64 : i32 to vector<16xi32>
    %add3A_66 = arith.addi %iota3A, %add3A_65 : vector<16xi32>
    %min3A_67 = arith.constant 33 : i32
    %min3A_68 = vector.broadcast %min3A_67 : i32 to vector<16xi32>
    %min3A_69 = arith.minsi %add3A_66, %min3A_68 : vector<16xi32>
    %mul3A_70 = arith.constant 4 : i32
    %mul3A_71 = vector.broadcast %mul3A_70 : i32 to vector<16xi32>
    %mul3A_72 = arith.muli %min3A_69, %mul3A_71 : vector<16xi32>
    %add3A_73 = arith.constant 0 : i32
    %add3A_74 = vector.broadcast %add3A_73 : i32 to vector<16xi32>
    %add3A_75 = arith.addi %add3A_74, %mul3A_72 : vector<16xi32>
    %gather3A_76 = tpu.vector_load_idx %arg11[%add3A_75] : memref<544xf32, #tpu.memory_space<vmem>>[vector<16xi32>], vector<16xf32>,
    %add3A_77 = arith.constant 1 : i32
    %add3A_78 = vector.broadcast %add3A_77 : i32 to vector<16xi32>
    %add3A_79 = arith.addi %add3A_75, %add3A_78 : vector<16xi32>
    %gather3A_80 = tpu.vector_load_idx %arg11[%add3A_79] : memref<544xf32, #tpu.memory_space<vmem>>[vector<16xi32>], vector<16xf32>,
    %add3A_81 = arith.constant 2 : i32
    %add3A_82 = vector.broadcast %add3A_81 : i32 to vector<16xi32>
    %add3A_83 = arith.addi %add3A_75, %add3A_82 : vector<16xi32>
    %gather3A_84 = tpu.vector_load_idx %arg11[%add3A_83] : memref<544xf32, #tpu.memory_space<vmem>>[vector<16xi32>], vector<16xf32>,
    %add3A_85 = arith.constant 3 : i32
    %add3A_86 = vector.broadcast %add3A_85 : i32 to vector<16xi32>
    %add3A_87 = arith.addi %add3A_75, %add3A_86 : vector<16xi32>
    %gather3A_88 = tpu.vector_load_idx %arg11[%add3A_87] : memref<544xf32, #tpu.memory_space<vmem>>[vector<16xi32>], vector<16xf32>,
    %gather3A_89 = tpu.vector_load_idx %arg12[%min3A_69] : memref<34xf32, #tpu.memory_space<vmem>>[vector<16xi32>], vector<16xf32>,
    %gather3A_90 = tpu.vector_load_idx %arg13[%min3A_69] : memref<34xf32, #tpu.memory_space<vmem>>[vector<16xi32>], vector<16xf32>,
    %convert_element_type3A_91 = arith.fptosi %gather3A_88 : vector<16xf32> to vector<16xi32>
    %gather3A_92 = tpu.vector_load_idx %arg14[%convert_element_type3A_91] : memref<5xf32, #tpu.memory_space<vmem>>[vector<16xi32>], vector<16xf32>,
    %gather3A_93 = tpu.vector_load_idx %arg15[%convert_element_type3A_91] : memref<5xf32, #tpu.memory_space<vmem>>[vector<16xi32>], vector<16xf32>,
    %ne3A_94 = arith.constant 0.000000e+00 : f32
    %ne3A_95 = vector.broadcast %ne3A_94 : f32 to vector<16xf32>
    %ne3A_96 = arith.cmpf one, %gather3A_76, %ne3A_95 : vector<16xf32>
    %jit3A_97 = arith.constant 1.000000e+00 : f32
    %jit3A_98 = arith.constant 0.000000e+00 : f32
    %broadcast_in_dim3A_99 = vector.broadcast %jit3A_97 : f32 to vector<16xf32>
    %broadcast_in_dim3A_100 = vector.broadcast %jit3A_98 : f32 to vector<16xf32>
    %select_n3A_101 = arith.select %ne3A_96, %broadcast_in_dim3A_99, %broadcast_in_dim3A_100 : vector<16xi1>, vector<16xf32>
    %mul3A_102 = arith.mulf %gather3A_76, %gather3A_89 : vector<16xf32>
    %mul3A_103 = arith.mulf %select_n3A_101, %gather3A_90 : vector<16xf32>
    %add3A_104 = arith.addf %mul3A_102, %mul3A_103 : vector<16xf32>
    %mul3A_105 = arith.mulf %add3A_104, %gather3A_92 : vector<16xf32>
    %mul3A_106 = arith.mulf %select_n3A_101, %gather3A_93 : vector<16xf32>
    %add3A_107 = arith.addf %mul3A_105, %mul3A_106 : vector<16xf32>
    %convert_element_type3A_108 = arith.fptosi %gather3A_80 : vector<16xf32> to vector<16xi32>
    %swap3A_109 = arith.constant 0 : i32
    %swap3A_110 = arith.index_cast %swap3A_109 : i32 to index
    %swap3A_111 = arith.constant 16 : index
    %swap3A_112 = tpu.vector_load %arg16[%swap3A_110, %swap3A_111] {strides = array<i32>} : memref<4x48xi32, #tpu.memory_space<vmem>>, vector<16xi32>,
    tpu.vector_store %arg16[%swap3A_110, %swap3A_111], %convert_element_type3A_108 {strides = array<i32>} : memref<4x48xi32, #tpu.memory_space<vmem>>, vector<16xi32>,
    %convert_element_type3A_113 = arith.fptosi %gather3A_84 : vector<16xf32> to vector<16xi32>
    %swap3A_114 = arith.constant 0 : i32
    %swap3A_115 = arith.index_cast %swap3A_114 : i32 to index
    %swap3A_116 = arith.constant 16 : index
    %swap3A_117 = tpu.vector_load %arg17[%swap3A_115, %swap3A_116] {strides = array<i32>} : memref<4x48xi32, #tpu.memory_space<vmem>>, vector<16xi32>,
    tpu.vector_store %arg17[%swap3A_115, %swap3A_116], %convert_element_type3A_113 {strides = array<i32>} : memref<4x48xi32, #tpu.memory_space<vmem>>, vector<16xi32>,
    %swap3A_118 = arith.constant 0 : i32
    %swap3A_119 = arith.index_cast %swap3A_118 : i32 to index
    %swap3A_120 = arith.constant 16 : index
    %swap3A_121 = tpu.vector_load %arg18[%swap3A_119, %swap3A_120] {strides = array<i32>} : memref<8x48xf32, #tpu.memory_space<vmem>>, vector<16xf32>,
    tpu.vector_store %arg18[%swap3A_119, %swap3A_120], %add3A_107 {strides = array<i32>} : memref<8x48xf32, #tpu.memory_space<vmem>>, vector<16xf32>,
    %swap3A_122 = arith.constant 1 : i32
    %swap3A_123 = arith.index_cast %swap3A_122 : i32 to index
    %swap3A_124 = arith.constant 16 : index
    %swap3A_125 = tpu.vector_load %arg18[%swap3A_123, %swap3A_124] {strides = array<i32>} : memref<8x48xf32, #tpu.memory_space<vmem>>, vector<16xf32>,
    tpu.vector_store %arg18[%swap3A_123, %swap3A_124], %gather3A_76 {strides = array<i32>} : memref<8x48xf32, #tpu.memory_space<vmem>>, vector<16xf32>,
    %add3A_126 = arith.constant 32 : i32
    %add3A_127 = vector.broadcast %add3A_126 : i32 to vector<16xi32>
    %add3A_128 = arith.addi %iota3A, %add3A_127 : vector<16xi32>
    %min3A_129 = arith.constant 33 : i32
    %min3A_130 = vector.broadcast %min3A_129 : i32 to vector<16xi32>
    %min3A_131 = arith.minsi %add3A_128, %min3A_130 : vector<16xi32>
    %mul3A_132 = arith.constant 4 : i32
    %mul3A_133 = vector.broadcast %mul3A_132 : i32 to vector<16xi32>
    %mul3A_134 = arith.muli %min3A_131, %mul3A_133 : vector<16xi32>
    %add3A_135 = arith.constant 0 : i32
    %add3A_136 = vector.broadcast %add3A_135 : i32 to vector<16xi32>
    %add3A_137 = arith.addi %add3A_136, %mul3A_134 : vector<16xi32>
    %gather3A_138 = tpu.vector_load_idx %arg11[%add3A_137] : memref<544xf32, #tpu.memory_space<vmem>>[vector<16xi32>], vector<16xf32>,
    %add3A_139 = arith.constant 1 : i32
    %add3A_140 = vector.broadcast %add3A_139 : i32 to vector<16xi32>
    %add3A_141 = arith.addi %add3A_137, %add3A_140 : vector<16xi32>
    %gather3A_142 = tpu.vector_load_idx %arg11[%add3A_141] : memref<544xf32, #tpu.memory_space<vmem>>[vector<16xi32>], vector<16xf32>,
    %add3A_143 = arith.constant 2 : i32
    %add3A_144 = vector.broadcast %add3A_143 : i32 to vector<16xi32>
    %add3A_145 = arith.addi %add3A_137, %add3A_144 : vector<16xi32>
    %gather3A_146 = tpu.vector_load_idx %arg11[%add3A_145] : memref<544xf32, #tpu.memory_space<vmem>>[vector<16xi32>], vector<16xf32>,
    %add3A_147 = arith.constant 3 : i32
    %add3A_148 = vector.broadcast %add3A_147 : i32 to vector<16xi32>
    %add3A_149 = arith.addi %add3A_137, %add3A_148 : vector<16xi32>
    %gather3A_150 = tpu.vector_load_idx %arg11[%add3A_149] : memref<544xf32, #tpu.memory_space<vmem>>[vector<16xi32>], vector<16xf32>,
    %gather3A_151 = tpu.vector_load_idx %arg12[%min3A_131] : memref<34xf32, #tpu.memory_space<vmem>>[vector<16xi32>], vector<16xf32>,
    %gather3A_152 = tpu.vector_load_idx %arg13[%min3A_131] : memref<34xf32, #tpu.memory_space<vmem>>[vector<16xi32>], vector<16xf32>,
    %convert_element_type3A_153 = arith.fptosi %gather3A_150 : vector<16xf32> to vector<16xi32>
    %gather3A_154 = tpu.vector_load_idx %arg14[%convert_element_type3A_153] : memref<5xf32, #tpu.memory_space<vmem>>[vector<16xi32>], vector<16xf32>,
    %gather3A_155 = tpu.vector_load_idx %arg15[%convert_element_type3A_153] : memref<5xf32, #tpu.memory_space<vmem>>[vector<16xi32>], vector<16xf32>,
    %ne3A_156 = arith.constant 0.000000e+00 : f32
    %ne3A_157 = vector.broadcast %ne3A_156 : f32 to vector<16xf32>
    %ne3A_158 = arith.cmpf one, %gather3A_138, %ne3A_157 : vector<16xf32>
    %jit3A_159 = arith.constant 1.000000e+00 : f32
    %jit3A_160 = arith.constant 0.000000e+00 : f32
    %broadcast_in_dim3A_161 = vector.broadcast %jit3A_159 : f32 to vector<16xf32>
    %broadcast_in_dim3A_162 = vector.broadcast %jit3A_160 : f32 to vector<16xf32>
    %select_n3A_163 = arith.select %ne3A_158, %broadcast_in_dim3A_161, %broadcast_in_dim3A_162 : vector<16xi1>, vector<16xf32>
    %mul3A_164 = arith.mulf %gather3A_138, %gather3A_151 : vector<16xf32>
    %mul3A_165 = arith.mulf %select_n3A_163, %gather3A_152 : vector<16xf32>
    %add3A_166 = arith.addf %mul3A_164, %mul3A_165 : vector<16xf32>
    %mul3A_167 = arith.mulf %add3A_166, %gather3A_154 : vector<16xf32>
    %mul3A_168 = arith.mulf %select_n3A_163, %gather3A_155 : vector<16xf32>
    %add3A_169 = arith.addf %mul3A_167, %mul3A_168 : vector<16xf32>
    %convert_element_type3A_170 = arith.fptosi %gather3A_142 : vector<16xf32> to vector<16xi32>
    %swap3A_171 = arith.constant 0 : i32
    %swap3A_172 = arith.index_cast %swap3A_171 : i32 to index
    %swap3A_173 = arith.constant 32 : index
    %swap3A_174 = tpu.vector_load %arg16[%swap3A_172, %swap3A_173] {strides = array<i32>} : memref<4x48xi32, #tpu.memory_space<vmem>>, vector<16xi32>,
    tpu.vector_store %arg16[%swap3A_172, %swap3A_173], %convert_element_type3A_170 {strides = array<i32>} : memref<4x48xi32, #tpu.memory_space<vmem>>, vector<16xi32>,
    %convert_element_type3A_175 = arith.fptosi %gather3A_146 : vector<16xf32> to vector<16xi32>
    %swap3A_176 = arith.constant 0 : i32
    %swap3A_177 = arith.index_cast %swap3A_176 : i32 to index
    %swap3A_178 = arith.constant 32 : index
    %swap3A_179 = tpu.vector_load %arg17[%swap3A_177, %swap3A_178] {strides = array<i32>} : memref<4x48xi32, #tpu.memory_space<vmem>>, vector<16xi32>,
    tpu.vector_store %arg17[%swap3A_177, %swap3A_178], %convert_element_type3A_175 {strides = array<i32>} : memref<4x48xi32, #tpu.memory_space<vmem>>, vector<16xi32>,
    %swap3A_180 = arith.constant 0 : i32
    %swap3A_181 = arith.index_cast %swap3A_180 : i32 to index
    %swap3A_182 = arith.constant 32 : index
    %swap3A_183 = tpu.vector_load %arg18[%swap3A_181, %swap3A_182] {strides = array<i32>} : memref<8x48xf32, #tpu.memory_space<vmem>>, vector<16xf32>,
    tpu.vector_store %arg18[%swap3A_181, %swap3A_182], %add3A_169 {strides = array<i32>} : memref<8x48xf32, #tpu.memory_space<vmem>>, vector<16xf32>,
    %swap3A_184 = arith.constant 1 : i32
    %swap3A_185 = arith.index_cast %swap3A_184 : i32 to index
    %swap3A_186 = arith.constant 32 : index
    %swap3A_187 = tpu.vector_load %arg18[%swap3A_185, %swap3A_186] {strides = array<i32>} : memref<8x48xf32, #tpu.memory_space<vmem>>, vector<16xf32>,
    tpu.vector_store %arg18[%swap3A_185, %swap3A_186], %gather3A_138 {strides = array<i32>} : memref<8x48xf32, #tpu.memory_space<vmem>>, vector<16xf32>,
    %add3A_188 = arith.constant 0 : i32
    %add3A_189 = vector.broadcast %add3A_188 : i32 to vector<16xi32>
    %add3A_190 = arith.addi %iota3A, %add3A_189 : vector<16xi32>
    %min3A_191 = arith.constant 33 : i32
    %min3A_192 = vector.broadcast %min3A_191 : i32 to vector<16xi32>
    %min3A_193 = arith.minsi %add3A_190, %min3A_192 : vector<16xi32>
    %mul3A_194 = arith.constant 4 : i32
    %mul3A_195 = vector.broadcast %mul3A_194 : i32 to vector<16xi32>
    %mul3A_196 = arith.muli %min3A_193, %mul3A_195 : vector<16xi32>
    %add3A_197 = arith.constant 136 : i32
    %add3A_198 = vector.broadcast %add3A_197 : i32 to vector<16xi32>
    %add3A_199 = arith.addi %add3A_198, %mul3A_196 : vector<16xi32>
    %gather3A_200 = tpu.vector_load_idx %arg11[%add3A_199] : memref<544xf32, #tpu.memory_space<vmem>>[vector<16xi32>], vector<16xf32>,
    %add3A_201 = arith.constant 1 : i32
    %add3A_202 = vector.broadcast %add3A_201 : i32 to vector<16xi32>
    %add3A_203 = arith.addi %add3A_199, %add3A_202 : vector<16xi32>
    %gather3A_204 = tpu.vector_load_idx %arg11[%add3A_203] : memref<544xf32, #tpu.memory_space<vmem>>[vector<16xi32>], vector<16xf32>,
    %add3A_205 = arith.constant 2 : i32
    %add3A_206 = vector.broadcast %add3A_205 : i32 to vector<16xi32>
    %add3A_207 = arith.addi %add3A_199, %add3A_206 : vector<16xi32>
    %gather3A_208 = tpu.vector_load_idx %arg11[%add3A_207] : memref<544xf32, #tpu.memory_space<vmem>>[vector<16xi32>], vector<16xf32>,
    %add3A_209 = arith.constant 3 : i32
    %add3A_210 = vector.broadcast %add3A_209 : i32 to vector<16xi32>
    %add3A_211 = arith.addi %add3A_199, %add3A_210 : vector<16xi32>
    %gather3A_212 = tpu.vector_load_idx %arg11[%add3A_211] : memref<544xf32, #tpu.memory_space<vmem>>[vector<16xi32>], vector<16xf32>,
    %gather3A_213 = tpu.vector_load_idx %arg12[%min3A_193] : memref<34xf32, #tpu.memory_space<vmem>>[vector<16xi32>], vector<16xf32>,
    %gather3A_214 = tpu.vector_load_idx %arg13[%min3A_193] : memref<34xf32, #tpu.memory_space<vmem>>[vector<16xi32>], vector<16xf32>,
    %convert_element_type3A_215 = arith.fptosi %gather3A_212 : vector<16xf32> to vector<16xi32>
    %gather3A_216 = tpu.vector_load_idx %arg14[%convert_element_type3A_215] : memref<5xf32, #tpu.memory_space<vmem>>[vector<16xi32>], vector<16xf32>,
    %gather3A_217 = tpu.vector_load_idx %arg15[%convert_element_type3A_215] : memref<5xf32, #tpu.memory_space<vmem>>[vector<16xi32>], vector<16xf32>,
    %ne3A_218 = arith.constant 0.000000e+00 : f32
    %ne3A_219 = vector.broadcast %ne3A_218 : f32 to vector<16xf32>
    %ne3A_220 = arith.cmpf one, %gather3A_200, %ne3A_219 : vector<16xf32>
    %jit3A_221 = arith.constant 1.000000e+00 : f32
    %jit3A_222 = arith.constant 0.000000e+00 : f32
    %broadcast_in_dim3A_223 = vector.broadcast %jit3A_221 : f32 to vector<16xf32>
    %broadcast_in_dim3A_224 = vector.broadcast %jit3A_222 : f32 to vector<16xf32>
    %select_n3A_225 = arith.select %ne3A_220, %broadcast_in_dim3A_223, %broadcast_in_dim3A_224 : vector<16xi1>, vector<16xf32>
    %mul3A_226 = arith.mulf %gather3A_200, %gather3A_213 : vector<16xf32>
    %mul3A_227 = arith.mulf %select_n3A_225, %gather3A_214 : vector<16xf32>
    %add3A_228 = arith.addf %mul3A_226, %mul3A_227 : vector<16xf32>
    %mul3A_229 = arith.mulf %add3A_228, %gather3A_216 : vector<16xf32>
    %mul3A_230 = arith.mulf %select_n3A_225, %gather3A_217 : vector<16xf32>
    %add3A_231 = arith.addf %mul3A_229, %mul3A_230 : vector<16xf32>
    %convert_element_type3A_232 = arith.fptosi %gather3A_204 : vector<16xf32> to vector<16xi32>
    %swap3A_233 = arith.constant 1 : i32
    %swap3A_234 = arith.index_cast %swap3A_233 : i32 to index
    %swap3A_235 = arith.constant 0 : index
    %swap3A_236 = tpu.vector_load %arg16[%swap3A_234, %swap3A_235] {strides = array<i32>} : memref<4x48xi32, #tpu.memory_space<vmem>>, vector<16xi32>,
    tpu.vector_store %arg16[%swap3A_234, %swap3A_235], %convert_element_type3A_232 {strides = array<i32>} : memref<4x48xi32, #tpu.memory_space<vmem>>, vector<16xi32>,
    %convert_element_type3A_237 = arith.fptosi %gather3A_208 : vector<16xf32> to vector<16xi32>
    %swap3A_238 = arith.constant 1 : i32
    %swap3A_239 = arith.index_cast %swap3A_238 : i32 to index
    %swap3A_240 = arith.constant 0 : index
    %swap3A_241 = tpu.vector_load %arg17[%swap3A_239, %swap3A_240] {strides = array<i32>} : memref<4x48xi32, #tpu.memory_space<vmem>>, vector<16xi32>,
    tpu.vector_store %arg17[%swap3A_239, %swap3A_240], %convert_element_type3A_237 {strides = array<i32>} : memref<4x48xi32, #tpu.memory_space<vmem>>, vector<16xi32>,
    %swap3A_242 = arith.constant 2 : i32
    %swap3A_243 = arith.index_cast %swap3A_242 : i32 to index
    %swap3A_244 = arith.constant 0 : index
    %swap3A_245 = tpu.vector_load %arg18[%swap3A_243, %swap3A_244] {strides = array<i32>} : memref<8x48xf32, #tpu.memory_space<vmem>>, vector<16xf32>,
    tpu.vector_store %arg18[%swap3A_243, %swap3A_244], %add3A_231 {strides = array<i32>} : memref<8x48xf32, #tpu.memory_space<vmem>>, vector<16xf32>,
    %swap3A_246 = arith.constant 3 : i32
    %swap3A_247 = arith.index_cast %swap3A_246 : i32 to index
    %swap3A_248 = arith.constant 0 : index
    %swap3A_249 = tpu.vector_load %arg18[%swap3A_247, %swap3A_248] {strides = array<i32>} : memref<8x48xf32, #tpu.memory_space<vmem>>, vector<16xf32>,
    tpu.vector_store %arg18[%swap3A_247, %swap3A_248], %gather3A_200 {strides = array<i32>} : memref<8x48xf32, #tpu.memory_space<vmem>>, vector<16xf32>,
    %add3A_250 = arith.constant 16 : i32
    %add3A_251 = vector.broadcast %add3A_250 : i32 to vector<16xi32>
    %add3A_252 = arith.addi %iota3A, %add3A_251 : vector<16xi32>
    %min3A_253 = arith.constant 33 : i32
    %min3A_254 = vector.broadcast %min3A_253 : i32 to vector<16xi32>
    %min3A_255 = arith.minsi %add3A_252, %min3A_254 : vector<16xi32>
    %mul3A_256 = arith.constant 4 : i32
    %mul3A_257 = vector.broadcast %mul3A_256 : i32 to vector<16xi32>
    %mul3A_258 = arith.muli %min3A_255, %mul3A_257 : vector<16xi32>
    %add3A_259 = arith.constant 136 : i32
    %add3A_260 = vector.broadcast %add3A_259 : i32 to vector<16xi32>
    %add3A_261 = arith.addi %add3A_260, %mul3A_258 : vector<16xi32>
    %gather3A_262 = tpu.vector_load_idx %arg11[%add3A_261] : memref<544xf32, #tpu.memory_space<vmem>>[vector<16xi32>], vector<16xf32>,
    %add3A_263 = arith.constant 1 : i32
    %add3A_264 = vector.broadcast %add3A_263 : i32 to vector<16xi32>
    %add3A_265 = arith.addi %add3A_261, %add3A_264 : vector<16xi32>
    %gather3A_266 = tpu.vector_load_idx %arg11[%add3A_265] : memref<544xf32, #tpu.memory_space<vmem>>[vector<16xi32>], vector<16xf32>,
    %add3A_267 = arith.constant 2 : i32
    %add3A_268 = vector.broadcast %add3A_267 : i32 to vector<16xi32>
    %add3A_269 = arith.addi %add3A_261, %add3A_268 : vector<16xi32>
    %gather3A_270 = tpu.vector_load_idx %arg11[%add3A_269] : memref<544xf32, #tpu.memory_space<vmem>>[vector<16xi32>], vector<16xf32>,
    %add3A_271 = arith.constant 3 : i32
    %add3A_272 = vector.broadcast %add3A_271 : i32 to vector<16xi32>
    %add3A_273 = arith.addi %add3A_261, %add3A_272 : vector<16xi32>
    %gather3A_274 = tpu.vector_load_idx %arg11[%add3A_273] : memref<544xf32, #tpu.memory_space<vmem>>[vector<16xi32>], vector<16xf32>,
    %gather3A_275 = tpu.vector_load_idx %arg12[%min3A_255] : memref<34xf32, #tpu.memory_space<vmem>>[vector<16xi32>], vector<16xf32>,
    %gather3A_276 = tpu.vector_load_idx %arg13[%min3A_255] : memref<34xf32, #tpu.memory_space<vmem>>[vector<16xi32>], vector<16xf32>,
    %convert_element_type3A_277 = arith.fptosi %gather3A_274 : vector<16xf32> to vector<16xi32>
    %gather3A_278 = tpu.vector_load_idx %arg14[%convert_element_type3A_277] : memref<5xf32, #tpu.memory_space<vmem>>[vector<16xi32>], vector<16xf32>,
    %gather3A_279 = tpu.vector_load_idx %arg15[%convert_element_type3A_277] : memref<5xf32, #tpu.memory_space<vmem>>[vector<16xi32>], vector<16xf32>,
    %ne3A_280 = arith.constant 0.000000e+00 : f32
    %ne3A_281 = vector.broadcast %ne3A_280 : f32 to vector<16xf32>
    %ne3A_282 = arith.cmpf one, %gather3A_262, %ne3A_281 : vector<16xf32>
    %jit3A_283 = arith.constant 1.000000e+00 : f32
    %jit3A_284 = arith.constant 0.000000e+00 : f32
    %broadcast_in_dim3A_285 = vector.broadcast %jit3A_283 : f32 to vector<16xf32>
    %broadcast_in_dim3A_286 = vector.broadcast %jit3A_284 : f32 to vector<16xf32>
    %select_n3A_287 = arith.select %ne3A_282, %broadcast_in_dim3A_285, %broadcast_in_dim3A_286 : vector<16xi1>, vector<16xf32>
    %mul3A_288 = arith.mulf %gather3A_262, %gather3A_275 : vector<16xf32>
    %mul3A_289 = arith.mulf %select_n3A_287, %gather3A_276 : vector<16xf32>
    %add3A_290 = arith.addf %mul3A_288, %mul3A_289 : vector<16xf32>
    %mul3A_291 = arith.mulf %add3A_290, %gather3A_278 : vector<16xf32>
    %mul3A_292 = arith.mulf %select_n3A_287, %gather3A_279 : vector<16xf32>
    %add3A_293 = arith.addf %mul3A_291, %mul3A_292 : vector<16xf32>
    %convert_element_type3A_294 = arith.fptosi %gather3A_266 : vector<16xf32> to vector<16xi32>
    %swap3A_295 = arith.constant 1 : i32
    %swap3A_296 = arith.index_cast %swap3A_295 : i32 to index
    %swap3A_297 = arith.constant 16 : index
    %swap3A_298 = tpu.vector_load %arg16[%swap3A_296, %swap3A_297] {strides = array<i32>} : memref<4x48xi32, #tpu.memory_space<vmem>>, vector<16xi32>,
    tpu.vector_store %arg16[%swap3A_296, %swap3A_297], %convert_element_type3A_294 {strides = array<i32>} : memref<4x48xi32, #tpu.memory_space<vmem>>, vector<16xi32>,
    %convert_element_type3A_299 = arith.fptosi %gather3A_270 : vector<16xf32> to vector<16xi32>
    %swap3A_300 = arith.constant 1 : i32
    %swap3A_301 = arith.index_cast %swap3A_300 : i32 to index
    %swap3A_302 = arith.constant 16 : index
    %swap3A_303 = tpu.vector_load %arg17[%swap3A_301, %swap3A_302] {strides = array<i32>} : memref<4x48xi32, #tpu.memory_space<vmem>>, vector<16xi32>,
    tpu.vector_store %arg17[%swap3A_301, %swap3A_302], %convert_element_type3A_299 {strides = array<i32>} : memref<4x48xi32, #tpu.memory_space<vmem>>, vector<16xi32>,
    %swap3A_304 = arith.constant 2 : i32
    %swap3A_305 = arith.index_cast %swap3A_304 : i32 to index
    %swap3A_306 = arith.constant 16 : index
    %swap3A_307 = tpu.vector_load %arg18[%swap3A_305, %swap3A_306] {strides = array<i32>} : memref<8x48xf32, #tpu.memory_space<vmem>>, vector<16xf32>,
    tpu.vector_store %arg18[%swap3A_305, %swap3A_306], %add3A_293 {strides = array<i32>} : memref<8x48xf32, #tpu.memory_space<vmem>>, vector<16xf32>,
    %swap3A_308 = arith.constant 3 : i32
    %swap3A_309 = arith.index_cast %swap3A_308 : i32 to index
    %swap3A_310 = arith.constant 16 : index
    %swap3A_311 = tpu.vector_load %arg18[%swap3A_309, %swap3A_310] {strides = array<i32>} : memref<8x48xf32, #tpu.memory_space<vmem>>, vector<16xf32>,
    tpu.vector_store %arg18[%swap3A_309, %swap3A_310], %gather3A_262 {strides = array<i32>} : memref<8x48xf32, #tpu.memory_space<vmem>>, vector<16xf32>,
    %add3A_312 = arith.constant 32 : i32
    %add3A_313 = vector.broadcast %add3A_312 : i32 to vector<16xi32>
    %add3A_314 = arith.addi %iota3A, %add3A_313 : vector<16xi32>
    %min3A_315 = arith.constant 33 : i32
    %min3A_316 = vector.broadcast %min3A_315 : i32 to vector<16xi32>
    %min3A_317 = arith.minsi %add3A_314, %min3A_316 : vector<16xi32>
    %mul3A_318 = arith.constant 4 : i32
    %mul3A_319 = vector.broadcast %mul3A_318 : i32 to vector<16xi32>
    %mul3A_320 = arith.muli %min3A_317, %mul3A_319 : vector<16xi32>
    %add3A_321 = arith.constant 136 : i32
    %add3A_322 = vector.broadcast %add3A_321 : i32 to vector<16xi32>
    %add3A_323 = arith.addi %add3A_322, %mul3A_320 : vector<16xi32>
    %gather3A_324 = tpu.vector_load_idx %arg11[%add3A_323] : memref<544xf32, #tpu.memory_space<vmem>>[vector<16xi32>], vector<16xf32>,
    %add3A_325 = arith.constant 1 : i32
    %add3A_326 = vector.broadcast %add3A_325 : i32 to vector<16xi32>
    %add3A_327 = arith.addi %add3A_323, %add3A_326 : vector<16xi32>
    %gather3A_328 = tpu.vector_load_idx %arg11[%add3A_327] : memref<544xf32, #tpu.memory_space<vmem>>[vector<16xi32>], vector<16xf32>,
    %add3A_329 = arith.constant 2 : i32
    %add3A_330 = vector.broadcast %add3A_329 : i32 to vector<16xi32>
    %add3A_331 = arith.addi %add3A_323, %add3A_330 : vector<16xi32>
    %gather3A_332 = tpu.vector_load_idx %arg11[%add3A_331] : memref<544xf32, #tpu.memory_space<vmem>>[vector<16xi32>], vector<16xf32>,
    %add3A_333 = arith.constant 3 : i32
    %add3A_334 = vector.broadcast %add3A_333 : i32 to vector<16xi32>
    %add3A_335 = arith.addi %add3A_323, %add3A_334 : vector<16xi32>
    %gather3A_336 = tpu.vector_load_idx %arg11[%add3A_335] : memref<544xf32, #tpu.memory_space<vmem>>[vector<16xi32>], vector<16xf32>,
    %gather3A_337 = tpu.vector_load_idx %arg12[%min3A_317] : memref<34xf32, #tpu.memory_space<vmem>>[vector<16xi32>], vector<16xf32>,
    %gather3A_338 = tpu.vector_load_idx %arg13[%min3A_317] : memref<34xf32, #tpu.memory_space<vmem>>[vector<16xi32>], vector<16xf32>,
    %convert_element_type3A_339 = arith.fptosi %gather3A_336 : vector<16xf32> to vector<16xi32>
    %gather3A_340 = tpu.vector_load_idx %arg14[%convert_element_type3A_339] : memref<5xf32, #tpu.memory_space<vmem>>[vector<16xi32>], vector<16xf32>,
    %gather3A_341 = tpu.vector_load_idx %arg15[%convert_element_type3A_339] : memref<5xf32, #tpu.memory_space<vmem>>[vector<16xi32>], vector<16xf32>,
    %ne3A_342 = arith.constant 0.000000e+00 : f32
    %ne3A_343 = vector.broadcast %ne3A_342 : f32 to vector<16xf32>
    %ne3A_344 = arith.cmpf one, %gather3A_324, %ne3A_343 : vector<16xf32>
    %jit3A_345 = arith.constant 1.000000e+00 : f32
    %jit3A_346 = arith.constant 0.000000e+00 : f32
    %broadcast_in_dim3A_347 = vector.broadcast %jit3A_345 : f32 to vector<16xf32>
    %broadcast_in_dim3A_348 = vector.broadcast %jit3A_346 : f32 to vector<16xf32>
    %select_n3A_349 = arith.select %ne3A_344, %broadcast_in_dim3A_347, %broadcast_in_dim3A_348 : vector<16xi1>, vector<16xf32>
    %mul3A_350 = arith.mulf %gather3A_324, %gather3A_337 : vector<16xf32>
    %mul3A_351 = arith.mulf %select_n3A_349, %gather3A_338 : vector<16xf32>
    %add3A_352 = arith.addf %mul3A_350, %mul3A_351 : vector<16xf32>
    %mul3A_353 = arith.mulf %add3A_352, %gather3A_340 : vector<16xf32>
    %mul3A_354 = arith.mulf %select_n3A_349, %gather3A_341 : vector<16xf32>
    %add3A_355 = arith.addf %mul3A_353, %mul3A_354 : vector<16xf32>
    %convert_element_type3A_356 = arith.fptosi %gather3A_328 : vector<16xf32> to vector<16xi32>
    %swap3A_357 = arith.constant 1 : i32
    %swap3A_358 = arith.index_cast %swap3A_357 : i32 to index
    %swap3A_359 = arith.constant 32 : index
    %swap3A_360 = tpu.vector_load %arg16[%swap3A_358, %swap3A_359] {strides = array<i32>} : memref<4x48xi32, #tpu.memory_space<vmem>>, vector<16xi32>,
    tpu.vector_store %arg16[%swap3A_358, %swap3A_359], %convert_element_type3A_356 {strides = array<i32>} : memref<4x48xi32, #tpu.memory_space<vmem>>, vector<16xi32>,
    %convert_element_type3A_361 = arith.fptosi %gather3A_332 : vector<16xf32> to vector<16xi32>
    %swap3A_362 = arith.constant 1 : i32
    %swap3A_363 = arith.index_cast %swap3A_362 : i32 to index
    %swap3A_364 = arith.constant 32 : index
    %swap3A_365 = tpu.vector_load %arg17[%swap3A_363, %swap3A_364] {strides = array<i32>} : memref<4x48xi32, #tpu.memory_space<vmem>>, vector<16xi32>,
    tpu.vector_store %arg17[%swap3A_363, %swap3A_364], %convert_element_type3A_361 {strides = array<i32>} : memref<4x48xi32, #tpu.memory_space<vmem>>, vector<16xi32>,
    %swap3A_366 = arith.constant 2 : i32
    %swap3A_367 = arith.index_cast %swap3A_366 : i32 to index
    %swap3A_368 = arith.constant 32 : index
    %swap3A_369 = tpu.vector_load %arg18[%swap3A_367, %swap3A_368] {strides = array<i32>} : memref<8x48xf32, #tpu.memory_space<vmem>>, vector<16xf32>,
    tpu.vector_store %arg18[%swap3A_367, %swap3A_368], %add3A_355 {strides = array<i32>} : memref<8x48xf32, #tpu.memory_space<vmem>>, vector<16xf32>,
    %swap3A_370 = arith.constant 3 : i32
    %swap3A_371 = arith.index_cast %swap3A_370 : i32 to index
    %swap3A_372 = arith.constant 32 : index
    %swap3A_373 = tpu.vector_load %arg18[%swap3A_371, %swap3A_372] {strides = array<i32>} : memref<8x48xf32, #tpu.memory_space<vmem>>, vector<16xf32>,
    tpu.vector_store %arg18[%swap3A_371, %swap3A_372], %gather3A_324 {strides = array<i32>} : memref<8x48xf32, #tpu.memory_space<vmem>>, vector<16xf32>,
    %add3A_374 = arith.constant 0 : i32
    %add3A_375 = vector.broadcast %add3A_374 : i32 to vector<16xi32>
    %add3A_376 = arith.addi %iota3A, %add3A_375 : vector<16xi32>
    %min3A_377 = arith.constant 33 : i32
    %min3A_378 = vector.broadcast %min3A_377 : i32 to vector<16xi32>
    %min3A_379 = arith.minsi %add3A_376, %min3A_378 : vector<16xi32>
    %mul3A_380 = arith.constant 4 : i32
    %mul3A_381 = vector.broadcast %mul3A_380 : i32 to vector<16xi32>
    %mul3A_382 = arith.muli %min3A_379, %mul3A_381 : vector<16xi32>
    %add3A_383 = arith.constant 272 : i32
    %add3A_384 = vector.broadcast %add3A_383 : i32 to vector<16xi32>
    %add3A_385 = arith.addi %add3A_384, %mul3A_382 : vector<16xi32>
    %gather3A_386 = tpu.vector_load_idx %arg11[%add3A_385] : memref<544xf32, #tpu.memory_space<vmem>>[vector<16xi32>], vector<16xf32>,
    %add3A_387 = arith.constant 1 : i32
    %add3A_388 = vector.broadcast %add3A_387 : i32 to vector<16xi32>
    %add3A_389 = arith.addi %add3A_385, %add3A_388 : vector<16xi32>
    %gather3A_390 = tpu.vector_load_idx %arg11[%add3A_389] : memref<544xf32, #tpu.memory_space<vmem>>[vector<16xi32>], vector<16xf32>,
    %add3A_391 = arith.constant 2 : i32
    %add3A_392 = vector.broadcast %add3A_391 : i32 to vector<16xi32>
    %add3A_393 = arith.addi %add3A_385, %add3A_392 : vector<16xi32>
    %gather3A_394 = tpu.vector_load_idx %arg11[%add3A_393] : memref<544xf32, #tpu.memory_space<vmem>>[vector<16xi32>], vector<16xf32>,
    %add3A_395 = arith.constant 3 : i32
    %add3A_396 = vector.broadcast %add3A_395 : i32 to vector<16xi32>
    %add3A_397 = arith.addi %add3A_385, %add3A_396 : vector<16xi32>
    %gather3A_398 = tpu.vector_load_idx %arg11[%add3A_397] : memref<544xf32, #tpu.memory_space<vmem>>[vector<16xi32>], vector<16xf32>,
    %gather3A_399 = tpu.vector_load_idx %arg12[%min3A_379] : memref<34xf32, #tpu.memory_space<vmem>>[vector<16xi32>], vector<16xf32>,
    %gather3A_400 = tpu.vector_load_idx %arg13[%min3A_379] : memref<34xf32, #tpu.memory_space<vmem>>[vector<16xi32>], vector<16xf32>,
    %convert_element_type3A_401 = arith.fptosi %gather3A_398 : vector<16xf32> to vector<16xi32>
    %gather3A_402 = tpu.vector_load_idx %arg14[%convert_element_type3A_401] : memref<5xf32, #tpu.memory_space<vmem>>[vector<16xi32>], vector<16xf32>,
    %gather3A_403 = tpu.vector_load_idx %arg15[%convert_element_type3A_401] : memref<5xf32, #tpu.memory_space<vmem>>[vector<16xi32>], vector<16xf32>,
    %ne3A_404 = arith.constant 0.000000e+00 : f32
    %ne3A_405 = vector.broadcast %ne3A_404 : f32 to vector<16xf32>
    %ne3A_406 = arith.cmpf one, %gather3A_386, %ne3A_405 : vector<16xf32>
    %jit3A_407 = arith.constant 1.000000e+00 : f32
    %jit3A_408 = arith.constant 0.000000e+00 : f32
    %broadcast_in_dim3A_409 = vector.broadcast %jit3A_407 : f32 to vector<16xf32>
    %broadcast_in_dim3A_410 = vector.broadcast %jit3A_408 : f32 to vector<16xf32>
    %select_n3A_411 = arith.select %ne3A_406, %broadcast_in_dim3A_409, %broadcast_in_dim3A_410 : vector<16xi1>, vector<16xf32>
    %mul3A_412 = arith.mulf %gather3A_386, %gather3A_399 : vector<16xf32>
    %mul3A_413 = arith.mulf %select_n3A_411, %gather3A_400 : vector<16xf32>
    %add3A_414 = arith.addf %mul3A_412, %mul3A_413 : vector<16xf32>
    %mul3A_415 = arith.mulf %add3A_414, %gather3A_402 : vector<16xf32>
    %mul3A_416 = arith.mulf %select_n3A_411, %gather3A_403 : vector<16xf32>
    %add3A_417 = arith.addf %mul3A_415, %mul3A_416 : vector<16xf32>
    %convert_element_type3A_418 = arith.fptosi %gather3A_390 : vector<16xf32> to vector<16xi32>
    %swap3A_419 = arith.constant 2 : i32
    %swap3A_420 = arith.index_cast %swap3A_419 : i32 to index
    %swap3A_421 = arith.constant 0 : index
    %swap3A_422 = tpu.vector_load %arg16[%swap3A_420, %swap3A_421] {strides = array<i32>} : memref<4x48xi32, #tpu.memory_space<vmem>>, vector<16xi32>,
    tpu.vector_store %arg16[%swap3A_420, %swap3A_421], %convert_element_type3A_418 {strides = array<i32>} : memref<4x48xi32, #tpu.memory_space<vmem>>, vector<16xi32>,
    %convert_element_type3A_423 = arith.fptosi %gather3A_394 : vector<16xf32> to vector<16xi32>
    %swap3A_424 = arith.constant 2 : i32
    %swap3A_425 = arith.index_cast %swap3A_424 : i32 to index
    %swap3A_426 = arith.constant 0 : index
    %swap3A_427 = tpu.vector_load %arg17[%swap3A_425, %swap3A_426] {strides = array<i32>} : memref<4x48xi32, #tpu.memory_space<vmem>>, vector<16xi32>,
    tpu.vector_store %arg17[%swap3A_425, %swap3A_426], %convert_element_type3A_423 {strides = array<i32>} : memref<4x48xi32, #tpu.memory_space<vmem>>, vector<16xi32>,
    %swap3A_428 = arith.constant 4 : i32
    %swap3A_429 = arith.index_cast %swap3A_428 : i32 to index
    %swap3A_430 = arith.constant 0 : index
    %swap3A_431 = tpu.vector_load %arg18[%swap3A_429, %swap3A_430] {strides = array<i32>} : memref<8x48xf32, #tpu.memory_space<vmem>>, vector<16xf32>,
    tpu.vector_store %arg18[%swap3A_429, %swap3A_430], %add3A_417 {strides = array<i32>} : memref<8x48xf32, #tpu.memory_space<vmem>>, vector<16xf32>,
    %swap3A_432 = arith.constant 5 : i32
    %swap3A_433 = arith.index_cast %swap3A_432 : i32 to index
    %swap3A_434 = arith.constant 0 : index
    %swap3A_435 = tpu.vector_load %arg18[%swap3A_433, %swap3A_434] {strides = array<i32>} : memref<8x48xf32, #tpu.memory_space<vmem>>, vector<16xf32>,
    tpu.vector_store %arg18[%swap3A_433, %swap3A_434], %gather3A_386 {strides = array<i32>} : memref<8x48xf32, #tpu.memory_space<vmem>>, vector<16xf32>,
    %add3A_436 = arith.constant 16 : i32
    %add3A_437 = vector.broadcast %add3A_436 : i32 to vector<16xi32>
    %add3A_438 = arith.addi %iota3A, %add3A_437 : vector<16xi32>
    %min3A_439 = arith.constant 33 : i32
    %min3A_440 = vector.broadcast %min3A_439 : i32 to vector<16xi32>
    %min3A_441 = arith.minsi %add3A_438, %min3A_440 : vector<16xi32>
    %mul3A_442 = arith.constant 4 : i32
    %mul3A_443 = vector.broadcast %mul3A_442 : i32 to vector<16xi32>
    %mul3A_444 = arith.muli %min3A_441, %mul3A_443 : vector<16xi32>
    %add3A_445 = arith.constant 272 : i32
    %add3A_446 = vector.broadcast %add3A_445 : i32 to vector<16xi32>
    %add3A_447 = arith.addi %add3A_446, %mul3A_444 : vector<16xi32>
    %gather3A_448 = tpu.vector_load_idx %arg11[%add3A_447] : memref<544xf32, #tpu.memory_space<vmem>>[vector<16xi32>], vector<16xf32>,
    %add3A_449 = arith.constant 1 : i32
    %add3A_450 = vector.broadcast %add3A_449 : i32 to vector<16xi32>
    %add3A_451 = arith.addi %add3A_447, %add3A_450 : vector<16xi32>
    %gather3A_452 = tpu.vector_load_idx %arg11[%add3A_451] : memref<544xf32, #tpu.memory_space<vmem>>[vector<16xi32>], vector<16xf32>,
    %add3A_453 = arith.constant 2 : i32
    %add3A_454 = vector.broadcast %add3A_453 : i32 to vector<16xi32>
    %add3A_455 = arith.addi %add3A_447, %add3A_454 : vector<16xi32>
    %gather3A_456 = tpu.vector_load_idx %arg11[%add3A_455] : memref<544xf32, #tpu.memory_space<vmem>>[vector<16xi32>], vector<16xf32>,
    %add3A_457 = arith.constant 3 : i32
    %add3A_458 = vector.broadcast %add3A_457 : i32 to vector<16xi32>
    %add3A_459 = arith.addi %add3A_447, %add3A_458 : vector<16xi32>
    %gather3A_460 = tpu.vector_load_idx %arg11[%add3A_459] : memref<544xf32, #tpu.memory_space<vmem>>[vector<16xi32>], vector<16xf32>,
    %gather3A_461 = tpu.vector_load_idx %arg12[%min3A_441] : memref<34xf32, #tpu.memory_space<vmem>>[vector<16xi32>], vector<16xf32>,
    %gather3A_462 = tpu.vector_load_idx %arg13[%min3A_441] : memref<34xf32, #tpu.memory_space<vmem>>[vector<16xi32>], vector<16xf32>,
    %convert_element_type3A_463 = arith.fptosi %gather3A_460 : vector<16xf32> to vector<16xi32>
    %gather3A_464 = tpu.vector_load_idx %arg14[%convert_element_type3A_463] : memref<5xf32, #tpu.memory_space<vmem>>[vector<16xi32>], vector<16xf32>,
    %gather3A_465 = tpu.vector_load_idx %arg15[%convert_element_type3A_463] : memref<5xf32, #tpu.memory_space<vmem>>[vector<16xi32>], vector<16xf32>,
    %ne3A_466 = arith.constant 0.000000e+00 : f32
    %ne3A_467 = vector.broadcast %ne3A_466 : f32 to vector<16xf32>
    %ne3A_468 = arith.cmpf one, %gather3A_448, %ne3A_467 : vector<16xf32>
    %jit3A_469 = arith.constant 1.000000e+00 : f32
    %jit3A_470 = arith.constant 0.000000e+00 : f32
    %broadcast_in_dim3A_471 = vector.broadcast %jit3A_469 : f32 to vector<16xf32>
    %broadcast_in_dim3A_472 = vector.broadcast %jit3A_470 : f32 to vector<16xf32>
    %select_n3A_473 = arith.select %ne3A_468, %broadcast_in_dim3A_471, %broadcast_in_dim3A_472 : vector<16xi1>, vector<16xf32>
    %mul3A_474 = arith.mulf %gather3A_448, %gather3A_461 : vector<16xf32>
    %mul3A_475 = arith.mulf %select_n3A_473, %gather3A_462 : vector<16xf32>
    %add3A_476 = arith.addf %mul3A_474, %mul3A_475 : vector<16xf32>
    %mul3A_477 = arith.mulf %add3A_476, %gather3A_464 : vector<16xf32>
    %mul3A_478 = arith.mulf %select_n3A_473, %gather3A_465 : vector<16xf32>
    %add3A_479 = arith.addf %mul3A_477, %mul3A_478 : vector<16xf32>
    %convert_element_type3A_480 = arith.fptosi %gather3A_452 : vector<16xf32> to vector<16xi32>
    %swap3A_481 = arith.constant 2 : i32
    %swap3A_482 = arith.index_cast %swap3A_481 : i32 to index
    %swap3A_483 = arith.constant 16 : index
    %swap3A_484 = tpu.vector_load %arg16[%swap3A_482, %swap3A_483] {strides = array<i32>} : memref<4x48xi32, #tpu.memory_space<vmem>>, vector<16xi32>,
    tpu.vector_store %arg16[%swap3A_482, %swap3A_483], %convert_element_type3A_480 {strides = array<i32>} : memref<4x48xi32, #tpu.memory_space<vmem>>, vector<16xi32>,
    %convert_element_type3A_485 = arith.fptosi %gather3A_456 : vector<16xf32> to vector<16xi32>
    %swap3A_486 = arith.constant 2 : i32
    %swap3A_487 = arith.index_cast %swap3A_486 : i32 to index
    %swap3A_488 = arith.constant 16 : index
    %swap3A_489 = tpu.vector_load %arg17[%swap3A_487, %swap3A_488] {strides = array<i32>} : memref<4x48xi32, #tpu.memory_space<vmem>>, vector<16xi32>,
    tpu.vector_store %arg17[%swap3A_487, %swap3A_488], %convert_element_type3A_485 {strides = array<i32>} : memref<4x48xi32, #tpu.memory_space<vmem>>, vector<16xi32>,
    %swap3A_490 = arith.constant 4 : i32
    %swap3A_491 = arith.index_cast %swap3A_490 : i32 to index
    %swap3A_492 = arith.constant 16 : index
    %swap3A_493 = tpu.vector_load %arg18[%swap3A_491, %swap3A_492] {strides = array<i32>} : memref<8x48xf32, #tpu.memory_space<vmem>>, vector<16xf32>,
    tpu.vector_store %arg18[%swap3A_491, %swap3A_492], %add3A_479 {strides = array<i32>} : memref<8x48xf32, #tpu.memory_space<vmem>>, vector<16xf32>,
    %swap3A_494 = arith.constant 5 : i32
    %swap3A_495 = arith.index_cast %swap3A_494 : i32 to index
    %swap3A_496 = arith.constant 16 : index
    %swap3A_497 = tpu.vector_load %arg18[%swap3A_495, %swap3A_496] {strides = array<i32>} : memref<8x48xf32, #tpu.memory_space<vmem>>, vector<16xf32>,
    tpu.vector_store %arg18[%swap3A_495, %swap3A_496], %gather3A_448 {strides = array<i32>} : memref<8x48xf32, #tpu.memory_space<vmem>>, vector<16xf32>,
    %add3A_498 = arith.constant 32 : i32
    %add3A_499 = vector.broadcast %add3A_498 : i32 to vector<16xi32>
    %add3A_500 = arith.addi %iota3A, %add3A_499 : vector<16xi32>
    %min3A_501 = arith.constant 33 : i32
    %min3A_502 = vector.broadcast %min3A_501 : i32 to vector<16xi32>
    %min3A_503 = arith.minsi %add3A_500, %min3A_502 : vector<16xi32>
    %mul3A_504 = arith.constant 4 : i32
    %mul3A_505 = vector.broadcast %mul3A_504 : i32 to vector<16xi32>
    %mul3A_506 = arith.muli %min3A_503, %mul3A_505 : vector<16xi32>
    %add3A_507 = arith.constant 272 : i32
    %add3A_508 = vector.broadcast %add3A_507 : i32 to vector<16xi32>
    %add3A_509 = arith.addi %add3A_508, %mul3A_506 : vector<16xi32>
    %gather3A_510 = tpu.vector_load_idx %arg11[%add3A_509] : memref<544xf32, #tpu.memory_space<vmem>>[vector<16xi32>], vector<16xf32>,
    %add3A_511 = arith.constant 1 : i32
    %add3A_512 = vector.broadcast %add3A_511 : i32 to vector<16xi32>
    %add3A_513 = arith.addi %add3A_509, %add3A_512 : vector<16xi32>
    %gather3A_514 = tpu.vector_load_idx %arg11[%add3A_513] : memref<544xf32, #tpu.memory_space<vmem>>[vector<16xi32>], vector<16xf32>,
    %add3A_515 = arith.constant 2 : i32
    %add3A_516 = vector.broadcast %add3A_515 : i32 to vector<16xi32>
    %add3A_517 = arith.addi %add3A_509, %add3A_516 : vector<16xi32>
    %gather3A_518 = tpu.vector_load_idx %arg11[%add3A_517] : memref<544xf32, #tpu.memory_space<vmem>>[vector<16xi32>], vector<16xf32>,
    %add3A_519 = arith.constant 3 : i32
    %add3A_520 = vector.broadcast %add3A_519 : i32 to vector<16xi32>
    %add3A_521 = arith.addi %add3A_509, %add3A_520 : vector<16xi32>
    %gather3A_522 = tpu.vector_load_idx %arg11[%add3A_521] : memref<544xf32, #tpu.memory_space<vmem>>[vector<16xi32>], vector<16xf32>,
    %gather3A_523 = tpu.vector_load_idx %arg12[%min3A_503] : memref<34xf32, #tpu.memory_space<vmem>>[vector<16xi32>], vector<16xf32>,
    %gather3A_524 = tpu.vector_load_idx %arg13[%min3A_503] : memref<34xf32, #tpu.memory_space<vmem>>[vector<16xi32>], vector<16xf32>,
    %convert_element_type3A_525 = arith.fptosi %gather3A_522 : vector<16xf32> to vector<16xi32>
    %gather3A_526 = tpu.vector_load_idx %arg14[%convert_element_type3A_525] : memref<5xf32, #tpu.memory_space<vmem>>[vector<16xi32>], vector<16xf32>,
    %gather3A_527 = tpu.vector_load_idx %arg15[%convert_element_type3A_525] : memref<5xf32, #tpu.memory_space<vmem>>[vector<16xi32>], vector<16xf32>,
    %ne3A_528 = arith.constant 0.000000e+00 : f32
    %ne3A_529 = vector.broadcast %ne3A_528 : f32 to vector<16xf32>
    %ne3A_530 = arith.cmpf one, %gather3A_510, %ne3A_529 : vector<16xf32>
    %jit3A_531 = arith.constant 1.000000e+00 : f32
    %jit3A_532 = arith.constant 0.000000e+00 : f32
    %broadcast_in_dim3A_533 = vector.broadcast %jit3A_531 : f32 to vector<16xf32>
    %broadcast_in_dim3A_534 = vector.broadcast %jit3A_532 : f32 to vector<16xf32>
    %select_n3A_535 = arith.select %ne3A_530, %broadcast_in_dim3A_533, %broadcast_in_dim3A_534 : vector<16xi1>, vector<16xf32>
    %mul3A_536 = arith.mulf %gather3A_510, %gather3A_523 : vector<16xf32>
    %mul3A_537 = arith.mulf %select_n3A_535, %gather3A_524 : vector<16xf32>
    %add3A_538 = arith.addf %mul3A_536, %mul3A_537 : vector<16xf32>
    %mul3A_539 = arith.mulf %add3A_538, %gather3A_526 : vector<16xf32>
    %mul3A_540 = arith.mulf %select_n3A_535, %gather3A_527 : vector<16xf32>
    %add3A_541 = arith.addf %mul3A_539, %mul3A_540 : vector<16xf32>
    %convert_element_type3A_542 = arith.fptosi %gather3A_514 : vector<16xf32> to vector<16xi32>
    %swap3A_543 = arith.constant 2 : i32
    %swap3A_544 = arith.index_cast %swap3A_543 : i32 to index
    %swap3A_545 = arith.constant 32 : index
    %swap3A_546 = tpu.vector_load %arg16[%swap3A_544, %swap3A_545] {strides = array<i32>} : memref<4x48xi32, #tpu.memory_space<vmem>>, vector<16xi32>,
    tpu.vector_store %arg16[%swap3A_544, %swap3A_545], %convert_element_type3A_542 {strides = array<i32>} : memref<4x48xi32, #tpu.memory_space<vmem>>, vector<16xi32>,
    %convert_element_type3A_547 = arith.fptosi %gather3A_518 : vector<16xf32> to vector<16xi32>
    %swap3A_548 = arith.constant 2 : i32
    %swap3A_549 = arith.index_cast %swap3A_548 : i32 to index
    %swap3A_550 = arith.constant 32 : index
    %swap3A_551 = tpu.vector_load %arg17[%swap3A_549, %swap3A_550] {strides = array<i32>} : memref<4x48xi32, #tpu.memory_space<vmem>>, vector<16xi32>,
    tpu.vector_store %arg17[%swap3A_549, %swap3A_550], %convert_element_type3A_547 {strides = array<i32>} : memref<4x48xi32, #tpu.memory_space<vmem>>, vector<16xi32>,
    %swap3A_552 = arith.constant 4 : i32
    %swap3A_553 = arith.index_cast %swap3A_552 : i32 to index
    %swap3A_554 = arith.constant 32 : index
    %swap3A_555 = tpu.vector_load %arg18[%swap3A_553, %swap3A_554] {strides = array<i32>} : memref<8x48xf32, #tpu.memory_space<vmem>>, vector<16xf32>,
    tpu.vector_store %arg18[%swap3A_553, %swap3A_554], %add3A_541 {strides = array<i32>} : memref<8x48xf32, #tpu.memory_space<vmem>>, vector<16xf32>,
    %swap3A_556 = arith.constant 5 : i32
    %swap3A_557 = arith.index_cast %swap3A_556 : i32 to index
    %swap3A_558 = arith.constant 32 : index
    %swap3A_559 = tpu.vector_load %arg18[%swap3A_557, %swap3A_558] {strides = array<i32>} : memref<8x48xf32, #tpu.memory_space<vmem>>, vector<16xf32>,
    tpu.vector_store %arg18[%swap3A_557, %swap3A_558], %gather3A_510 {strides = array<i32>} : memref<8x48xf32, #tpu.memory_space<vmem>>, vector<16xf32>,
    %add3A_560 = arith.constant 0 : i32
    %add3A_561 = vector.broadcast %add3A_560 : i32 to vector<16xi32>
    %add3A_562 = arith.addi %iota3A, %add3A_561 : vector<16xi32>
    %min3A_563 = arith.constant 33 : i32
    %min3A_564 = vector.broadcast %min3A_563 : i32 to vector<16xi32>
    %min3A_565 = arith.minsi %add3A_562, %min3A_564 : vector<16xi32>
    %mul3A_566 = arith.constant 4 : i32
    %mul3A_567 = vector.broadcast %mul3A_566 : i32 to vector<16xi32>
    %mul3A_568 = arith.muli %min3A_565, %mul3A_567 : vector<16xi32>
    %add3A_569 = arith.constant 408 : i32
    %add3A_570 = vector.broadcast %add3A_569 : i32 to vector<16xi32>
    %add3A_571 = arith.addi %add3A_570, %mul3A_568 : vector<16xi32>
    %gather3A_572 = tpu.vector_load_idx %arg11[%add3A_571] : memref<544xf32, #tpu.memory_space<vmem>>[vector<16xi32>], vector<16xf32>,
    %add3A_573 = arith.constant 1 : i32
    %add3A_574 = vector.broadcast %add3A_573 : i32 to vector<16xi32>
    %add3A_575 = arith.addi %add3A_571, %add3A_574 : vector<16xi32>
    %gather3A_576 = tpu.vector_load_idx %arg11[%add3A_575] : memref<544xf32, #tpu.memory_space<vmem>>[vector<16xi32>], vector<16xf32>,
    %add3A_577 = arith.constant 2 : i32
    %add3A_578 = vector.broadcast %add3A_577 : i32 to vector<16xi32>
    %add3A_579 = arith.addi %add3A_571, %add3A_578 : vector<16xi32>
    %gather3A_580 = tpu.vector_load_idx %arg11[%add3A_579] : memref<544xf32, #tpu.memory_space<vmem>>[vector<16xi32>], vector<16xf32>,
    %add3A_581 = arith.constant 3 : i32
    %add3A_582 = vector.broadcast %add3A_581 : i32 to vector<16xi32>
    %add3A_583 = arith.addi %add3A_571, %add3A_582 : vector<16xi32>
    %gather3A_584 = tpu.vector_load_idx %arg11[%add3A_583] : memref<544xf32, #tpu.memory_space<vmem>>[vector<16xi32>], vector<16xf32>,
    %gather3A_585 = tpu.vector_load_idx %arg12[%min3A_565] : memref<34xf32, #tpu.memory_space<vmem>>[vector<16xi32>], vector<16xf32>,
    %gather3A_586 = tpu.vector_load_idx %arg13[%min3A_565] : memref<34xf32, #tpu.memory_space<vmem>>[vector<16xi32>], vector<16xf32>,
    %convert_element_type3A_587 = arith.fptosi %gather3A_584 : vector<16xf32> to vector<16xi32>
    %gather3A_588 = tpu.vector_load_idx %arg14[%convert_element_type3A_587] : memref<5xf32, #tpu.memory_space<vmem>>[vector<16xi32>], vector<16xf32>,
    %gather3A_589 = tpu.vector_load_idx %arg15[%convert_element_type3A_587] : memref<5xf32, #tpu.memory_space<vmem>>[vector<16xi32>], vector<16xf32>,
    %ne3A_590 = arith.constant 0.000000e+00 : f32
    %ne3A_591 = vector.broadcast %ne3A_590 : f32 to vector<16xf32>
    %ne3A_592 = arith.cmpf one, %gather3A_572, %ne3A_591 : vector<16xf32>
    %jit3A_593 = arith.constant 1.000000e+00 : f32
    %jit3A_594 = arith.constant 0.000000e+00 : f32
    %broadcast_in_dim3A_595 = vector.broadcast %jit3A_593 : f32 to vector<16xf32>
    %broadcast_in_dim3A_596 = vector.broadcast %jit3A_594 : f32 to vector<16xf32>
    %select_n3A_597 = arith.select %ne3A_592, %broadcast_in_dim3A_595, %broadcast_in_dim3A_596 : vector<16xi1>, vector<16xf32>
    %mul3A_598 = arith.mulf %gather3A_572, %gather3A_585 : vector<16xf32>
    %mul3A_599 = arith.mulf %select_n3A_597, %gather3A_586 : vector<16xf32>
    %add3A_600 = arith.addf %mul3A_598, %mul3A_599 : vector<16xf32>
    %mul3A_601 = arith.mulf %add3A_600, %gather3A_588 : vector<16xf32>
    %mul3A_602 = arith.mulf %select_n3A_597, %gather3A_589 : vector<16xf32>
    %add3A_603 = arith.addf %mul3A_601, %mul3A_602 : vector<16xf32>
    %convert_element_type3A_604 = arith.fptosi %gather3A_576 : vector<16xf32> to vector<16xi32>
    %swap3A_605 = arith.constant 3 : i32
    %swap3A_606 = arith.index_cast %swap3A_605 : i32 to index
    %swap3A_607 = arith.constant 0 : index
    %swap3A_608 = tpu.vector_load %arg16[%swap3A_606, %swap3A_607] {strides = array<i32>} : memref<4x48xi32, #tpu.memory_space<vmem>>, vector<16xi32>,
    tpu.vector_store %arg16[%swap3A_606, %swap3A_607], %convert_element_type3A_604 {strides = array<i32>} : memref<4x48xi32, #tpu.memory_space<vmem>>, vector<16xi32>,
    %convert_element_type3A_609 = arith.fptosi %gather3A_580 : vector<16xf32> to vector<16xi32>
    %swap3A_610 = arith.constant 3 : i32
    %swap3A_611 = arith.index_cast %swap3A_610 : i32 to index
    %swap3A_612 = arith.constant 0 : index
    %swap3A_613 = tpu.vector_load %arg17[%swap3A_611, %swap3A_612] {strides = array<i32>} : memref<4x48xi32, #tpu.memory_space<vmem>>, vector<16xi32>,
    tpu.vector_store %arg17[%swap3A_611, %swap3A_612], %convert_element_type3A_609 {strides = array<i32>} : memref<4x48xi32, #tpu.memory_space<vmem>>, vector<16xi32>,
    %swap3A_614 = arith.constant 6 : i32
    %swap3A_615 = arith.index_cast %swap3A_614 : i32 to index
    %swap3A_616 = arith.constant 0 : index
    %swap3A_617 = tpu.vector_load %arg18[%swap3A_615, %swap3A_616] {strides = array<i32>} : memref<8x48xf32, #tpu.memory_space<vmem>>, vector<16xf32>,
    tpu.vector_store %arg18[%swap3A_615, %swap3A_616], %add3A_603 {strides = array<i32>} : memref<8x48xf32, #tpu.memory_space<vmem>>, vector<16xf32>,
    %swap3A_618 = arith.constant 7 : i32
    %swap3A_619 = arith.index_cast %swap3A_618 : i32 to index
    %swap3A_620 = arith.constant 0 : index
    %swap3A_621 = tpu.vector_load %arg18[%swap3A_619, %swap3A_620] {strides = array<i32>} : memref<8x48xf32, #tpu.memory_space<vmem>>, vector<16xf32>,
    tpu.vector_store %arg18[%swap3A_619, %swap3A_620], %gather3A_572 {strides = array<i32>} : memref<8x48xf32, #tpu.memory_space<vmem>>, vector<16xf32>,
    %add3A_622 = arith.constant 16 : i32
    %add3A_623 = vector.broadcast %add3A_622 : i32 to vector<16xi32>
    %add3A_624 = arith.addi %iota3A, %add3A_623 : vector<16xi32>
    %min3A_625 = arith.constant 33 : i32
    %min3A_626 = vector.broadcast %min3A_625 : i32 to vector<16xi32>
    %min3A_627 = arith.minsi %add3A_624, %min3A_626 : vector<16xi32>
    %mul3A_628 = arith.constant 4 : i32
    %mul3A_629 = vector.broadcast %mul3A_628 : i32 to vector<16xi32>
    %mul3A_630 = arith.muli %min3A_627, %mul3A_629 : vector<16xi32>
    %add3A_631 = arith.constant 408 : i32
    %add3A_632 = vector.broadcast %add3A_631 : i32 to vector<16xi32>
    %add3A_633 = arith.addi %add3A_632, %mul3A_630 : vector<16xi32>
    %gather3A_634 = tpu.vector_load_idx %arg11[%add3A_633] : memref<544xf32, #tpu.memory_space<vmem>>[vector<16xi32>], vector<16xf32>,
    %add3A_635 = arith.constant 1 : i32
    %add3A_636 = vector.broadcast %add3A_635 : i32 to vector<16xi32>
    %add3A_637 = arith.addi %add3A_633, %add3A_636 : vector<16xi32>
    %gather3A_638 = tpu.vector_load_idx %arg11[%add3A_637] : memref<544xf32, #tpu.memory_space<vmem>>[vector<16xi32>], vector<16xf32>,
    %add3A_639 = arith.constant 2 : i32
    %add3A_640 = vector.broadcast %add3A_639 : i32 to vector<16xi32>
    %add3A_641 = arith.addi %add3A_633, %add3A_640 : vector<16xi32>
    %gather3A_642 = tpu.vector_load_idx %arg11[%add3A_641] : memref<544xf32, #tpu.memory_space<vmem>>[vector<16xi32>], vector<16xf32>,
    %add3A_643 = arith.constant 3 : i32
    %add3A_644 = vector.broadcast %add3A_643 : i32 to vector<16xi32>
    %add3A_645 = arith.addi %add3A_633, %add3A_644 : vector<16xi32>
    %gather3A_646 = tpu.vector_load_idx %arg11[%add3A_645] : memref<544xf32, #tpu.memory_space<vmem>>[vector<16xi32>], vector<16xf32>,
    %gather3A_647 = tpu.vector_load_idx %arg12[%min3A_627] : memref<34xf32, #tpu.memory_space<vmem>>[vector<16xi32>], vector<16xf32>,
    %gather3A_648 = tpu.vector_load_idx %arg13[%min3A_627] : memref<34xf32, #tpu.memory_space<vmem>>[vector<16xi32>], vector<16xf32>,
    %convert_element_type3A_649 = arith.fptosi %gather3A_646 : vector<16xf32> to vector<16xi32>
    %gather3A_650 = tpu.vector_load_idx %arg14[%convert_element_type3A_649] : memref<5xf32, #tpu.memory_space<vmem>>[vector<16xi32>], vector<16xf32>,
    %gather3A_651 = tpu.vector_load_idx %arg15[%convert_element_type3A_649] : memref<5xf32, #tpu.memory_space<vmem>>[vector<16xi32>], vector<16xf32>,
    %ne3A_652 = arith.constant 0.000000e+00 : f32
    %ne3A_653 = vector.broadcast %ne3A_652 : f32 to vector<16xf32>
    %ne3A_654 = arith.cmpf one, %gather3A_634, %ne3A_653 : vector<16xf32>
    %jit3A_655 = arith.constant 1.000000e+00 : f32
    %jit3A_656 = arith.constant 0.000000e+00 : f32
    %broadcast_in_dim3A_657 = vector.broadcast %jit3A_655 : f32 to vector<16xf32>
    %broadcast_in_dim3A_658 = vector.broadcast %jit3A_656 : f32 to vector<16xf32>
    %select_n3A_659 = arith.select %ne3A_654, %broadcast_in_dim3A_657, %broadcast_in_dim3A_658 : vector<16xi1>, vector<16xf32>
    %mul3A_660 = arith.mulf %gather3A_634, %gather3A_647 : vector<16xf32>
    %mul3A_661 = arith.mulf %select_n3A_659, %gather3A_648 : vector<16xf32>
    %add3A_662 = arith.addf %mul3A_660, %mul3A_661 : vector<16xf32>
    %mul3A_663 = arith.mulf %add3A_662, %gather3A_650 : vector<16xf32>
    %mul3A_664 = arith.mulf %select_n3A_659, %gather3A_651 : vector<16xf32>
    %add3A_665 = arith.addf %mul3A_663, %mul3A_664 : vector<16xf32>
    %convert_element_type3A_666 = arith.fptosi %gather3A_638 : vector<16xf32> to vector<16xi32>
    %swap3A_667 = arith.constant 3 : i32
    %swap3A_668 = arith.index_cast %swap3A_667 : i32 to index
    %swap3A_669 = arith.constant 16 : index
    %swap3A_670 = tpu.vector_load %arg16[%swap3A_668, %swap3A_669] {strides = array<i32>} : memref<4x48xi32, #tpu.memory_space<vmem>>, vector<16xi32>,
    tpu.vector_store %arg16[%swap3A_668, %swap3A_669], %convert_element_type3A_666 {strides = array<i32>} : memref<4x48xi32, #tpu.memory_space<vmem>>, vector<16xi32>,
    %convert_element_type3A_671 = arith.fptosi %gather3A_642 : vector<16xf32> to vector<16xi32>
    %swap3A_672 = arith.constant 3 : i32
    %swap3A_673 = arith.index_cast %swap3A_672 : i32 to index
    %swap3A_674 = arith.constant 16 : index
    %swap3A_675 = tpu.vector_load %arg17[%swap3A_673, %swap3A_674] {strides = array<i32>} : memref<4x48xi32, #tpu.memory_space<vmem>>, vector<16xi32>,
    tpu.vector_store %arg17[%swap3A_673, %swap3A_674], %convert_element_type3A_671 {strides = array<i32>} : memref<4x48xi32, #tpu.memory_space<vmem>>, vector<16xi32>,
    %swap3A_676 = arith.constant 6 : i32
    %swap3A_677 = arith.index_cast %swap3A_676 : i32 to index
    %swap3A_678 = arith.constant 16 : index
    %swap3A_679 = tpu.vector_load %arg18[%swap3A_677, %swap3A_678] {strides = array<i32>} : memref<8x48xf32, #tpu.memory_space<vmem>>, vector<16xf32>,
    tpu.vector_store %arg18[%swap3A_677, %swap3A_678], %add3A_665 {strides = array<i32>} : memref<8x48xf32, #tpu.memory_space<vmem>>, vector<16xf32>,
    %swap3A_680 = arith.constant 7 : i32
    %swap3A_681 = arith.index_cast %swap3A_680 : i32 to index
    %swap3A_682 = arith.constant 16 : index
    %swap3A_683 = tpu.vector_load %arg18[%swap3A_681, %swap3A_682] {strides = array<i32>} : memref<8x48xf32, #tpu.memory_space<vmem>>, vector<16xf32>,
    tpu.vector_store %arg18[%swap3A_681, %swap3A_682], %gather3A_634 {strides = array<i32>} : memref<8x48xf32, #tpu.memory_space<vmem>>, vector<16xf32>,
    %add3A_684 = arith.constant 32 : i32
    %add3A_685 = vector.broadcast %add3A_684 : i32 to vector<16xi32>
    %add3A_686 = arith.addi %iota3A, %add3A_685 : vector<16xi32>
    %min3A_687 = arith.constant 33 : i32
    %min3A_688 = vector.broadcast %min3A_687 : i32 to vector<16xi32>
    %min3A_689 = arith.minsi %add3A_686, %min3A_688 : vector<16xi32>
    %mul3A_690 = arith.constant 4 : i32
    %mul3A_691 = vector.broadcast %mul3A_690 : i32 to vector<16xi32>
    %mul3A_692 = arith.muli %min3A_689, %mul3A_691 : vector<16xi32>
    %add3A_693 = arith.constant 408 : i32
    %add3A_694 = vector.broadcast %add3A_693 : i32 to vector<16xi32>
    %add3A_695 = arith.addi %add3A_694, %mul3A_692 : vector<16xi32>
    %gather3A_696 = tpu.vector_load_idx %arg11[%add3A_695] : memref<544xf32, #tpu.memory_space<vmem>>[vector<16xi32>], vector<16xf32>,
    %add3A_697 = arith.constant 1 : i32
    %add3A_698 = vector.broadcast %add3A_697 : i32 to vector<16xi32>
    %add3A_699 = arith.addi %add3A_695, %add3A_698 : vector<16xi32>
    %gather3A_700 = tpu.vector_load_idx %arg11[%add3A_699] : memref<544xf32, #tpu.memory_space<vmem>>[vector<16xi32>], vector<16xf32>,
    %add3A_701 = arith.constant 2 : i32
    %add3A_702 = vector.broadcast %add3A_701 : i32 to vector<16xi32>
    %add3A_703 = arith.addi %add3A_695, %add3A_702 : vector<16xi32>
    %gather3A_704 = tpu.vector_load_idx %arg11[%add3A_703] : memref<544xf32, #tpu.memory_space<vmem>>[vector<16xi32>], vector<16xf32>,
    %add3A_705 = arith.constant 3 : i32
    %add3A_706 = vector.broadcast %add3A_705 : i32 to vector<16xi32>
    %add3A_707 = arith.addi %add3A_695, %add3A_706 : vector<16xi32>
    %gather3A_708 = tpu.vector_load_idx %arg11[%add3A_707] : memref<544xf32, #tpu.memory_space<vmem>>[vector<16xi32>], vector<16xf32>,
    %gather3A_709 = tpu.vector_load_idx %arg12[%min3A_689] : memref<34xf32, #tpu.memory_space<vmem>>[vector<16xi32>], vector<16xf32>,
    %gather3A_710 = tpu.vector_load_idx %arg13[%min3A_689] : memref<34xf32, #tpu.memory_space<vmem>>[vector<16xi32>], vector<16xf32>,
    %convert_element_type3A_711 = arith.fptosi %gather3A_708 : vector<16xf32> to vector<16xi32>
    %gather3A_712 = tpu.vector_load_idx %arg14[%convert_element_type3A_711] : memref<5xf32, #tpu.memory_space<vmem>>[vector<16xi32>], vector<16xf32>,
    %gather3A_713 = tpu.vector_load_idx %arg15[%convert_element_type3A_711] : memref<5xf32, #tpu.memory_space<vmem>>[vector<16xi32>], vector<16xf32>,
    %ne3A_714 = arith.constant 0.000000e+00 : f32
    %ne3A_715 = vector.broadcast %ne3A_714 : f32 to vector<16xf32>
    %ne3A_716 = arith.cmpf one, %gather3A_696, %ne3A_715 : vector<16xf32>
    %jit3A_717 = arith.constant 1.000000e+00 : f32
    %jit3A_718 = arith.constant 0.000000e+00 : f32
    %broadcast_in_dim3A_719 = vector.broadcast %jit3A_717 : f32 to vector<16xf32>
    %broadcast_in_dim3A_720 = vector.broadcast %jit3A_718 : f32 to vector<16xf32>
    %select_n3A_721 = arith.select %ne3A_716, %broadcast_in_dim3A_719, %broadcast_in_dim3A_720 : vector<16xi1>, vector<16xf32>
    %mul3A_722 = arith.mulf %gather3A_696, %gather3A_709 : vector<16xf32>
    %mul3A_723 = arith.mulf %select_n3A_721, %gather3A_710 : vector<16xf32>
    %add3A_724 = arith.addf %mul3A_722, %mul3A_723 : vector<16xf32>
    %mul3A_725 = arith.mulf %add3A_724, %gather3A_712 : vector<16xf32>
    %mul3A_726 = arith.mulf %select_n3A_721, %gather3A_713 : vector<16xf32>
    %add3A_727 = arith.addf %mul3A_725, %mul3A_726 : vector<16xf32>
    %convert_element_type3A_728 = arith.fptosi %gather3A_700 : vector<16xf32> to vector<16xi32>
    %swap3A_729 = arith.constant 3 : i32
    %swap3A_730 = arith.index_cast %swap3A_729 : i32 to index
    %swap3A_731 = arith.constant 32 : index
    %swap3A_732 = tpu.vector_load %arg16[%swap3A_730, %swap3A_731] {strides = array<i32>} : memref<4x48xi32, #tpu.memory_space<vmem>>, vector<16xi32>,
    tpu.vector_store %arg16[%swap3A_730, %swap3A_731], %convert_element_type3A_728 {strides = array<i32>} : memref<4x48xi32, #tpu.memory_space<vmem>>, vector<16xi32>,
    %convert_element_type3A_733 = arith.fptosi %gather3A_704 : vector<16xf32> to vector<16xi32>
    %swap3A_734 = arith.constant 3 : i32
    %swap3A_735 = arith.index_cast %swap3A_734 : i32 to index
    %swap3A_736 = arith.constant 32 : index
    %swap3A_737 = tpu.vector_load %arg17[%swap3A_735, %swap3A_736] {strides = array<i32>} : memref<4x48xi32, #tpu.memory_space<vmem>>, vector<16xi32>,
    tpu.vector_store %arg17[%swap3A_735, %swap3A_736], %convert_element_type3A_733 {strides = array<i32>} : memref<4x48xi32, #tpu.memory_space<vmem>>, vector<16xi32>,
    %swap3A_738 = arith.constant 6 : i32
    %swap3A_739 = arith.index_cast %swap3A_738 : i32 to index
    %swap3A_740 = arith.constant 32 : index
    %swap3A_741 = tpu.vector_load %arg18[%swap3A_739, %swap3A_740] {strides = array<i32>} : memref<8x48xf32, #tpu.memory_space<vmem>>, vector<16xf32>,
    tpu.vector_store %arg18[%swap3A_739, %swap3A_740], %add3A_727 {strides = array<i32>} : memref<8x48xf32, #tpu.memory_space<vmem>>, vector<16xf32>,
    %swap3A_742 = arith.constant 7 : i32
    %swap3A_743 = arith.index_cast %swap3A_742 : i32 to index
    %swap3A_744 = arith.constant 32 : index
    %swap3A_745 = tpu.vector_load %arg18[%swap3A_743, %swap3A_744] {strides = array<i32>} : memref<8x48xf32, #tpu.memory_space<vmem>>, vector<16xf32>,
    tpu.vector_store %arg18[%swap3A_743, %swap3A_744], %gather3A_696 {strides = array<i32>} : memref<8x48xf32, #tpu.memory_space<vmem>>, vector<16xf32>,
    %mul3A_746 = arith.constant 4 : i32
    %mul3A_747 = arith.muli %add3A, %mul3A_746 : i32
    %add3A_748 = arith.constant 0 : i32
    %add3A_749 = arith.addi %mul3A_747, %add3A_748 : i32
    %get3A = arith.constant 0 : i32
    %get3A_750 = arith.index_cast %get3A : i32 to index
    %get3A_751 = arith.constant 0 : index
    %get3A_752 = tpu.vector_load %arg16[%get3A_750, %get3A_751] {strides = array<i32>} : memref<4x48xi32, #tpu.memory_space<vmem>>, vector<16xi32>,
    %get3A_753 = arith.constant 0 : i32
    %get3A_754 = arith.index_cast %get3A_753 : i32 to index
    %get3A_755 = arith.constant 0 : index
    %get3A_756 = tpu.vector_load %arg17[%get3A_754, %get3A_755] {strides = array<i32>} : memref<4x48xi32, #tpu.memory_space<vmem>>, vector<16xi32>,
    %jit3A_757 = arith.constant 64 : i32
    %div3A = vector.broadcast %jit3A_757 : i32 to vector<16xi32>
    %div3A_758 = arith.divsi %get3A_756, %div3A : vector<16xi32>
    %sign3A = arith.constant 0 : i32
    %sign3A_759 = vector.broadcast %sign3A : i32 to vector<16xi32>
    %sign3A_760 = arith.cmpi sgt, %get3A_756, %sign3A_759 : vector<16xi32>
    %sign3A_761 = arith.extui %sign3A_760 : vector<16xi1> to vector<16xi32>
    %sign3A_762 = arith.constant 0 : i32
    %sign3A_763 = vector.broadcast %sign3A_762 : i32 to vector<16xi32>
    %sign3A_764 = arith.cmpi slt, %get3A_756, %sign3A_763 : vector<16xi32>
    %sign3A_765 = arith.extui %sign3A_764 : vector<16xi1> to vector<16xi32>
    %sign3A_766 = arith.subi %sign3A_761, %sign3A_765 : vector<16xi32>
    %sign3A_767 = arith.constant 0 : i32
    %sign3A_768 = arith.cmpi sgt, %jit3A_757, %sign3A_767 : i32
    %sign3A_769 = arith.extui %sign3A_768 : i1 to i32
    %sign3A_770 = arith.constant 0 : i32
    %sign3A_771 = arith.cmpi slt, %jit3A_757, %sign3A_770 : i32
    %sign3A_772 = arith.extui %sign3A_771 : i1 to i32
    %sign3A_773 = arith.subi %sign3A_769, %sign3A_772 : i32
    %ne3A_774 = vector.broadcast %sign3A_773 : i32 to vector<16xi32>
    %ne3A_775 = arith.cmpi ne, %sign3A_766, %ne3A_774 : vector<16xi32>
    %rem3A = vector.broadcast %jit3A_757 : i32 to vector<16xi32>
    %rem3A_776 = arith.remsi %get3A_756, %rem3A : vector<16xi32>
    %ne3A_777 = arith.constant 0 : i32
    %ne3A_778 = vector.broadcast %ne3A_777 : i32 to vector<16xi32>
    %ne3A_779 = arith.cmpi ne, %rem3A_776, %ne3A_778 : vector<16xi32>
    %and3A = arith.andi %ne3A_775, %ne3A_779 : vector<16xi1>
    %sub3A = arith.constant 1 : i32
    %sub3A_780 = vector.broadcast %sub3A : i32 to vector<16xi32>
    %sub3A_781 = arith.subi %div3A_758, %sub3A_780 : vector<16xi32>
    %select_n3A_782 = arith.select %and3A, %sub3A_781, %div3A_758 : vector<16xi1>, vector<16xi32>
    %eq3A = arith.constant 0 : i32
    %eq3A_783 = vector.broadcast %eq3A : i32 to vector<16xi32>
    %eq3A_784 = arith.cmpi eq, %select_n3A_782, %eq3A_783 : vector<16xi32>
    %get3A_785 = arith.constant 0 : i32
    %get3A_786 = arith.index_cast %get3A_785 : i32 to index
    %get3A_787 = arith.constant 0 : index
    %get3A_788 = tpu.vector_load %arg18[%get3A_786, %get3A_787] {strides = array<i32>} : memref<8x48xf32, #tpu.memory_space<vmem>>, vector<16xf32>,
    %jit3A_789 = arith.constant 64 : i32
    %eq3A_790 = arith.constant 0 : i32
    %eq3A_791 = arith.cmpi eq, %jit3A_789, %eq3A_790 : i32
    %jit3A_792 = arith.constant 1 : i32
    %select_n3A_793 = arith.select %eq3A_791, %jit3A_792, %jit3A_789 : i32
    %rem3A_794 = vector.broadcast %select_n3A_793 : i32 to vector<16xi32>
    %rem3A_795 = arith.remsi %get3A_756, %rem3A_794 : vector<16xi32>
    %ne3A_796 = arith.constant 0 : i32
    %ne3A_797 = vector.broadcast %ne3A_796 : i32 to vector<16xi32>
    %ne3A_798 = arith.cmpi ne, %rem3A_795, %ne3A_797 : vector<16xi32>
    %lt3A = arith.constant 0 : i32
    %lt3A_799 = vector.broadcast %lt3A : i32 to vector<16xi32>
    %lt3A_800 = arith.cmpi slt, %rem3A_795, %lt3A_799 : vector<16xi32>
    %lt3A_801 = arith.constant 0 : i32
    %lt3A_802 = arith.cmpi slt, %select_n3A_793, %lt3A_801 : i32
    %ne3A_803 = vector.broadcast %lt3A_802 : i1 to vector<16xi1>
    %ne3A_804 = vector.broadcast %ne3A_803 : vector<16xi1> to vector<16xi1>
    %ne3A_805 = arith.xori %lt3A_800, %ne3A_804 : vector<16xi1>
    %and3A_806 = arith.andi %ne3A_805, %ne3A_798 : vector<16xi1>
    %add3A_807 = vector.broadcast %select_n3A_793 : i32 to vector<16xi32>
    %add3A_808 = arith.addi %rem3A_795, %add3A_807 : vector<16xi32>
    %select_n3A_809 = arith.select %and3A_806, %add3A_808, %rem3A_795 : vector<16xi1>, vector<16xi32>
    tpu.vector_store_idx %arg8[%select_n3A_809, %get3A_752], %get3A_788 masked %eq3A_784 : memref<64x512xf32, #tpu.memory_space<vmem>>[vector<16xi32>, vector<16xi32>], vector<16xf32>, vector<16xi1>
    %get3A_810 = arith.constant 0 : i32
    %get3A_811 = arith.index_cast %get3A_810 : i32 to index
    %get3A_812 = arith.constant 16 : index
    %get3A_813 = tpu.vector_load %arg16[%get3A_811, %get3A_812] {strides = array<i32>} : memref<4x48xi32, #tpu.memory_space<vmem>>, vector<16xi32>,
    %get3A_814 = arith.constant 0 : i32
    %get3A_815 = arith.index_cast %get3A_814 : i32 to index
    %get3A_816 = arith.constant 16 : index
    %get3A_817 = tpu.vector_load %arg17[%get3A_815, %get3A_816] {strides = array<i32>} : memref<4x48xi32, #tpu.memory_space<vmem>>, vector<16xi32>,
    %jit3A_818 = arith.constant 64 : i32
    %div3A_819 = vector.broadcast %jit3A_818 : i32 to vector<16xi32>
    %div3A_820 = arith.divsi %get3A_817, %div3A_819 : vector<16xi32>
    %sign3A_821 = arith.constant 0 : i32
    %sign3A_822 = vector.broadcast %sign3A_821 : i32 to vector<16xi32>
    %sign3A_823 = arith.cmpi sgt, %get3A_817, %sign3A_822 : vector<16xi32>
    %sign3A_824 = arith.extui %sign3A_823 : vector<16xi1> to vector<16xi32>
    %sign3A_825 = arith.constant 0 : i32
    %sign3A_826 = vector.broadcast %sign3A_825 : i32 to vector<16xi32>
    %sign3A_827 = arith.cmpi slt, %get3A_817, %sign3A_826 : vector<16xi32>
    %sign3A_828 = arith.extui %sign3A_827 : vector<16xi1> to vector<16xi32>
    %sign3A_829 = arith.subi %sign3A_824, %sign3A_828 : vector<16xi32>
    %sign3A_830 = arith.constant 0 : i32
    %sign3A_831 = arith.cmpi sgt, %jit3A_818, %sign3A_830 : i32
    %sign3A_832 = arith.extui %sign3A_831 : i1 to i32
    %sign3A_833 = arith.constant 0 : i32
    %sign3A_834 = arith.cmpi slt, %jit3A_818, %sign3A_833 : i32
    %sign3A_835 = arith.extui %sign3A_834 : i1 to i32
    %sign3A_836 = arith.subi %sign3A_832, %sign3A_835 : i32
    %ne3A_837 = vector.broadcast %sign3A_836 : i32 to vector<16xi32>
    %ne3A_838 = arith.cmpi ne, %sign3A_829, %ne3A_837 : vector<16xi32>
    %rem3A_839 = vector.broadcast %jit3A_818 : i32 to vector<16xi32>
    %rem3A_840 = arith.remsi %get3A_817, %rem3A_839 : vector<16xi32>
    %ne3A_841 = arith.constant 0 : i32
    %ne3A_842 = vector.broadcast %ne3A_841 : i32 to vector<16xi32>
    %ne3A_843 = arith.cmpi ne, %rem3A_840, %ne3A_842 : vector<16xi32>
    %and3A_844 = arith.andi %ne3A_838, %ne3A_843 : vector<16xi1>
    %sub3A_845 = arith.constant 1 : i32
    %sub3A_846 = vector.broadcast %sub3A_845 : i32 to vector<16xi32>
    %sub3A_847 = arith.subi %div3A_820, %sub3A_846 : vector<16xi32>
    %select_n3A_848 = arith.select %and3A_844, %sub3A_847, %div3A_820 : vector<16xi1>, vector<16xi32>
    %eq3A_849 = arith.constant 0 : i32
    %eq3A_850 = vector.broadcast %eq3A_849 : i32 to vector<16xi32>
    %eq3A_851 = arith.cmpi eq, %select_n3A_848, %eq3A_850 : vector<16xi32>
    %get3A_852 = arith.constant 0 : i32
    %get3A_853 = arith.index_cast %get3A_852 : i32 to index
    %get3A_854 = arith.constant 16 : index
    %get3A_855 = tpu.vector_load %arg18[%get3A_853, %get3A_854] {strides = array<i32>} : memref<8x48xf32, #tpu.memory_space<vmem>>, vector<16xf32>,
    %jit3A_856 = arith.constant 64 : i32
    %eq3A_857 = arith.constant 0 : i32
    %eq3A_858 = arith.cmpi eq, %jit3A_856, %eq3A_857 : i32
    %jit3A_859 = arith.constant 1 : i32
    %select_n3A_860 = arith.select %eq3A_858, %jit3A_859, %jit3A_856 : i32
    %rem3A_861 = vector.broadcast %select_n3A_860 : i32 to vector<16xi32>
    %rem3A_862 = arith.remsi %get3A_817, %rem3A_861 : vector<16xi32>
    %ne3A_863 = arith.constant 0 : i32
    %ne3A_864 = vector.broadcast %ne3A_863 : i32 to vector<16xi32>
    %ne3A_865 = arith.cmpi ne, %rem3A_862, %ne3A_864 : vector<16xi32>
    %lt3A_866 = arith.constant 0 : i32
    %lt3A_867 = vector.broadcast %lt3A_866 : i32 to vector<16xi32>
    %lt3A_868 = arith.cmpi slt, %rem3A_862, %lt3A_867 : vector<16xi32>
    %lt3A_869 = arith.constant 0 : i32
    %lt3A_870 = arith.cmpi slt, %select_n3A_860, %lt3A_869 : i32
    %ne3A_871 = vector.broadcast %lt3A_870 : i1 to vector<16xi1>
    %ne3A_872 = vector.broadcast %ne3A_871 : vector<16xi1> to vector<16xi1>
    %ne3A_873 = arith.xori %lt3A_868, %ne3A_872 : vector<16xi1>
    %and3A_874 = arith.andi %ne3A_873, %ne3A_865 : vector<16xi1>
    %add3A_875 = vector.broadcast %select_n3A_860 : i32 to vector<16xi32>
    %add3A_876 = arith.addi %rem3A_862, %add3A_875 : vector<16xi32>
    %select_n3A_877 = arith.select %and3A_874, %add3A_876, %rem3A_862 : vector<16xi1>, vector<16xi32>
    tpu.vector_store_idx %arg8[%select_n3A_877, %get3A_813], %get3A_855 masked %eq3A_851 : memref<64x512xf32, #tpu.memory_space<vmem>>[vector<16xi32>, vector<16xi32>], vector<16xf32>, vector<16xi1>
    %get3A_878 = arith.constant 0 : i32
    %get3A_879 = arith.index_cast %get3A_878 : i32 to index
    %get3A_880 = arith.constant 32 : index
    %get3A_881 = tpu.vector_load %arg16[%get3A_879, %get3A_880] {strides = array<i32>} : memref<4x48xi32, #tpu.memory_space<vmem>>, vector<16xi32>,
    %get3A_882 = arith.constant 0 : i32
    %get3A_883 = arith.index_cast %get3A_882 : i32 to index
    %get3A_884 = arith.constant 32 : index
    %get3A_885 = tpu.vector_load %arg17[%get3A_883, %get3A_884] {strides = array<i32>} : memref<4x48xi32, #tpu.memory_space<vmem>>, vector<16xi32>,
    %jit3A_886 = arith.constant 64 : i32
    %div3A_887 = vector.broadcast %jit3A_886 : i32 to vector<16xi32>
    %div3A_888 = arith.divsi %get3A_885, %div3A_887 : vector<16xi32>
    %sign3A_889 = arith.constant 0 : i32
    %sign3A_890 = vector.broadcast %sign3A_889 : i32 to vector<16xi32>
    %sign3A_891 = arith.cmpi sgt, %get3A_885, %sign3A_890 : vector<16xi32>
    %sign3A_892 = arith.extui %sign3A_891 : vector<16xi1> to vector<16xi32>
    %sign3A_893 = arith.constant 0 : i32
    %sign3A_894 = vector.broadcast %sign3A_893 : i32 to vector<16xi32>
    %sign3A_895 = arith.cmpi slt, %get3A_885, %sign3A_894 : vector<16xi32>
    %sign3A_896 = arith.extui %sign3A_895 : vector<16xi1> to vector<16xi32>
    %sign3A_897 = arith.subi %sign3A_892, %sign3A_896 : vector<16xi32>
    %sign3A_898 = arith.constant 0 : i32
    %sign3A_899 = arith.cmpi sgt, %jit3A_886, %sign3A_898 : i32
    %sign3A_900 = arith.extui %sign3A_899 : i1 to i32
    %sign3A_901 = arith.constant 0 : i32
    %sign3A_902 = arith.cmpi slt, %jit3A_886, %sign3A_901 : i32
    %sign3A_903 = arith.extui %sign3A_902 : i1 to i32
    %sign3A_904 = arith.subi %sign3A_900, %sign3A_903 : i32
    %ne3A_905 = vector.broadcast %sign3A_904 : i32 to vector<16xi32>
    %ne3A_906 = arith.cmpi ne, %sign3A_897, %ne3A_905 : vector<16xi32>
    %rem3A_907 = vector.broadcast %jit3A_886 : i32 to vector<16xi32>
    %rem3A_908 = arith.remsi %get3A_885, %rem3A_907 : vector<16xi32>
    %ne3A_909 = arith.constant 0 : i32
    %ne3A_910 = vector.broadcast %ne3A_909 : i32 to vector<16xi32>
    %ne3A_911 = arith.cmpi ne, %rem3A_908, %ne3A_910 : vector<16xi32>
    %and3A_912 = arith.andi %ne3A_906, %ne3A_911 : vector<16xi1>
    %sub3A_913 = arith.constant 1 : i32
    %sub3A_914 = vector.broadcast %sub3A_913 : i32 to vector<16xi32>
    %sub3A_915 = arith.subi %div3A_888, %sub3A_914 : vector<16xi32>
    %select_n3A_916 = arith.select %and3A_912, %sub3A_915, %div3A_888 : vector<16xi1>, vector<16xi32>
    %eq3A_917 = arith.constant 0 : i32
    %eq3A_918 = vector.broadcast %eq3A_917 : i32 to vector<16xi32>
    %eq3A_919 = arith.cmpi eq, %select_n3A_916, %eq3A_918 : vector<16xi32>
    %get3A_920 = arith.constant 0 : i32
    %get3A_921 = arith.index_cast %get3A_920 : i32 to index
    %get3A_922 = arith.constant 32 : index
    %get3A_923 = tpu.vector_load %arg18[%get3A_921, %get3A_922] {strides = array<i32>} : memref<8x48xf32, #tpu.memory_space<vmem>>, vector<16xf32>,
    %jit3A_924 = arith.constant 64 : i32
    %eq3A_925 = arith.constant 0 : i32
    %eq3A_926 = arith.cmpi eq, %jit3A_924, %eq3A_925 : i32
    %jit3A_927 = arith.constant 1 : i32
    %select_n3A_928 = arith.select %eq3A_926, %jit3A_927, %jit3A_924 : i32
    %rem3A_929 = vector.broadcast %select_n3A_928 : i32 to vector<16xi32>
    %rem3A_930 = arith.remsi %get3A_885, %rem3A_929 : vector<16xi32>
    %ne3A_931 = arith.constant 0 : i32
    %ne3A_932 = vector.broadcast %ne3A_931 : i32 to vector<16xi32>
    %ne3A_933 = arith.cmpi ne, %rem3A_930, %ne3A_932 : vector<16xi32>
    %lt3A_934 = arith.constant 0 : i32
    %lt3A_935 = vector.broadcast %lt3A_934 : i32 to vector<16xi32>
    %lt3A_936 = arith.cmpi slt, %rem3A_930, %lt3A_935 : vector<16xi32>
    %lt3A_937 = arith.constant 0 : i32
    %lt3A_938 = arith.cmpi slt, %select_n3A_928, %lt3A_937 : i32
    %ne3A_939 = vector.broadcast %lt3A_938 : i1 to vector<16xi1>
    %ne3A_940 = vector.broadcast %ne3A_939 : vector<16xi1> to vector<16xi1>
    %ne3A_941 = arith.xori %lt3A_936, %ne3A_940 : vector<16xi1>
    %and3A_942 = arith.andi %ne3A_941, %ne3A_933 : vector<16xi1>
    %add3A_943 = vector.broadcast %select_n3A_928 : i32 to vector<16xi32>
    %add3A_944 = arith.addi %rem3A_930, %add3A_943 : vector<16xi32>
    %select_n3A_945 = arith.select %and3A_942, %add3A_944, %rem3A_930 : vector<16xi1>, vector<16xi32>
    tpu.vector_store_idx %arg8[%select_n3A_945, %get3A_881], %get3A_923 masked %eq3A_919 : memref<64x512xf32, #tpu.memory_space<vmem>>[vector<16xi32>, vector<16xi32>], vector<16xf32>, vector<16xi1>
    %dma_start3A_946 = arith.constant 0 : i32
    %dma_start3A_947 = arith.constant 0 : i32
    %dma_start3A_948 = arith.constant 0 : i32
    %dma_start3A_949 = tpu.memref_slice %arg7[%add3A_749, %dma_start3A_946, %dma_start3A_947, %dma_start3A_948] : memref<128x2x512x512xf32, #tpu.memory_space<hbm>> -> memref<1x1x64x512xf32, #tpu.memory_space<hbm>>
    %dma_start3A_950 = tpu.memref_squeeze %dma_start3A_949 : memref<1x1x64x512xf32, #tpu.memory_space<hbm>> -> memref<64x512xf32, #tpu.memory_space<hbm>>
    %dma_start3A_951 = arith.constant 0 : i32
    %dma_start3A_952 = arith.constant 0 : i32
    %dma_start3A_953 = tpu.memref_slice %arg7[%add3A_749, %dma_start3A_946, %dma_start3A_951, %dma_start3A_952] : memref<128x2x512x512xf32, #tpu.memory_space<hbm>> -> memref<1x1x64x512xf32, #tpu.memory_space<hbm>>
    %dma_start3A_954 = tpu.memref_squeeze %dma_start3A_953 : memref<1x1x64x512xf32, #tpu.memory_space<hbm>> -> memref<64x512xf32, #tpu.memory_space<hbm>>
    tpu.enqueue_dma source(%arg8 : memref<64x512xf32, #tpu.memory_space<vmem>>) target(%dma_start3A_954 : memref<64x512xf32, #tpu.memory_space<hbm>>) target_semaphore(%arg19 : memref<!tpu.dma_semaphore, #tpu.memory_space<semaphore_mem>>)
    %mul3A_955 = arith.constant 4 : i32
    %mul3A_956 = arith.muli %add3A, %mul3A_955 : i32
    %add3A_957 = arith.constant 0 : i32
    %add3A_958 = arith.addi %mul3A_956, %add3A_957 : i32
    %get3A_959 = arith.constant 0 : i32
    %get3A_960 = arith.index_cast %get3A_959 : i32 to index
    %get3A_961 = arith.constant 0 : index
    %get3A_962 = tpu.vector_load %arg16[%get3A_960, %get3A_961] {strides = array<i32>} : memref<4x48xi32, #tpu.memory_space<vmem>>, vector<16xi32>,
    %get3A_963 = arith.constant 0 : i32
    %get3A_964 = arith.index_cast %get3A_963 : i32 to index
    %get3A_965 = arith.constant 0 : index
    %get3A_966 = tpu.vector_load %arg17[%get3A_964, %get3A_965] {strides = array<i32>} : memref<4x48xi32, #tpu.memory_space<vmem>>, vector<16xi32>,
    %jit3A_967 = arith.constant 64 : i32
    %div3A_968 = vector.broadcast %jit3A_967 : i32 to vector<16xi32>
    %div3A_969 = arith.divsi %get3A_966, %div3A_968 : vector<16xi32>
    %sign3A_970 = arith.constant 0 : i32
    %sign3A_971 = vector.broadcast %sign3A_970 : i32 to vector<16xi32>
    %sign3A_972 = arith.cmpi sgt, %get3A_966, %sign3A_971 : vector<16xi32>
    %sign3A_973 = arith.extui %sign3A_972 : vector<16xi1> to vector<16xi32>
    %sign3A_974 = arith.constant 0 : i32
    %sign3A_975 = vector.broadcast %sign3A_974 : i32 to vector<16xi32>
    %sign3A_976 = arith.cmpi slt, %get3A_966, %sign3A_975 : vector<16xi32>
    %sign3A_977 = arith.extui %sign3A_976 : vector<16xi1> to vector<16xi32>
    %sign3A_978 = arith.subi %sign3A_973, %sign3A_977 : vector<16xi32>
    %sign3A_979 = arith.constant 0 : i32
    %sign3A_980 = arith.cmpi sgt, %jit3A_967, %sign3A_979 : i32
    %sign3A_981 = arith.extui %sign3A_980 : i1 to i32
    %sign3A_982 = arith.constant 0 : i32
    %sign3A_983 = arith.cmpi slt, %jit3A_967, %sign3A_982 : i32
    %sign3A_984 = arith.extui %sign3A_983 : i1 to i32
    %sign3A_985 = arith.subi %sign3A_981, %sign3A_984 : i32
    %ne3A_986 = vector.broadcast %sign3A_985 : i32 to vector<16xi32>
    %ne3A_987 = arith.cmpi ne, %sign3A_978, %ne3A_986 : vector<16xi32>
    %rem3A_988 = vector.broadcast %jit3A_967 : i32 to vector<16xi32>
    %rem3A_989 = arith.remsi %get3A_966, %rem3A_988 : vector<16xi32>
    %ne3A_990 = arith.constant 0 : i32
    %ne3A_991 = vector.broadcast %ne3A_990 : i32 to vector<16xi32>
    %ne3A_992 = arith.cmpi ne, %rem3A_989, %ne3A_991 : vector<16xi32>
    %and3A_993 = arith.andi %ne3A_987, %ne3A_992 : vector<16xi1>
    %sub3A_994 = arith.constant 1 : i32
    %sub3A_995 = vector.broadcast %sub3A_994 : i32 to vector<16xi32>
    %sub3A_996 = arith.subi %div3A_969, %sub3A_995 : vector<16xi32>
    %select_n3A_997 = arith.select %and3A_993, %sub3A_996, %div3A_969 : vector<16xi1>, vector<16xi32>
    %eq3A_998 = arith.constant 1 : i32
    %eq3A_999 = vector.broadcast %eq3A_998 : i32 to vector<16xi32>
    %eq3A_1000 = arith.cmpi eq, %select_n3A_997, %eq3A_999 : vector<16xi32>
    %get3A_1001 = arith.constant 0 : i32
    %get3A_1002 = arith.index_cast %get3A_1001 : i32 to index
    %get3A_1003 = arith.constant 0 : index
    %get3A_1004 = tpu.vector_load %arg18[%get3A_1002, %get3A_1003] {strides = array<i32>} : memref<8x48xf32, #tpu.memory_space<vmem>>, vector<16xf32>,
    %jit3A_1005 = arith.constant 64 : i32
    %eq3A_1006 = arith.constant 0 : i32
    %eq3A_1007 = arith.cmpi eq, %jit3A_1005, %eq3A_1006 : i32
    %jit3A_1008 = arith.constant 1 : i32
    %select_n3A_1009 = arith.select %eq3A_1007, %jit3A_1008, %jit3A_1005 : i32
    %rem3A_1010 = vector.broadcast %select_n3A_1009 : i32 to vector<16xi32>
    %rem3A_1011 = arith.remsi %get3A_966, %rem3A_1010 : vector<16xi32>
    %ne3A_1012 = arith.constant 0 : i32
    %ne3A_1013 = vector.broadcast %ne3A_1012 : i32 to vector<16xi32>
    %ne3A_1014 = arith.cmpi ne, %rem3A_1011, %ne3A_1013 : vector<16xi32>
    %lt3A_1015 = arith.constant 0 : i32
    %lt3A_1016 = vector.broadcast %lt3A_1015 : i32 to vector<16xi32>
    %lt3A_1017 = arith.cmpi slt, %rem3A_1011, %lt3A_1016 : vector<16xi32>
    %lt3A_1018 = arith.constant 0 : i32
    %lt3A_1019 = arith.cmpi slt, %select_n3A_1009, %lt3A_1018 : i32
    %ne3A_1020 = vector.broadcast %lt3A_1019 : i1 to vector<16xi1>
    %ne3A_1021 = vector.broadcast %ne3A_1020 : vector<16xi1> to vector<16xi1>
    %ne3A_1022 = arith.xori %lt3A_1017, %ne3A_1021 : vector<16xi1>
    %and3A_1023 = arith.andi %ne3A_1022, %ne3A_1014 : vector<16xi1>
    %add3A_1024 = vector.broadcast %select_n3A_1009 : i32 to vector<16xi32>
    %add3A_1025 = arith.addi %rem3A_1011, %add3A_1024 : vector<16xi32>
    %select_n3A_1026 = arith.select %and3A_1023, %add3A_1025, %rem3A_1011 : vector<16xi1>, vector<16xi32>
    tpu.vector_store_idx %arg9[%select_n3A_1026, %get3A_962], %get3A_1004 masked %eq3A_1000 : memref<64x512xf32, #tpu.memory_space<vmem>>[vector<16xi32>, vector<16xi32>], vector<16xf32>, vector<16xi1>
    %get3A_1027 = arith.constant 0 : i32
    %get3A_1028 = arith.index_cast %get3A_1027 : i32 to index
    %get3A_1029 = arith.constant 16 : index
    %get3A_1030 = tpu.vector_load %arg16[%get3A_1028, %get3A_1029] {strides = array<i32>} : memref<4x48xi32, #tpu.memory_space<vmem>>, vector<16xi32>,
    %get3A_1031 = arith.constant 0 : i32
    %get3A_1032 = arith.index_cast %get3A_1031 : i32 to index
    %get3A_1033 = arith.constant 16 : index
    %get3A_1034 = tpu.vector_load %arg17[%get3A_1032, %get3A_1033] {strides = array<i32>} : memref<4x48xi32, #tpu.memory_space<vmem>>, vector<16xi32>,
    %jit3A_1035 = arith.constant 64 : i32
    %div3A_1036 = vector.broadcast %jit3A_1035 : i32 to vector<16xi32>
    %div3A_1037 = arith.divsi %get3A_1034, %div3A_1036 : vector<16xi32>
    %sign3A_1038 = arith.constant 0 : i32
    %sign3A_1039 = vector.broadcast %sign3A_1038 : i32 to vector<16xi32>
    %sign3A_1040 = arith.cmpi sgt, %get3A_1034, %sign3A_1039 : vector<16xi32>
    %sign3A_1041 = arith.extui %sign3A_1040 : vector<16xi1> to vector<16xi32>
    %sign3A_1042 = arith.constant 0 : i32
    %sign3A_1043 = vector.broadcast %sign3A_1042 : i32 to vector<16xi32>
    %sign3A_1044 = arith.cmpi slt, %get3A_1034, %sign3A_1043 : vector<16xi32>
    %sign3A_1045 = arith.extui %sign3A_1044 : vector<16xi1> to vector<16xi32>
    %sign3A_1046 = arith.subi %sign3A_1041, %sign3A_1045 : vector<16xi32>
    %sign3A_1047 = arith.constant 0 : i32
    %sign3A_1048 = arith.cmpi sgt, %jit3A_1035, %sign3A_1047 : i32
    %sign3A_1049 = arith.extui %sign3A_1048 : i1 to i32
    %sign3A_1050 = arith.constant 0 : i32
    %sign3A_1051 = arith.cmpi slt, %jit3A_1035, %sign3A_1050 : i32
    %sign3A_1052 = arith.extui %sign3A_1051 : i1 to i32
    %sign3A_1053 = arith.subi %sign3A_1049, %sign3A_1052 : i32
    %ne3A_1054 = vector.broadcast %sign3A_1053 : i32 to vector<16xi32>
    %ne3A_1055 = arith.cmpi ne, %sign3A_1046, %ne3A_1054 : vector<16xi32>
    %rem3A_1056 = vector.broadcast %jit3A_1035 : i32 to vector<16xi32>
    %rem3A_1057 = arith.remsi %get3A_1034, %rem3A_1056 : vector<16xi32>
    %ne3A_1058 = arith.constant 0 : i32
    %ne3A_1059 = vector.broadcast %ne3A_1058 : i32 to vector<16xi32>
    %ne3A_1060 = arith.cmpi ne, %rem3A_1057, %ne3A_1059 : vector<16xi32>
    %and3A_1061 = arith.andi %ne3A_1055, %ne3A_1060 : vector<16xi1>
    %sub3A_1062 = arith.constant 1 : i32
    %sub3A_1063 = vector.broadcast %sub3A_1062 : i32 to vector<16xi32>
    %sub3A_1064 = arith.subi %div3A_1037, %sub3A_1063 : vector<16xi32>
    %select_n3A_1065 = arith.select %and3A_1061, %sub3A_1064, %div3A_1037 : vector<16xi1>, vector<16xi32>
    %eq3A_1066 = arith.constant 1 : i32
    %eq3A_1067 = vector.broadcast %eq3A_1066 : i32 to vector<16xi32>
    %eq3A_1068 = arith.cmpi eq, %select_n3A_1065, %eq3A_1067 : vector<16xi32>
    %get3A_1069 = arith.constant 0 : i32
    %get3A_1070 = arith.index_cast %get3A_1069 : i32 to index
    %get3A_1071 = arith.constant 16 : index
    %get3A_1072 = tpu.vector_load %arg18[%get3A_1070, %get3A_1071] {strides = array<i32>} : memref<8x48xf32, #tpu.memory_space<vmem>>, vector<16xf32>,
    %jit3A_1073 = arith.constant 64 : i32
    %eq3A_1074 = arith.constant 0 : i32
    %eq3A_1075 = arith.cmpi eq, %jit3A_1073, %eq3A_1074 : i32
    %jit3A_1076 = arith.constant 1 : i32
    %select_n3A_1077 = arith.select %eq3A_1075, %jit3A_1076, %jit3A_1073 : i32
    %rem3A_1078 = vector.broadcast %select_n3A_1077 : i32 to vector<16xi32>
    %rem3A_1079 = arith.remsi %get3A_1034, %rem3A_1078 : vector<16xi32>
    %ne3A_1080 = arith.constant 0 : i32
    %ne3A_1081 = vector.broadcast %ne3A_1080 : i32 to vector<16xi32>
    %ne3A_1082 = arith.cmpi ne, %rem3A_1079, %ne3A_1081 : vector<16xi32>
    %lt3A_1083 = arith.constant 0 : i32
    %lt3A_1084 = vector.broadcast %lt3A_1083 : i32 to vector<16xi32>
    %lt3A_1085 = arith.cmpi slt, %rem3A_1079, %lt3A_1084 : vector<16xi32>
    %lt3A_1086 = arith.constant 0 : i32
    %lt3A_1087 = arith.cmpi slt, %select_n3A_1077, %lt3A_1086 : i32
    %ne3A_1088 = vector.broadcast %lt3A_1087 : i1 to vector<16xi1>
    %ne3A_1089 = vector.broadcast %ne3A_1088 : vector<16xi1> to vector<16xi1>
    %ne3A_1090 = arith.xori %lt3A_1085, %ne3A_1089 : vector<16xi1>
    %and3A_1091 = arith.andi %ne3A_1090, %ne3A_1082 : vector<16xi1>
    %add3A_1092 = vector.broadcast %select_n3A_1077 : i32 to vector<16xi32>
    %add3A_1093 = arith.addi %rem3A_1079, %add3A_1092 : vector<16xi32>
    %select_n3A_1094 = arith.select %and3A_1091, %add3A_1093, %rem3A_1079 : vector<16xi1>, vector<16xi32>
    tpu.vector_store_idx %arg9[%select_n3A_1094, %get3A_1030], %get3A_1072 masked %eq3A_1068 : memref<64x512xf32, #tpu.memory_space<vmem>>[vector<16xi32>, vector<16xi32>], vector<16xf32>, vector<16xi1>
    %get3A_1095 = arith.constant 0 : i32
    %get3A_1096 = arith.index_cast %get3A_1095 : i32 to index
    %get3A_1097 = arith.constant 32 : index
    %get3A_1098 = tpu.vector_load %arg16[%get3A_1096, %get3A_1097] {strides = array<i32>} : memref<4x48xi32, #tpu.memory_space<vmem>>, vector<16xi32>,
    %get3A_1099 = arith.constant 0 : i32
    %get3A_1100 = arith.index_cast %get3A_1099 : i32 to index
    %get3A_1101 = arith.constant 32 : index
    %get3A_1102 = tpu.vector_load %arg17[%get3A_1100, %get3A_1101] {strides = array<i32>} : memref<4x48xi32, #tpu.memory_space<vmem>>, vector<16xi32>,
    %jit3A_1103 = arith.constant 64 : i32
    %div3A_1104 = vector.broadcast %jit3A_1103 : i32 to vector<16xi32>
    %div3A_1105 = arith.divsi %get3A_1102, %div3A_1104 : vector<16xi32>
    %sign3A_1106 = arith.constant 0 : i32
    %sign3A_1107 = vector.broadcast %sign3A_1106 : i32 to vector<16xi32>
    %sign3A_1108 = arith.cmpi sgt, %get3A_1102, %sign3A_1107 : vector<16xi32>
    %sign3A_1109 = arith.extui %sign3A_1108 : vector<16xi1> to vector<16xi32>
    %sign3A_1110 = arith.constant 0 : i32
    %sign3A_1111 = vector.broadcast %sign3A_1110 : i32 to vector<16xi32>
    %sign3A_1112 = arith.cmpi slt, %get3A_1102, %sign3A_1111 : vector<16xi32>
    %sign3A_1113 = arith.extui %sign3A_1112 : vector<16xi1> to vector<16xi32>
    %sign3A_1114 = arith.subi %sign3A_1109, %sign3A_1113 : vector<16xi32>
    %sign3A_1115 = arith.constant 0 : i32
    %sign3A_1116 = arith.cmpi sgt, %jit3A_1103, %sign3A_1115 : i32
    %sign3A_1117 = arith.extui %sign3A_1116 : i1 to i32
    %sign3A_1118 = arith.constant 0 : i32
    %sign3A_1119 = arith.cmpi slt, %jit3A_1103, %sign3A_1118 : i32
    %sign3A_1120 = arith.extui %sign3A_1119 : i1 to i32
    %sign3A_1121 = arith.subi %sign3A_1117, %sign3A_1120 : i32
    %ne3A_1122 = vector.broadcast %sign3A_1121 : i32 to vector<16xi32>
    %ne3A_1123 = arith.cmpi ne, %sign3A_1114, %ne3A_1122 : vector<16xi32>
    %rem3A_1124 = vector.broadcast %jit3A_1103 : i32 to vector<16xi32>
    %rem3A_1125 = arith.remsi %get3A_1102, %rem3A_1124 : vector<16xi32>
    %ne3A_1126 = arith.constant 0 : i32
    %ne3A_1127 = vector.broadcast %ne3A_1126 : i32 to vector<16xi32>
    %ne3A_1128 = arith.cmpi ne, %rem3A_1125, %ne3A_1127 : vector<16xi32>
    %and3A_1129 = arith.andi %ne3A_1123, %ne3A_1128 : vector<16xi1>
    %sub3A_1130 = arith.constant 1 : i32
    %sub3A_1131 = vector.broadcast %sub3A_1130 : i32 to vector<16xi32>
    %sub3A_1132 = arith.subi %div3A_1105, %sub3A_1131 : vector<16xi32>
    %select_n3A_1133 = arith.select %and3A_1129, %sub3A_1132, %div3A_1105 : vector<16xi1>, vector<16xi32>
    %eq3A_1134 = arith.constant 1 : i32
    %eq3A_1135 = vector.broadcast %eq3A_1134 : i32 to vector<16xi32>
    %eq3A_1136 = arith.cmpi eq, %select_n3A_1133, %eq3A_1135 : vector<16xi32>
    %get3A_1137 = arith.constant 0 : i32
    %get3A_1138 = arith.index_cast %get3A_1137 : i32 to index
    %get3A_1139 = arith.constant 32 : index
    %get3A_1140 = tpu.vector_load %arg18[%get3A_1138, %get3A_1139] {strides = array<i32>} : memref<8x48xf32, #tpu.memory_space<vmem>>, vector<16xf32>,
    %jit3A_1141 = arith.constant 64 : i32
    %eq3A_1142 = arith.constant 0 : i32
    %eq3A_1143 = arith.cmpi eq, %jit3A_1141, %eq3A_1142 : i32
    %jit3A_1144 = arith.constant 1 : i32
    %select_n3A_1145 = arith.select %eq3A_1143, %jit3A_1144, %jit3A_1141 : i32
    %rem3A_1146 = vector.broadcast %select_n3A_1145 : i32 to vector<16xi32>
    %rem3A_1147 = arith.remsi %get3A_1102, %rem3A_1146 : vector<16xi32>
    %ne3A_1148 = arith.constant 0 : i32
    %ne3A_1149 = vector.broadcast %ne3A_1148 : i32 to vector<16xi32>
    %ne3A_1150 = arith.cmpi ne, %rem3A_1147, %ne3A_1149 : vector<16xi32>
    %lt3A_1151 = arith.constant 0 : i32
    %lt3A_1152 = vector.broadcast %lt3A_1151 : i32 to vector<16xi32>
    %lt3A_1153 = arith.cmpi slt, %rem3A_1147, %lt3A_1152 : vector<16xi32>
    %lt3A_1154 = arith.constant 0 : i32
    %lt3A_1155 = arith.cmpi slt, %select_n3A_1145, %lt3A_1154 : i32
    %ne3A_1156 = vector.broadcast %lt3A_1155 : i1 to vector<16xi1>
    %ne3A_1157 = vector.broadcast %ne3A_1156 : vector<16xi1> to vector<16xi1>
    %ne3A_1158 = arith.xori %lt3A_1153, %ne3A_1157 : vector<16xi1>
    %and3A_1159 = arith.andi %ne3A_1158, %ne3A_1150 : vector<16xi1>
    %add3A_1160 = vector.broadcast %select_n3A_1145 : i32 to vector<16xi32>
    %add3A_1161 = arith.addi %rem3A_1147, %add3A_1160 : vector<16xi32>
    %select_n3A_1162 = arith.select %and3A_1159, %add3A_1161, %rem3A_1147 : vector<16xi1>, vector<16xi32>
    tpu.vector_store_idx %arg9[%select_n3A_1162, %get3A_1098], %get3A_1140 masked %eq3A_1136 : memref<64x512xf32, #tpu.memory_space<vmem>>[vector<16xi32>, vector<16xi32>], vector<16xf32>, vector<16xi1>
    %dma_start3A_1163 = arith.constant 0 : i32
    %dma_start3A_1164 = arith.constant 64 : i32
    %dma_start3A_1165 = arith.constant 0 : i32
    %dma_start3A_1166 = tpu.memref_slice %arg7[%add3A_958, %dma_start3A_1163, %dma_start3A_1164, %dma_start3A_1165] : memref<128x2x512x512xf32, #tpu.memory_space<hbm>> -> memref<1x1x64x512xf32, #tpu.memory_space<hbm>>
    %dma_start3A_1167 = tpu.memref_squeeze %dma_start3A_1166 : memref<1x1x64x512xf32, #tpu.memory_space<hbm>> -> memref<64x512xf32, #tpu.memory_space<hbm>>
    %dma_start3A_1168 = arith.constant 64 : i32
    %dma_start3A_1169 = arith.constant 0 : i32
    %dma_start3A_1170 = tpu.memref_slice %arg7[%add3A_958, %dma_start3A_1163, %dma_start3A_1168, %dma_start3A_1169] : memref<128x2x512x512xf32, #tpu.memory_space<hbm>> -> memref<1x1x64x512xf32, #tpu.memory_space<hbm>>
    %dma_start3A_1171 = tpu.memref_squeeze %dma_start3A_1170 : memref<1x1x64x512xf32, #tpu.memory_space<hbm>> -> memref<64x512xf32, #tpu.memory_space<hbm>>
    tpu.enqueue_dma source(%arg9 : memref<64x512xf32, #tpu.memory_space<vmem>>) target(%dma_start3A_1171 : memref<64x512xf32, #tpu.memory_space<hbm>>) target_semaphore(%arg20 : memref<!tpu.dma_semaphore, #tpu.memory_space<semaphore_mem>>)
    %mul3A_1172 = arith.constant 4 : i32
    %mul3A_1173 = arith.muli %add3A, %mul3A_1172 : i32
    %add3A_1174 = arith.constant 0 : i32
    %add3A_1175 = arith.addi %mul3A_1173, %add3A_1174 : i32
    %get3A_1176 = arith.constant 0 : i32
    %get3A_1177 = arith.index_cast %get3A_1176 : i32 to index
    %get3A_1178 = arith.constant 0 : index
    %get3A_1179 = tpu.vector_load %arg16[%get3A_1177, %get3A_1178] {strides = array<i32>} : memref<4x48xi32, #tpu.memory_space<vmem>>, vector<16xi32>,
    %get3A_1180 = arith.constant 0 : i32
    %get3A_1181 = arith.index_cast %get3A_1180 : i32 to index
    %get3A_1182 = arith.constant 0 : index
    %get3A_1183 = tpu.vector_load %arg17[%get3A_1181, %get3A_1182] {strides = array<i32>} : memref<4x48xi32, #tpu.memory_space<vmem>>, vector<16xi32>,
    %jit3A_1184 = arith.constant 64 : i32
    %div3A_1185 = vector.broadcast %jit3A_1184 : i32 to vector<16xi32>
    %div3A_1186 = arith.divsi %get3A_1183, %div3A_1185 : vector<16xi32>
    %sign3A_1187 = arith.constant 0 : i32
    %sign3A_1188 = vector.broadcast %sign3A_1187 : i32 to vector<16xi32>
    %sign3A_1189 = arith.cmpi sgt, %get3A_1183, %sign3A_1188 : vector<16xi32>
    %sign3A_1190 = arith.extui %sign3A_1189 : vector<16xi1> to vector<16xi32>
    %sign3A_1191 = arith.constant 0 : i32
    %sign3A_1192 = vector.broadcast %sign3A_1191 : i32 to vector<16xi32>
    %sign3A_1193 = arith.cmpi slt, %get3A_1183, %sign3A_1192 : vector<16xi32>
    %sign3A_1194 = arith.extui %sign3A_1193 : vector<16xi1> to vector<16xi32>
    %sign3A_1195 = arith.subi %sign3A_1190, %sign3A_1194 : vector<16xi32>
    %sign3A_1196 = arith.constant 0 : i32
    %sign3A_1197 = arith.cmpi sgt, %jit3A_1184, %sign3A_1196 : i32
    %sign3A_1198 = arith.extui %sign3A_1197 : i1 to i32
    %sign3A_1199 = arith.constant 0 : i32
    %sign3A_1200 = arith.cmpi slt, %jit3A_1184, %sign3A_1199 : i32
    %sign3A_1201 = arith.extui %sign3A_1200 : i1 to i32
    %sign3A_1202 = arith.subi %sign3A_1198, %sign3A_1201 : i32
    %ne3A_1203 = vector.broadcast %sign3A_1202 : i32 to vector<16xi32>
    %ne3A_1204 = arith.cmpi ne, %sign3A_1195, %ne3A_1203 : vector<16xi32>
    %rem3A_1205 = vector.broadcast %jit3A_1184 : i32 to vector<16xi32>
    %rem3A_1206 = arith.remsi %get3A_1183, %rem3A_1205 : vector<16xi32>
    %ne3A_1207 = arith.constant 0 : i32
    %ne3A_1208 = vector.broadcast %ne3A_1207 : i32 to vector<16xi32>
    %ne3A_1209 = arith.cmpi ne, %rem3A_1206, %ne3A_1208 : vector<16xi32>
    %and3A_1210 = arith.andi %ne3A_1204, %ne3A_1209 : vector<16xi1>
    %sub3A_1211 = arith.constant 1 : i32
    %sub3A_1212 = vector.broadcast %sub3A_1211 : i32 to vector<16xi32>
    %sub3A_1213 = arith.subi %div3A_1186, %sub3A_1212 : vector<16xi32>
    %select_n3A_1214 = arith.select %and3A_1210, %sub3A_1213, %div3A_1186 : vector<16xi1>, vector<16xi32>
    %eq3A_1215 = arith.constant 2 : i32
    %eq3A_1216 = vector.broadcast %eq3A_1215 : i32 to vector<16xi32>
    %eq3A_1217 = arith.cmpi eq, %select_n3A_1214, %eq3A_1216 : vector<16xi32>
    %get3A_1218 = arith.constant 0 : i32
    %get3A_1219 = arith.index_cast %get3A_1218 : i32 to index
    %get3A_1220 = arith.constant 0 : index
    %get3A_1221 = tpu.vector_load %arg18[%get3A_1219, %get3A_1220] {strides = array<i32>} : memref<8x48xf32, #tpu.memory_space<vmem>>, vector<16xf32>,
    %jit3A_1222 = arith.constant 64 : i32
    %eq3A_1223 = arith.constant 0 : i32
    %eq3A_1224 = arith.cmpi eq, %jit3A_1222, %eq3A_1223 : i32
    %jit3A_1225 = arith.constant 1 : i32
    %select_n3A_1226 = arith.select %eq3A_1224, %jit3A_1225, %jit3A_1222 : i32
    %rem3A_1227 = vector.broadcast %select_n3A_1226 : i32 to vector<16xi32>
    %rem3A_1228 = arith.remsi %get3A_1183, %rem3A_1227 : vector<16xi32>
    %ne3A_1229 = arith.constant 0 : i32
    %ne3A_1230 = vector.broadcast %ne3A_1229 : i32 to vector<16xi32>
    %ne3A_1231 = arith.cmpi ne, %rem3A_1228, %ne3A_1230 : vector<16xi32>
    %lt3A_1232 = arith.constant 0 : i32
    %lt3A_1233 = vector.broadcast %lt3A_1232 : i32 to vector<16xi32>
    %lt3A_1234 = arith.cmpi slt, %rem3A_1228, %lt3A_1233 : vector<16xi32>
    %lt3A_1235 = arith.constant 0 : i32
    %lt3A_1236 = arith.cmpi slt, %select_n3A_1226, %lt3A_1235 : i32
    %ne3A_1237 = vector.broadcast %lt3A_1236 : i1 to vector<16xi1>
    %ne3A_1238 = vector.broadcast %ne3A_1237 : vector<16xi1> to vector<16xi1>
    %ne3A_1239 = arith.xori %lt3A_1234, %ne3A_1238 : vector<16xi1>
    %and3A_1240 = arith.andi %ne3A_1239, %ne3A_1231 : vector<16xi1>
    %add3A_1241 = vector.broadcast %select_n3A_1226 : i32 to vector<16xi32>
    %add3A_1242 = arith.addi %rem3A_1228, %add3A_1241 : vector<16xi32>
    %select_n3A_1243 = arith.select %and3A_1240, %add3A_1242, %rem3A_1228 : vector<16xi1>, vector<16xi32>
    tpu.vector_store_idx %arg10[%select_n3A_1243, %get3A_1179], %get3A_1221 masked %eq3A_1217 : memref<64x512xf32, #tpu.memory_space<vmem>>[vector<16xi32>, vector<16xi32>], vector<16xf32>, vector<16xi1>
    %get3A_1244 = arith.constant 0 : i32
    %get3A_1245 = arith.index_cast %get3A_1244 : i32 to index
    %get3A_1246 = arith.constant 16 : index
    %get3A_1247 = tpu.vector_load %arg16[%get3A_1245, %get3A_1246] {strides = array<i32>} : memref<4x48xi32, #tpu.memory_space<vmem>>, vector<16xi32>,
    %get3A_1248 = arith.constant 0 : i32
    %get3A_1249 = arith.index_cast %get3A_1248 : i32 to index
    %get3A_1250 = arith.constant 16 : index
    %get3A_1251 = tpu.vector_load %arg17[%get3A_1249, %get3A_1250] {strides = array<i32>} : memref<4x48xi32, #tpu.memory_space<vmem>>, vector<16xi32>,
    %jit3A_1252 = arith.constant 64 : i32
    %div3A_1253 = vector.broadcast %jit3A_1252 : i32 to vector<16xi32>
    %div3A_1254 = arith.divsi %get3A_1251, %div3A_1253 : vector<16xi32>
    %sign3A_1255 = arith.constant 0 : i32
    %sign3A_1256 = vector.broadcast %sign3A_1255 : i32 to vector<16xi32>
    %sign3A_1257 = arith.cmpi sgt, %get3A_1251, %sign3A_1256 : vector<16xi32>
    %sign3A_1258 = arith.extui %sign3A_1257 : vector<16xi1> to vector<16xi32>
    %sign3A_1259 = arith.constant 0 : i32
    %sign3A_1260 = vector.broadcast %sign3A_1259 : i32 to vector<16xi32>
    %sign3A_1261 = arith.cmpi slt, %get3A_1251, %sign3A_1260 : vector<16xi32>
    %sign3A_1262 = arith.extui %sign3A_1261 : vector<16xi1> to vector<16xi32>
    %sign3A_1263 = arith.subi %sign3A_1258, %sign3A_1262 : vector<16xi32>
    %sign3A_1264 = arith.constant 0 : i32
    %sign3A_1265 = arith.cmpi sgt, %jit3A_1252, %sign3A_1264 : i32
    %sign3A_1266 = arith.extui %sign3A_1265 : i1 to i32
    %sign3A_1267 = arith.constant 0 : i32
    %sign3A_1268 = arith.cmpi slt, %jit3A_1252, %sign3A_1267 : i32
    %sign3A_1269 = arith.extui %sign3A_1268 : i1 to i32
    %sign3A_1270 = arith.subi %sign3A_1266, %sign3A_1269 : i32
    %ne3A_1271 = vector.broadcast %sign3A_1270 : i32 to vector<16xi32>
    %ne3A_1272 = arith.cmpi ne, %sign3A_1263, %ne3A_1271 : vector<16xi32>
    %rem3A_1273 = vector.broadcast %jit3A_1252 : i32 to vector<16xi32>
    %rem3A_1274 = arith.remsi %get3A_1251, %rem3A_1273 : vector<16xi32>
    %ne3A_1275 = arith.constant 0 : i32
    %ne3A_1276 = vector.broadcast %ne3A_1275 : i32 to vector<16xi32>
    %ne3A_1277 = arith.cmpi ne, %rem3A_1274, %ne3A_1276 : vector<16xi32>
    %and3A_1278 = arith.andi %ne3A_1272, %ne3A_1277 : vector<16xi1>
    %sub3A_1279 = arith.constant 1 : i32
    %sub3A_1280 = vector.broadcast %sub3A_1279 : i32 to vector<16xi32>
    %sub3A_1281 = arith.subi %div3A_1254, %sub3A_1280 : vector<16xi32>
    %select_n3A_1282 = arith.select %and3A_1278, %sub3A_1281, %div3A_1254 : vector<16xi1>, vector<16xi32>
    %eq3A_1283 = arith.constant 2 : i32
    %eq3A_1284 = vector.broadcast %eq3A_1283 : i32 to vector<16xi32>
    %eq3A_1285 = arith.cmpi eq, %select_n3A_1282, %eq3A_1284 : vector<16xi32>
    %get3A_1286 = arith.constant 0 : i32
    %get3A_1287 = arith.index_cast %get3A_1286 : i32 to index
    %get3A_1288 = arith.constant 16 : index
    %get3A_1289 = tpu.vector_load %arg18[%get3A_1287, %get3A_1288] {strides = array<i32>} : memref<8x48xf32, #tpu.memory_space<vmem>>, vector<16xf32>,
    %jit3A_1290 = arith.constant 64 : i32
    %eq3A_1291 = arith.constant 0 : i32
    %eq3A_1292 = arith.cmpi eq, %jit3A_1290, %eq3A_1291 : i32
    %jit3A_1293 = arith.constant 1 : i32
    %select_n3A_1294 = arith.select %eq3A_1292, %jit3A_1293, %jit3A_1290 : i32
    %rem3A_1295 = vector.broadcast %select_n3A_1294 : i32 to vector<16xi32>
    %rem3A_1296 = arith.remsi %get3A_1251, %rem3A_1295 : vector<16xi32>
    %ne3A_1297 = arith.constant 0 : i32
    %ne3A_1298 = vector.broadcast %ne3A_1297 : i32 to vector<16xi32>
    %ne3A_1299 = arith.cmpi ne, %rem3A_1296, %ne3A_1298 : vector<16xi32>
    %lt3A_1300 = arith.constant 0 : i32
    %lt3A_1301 = vector.broadcast %lt3A_1300 : i32 to vector<16xi32>
    %lt3A_1302 = arith.cmpi slt, %rem3A_1296, %lt3A_1301 : vector<16xi32>
    %lt3A_1303 = arith.constant 0 : i32
    %lt3A_1304 = arith.cmpi slt, %select_n3A_1294, %lt3A_1303 : i32
    %ne3A_1305 = vector.broadcast %lt3A_1304 : i1 to vector<16xi1>
    %ne3A_1306 = vector.broadcast %ne3A_1305 : vector<16xi1> to vector<16xi1>
    %ne3A_1307 = arith.xori %lt3A_1302, %ne3A_1306 : vector<16xi1>
    %and3A_1308 = arith.andi %ne3A_1307, %ne3A_1299 : vector<16xi1>
    %add3A_1309 = vector.broadcast %select_n3A_1294 : i32 to vector<16xi32>
    %add3A_1310 = arith.addi %rem3A_1296, %add3A_1309 : vector<16xi32>
    %select_n3A_1311 = arith.select %and3A_1308, %add3A_1310, %rem3A_1296 : vector<16xi1>, vector<16xi32>
    tpu.vector_store_idx %arg10[%select_n3A_1311, %get3A_1247], %get3A_1289 masked %eq3A_1285 : memref<64x512xf32, #tpu.memory_space<vmem>>[vector<16xi32>, vector<16xi32>], vector<16xf32>, vector<16xi1>
    %get3A_1312 = arith.constant 0 : i32
    %get3A_1313 = arith.index_cast %get3A_1312 : i32 to index
    %get3A_1314 = arith.constant 32 : index
    %get3A_1315 = tpu.vector_load %arg16[%get3A_1313, %get3A_1314] {strides = array<i32>} : memref<4x48xi32, #tpu.memory_space<vmem>>, vector<16xi32>,
    %get3A_1316 = arith.constant 0 : i32
    %get3A_1317 = arith.index_cast %get3A_1316 : i32 to index
    %get3A_1318 = arith.constant 32 : index
    %get3A_1319 = tpu.vector_load %arg17[%get3A_1317, %get3A_1318] {strides = array<i32>} : memref<4x48xi32, #tpu.memory_space<vmem>>, vector<16xi32>,
    %jit3A_1320 = arith.constant 64 : i32
    %div3A_1321 = vector.broadcast %jit3A_1320 : i32 to vector<16xi32>
    %div3A_1322 = arith.divsi %get3A_1319, %div3A_1321 : vector<16xi32>
    %sign3A_1323 = arith.constant 0 : i32
    %sign3A_1324 = vector.broadcast %sign3A_1323 : i32 to vector<16xi32>
    %sign3A_1325 = arith.cmpi sgt, %get3A_1319, %sign3A_1324 : vector<16xi32>
    %sign3A_1326 = arith.extui %sign3A_1325 : vector<16xi1> to vector<16xi32>
    %sign3A_1327 = arith.constant 0 : i32
    %sign3A_1328 = vector.broadcast %sign3A_1327 : i32 to vector<16xi32>
    %sign3A_1329 = arith.cmpi slt, %get3A_1319, %sign3A_1328 : vector<16xi32>
    %sign3A_1330 = arith.extui %sign3A_1329 : vector<16xi1> to vector<16xi32>
    %sign3A_1331 = arith.subi %sign3A_1326, %sign3A_1330 : vector<16xi32>
    %sign3A_1332 = arith.constant 0 : i32
    %sign3A_1333 = arith.cmpi sgt, %jit3A_1320, %sign3A_1332 : i32
    %sign3A_1334 = arith.extui %sign3A_1333 : i1 to i32
    %sign3A_1335 = arith.constant 0 : i32
    %sign3A_1336 = arith.cmpi slt, %jit3A_1320, %sign3A_1335 : i32
    %sign3A_1337 = arith.extui %sign3A_1336 : i1 to i32
    %sign3A_1338 = arith.subi %sign3A_1334, %sign3A_1337 : i32
    %ne3A_1339 = vector.broadcast %sign3A_1338 : i32 to vector<16xi32>
    %ne3A_1340 = arith.cmpi ne, %sign3A_1331, %ne3A_1339 : vector<16xi32>
    %rem3A_1341 = vector.broadcast %jit3A_1320 : i32 to vector<16xi32>
    %rem3A_1342 = arith.remsi %get3A_1319, %rem3A_1341 : vector<16xi32>
    %ne3A_1343 = arith.constant 0 : i32
    %ne3A_1344 = vector.broadcast %ne3A_1343 : i32 to vector<16xi32>
    %ne3A_1345 = arith.cmpi ne, %rem3A_1342, %ne3A_1344 : vector<16xi32>
    %and3A_1346 = arith.andi %ne3A_1340, %ne3A_1345 : vector<16xi1>
    %sub3A_1347 = arith.constant 1 : i32
    %sub3A_1348 = vector.broadcast %sub3A_1347 : i32 to vector<16xi32>
    %sub3A_1349 = arith.subi %div3A_1322, %sub3A_1348 : vector<16xi32>
    %select_n3A_1350 = arith.select %and3A_1346, %sub3A_1349, %div3A_1322 : vector<16xi1>, vector<16xi32>
    %eq3A_1351 = arith.constant 2 : i32
    %eq3A_1352 = vector.broadcast %eq3A_1351 : i32 to vector<16xi32>
    %eq3A_1353 = arith.cmpi eq, %select_n3A_1350, %eq3A_1352 : vector<16xi32>
    %get3A_1354 = arith.constant 0 : i32
    %get3A_1355 = arith.index_cast %get3A_1354 : i32 to index
    %get3A_1356 = arith.constant 32 : index
    %get3A_1357 = tpu.vector_load %arg18[%get3A_1355, %get3A_1356] {strides = array<i32>} : memref<8x48xf32, #tpu.memory_space<vmem>>, vector<16xf32>,
    %jit3A_1358 = arith.constant 64 : i32
    %eq3A_1359 = arith.constant 0 : i32
    %eq3A_1360 = arith.cmpi eq, %jit3A_1358, %eq3A_1359 : i32
    %jit3A_1361 = arith.constant 1 : i32
    %select_n3A_1362 = arith.select %eq3A_1360, %jit3A_1361, %jit3A_1358 : i32
    %rem3A_1363 = vector.broadcast %select_n3A_1362 : i32 to vector<16xi32>
    %rem3A_1364 = arith.remsi %get3A_1319, %rem3A_1363 : vector<16xi32>
    %ne3A_1365 = arith.constant 0 : i32
    %ne3A_1366 = vector.broadcast %ne3A_1365 : i32 to vector<16xi32>
    %ne3A_1367 = arith.cmpi ne, %rem3A_1364, %ne3A_1366 : vector<16xi32>
    %lt3A_1368 = arith.constant 0 : i32
    %lt3A_1369 = vector.broadcast %lt3A_1368 : i32 to vector<16xi32>
    %lt3A_1370 = arith.cmpi slt, %rem3A_1364, %lt3A_1369 : vector<16xi32>
    %lt3A_1371 = arith.constant 0 : i32
    %lt3A_1372 = arith.cmpi slt, %select_n3A_1362, %lt3A_1371 : i32
    %ne3A_1373 = vector.broadcast %lt3A_1372 : i1 to vector<16xi1>
    %ne3A_1374 = vector.broadcast %ne3A_1373 : vector<16xi1> to vector<16xi1>
    %ne3A_1375 = arith.xori %lt3A_1370, %ne3A_1374 : vector<16xi1>
    %and3A_1376 = arith.andi %ne3A_1375, %ne3A_1367 : vector<16xi1>
    %add3A_1377 = vector.broadcast %select_n3A_1362 : i32 to vector<16xi32>
    %add3A_1378 = arith.addi %rem3A_1364, %add3A_1377 : vector<16xi32>
    %select_n3A_1379 = arith.select %and3A_1376, %add3A_1378, %rem3A_1364 : vector<16xi1>, vector<16xi32>
    tpu.vector_store_idx %arg10[%select_n3A_1379, %get3A_1315], %get3A_1357 masked %eq3A_1353 : memref<64x512xf32, #tpu.memory_space<vmem>>[vector<16xi32>, vector<16xi32>], vector<16xf32>, vector<16xi1>
    %dma_start3A_1380 = arith.constant 0 : i32
    %dma_start3A_1381 = arith.constant 128 : i32
    %dma_start3A_1382 = arith.constant 0 : i32
    %dma_start3A_1383 = tpu.memref_slice %arg7[%add3A_1175, %dma_start3A_1380, %dma_start3A_1381, %dma_start3A_1382] : memref<128x2x512x512xf32, #tpu.memory_space<hbm>> -> memref<1x1x64x512xf32, #tpu.memory_space<hbm>>
    %dma_start3A_1384 = tpu.memref_squeeze %dma_start3A_1383 : memref<1x1x64x512xf32, #tpu.memory_space<hbm>> -> memref<64x512xf32, #tpu.memory_space<hbm>>
    %dma_start3A_1385 = arith.constant 128 : i32
    %dma_start3A_1386 = arith.constant 0 : i32
    %dma_start3A_1387 = tpu.memref_slice %arg7[%add3A_1175, %dma_start3A_1380, %dma_start3A_1385, %dma_start3A_1386] : memref<128x2x512x512xf32, #tpu.memory_space<hbm>> -> memref<1x1x64x512xf32, #tpu.memory_space<hbm>>
    %dma_start3A_1388 = tpu.memref_squeeze %dma_start3A_1387 : memref<1x1x64x512xf32, #tpu.memory_space<hbm>> -> memref<64x512xf32, #tpu.memory_space<hbm>>
    tpu.enqueue_dma source(%arg10 : memref<64x512xf32, #tpu.memory_space<vmem>>) target(%dma_start3A_1388 : memref<64x512xf32, #tpu.memory_space<hbm>>) target_semaphore(%arg21 : memref<!tpu.dma_semaphore, #tpu.memory_space<semaphore_mem>>)
    %scan3A_1389 = arith.constant 0 : i32
    %scan3A_1390 = arith.constant 1 : i32
    %scan3A_1391 = arith.constant 20 : i32
    %scan3A_1392 = arith.addi %scan3A_1390, %scan3A_1391 : i32
    %scan3A_1393 = arith.constant 1 : i32
    scf.for %scan3A_1858 = %scan3A_1390 to %scan3A_1392 step %scan3A_1393  : i32 {
      %mul3A_1859 = arith.constant 3 : i32
      %mul3A_1860 = arith.muli %mul3A_1859, %scan3A_1858 : i32
      %jit3A_1861 = arith.constant 16 : i32
      %div3A_1862 = arith.divsi %mul3A_1860, %jit3A_1861 : i32
      %sign3A_1863 = arith.constant 0 : i32
      %sign3A_1864 = arith.cmpi sgt, %mul3A_1860, %sign3A_1863 : i32
      %sign3A_1865 = arith.extui %sign3A_1864 : i1 to i32
      %sign3A_1866 = arith.constant 0 : i32
      %sign3A_1867 = arith.cmpi slt, %mul3A_1860, %sign3A_1866 : i32
      %sign3A_1868 = arith.extui %sign3A_1867 : i1 to i32
      %sign3A_1869 = arith.subi %sign3A_1865, %sign3A_1868 : i32
      %sign3A_1870 = arith.constant 0 : i32
      %sign3A_1871 = arith.cmpi sgt, %jit3A_1861, %sign3A_1870 : i32
      %sign3A_1872 = arith.extui %sign3A_1871 : i1 to i32
      %sign3A_1873 = arith.constant 0 : i32
      %sign3A_1874 = arith.cmpi slt, %jit3A_1861, %sign3A_1873 : i32
      %sign3A_1875 = arith.extui %sign3A_1874 : i1 to i32
      %sign3A_1876 = arith.subi %sign3A_1872, %sign3A_1875 : i32
      %ne3A_1877 = arith.cmpi ne, %sign3A_1869, %sign3A_1876 : i32
      %rem3A_1878 = arith.remsi %mul3A_1860, %jit3A_1861 : i32
      %ne3A_1879 = arith.constant 0 : i32
      %ne3A_1880 = arith.cmpi ne, %rem3A_1878, %ne3A_1879 : i32
      %and3A_1881 = arith.andi %ne3A_1877, %ne3A_1880 : i1
      %sub3A_1882 = arith.constant 1 : i32
      %sub3A_1883 = arith.subi %div3A_1862, %sub3A_1882 : i32
      %select_n3A_1884 = arith.select %and3A_1881, %sub3A_1883, %div3A_1862 : i32
      %jit3A_1885 = arith.constant 8 : i32
      %div3A_1886 = arith.divsi %mul3A_1860, %jit3A_1885 : i32
      %sign3A_1887 = arith.constant 0 : i32
      %sign3A_1888 = arith.cmpi sgt, %mul3A_1860, %sign3A_1887 : i32
      %sign3A_1889 = arith.extui %sign3A_1888 : i1 to i32
      %sign3A_1890 = arith.constant 0 : i32
      %sign3A_1891 = arith.cmpi slt, %mul3A_1860, %sign3A_1890 : i32
      %sign3A_1892 = arith.extui %sign3A_1891 : i1 to i32
      %sign3A_1893 = arith.subi %sign3A_1889, %sign3A_1892 : i32
      %sign3A_1894 = arith.constant 0 : i32
      %sign3A_1895 = arith.cmpi sgt, %jit3A_1885, %sign3A_1894 : i32
      %sign3A_1896 = arith.extui %sign3A_1895 : i1 to i32
      %sign3A_1897 = arith.constant 0 : i32
      %sign3A_1898 = arith.cmpi slt, %jit3A_1885, %sign3A_1897 : i32
      %sign3A_1899 = arith.extui %sign3A_1898 : i1 to i32
      %sign3A_1900 = arith.subi %sign3A_1896, %sign3A_1899 : i32
      %ne3A_1901 = arith.cmpi ne, %sign3A_1893, %sign3A_1900 : i32
      %rem3A_1902 = arith.remsi %mul3A_1860, %jit3A_1885 : i32
      %ne3A_1903 = arith.constant 0 : i32
      %ne3A_1904 = arith.cmpi ne, %rem3A_1902, %ne3A_1903 : i32
      %and3A_1905 = arith.andi %ne3A_1901, %ne3A_1904 : i1
      %sub3A_1906 = arith.constant 1 : i32
      %sub3A_1907 = arith.subi %div3A_1886, %sub3A_1906 : i32
      %select_n3A_1908 = arith.select %and3A_1905, %sub3A_1907, %div3A_1886 : i32
      %jit3A_1909 = arith.constant 2 : i32
      %eq3A_1910 = arith.constant 0 : i32
      %eq3A_1911 = arith.cmpi eq, %jit3A_1909, %eq3A_1910 : i32
      %jit3A_1912 = arith.constant 1 : i32
      %select_n3A_1913 = arith.select %eq3A_1911, %jit3A_1912, %jit3A_1909 : i32
      %rem3A_1914 = arith.remsi %select_n3A_1908, %select_n3A_1913 : i32
      %ne3A_1915 = arith.constant 0 : i32
      %ne3A_1916 = arith.cmpi ne, %rem3A_1914, %ne3A_1915 : i32
      %lt3A_1917 = arith.constant 0 : i32
      %lt3A_1918 = arith.cmpi slt, %rem3A_1914, %lt3A_1917 : i32
      %lt3A_1919 = arith.constant 0 : i32
      %lt3A_1920 = arith.cmpi slt, %select_n3A_1913, %lt3A_1919 : i32
      %ne3A_1921 = arith.xori %lt3A_1918, %lt3A_1920 : i1
      %and3A_1922 = arith.andi %ne3A_1921, %ne3A_1916 : i1
      %add3A_1923 = arith.addi %rem3A_1914, %select_n3A_1913 : i32
      %select_n3A_1924 = arith.select %and3A_1922, %add3A_1923, %rem3A_1914 : i32
      %jit3A_1925 = arith.constant 8 : i32
      %eq3A_1926 = arith.constant 0 : i32
      %eq3A_1927 = arith.cmpi eq, %jit3A_1925, %eq3A_1926 : i32
      %jit3A_1928 = arith.constant 1 : i32
      %select_n3A_1929 = arith.select %eq3A_1927, %jit3A_1928, %jit3A_1925 : i32
      %rem3A_1930 = arith.remsi %mul3A_1860, %select_n3A_1929 : i32
      %ne3A_1931 = arith.constant 0 : i32
      %ne3A_1932 = arith.cmpi ne, %rem3A_1930, %ne3A_1931 : i32
      %lt3A_1933 = arith.constant 0 : i32
      %lt3A_1934 = arith.cmpi slt, %rem3A_1930, %lt3A_1933 : i32
      %lt3A_1935 = arith.constant 0 : i32
      %lt3A_1936 = arith.cmpi slt, %select_n3A_1929, %lt3A_1935 : i32
      %ne3A_1937 = arith.xori %lt3A_1934, %lt3A_1936 : i1
      %and3A_1938 = arith.andi %ne3A_1937, %ne3A_1932 : i1
      %add3A_1939 = arith.addi %rem3A_1930, %select_n3A_1929 : i32
      %select_n3A_1940 = arith.select %and3A_1938, %add3A_1939, %rem3A_1930 : i32
      %mul3A_1941 = arith.constant 4 : i32
      %mul3A_1942 = arith.muli %add3A, %mul3A_1941 : i32
      %add3A_1943 = arith.addi %mul3A_1942, %select_n3A_1884 : i32
      %sub3A_1944 = arith.constant 3 : i32
      %sub3A_1945 = arith.subi %mul3A_1860, %sub3A_1944 : i32
      %jit3A_1946 = arith.constant 16 : i32
      %div3A_1947 = arith.divsi %sub3A_1945, %jit3A_1946 : i32
      %sign3A_1948 = arith.constant 0 : i32
      %sign3A_1949 = arith.cmpi sgt, %sub3A_1945, %sign3A_1948 : i32
      %sign3A_1950 = arith.extui %sign3A_1949 : i1 to i32
      %sign3A_1951 = arith.constant 0 : i32
      %sign3A_1952 = arith.cmpi slt, %sub3A_1945, %sign3A_1951 : i32
      %sign3A_1953 = arith.extui %sign3A_1952 : i1 to i32
      %sign3A_1954 = arith.subi %sign3A_1950, %sign3A_1953 : i32
      %sign3A_1955 = arith.constant 0 : i32
      %sign3A_1956 = arith.cmpi sgt, %jit3A_1946, %sign3A_1955 : i32
      %sign3A_1957 = arith.extui %sign3A_1956 : i1 to i32
      %sign3A_1958 = arith.constant 0 : i32
      %sign3A_1959 = arith.cmpi slt, %jit3A_1946, %sign3A_1958 : i32
      %sign3A_1960 = arith.extui %sign3A_1959 : i1 to i32
      %sign3A_1961 = arith.subi %sign3A_1957, %sign3A_1960 : i32
      %ne3A_1962 = arith.cmpi ne, %sign3A_1954, %sign3A_1961 : i32
      %rem3A_1963 = arith.remsi %sub3A_1945, %jit3A_1946 : i32
      %ne3A_1964 = arith.constant 0 : i32
      %ne3A_1965 = arith.cmpi ne, %rem3A_1963, %ne3A_1964 : i32
      %and3A_1966 = arith.andi %ne3A_1962, %ne3A_1965 : i1
      %sub3A_1967 = arith.constant 1 : i32
      %sub3A_1968 = arith.subi %div3A_1947, %sub3A_1967 : i32
      %select_n3A_1969 = arith.select %and3A_1966, %sub3A_1968, %div3A_1947 : i32
      %jit3A_1970 = arith.constant 8 : i32
      %div3A_1971 = arith.divsi %sub3A_1945, %jit3A_1970 : i32
      %sign3A_1972 = arith.constant 0 : i32
      %sign3A_1973 = arith.cmpi sgt, %sub3A_1945, %sign3A_1972 : i32
      %sign3A_1974 = arith.extui %sign3A_1973 : i1 to i32
      %sign3A_1975 = arith.constant 0 : i32
      %sign3A_1976 = arith.cmpi slt, %sub3A_1945, %sign3A_1975 : i32
      %sign3A_1977 = arith.extui %sign3A_1976 : i1 to i32
      %sign3A_1978 = arith.subi %sign3A_1974, %sign3A_1977 : i32
      %sign3A_1979 = arith.constant 0 : i32
      %sign3A_1980 = arith.cmpi sgt, %jit3A_1970, %sign3A_1979 : i32
      %sign3A_1981 = arith.extui %sign3A_1980 : i1 to i32
      %sign3A_1982 = arith.constant 0 : i32
      %sign3A_1983 = arith.cmpi slt, %jit3A_1970, %sign3A_1982 : i32
      %sign3A_1984 = arith.extui %sign3A_1983 : i1 to i32
      %sign3A_1985 = arith.subi %sign3A_1981, %sign3A_1984 : i32
      %ne3A_1986 = arith.cmpi ne, %sign3A_1978, %sign3A_1985 : i32
      %rem3A_1987 = arith.remsi %sub3A_1945, %jit3A_1970 : i32
      %ne3A_1988 = arith.constant 0 : i32
      %ne3A_1989 = arith.cmpi ne, %rem3A_1987, %ne3A_1988 : i32
      %and3A_1990 = arith.andi %ne3A_1986, %ne3A_1989 : i1
      %sub3A_1991 = arith.constant 1 : i32
      %sub3A_1992 = arith.subi %div3A_1971, %sub3A_1991 : i32
      %select_n3A_1993 = arith.select %and3A_1990, %sub3A_1992, %div3A_1971 : i32
      %jit3A_1994 = arith.constant 2 : i32
      %eq3A_1995 = arith.constant 0 : i32
      %eq3A_1996 = arith.cmpi eq, %jit3A_1994, %eq3A_1995 : i32
      %jit3A_1997 = arith.constant 1 : i32
      %select_n3A_1998 = arith.select %eq3A_1996, %jit3A_1997, %jit3A_1994 : i32
      %rem3A_1999 = arith.remsi %select_n3A_1993, %select_n3A_1998 : i32
      %ne3A_2000 = arith.constant 0 : i32
      %ne3A_2001 = arith.cmpi ne, %rem3A_1999, %ne3A_2000 : i32
      %lt3A_2002 = arith.constant 0 : i32
      %lt3A_2003 = arith.cmpi slt, %rem3A_1999, %lt3A_2002 : i32
      %lt3A_2004 = arith.constant 0 : i32
      %lt3A_2005 = arith.cmpi slt, %select_n3A_1998, %lt3A_2004 : i32
      %ne3A_2006 = arith.xori %lt3A_2003, %lt3A_2005 : i1
      %and3A_2007 = arith.andi %ne3A_2006, %ne3A_2001 : i1
      %add3A_2008 = arith.addi %rem3A_1999, %select_n3A_1998 : i32
      %select_n3A_2009 = arith.select %and3A_2007, %add3A_2008, %rem3A_1999 : i32
      %jit3A_2010 = arith.constant 8 : i32
      %eq3A_2011 = arith.constant 0 : i32
      %eq3A_2012 = arith.cmpi eq, %jit3A_2010, %eq3A_2011 : i32
      %jit3A_2013 = arith.constant 1 : i32
      %select_n3A_2014 = arith.select %eq3A_2012, %jit3A_2013, %jit3A_2010 : i32
      %rem3A_2015 = arith.remsi %sub3A_1945, %select_n3A_2014 : i32
      %ne3A_2016 = arith.constant 0 : i32
      %ne3A_2017 = arith.cmpi ne, %rem3A_2015, %ne3A_2016 : i32
      %lt3A_2018 = arith.constant 0 : i32
      %lt3A_2019 = arith.cmpi slt, %rem3A_2015, %lt3A_2018 : i32
      %lt3A_2020 = arith.constant 0 : i32
      %lt3A_2021 = arith.cmpi slt, %select_n3A_2014, %lt3A_2020 : i32
      %ne3A_2022 = arith.xori %lt3A_2019, %lt3A_2021 : i1
      %and3A_2023 = arith.andi %ne3A_2022, %ne3A_2017 : i1
      %add3A_2024 = arith.addi %rem3A_2015, %select_n3A_2014 : i32
      %select_n3A_2025 = arith.select %and3A_2023, %add3A_2024, %rem3A_2015 : i32
      %mul3A_2026 = arith.constant 64 : i32
      %mul3A_2027 = arith.muli %select_n3A_1940, %mul3A_2026 : i32
      %dma_wait3A_2028 = arith.constant 0 : i32
      %dma_wait3A_2029 = tpu.memref_slice %arg7[%add3A_1943, %select_n3A_1924, %mul3A_2027, %dma_wait3A_2028] : memref<128x2x512x512xf32, #tpu.memory_space<hbm>> -> memref<1x1x64x512xf32, #tpu.memory_space<hbm>>
      %dma_wait3A_2030 = tpu.memref_squeeze %dma_wait3A_2029 : memref<1x1x64x512xf32, #tpu.memory_space<hbm>> -> memref<64x512xf32, #tpu.memory_space<hbm>>
      %dma_wait3A_2031 = arith.constant 0 : i32
      %dma_wait3A_2032 = tpu.memref_slice %arg7[%add3A_1943, %select_n3A_1924, %mul3A_2027, %dma_wait3A_2031] : memref<128x2x512x512xf32, #tpu.memory_space<hbm>> -> memref<1x1x64x512xf32, #tpu.memory_space<hbm>>
      %dma_wait3A_2033 = tpu.memref_squeeze %dma_wait3A_2032 : memref<1x1x64x512xf32, #tpu.memory_space<hbm>> -> memref<64x512xf32, #tpu.memory_space<hbm>>
      tpu.wait_dma2 semaphore(%arg19 : memref<!tpu.dma_semaphore, #tpu.memory_space<semaphore_mem>>) src(%arg8 : memref<64x512xf32, #tpu.memory_space<vmem>>) dst(%dma_wait3A_2033 : memref<64x512xf32, #tpu.memory_space<hbm>>)
      %get3A_2034 = arith.index_cast %select_n3A_1969 : i32 to index
      %get3A_2035 = arith.constant 0 : index
      %get3A_2036 = tpu.vector_load %arg16[%get3A_2034, %get3A_2035] {strides = array<i32>} : memref<4x48xi32, #tpu.memory_space<vmem>>, vector<16xi32>,
      %get3A_2037 = arith.index_cast %select_n3A_1969 : i32 to index
      %get3A_2038 = arith.constant 0 : index
      %get3A_2039 = tpu.vector_load %arg17[%get3A_2037, %get3A_2038] {strides = array<i32>} : memref<4x48xi32, #tpu.memory_space<vmem>>, vector<16xi32>,
      %jit3A_2040 = arith.constant 64 : i32
      %div3A_2041 = vector.broadcast %jit3A_2040 : i32 to vector<16xi32>
      %div3A_2042 = arith.divsi %get3A_2039, %div3A_2041 : vector<16xi32>
      %sign3A_2043 = arith.constant 0 : i32
      %sign3A_2044 = vector.broadcast %sign3A_2043 : i32 to vector<16xi32>
      %sign3A_2045 = arith.cmpi sgt, %get3A_2039, %sign3A_2044 : vector<16xi32>
      %sign3A_2046 = arith.extui %sign3A_2045 : vector<16xi1> to vector<16xi32>
      %sign3A_2047 = arith.constant 0 : i32
      %sign3A_2048 = vector.broadcast %sign3A_2047 : i32 to vector<16xi32>
      %sign3A_2049 = arith.cmpi slt, %get3A_2039, %sign3A_2048 : vector<16xi32>
      %sign3A_2050 = arith.extui %sign3A_2049 : vector<16xi1> to vector<16xi32>
      %sign3A_2051 = arith.subi %sign3A_2046, %sign3A_2050 : vector<16xi32>
      %sign3A_2052 = arith.constant 0 : i32
      %sign3A_2053 = arith.cmpi sgt, %jit3A_2040, %sign3A_2052 : i32
      %sign3A_2054 = arith.extui %sign3A_2053 : i1 to i32
      %sign3A_2055 = arith.constant 0 : i32
      %sign3A_2056 = arith.cmpi slt, %jit3A_2040, %sign3A_2055 : i32
      %sign3A_2057 = arith.extui %sign3A_2056 : i1 to i32
      %sign3A_2058 = arith.subi %sign3A_2054, %sign3A_2057 : i32
      %ne3A_2059 = vector.broadcast %sign3A_2058 : i32 to vector<16xi32>
      %ne3A_2060 = arith.cmpi ne, %sign3A_2051, %ne3A_2059 : vector<16xi32>
      %rem3A_2061 = vector.broadcast %jit3A_2040 : i32 to vector<16xi32>
      %rem3A_2062 = arith.remsi %get3A_2039, %rem3A_2061 : vector<16xi32>
      %ne3A_2063 = arith.constant 0 : i32
      %ne3A_2064 = vector.broadcast %ne3A_2063 : i32 to vector<16xi32>
      %ne3A_2065 = arith.cmpi ne, %rem3A_2062, %ne3A_2064 : vector<16xi32>
      %and3A_2066 = arith.andi %ne3A_2060, %ne3A_2065 : vector<16xi1>
      %sub3A_2067 = arith.constant 1 : i32
      %sub3A_2068 = vector.broadcast %sub3A_2067 : i32 to vector<16xi32>
      %sub3A_2069 = arith.subi %div3A_2042, %sub3A_2068 : vector<16xi32>
      %select_n3A_2070 = arith.select %and3A_2066, %sub3A_2069, %div3A_2042 : vector<16xi1>, vector<16xi32>
      %eq3A_2071 = vector.broadcast %select_n3A_2025 : i32 to vector<16xi32>
      %eq3A_2072 = arith.cmpi eq, %select_n3A_2070, %eq3A_2071 : vector<16xi32>
      %broadcast_in_dim3A_2073 = arith.constant 0.000000e+00 : f32
      %broadcast_in_dim3A_2074 = vector.broadcast %broadcast_in_dim3A_2073 : f32 to vector<16xf32>
      %jit3A_2075 = arith.constant 64 : i32
      %eq3A_2076 = arith.constant 0 : i32
      %eq3A_2077 = arith.cmpi eq, %jit3A_2075, %eq3A_2076 : i32
      %jit3A_2078 = arith.constant 1 : i32
      %select_n3A_2079 = arith.select %eq3A_2077, %jit3A_2078, %jit3A_2075 : i32
      %rem3A_2080 = vector.broadcast %select_n3A_2079 : i32 to vector<16xi32>
      %rem3A_2081 = arith.remsi %get3A_2039, %rem3A_2080 : vector<16xi32>
      %ne3A_2082 = arith.constant 0 : i32
      %ne3A_2083 = vector.broadcast %ne3A_2082 : i32 to vector<16xi32>
      %ne3A_2084 = arith.cmpi ne, %rem3A_2081, %ne3A_2083 : vector<16xi32>
      %lt3A_2085 = arith.constant 0 : i32
      %lt3A_2086 = vector.broadcast %lt3A_2085 : i32 to vector<16xi32>
      %lt3A_2087 = arith.cmpi slt, %rem3A_2081, %lt3A_2086 : vector<16xi32>
      %lt3A_2088 = arith.constant 0 : i32
      %lt3A_2089 = arith.cmpi slt, %select_n3A_2079, %lt3A_2088 : i32
      %ne3A_2090 = vector.broadcast %lt3A_2089 : i1 to vector<16xi1>
      %ne3A_2091 = vector.broadcast %ne3A_2090 : vector<16xi1> to vector<16xi1>
      %ne3A_2092 = arith.xori %lt3A_2087, %ne3A_2091 : vector<16xi1>
      %and3A_2093 = arith.andi %ne3A_2092, %ne3A_2084 : vector<16xi1>
      %add3A_2094 = vector.broadcast %select_n3A_2079 : i32 to vector<16xi32>
      %add3A_2095 = arith.addi %rem3A_2081, %add3A_2094 : vector<16xi32>
      %select_n3A_2096 = arith.select %and3A_2093, %add3A_2095, %rem3A_2081 : vector<16xi1>, vector<16xi32>
      tpu.vector_store_idx %arg8[%select_n3A_2096, %get3A_2036], %broadcast_in_dim3A_2074 masked %eq3A_2072 : memref<64x512xf32, #tpu.memory_space<vmem>>[vector<16xi32>, vector<16xi32>], vector<16xf32>, vector<16xi1>
      %get3A_2097 = arith.index_cast %select_n3A_1969 : i32 to index
      %get3A_2098 = arith.constant 16 : index
      %get3A_2099 = tpu.vector_load %arg16[%get3A_2097, %get3A_2098] {strides = array<i32>} : memref<4x48xi32, #tpu.memory_space<vmem>>, vector<16xi32>,
      %get3A_2100 = arith.index_cast %select_n3A_1969 : i32 to index
      %get3A_2101 = arith.constant 16 : index
      %get3A_2102 = tpu.vector_load %arg17[%get3A_2100, %get3A_2101] {strides = array<i32>} : memref<4x48xi32, #tpu.memory_space<vmem>>, vector<16xi32>,
      %jit3A_2103 = arith.constant 64 : i32
      %div3A_2104 = vector.broadcast %jit3A_2103 : i32 to vector<16xi32>
      %div3A_2105 = arith.divsi %get3A_2102, %div3A_2104 : vector<16xi32>
      %sign3A_2106 = arith.constant 0 : i32
      %sign3A_2107 = vector.broadcast %sign3A_2106 : i32 to vector<16xi32>
      %sign3A_2108 = arith.cmpi sgt, %get3A_2102, %sign3A_2107 : vector<16xi32>
      %sign3A_2109 = arith.extui %sign3A_2108 : vector<16xi1> to vector<16xi32>
      %sign3A_2110 = arith.constant 0 : i32
      %sign3A_2111 = vector.broadcast %sign3A_2110 : i32 to vector<16xi32>
      %sign3A_2112 = arith.cmpi slt, %get3A_2102, %sign3A_2111 : vector<16xi32>
      %sign3A_2113 = arith.extui %sign3A_2112 : vector<16xi1> to vector<16xi32>
      %sign3A_2114 = arith.subi %sign3A_2109, %sign3A_2113 : vector<16xi32>
      %sign3A_2115 = arith.constant 0 : i32
      %sign3A_2116 = arith.cmpi sgt, %jit3A_2103, %sign3A_2115 : i32
      %sign3A_2117 = arith.extui %sign3A_2116 : i1 to i32
      %sign3A_2118 = arith.constant 0 : i32
      %sign3A_2119 = arith.cmpi slt, %jit3A_2103, %sign3A_2118 : i32
      %sign3A_2120 = arith.extui %sign3A_2119 : i1 to i32
      %sign3A_2121 = arith.subi %sign3A_2117, %sign3A_2120 : i32
      %ne3A_2122 = vector.broadcast %sign3A_2121 : i32 to vector<16xi32>
      %ne3A_2123 = arith.cmpi ne, %sign3A_2114, %ne3A_2122 : vector<16xi32>
      %rem3A_2124 = vector.broadcast %jit3A_2103 : i32 to vector<16xi32>
      %rem3A_2125 = arith.remsi %get3A_2102, %rem3A_2124 : vector<16xi32>
      %ne3A_2126 = arith.constant 0 : i32
      %ne3A_2127 = vector.broadcast %ne3A_2126 : i32 to vector<16xi32>
      %ne3A_2128 = arith.cmpi ne, %rem3A_2125, %ne3A_2127 : vector<16xi32>
      %and3A_2129 = arith.andi %ne3A_2123, %ne3A_2128 : vector<16xi1>
      %sub3A_2130 = arith.constant 1 : i32
      %sub3A_2131 = vector.broadcast %sub3A_2130 : i32 to vector<16xi32>
      %sub3A_2132 = arith.subi %div3A_2105, %sub3A_2131 : vector<16xi32>
      %select_n3A_2133 = arith.select %and3A_2129, %sub3A_2132, %div3A_2105 : vector<16xi1>, vector<16xi32>
      %eq3A_2134 = vector.broadcast %select_n3A_2025 : i32 to vector<16xi32>
      %eq3A_2135 = arith.cmpi eq, %select_n3A_2133, %eq3A_2134 : vector<16xi32>
      %broadcast_in_dim3A_2136 = arith.constant 0.000000e+00 : f32
      %broadcast_in_dim3A_2137 = vector.broadcast %broadcast_in_dim3A_2136 : f32 to vector<16xf32>
      %jit3A_2138 = arith.constant 64 : i32
      %eq3A_2139 = arith.constant 0 : i32
      %eq3A_2140 = arith.cmpi eq, %jit3A_2138, %eq3A_2139 : i32
      %jit3A_2141 = arith.constant 1 : i32
      %select_n3A_2142 = arith.select %eq3A_2140, %jit3A_2141, %jit3A_2138 : i32
      %rem3A_2143 = vector.broadcast %select_n3A_2142 : i32 to vector<16xi32>
      %rem3A_2144 = arith.remsi %get3A_2102, %rem3A_2143 : vector<16xi32>
      %ne3A_2145 = arith.constant 0 : i32
      %ne3A_2146 = vector.broadcast %ne3A_2145 : i32 to vector<16xi32>
      %ne3A_2147 = arith.cmpi ne, %rem3A_2144, %ne3A_2146 : vector<16xi32>
      %lt3A_2148 = arith.constant 0 : i32
      %lt3A_2149 = vector.broadcast %lt3A_2148 : i32 to vector<16xi32>
      %lt3A_2150 = arith.cmpi slt, %rem3A_2144, %lt3A_2149 : vector<16xi32>
      %lt3A_2151 = arith.constant 0 : i32
      %lt3A_2152 = arith.cmpi slt, %select_n3A_2142, %lt3A_2151 : i32
      %ne3A_2153 = vector.broadcast %lt3A_2152 : i1 to vector<16xi1>
      %ne3A_2154 = vector.broadcast %ne3A_2153 : vector<16xi1> to vector<16xi1>
      %ne3A_2155 = arith.xori %lt3A_2150, %ne3A_2154 : vector<16xi1>
      %and3A_2156 = arith.andi %ne3A_2155, %ne3A_2147 : vector<16xi1>
      %add3A_2157 = vector.broadcast %select_n3A_2142 : i32 to vector<16xi32>
      %add3A_2158 = arith.addi %rem3A_2144, %add3A_2157 : vector<16xi32>
      %select_n3A_2159 = arith.select %and3A_2156, %add3A_2158, %rem3A_2144 : vector<16xi1>, vector<16xi32>
      tpu.vector_store_idx %arg8[%select_n3A_2159, %get3A_2099], %broadcast_in_dim3A_2137 masked %eq3A_2135 : memref<64x512xf32, #tpu.memory_space<vmem>>[vector<16xi32>, vector<16xi32>], vector<16xf32>, vector<16xi1>
      %get3A_2160 = arith.index_cast %select_n3A_1969 : i32 to index
      %get3A_2161 = arith.constant 32 : index
      %get3A_2162 = tpu.vector_load %arg16[%get3A_2160, %get3A_2161] {strides = array<i32>} : memref<4x48xi32, #tpu.memory_space<vmem>>, vector<16xi32>,
      %get3A_2163 = arith.index_cast %select_n3A_1969 : i32 to index
      %get3A_2164 = arith.constant 32 : index
      %get3A_2165 = tpu.vector_load %arg17[%get3A_2163, %get3A_2164] {strides = array<i32>} : memref<4x48xi32, #tpu.memory_space<vmem>>, vector<16xi32>,
      %jit3A_2166 = arith.constant 64 : i32
      %div3A_2167 = vector.broadcast %jit3A_2166 : i32 to vector<16xi32>
      %div3A_2168 = arith.divsi %get3A_2165, %div3A_2167 : vector<16xi32>
      %sign3A_2169 = arith.constant 0 : i32
      %sign3A_2170 = vector.broadcast %sign3A_2169 : i32 to vector<16xi32>
      %sign3A_2171 = arith.cmpi sgt, %get3A_2165, %sign3A_2170 : vector<16xi32>
      %sign3A_2172 = arith.extui %sign3A_2171 : vector<16xi1> to vector<16xi32>
      %sign3A_2173 = arith.constant 0 : i32
      %sign3A_2174 = vector.broadcast %sign3A_2173 : i32 to vector<16xi32>
      %sign3A_2175 = arith.cmpi slt, %get3A_2165, %sign3A_2174 : vector<16xi32>
      %sign3A_2176 = arith.extui %sign3A_2175 : vector<16xi1> to vector<16xi32>
      %sign3A_2177 = arith.subi %sign3A_2172, %sign3A_2176 : vector<16xi32>
      %sign3A_2178 = arith.constant 0 : i32
      %sign3A_2179 = arith.cmpi sgt, %jit3A_2166, %sign3A_2178 : i32
      %sign3A_2180 = arith.extui %sign3A_2179 : i1 to i32
      %sign3A_2181 = arith.constant 0 : i32
      %sign3A_2182 = arith.cmpi slt, %jit3A_2166, %sign3A_2181 : i32
      %sign3A_2183 = arith.extui %sign3A_2182 : i1 to i32
      %sign3A_2184 = arith.subi %sign3A_2180, %sign3A_2183 : i32
      %ne3A_2185 = vector.broadcast %sign3A_2184 : i32 to vector<16xi32>
      %ne3A_2186 = arith.cmpi ne, %sign3A_2177, %ne3A_2185 : vector<16xi32>
      %rem3A_2187 = vector.broadcast %jit3A_2166 : i32 to vector<16xi32>
      %rem3A_2188 = arith.remsi %get3A_2165, %rem3A_2187 : vector<16xi32>
      %ne3A_2189 = arith.constant 0 : i32
      %ne3A_2190 = vector.broadcast %ne3A_2189 : i32 to vector<16xi32>
      %ne3A_2191 = arith.cmpi ne, %rem3A_2188, %ne3A_2190 : vector<16xi32>
      %and3A_2192 = arith.andi %ne3A_2186, %ne3A_2191 : vector<16xi1>
      %sub3A_2193 = arith.constant 1 : i32
      %sub3A_2194 = vector.broadcast %sub3A_2193 : i32 to vector<16xi32>
      %sub3A_2195 = arith.subi %div3A_2168, %sub3A_2194 : vector<16xi32>
      %select_n3A_2196 = arith.select %and3A_2192, %sub3A_2195, %div3A_2168 : vector<16xi1>, vector<16xi32>
      %eq3A_2197 = vector.broadcast %select_n3A_2025 : i32 to vector<16xi32>
      %eq3A_2198 = arith.cmpi eq, %select_n3A_2196, %eq3A_2197 : vector<16xi32>
      %broadcast_in_dim3A_2199 = arith.constant 0.000000e+00 : f32
      %broadcast_in_dim3A_2200 = vector.broadcast %broadcast_in_dim3A_2199 : f32 to vector<16xf32>
      %jit3A_2201 = arith.constant 64 : i32
      %eq3A_2202 = arith.constant 0 : i32
      %eq3A_2203 = arith.cmpi eq, %jit3A_2201, %eq3A_2202 : i32
      %jit3A_2204 = arith.constant 1 : i32
      %select_n3A_2205 = arith.select %eq3A_2203, %jit3A_2204, %jit3A_2201 : i32
      %rem3A_2206 = vector.broadcast %select_n3A_2205 : i32 to vector<16xi32>
      %rem3A_2207 = arith.remsi %get3A_2165, %rem3A_2206 : vector<16xi32>
      %ne3A_2208 = arith.constant 0 : i32
      %ne3A_2209 = vector.broadcast %ne3A_2208 : i32 to vector<16xi32>
      %ne3A_2210 = arith.cmpi ne, %rem3A_2207, %ne3A_2209 : vector<16xi32>
      %lt3A_2211 = arith.constant 0 : i32
      %lt3A_2212 = vector.broadcast %lt3A_2211 : i32 to vector<16xi32>
      %lt3A_2213 = arith.cmpi slt, %rem3A_2207, %lt3A_2212 : vector<16xi32>
      %lt3A_2214 = arith.constant 0 : i32
      %lt3A_2215 = arith.cmpi slt, %select_n3A_2205, %lt3A_2214 : i32
      %ne3A_2216 = vector.broadcast %lt3A_2215 : i1 to vector<16xi1>
      %ne3A_2217 = vector.broadcast %ne3A_2216 : vector<16xi1> to vector<16xi1>
      %ne3A_2218 = arith.xori %lt3A_2213, %ne3A_2217 : vector<16xi1>
      %and3A_2219 = arith.andi %ne3A_2218, %ne3A_2210 : vector<16xi1>
      %add3A_2220 = vector.broadcast %select_n3A_2205 : i32 to vector<16xi32>
      %add3A_2221 = arith.addi %rem3A_2207, %add3A_2220 : vector<16xi32>
      %select_n3A_2222 = arith.select %and3A_2219, %add3A_2221, %rem3A_2207 : vector<16xi1>, vector<16xi32>
      tpu.vector_store_idx %arg8[%select_n3A_2222, %get3A_2162], %broadcast_in_dim3A_2200 masked %eq3A_2198 : memref<64x512xf32, #tpu.memory_space<vmem>>[vector<16xi32>, vector<16xi32>], vector<16xf32>, vector<16xi1>
      %get3A_2223 = arith.index_cast %select_n3A_1884 : i32 to index
      %get3A_2224 = arith.constant 0 : index
      %get3A_2225 = tpu.vector_load %arg16[%get3A_2223, %get3A_2224] {strides = array<i32>} : memref<4x48xi32, #tpu.memory_space<vmem>>, vector<16xi32>,
      %get3A_2226 = arith.index_cast %select_n3A_1884 : i32 to index
      %get3A_2227 = arith.constant 0 : index
      %get3A_2228 = tpu.vector_load %arg17[%get3A_2226, %get3A_2227] {strides = array<i32>} : memref<4x48xi32, #tpu.memory_space<vmem>>, vector<16xi32>,
      %jit3A_2229 = arith.constant 64 : i32
      %div3A_2230 = vector.broadcast %jit3A_2229 : i32 to vector<16xi32>
      %div3A_2231 = arith.divsi %get3A_2228, %div3A_2230 : vector<16xi32>
      %sign3A_2232 = arith.constant 0 : i32
      %sign3A_2233 = vector.broadcast %sign3A_2232 : i32 to vector<16xi32>
      %sign3A_2234 = arith.cmpi sgt, %get3A_2228, %sign3A_2233 : vector<16xi32>
      %sign3A_2235 = arith.extui %sign3A_2234 : vector<16xi1> to vector<16xi32>
      %sign3A_2236 = arith.constant 0 : i32
      %sign3A_2237 = vector.broadcast %sign3A_2236 : i32 to vector<16xi32>
      %sign3A_2238 = arith.cmpi slt, %get3A_2228, %sign3A_2237 : vector<16xi32>
      %sign3A_2239 = arith.extui %sign3A_2238 : vector<16xi1> to vector<16xi32>
      %sign3A_2240 = arith.subi %sign3A_2235, %sign3A_2239 : vector<16xi32>
      %sign3A_2241 = arith.constant 0 : i32
      %sign3A_2242 = arith.cmpi sgt, %jit3A_2229, %sign3A_2241 : i32
      %sign3A_2243 = arith.extui %sign3A_2242 : i1 to i32
      %sign3A_2244 = arith.constant 0 : i32
      %sign3A_2245 = arith.cmpi slt, %jit3A_2229, %sign3A_2244 : i32
      %sign3A_2246 = arith.extui %sign3A_2245 : i1 to i32
      %sign3A_2247 = arith.subi %sign3A_2243, %sign3A_2246 : i32
      %ne3A_2248 = vector.broadcast %sign3A_2247 : i32 to vector<16xi32>
      %ne3A_2249 = arith.cmpi ne, %sign3A_2240, %ne3A_2248 : vector<16xi32>
      %rem3A_2250 = vector.broadcast %jit3A_2229 : i32 to vector<16xi32>
      %rem3A_2251 = arith.remsi %get3A_2228, %rem3A_2250 : vector<16xi32>
      %ne3A_2252 = arith.constant 0 : i32
      %ne3A_2253 = vector.broadcast %ne3A_2252 : i32 to vector<16xi32>
      %ne3A_2254 = arith.cmpi ne, %rem3A_2251, %ne3A_2253 : vector<16xi32>
      %and3A_2255 = arith.andi %ne3A_2249, %ne3A_2254 : vector<16xi1>
      %sub3A_2256 = arith.constant 1 : i32
      %sub3A_2257 = vector.broadcast %sub3A_2256 : i32 to vector<16xi32>
      %sub3A_2258 = arith.subi %div3A_2231, %sub3A_2257 : vector<16xi32>
      %select_n3A_2259 = arith.select %and3A_2255, %sub3A_2258, %div3A_2231 : vector<16xi1>, vector<16xi32>
      %eq3A_2260 = vector.broadcast %select_n3A_1940 : i32 to vector<16xi32>
      %eq3A_2261 = arith.cmpi eq, %select_n3A_2259, %eq3A_2260 : vector<16xi32>
      %mul3A_2262 = arith.constant 2 : i32
      %mul3A_2263 = arith.muli %mul3A_2262, %select_n3A_1884 : i32
      %add3A_2264 = arith.addi %mul3A_2263, %select_n3A_1924 : i32
      %get3A_2265 = arith.index_cast %add3A_2264 : i32 to index
      %get3A_2266 = arith.constant 0 : index
      %get3A_2267 = tpu.vector_load %arg18[%get3A_2265, %get3A_2266] {strides = array<i32>} : memref<8x48xf32, #tpu.memory_space<vmem>>, vector<16xf32>,
      %jit3A_2268 = arith.constant 64 : i32
      %eq3A_2269 = arith.constant 0 : i32
      %eq3A_2270 = arith.cmpi eq, %jit3A_2268, %eq3A_2269 : i32
      %jit3A_2271 = arith.constant 1 : i32
      %select_n3A_2272 = arith.select %eq3A_2270, %jit3A_2271, %jit3A_2268 : i32
      %rem3A_2273 = vector.broadcast %select_n3A_2272 : i32 to vector<16xi32>
      %rem3A_2274 = arith.remsi %get3A_2228, %rem3A_2273 : vector<16xi32>
      %ne3A_2275 = arith.constant 0 : i32
      %ne3A_2276 = vector.broadcast %ne3A_2275 : i32 to vector<16xi32>
      %ne3A_2277 = arith.cmpi ne, %rem3A_2274, %ne3A_2276 : vector<16xi32>
      %lt3A_2278 = arith.constant 0 : i32
      %lt3A_2279 = vector.broadcast %lt3A_2278 : i32 to vector<16xi32>
      %lt3A_2280 = arith.cmpi slt, %rem3A_2274, %lt3A_2279 : vector<16xi32>
      %lt3A_2281 = arith.constant 0 : i32
      %lt3A_2282 = arith.cmpi slt, %select_n3A_2272, %lt3A_2281 : i32
      %ne3A_2283 = vector.broadcast %lt3A_2282 : i1 to vector<16xi1>
      %ne3A_2284 = vector.broadcast %ne3A_2283 : vector<16xi1> to vector<16xi1>
      %ne3A_2285 = arith.xori %lt3A_2280, %ne3A_2284 : vector<16xi1>
      %and3A_2286 = arith.andi %ne3A_2285, %ne3A_2277 : vector<16xi1>
      %add3A_2287 = vector.broadcast %select_n3A_2272 : i32 to vector<16xi32>
      %add3A_2288 = arith.addi %rem3A_2274, %add3A_2287 : vector<16xi32>
      %select_n3A_2289 = arith.select %and3A_2286, %add3A_2288, %rem3A_2274 : vector<16xi1>, vector<16xi32>
      tpu.vector_store_idx %arg8[%select_n3A_2289, %get3A_2225], %get3A_2267 masked %eq3A_2261 : memref<64x512xf32, #tpu.memory_space<vmem>>[vector<16xi32>, vector<16xi32>], vector<16xf32>, vector<16xi1>
      %get3A_2290 = arith.index_cast %select_n3A_1884 : i32 to index
      %get3A_2291 = arith.constant 16 : index
      %get3A_2292 = tpu.vector_load %arg16[%get3A_2290, %get3A_2291] {strides = array<i32>} : memref<4x48xi32, #tpu.memory_space<vmem>>, vector<16xi32>,
      %get3A_2293 = arith.index_cast %select_n3A_1884 : i32 to index
      %get3A_2294 = arith.constant 16 : index
      %get3A_2295 = tpu.vector_load %arg17[%get3A_2293, %get3A_2294] {strides = array<i32>} : memref<4x48xi32, #tpu.memory_space<vmem>>, vector<16xi32>,
      %jit3A_2296 = arith.constant 64 : i32
      %div3A_2297 = vector.broadcast %jit3A_2296 : i32 to vector<16xi32>
      %div3A_2298 = arith.divsi %get3A_2295, %div3A_2297 : vector<16xi32>
      %sign3A_2299 = arith.constant 0 : i32
      %sign3A_2300 = vector.broadcast %sign3A_2299 : i32 to vector<16xi32>
      %sign3A_2301 = arith.cmpi sgt, %get3A_2295, %sign3A_2300 : vector<16xi32>
      %sign3A_2302 = arith.extui %sign3A_2301 : vector<16xi1> to vector<16xi32>
      %sign3A_2303 = arith.constant 0 : i32
      %sign3A_2304 = vector.broadcast %sign3A_2303 : i32 to vector<16xi32>
      %sign3A_2305 = arith.cmpi slt, %get3A_2295, %sign3A_2304 : vector<16xi32>
      %sign3A_2306 = arith.extui %sign3A_2305 : vector<16xi1> to vector<16xi32>
      %sign3A_2307 = arith.subi %sign3A_2302, %sign3A_2306 : vector<16xi32>
      %sign3A_2308 = arith.constant 0 : i32
      %sign3A_2309 = arith.cmpi sgt, %jit3A_2296, %sign3A_2308 : i32
      %sign3A_2310 = arith.extui %sign3A_2309 : i1 to i32
      %sign3A_2311 = arith.constant 0 : i32
      %sign3A_2312 = arith.cmpi slt, %jit3A_2296, %sign3A_2311 : i32
      %sign3A_2313 = arith.extui %sign3A_2312 : i1 to i32
      %sign3A_2314 = arith.subi %sign3A_2310, %sign3A_2313 : i32
      %ne3A_2315 = vector.broadcast %sign3A_2314 : i32 to vector<16xi32>
      %ne3A_2316 = arith.cmpi ne, %sign3A_2307, %ne3A_2315 : vector<16xi32>
      %rem3A_2317 = vector.broadcast %jit3A_2296 : i32 to vector<16xi32>
      %rem3A_2318 = arith.remsi %get3A_2295, %rem3A_2317 : vector<16xi32>
      %ne3A_2319 = arith.constant 0 : i32
      %ne3A_2320 = vector.broadcast %ne3A_2319 : i32 to vector<16xi32>
      %ne3A_2321 = arith.cmpi ne, %rem3A_2318, %ne3A_2320 : vector<16xi32>
      %and3A_2322 = arith.andi %ne3A_2316, %ne3A_2321 : vector<16xi1>
      %sub3A_2323 = arith.constant 1 : i32
      %sub3A_2324 = vector.broadcast %sub3A_2323 : i32 to vector<16xi32>
      %sub3A_2325 = arith.subi %div3A_2298, %sub3A_2324 : vector<16xi32>
      %select_n3A_2326 = arith.select %and3A_2322, %sub3A_2325, %div3A_2298 : vector<16xi1>, vector<16xi32>
      %eq3A_2327 = vector.broadcast %select_n3A_1940 : i32 to vector<16xi32>
      %eq3A_2328 = arith.cmpi eq, %select_n3A_2326, %eq3A_2327 : vector<16xi32>
      %mul3A_2329 = arith.constant 2 : i32
      %mul3A_2330 = arith.muli %mul3A_2329, %select_n3A_1884 : i32
      %add3A_2331 = arith.addi %mul3A_2330, %select_n3A_1924 : i32
      %get3A_2332 = arith.index_cast %add3A_2331 : i32 to index
      %get3A_2333 = arith.constant 16 : index
      %get3A_2334 = tpu.vector_load %arg18[%get3A_2332, %get3A_2333] {strides = array<i32>} : memref<8x48xf32, #tpu.memory_space<vmem>>, vector<16xf32>,
      %jit3A_2335 = arith.constant 64 : i32
      %eq3A_2336 = arith.constant 0 : i32
      %eq3A_2337 = arith.cmpi eq, %jit3A_2335, %eq3A_2336 : i32
      %jit3A_2338 = arith.constant 1 : i32
      %select_n3A_2339 = arith.select %eq3A_2337, %jit3A_2338, %jit3A_2335 : i32
      %rem3A_2340 = vector.broadcast %select_n3A_2339 : i32 to vector<16xi32>
      %rem3A_2341 = arith.remsi %get3A_2295, %rem3A_2340 : vector<16xi32>
      %ne3A_2342 = arith.constant 0 : i32
      %ne3A_2343 = vector.broadcast %ne3A_2342 : i32 to vector<16xi32>
      %ne3A_2344 = arith.cmpi ne, %rem3A_2341, %ne3A_2343 : vector<16xi32>
      %lt3A_2345 = arith.constant 0 : i32
      %lt3A_2346 = vector.broadcast %lt3A_2345 : i32 to vector<16xi32>
      %lt3A_2347 = arith.cmpi slt, %rem3A_2341, %lt3A_2346 : vector<16xi32>
      %lt3A_2348 = arith.constant 0 : i32
      %lt3A_2349 = arith.cmpi slt, %select_n3A_2339, %lt3A_2348 : i32
      %ne3A_2350 = vector.broadcast %lt3A_2349 : i1 to vector<16xi1>
      %ne3A_2351 = vector.broadcast %ne3A_2350 : vector<16xi1> to vector<16xi1>
      %ne3A_2352 = arith.xori %lt3A_2347, %ne3A_2351 : vector<16xi1>
      %and3A_2353 = arith.andi %ne3A_2352, %ne3A_2344 : vector<16xi1>
      %add3A_2354 = vector.broadcast %select_n3A_2339 : i32 to vector<16xi32>
      %add3A_2355 = arith.addi %rem3A_2341, %add3A_2354 : vector<16xi32>
      %select_n3A_2356 = arith.select %and3A_2353, %add3A_2355, %rem3A_2341 : vector<16xi1>, vector<16xi32>
      tpu.vector_store_idx %arg8[%select_n3A_2356, %get3A_2292], %get3A_2334 masked %eq3A_2328 : memref<64x512xf32, #tpu.memory_space<vmem>>[vector<16xi32>, vector<16xi32>], vector<16xf32>, vector<16xi1>
      %get3A_2357 = arith.index_cast %select_n3A_1884 : i32 to index
      %get3A_2358 = arith.constant 32 : index
      %get3A_2359 = tpu.vector_load %arg16[%get3A_2357, %get3A_2358] {strides = array<i32>} : memref<4x48xi32, #tpu.memory_space<vmem>>, vector<16xi32>,
      %get3A_2360 = arith.index_cast %select_n3A_1884 : i32 to index
      %get3A_2361 = arith.constant 32 : index
      %get3A_2362 = tpu.vector_load %arg17[%get3A_2360, %get3A_2361] {strides = array<i32>} : memref<4x48xi32, #tpu.memory_space<vmem>>, vector<16xi32>,
      %jit3A_2363 = arith.constant 64 : i32
      %div3A_2364 = vector.broadcast %jit3A_2363 : i32 to vector<16xi32>
      %div3A_2365 = arith.divsi %get3A_2362, %div3A_2364 : vector<16xi32>
      %sign3A_2366 = arith.constant 0 : i32
      %sign3A_2367 = vector.broadcast %sign3A_2366 : i32 to vector<16xi32>
      %sign3A_2368 = arith.cmpi sgt, %get3A_2362, %sign3A_2367 : vector<16xi32>
      %sign3A_2369 = arith.extui %sign3A_2368 : vector<16xi1> to vector<16xi32>
      %sign3A_2370 = arith.constant 0 : i32
      %sign3A_2371 = vector.broadcast %sign3A_2370 : i32 to vector<16xi32>
      %sign3A_2372 = arith.cmpi slt, %get3A_2362, %sign3A_2371 : vector<16xi32>
      %sign3A_2373 = arith.extui %sign3A_2372 : vector<16xi1> to vector<16xi32>
      %sign3A_2374 = arith.subi %sign3A_2369, %sign3A_2373 : vector<16xi32>
      %sign3A_2375 = arith.constant 0 : i32
      %sign3A_2376 = arith.cmpi sgt, %jit3A_2363, %sign3A_2375 : i32
      %sign3A_2377 = arith.extui %sign3A_2376 : i1 to i32
      %sign3A_2378 = arith.constant 0 : i32
      %sign3A_2379 = arith.cmpi slt, %jit3A_2363, %sign3A_2378 : i32
      %sign3A_2380 = arith.extui %sign3A_2379 : i1 to i32
      %sign3A_2381 = arith.subi %sign3A_2377, %sign3A_2380 : i32
      %ne3A_2382 = vector.broadcast %sign3A_2381 : i32 to vector<16xi32>
      %ne3A_2383 = arith.cmpi ne, %sign3A_2374, %ne3A_2382 : vector<16xi32>
      %rem3A_2384 = vector.broadcast %jit3A_2363 : i32 to vector<16xi32>
      %rem3A_2385 = arith.remsi %get3A_2362, %rem3A_2384 : vector<16xi32>
      %ne3A_2386 = arith.constant 0 : i32
      %ne3A_2387 = vector.broadcast %ne3A_2386 : i32 to vector<16xi32>
      %ne3A_2388 = arith.cmpi ne, %rem3A_2385, %ne3A_2387 : vector<16xi32>
      %and3A_2389 = arith.andi %ne3A_2383, %ne3A_2388 : vector<16xi1>
      %sub3A_2390 = arith.constant 1 : i32
      %sub3A_2391 = vector.broadcast %sub3A_2390 : i32 to vector<16xi32>
      %sub3A_2392 = arith.subi %div3A_2365, %sub3A_2391 : vector<16xi32>
      %select_n3A_2393 = arith.select %and3A_2389, %sub3A_2392, %div3A_2365 : vector<16xi1>, vector<16xi32>
      %eq3A_2394 = vector.broadcast %select_n3A_1940 : i32 to vector<16xi32>
      %eq3A_2395 = arith.cmpi eq, %select_n3A_2393, %eq3A_2394 : vector<16xi32>
      %mul3A_2396 = arith.constant 2 : i32
      %mul3A_2397 = arith.muli %mul3A_2396, %select_n3A_1884 : i32
      %add3A_2398 = arith.addi %mul3A_2397, %select_n3A_1924 : i32
      %get3A_2399 = arith.index_cast %add3A_2398 : i32 to index
      %get3A_2400 = arith.constant 32 : index
      %get3A_2401 = tpu.vector_load %arg18[%get3A_2399, %get3A_2400] {strides = array<i32>} : memref<8x48xf32, #tpu.memory_space<vmem>>, vector<16xf32>,
      %jit3A_2402 = arith.constant 64 : i32
      %eq3A_2403 = arith.constant 0 : i32
      %eq3A_2404 = arith.cmpi eq, %jit3A_2402, %eq3A_2403 : i32
      %jit3A_2405 = arith.constant 1 : i32
      %select_n3A_2406 = arith.select %eq3A_2404, %jit3A_2405, %jit3A_2402 : i32
      %rem3A_2407 = vector.broadcast %select_n3A_2406 : i32 to vector<16xi32>
      %rem3A_2408 = arith.remsi %get3A_2362, %rem3A_2407 : vector<16xi32>
      %ne3A_2409 = arith.constant 0 : i32
      %ne3A_2410 = vector.broadcast %ne3A_2409 : i32 to vector<16xi32>
      %ne3A_2411 = arith.cmpi ne, %rem3A_2408, %ne3A_2410 : vector<16xi32>
      %lt3A_2412 = arith.constant 0 : i32
      %lt3A_2413 = vector.broadcast %lt3A_2412 : i32 to vector<16xi32>
      %lt3A_2414 = arith.cmpi slt, %rem3A_2408, %lt3A_2413 : vector<16xi32>
      %lt3A_2415 = arith.constant 0 : i32
      %lt3A_2416 = arith.cmpi slt, %select_n3A_2406, %lt3A_2415 : i32
      %ne3A_2417 = vector.broadcast %lt3A_2416 : i1 to vector<16xi1>
      %ne3A_2418 = vector.broadcast %ne3A_2417 : vector<16xi1> to vector<16xi1>
      %ne3A_2419 = arith.xori %lt3A_2414, %ne3A_2418 : vector<16xi1>
      %and3A_2420 = arith.andi %ne3A_2419, %ne3A_2411 : vector<16xi1>
      %add3A_2421 = vector.broadcast %select_n3A_2406 : i32 to vector<16xi32>
      %add3A_2422 = arith.addi %rem3A_2408, %add3A_2421 : vector<16xi32>
      %select_n3A_2423 = arith.select %and3A_2420, %add3A_2422, %rem3A_2408 : vector<16xi1>, vector<16xi32>
      tpu.vector_store_idx %arg8[%select_n3A_2423, %get3A_2359], %get3A_2401 masked %eq3A_2395 : memref<64x512xf32, #tpu.memory_space<vmem>>[vector<16xi32>, vector<16xi32>], vector<16xf32>, vector<16xi1>
      %mul3A_2424 = arith.constant 64 : i32
      %mul3A_2425 = arith.muli %select_n3A_1940, %mul3A_2424 : i32
      %dma_start3A_2426 = arith.constant 0 : i32
      %dma_start3A_2427 = tpu.memref_slice %arg7[%add3A_1943, %select_n3A_1924, %mul3A_2425, %dma_start3A_2426] : memref<128x2x512x512xf32, #tpu.memory_space<hbm>> -> memref<1x1x64x512xf32, #tpu.memory_space<hbm>>
      %dma_start3A_2428 = tpu.memref_squeeze %dma_start3A_2427 : memref<1x1x64x512xf32, #tpu.memory_space<hbm>> -> memref<64x512xf32, #tpu.memory_space<hbm>>
      %dma_start3A_2429 = arith.constant 0 : i32
      %dma_start3A_2430 = tpu.memref_slice %arg7[%add3A_1943, %select_n3A_1924, %mul3A_2425, %dma_start3A_2429] : memref<128x2x512x512xf32, #tpu.memory_space<hbm>> -> memref<1x1x64x512xf32, #tpu.memory_space<hbm>>
      %dma_start3A_2431 = tpu.memref_squeeze %dma_start3A_2430 : memref<1x1x64x512xf32, #tpu.memory_space<hbm>> -> memref<64x512xf32, #tpu.memory_space<hbm>>
      tpu.enqueue_dma source(%arg8 : memref<64x512xf32, #tpu.memory_space<vmem>>) target(%dma_start3A_2431 : memref<64x512xf32, #tpu.memory_space<hbm>>) target_semaphore(%arg19 : memref<!tpu.dma_semaphore, #tpu.memory_space<semaphore_mem>>)
      %mul3A_2432 = arith.constant 3 : i32
      %mul3A_2433 = arith.muli %mul3A_2432, %scan3A_1858 : i32
      %add3A_2434 = arith.constant 1 : i32
      %add3A_2435 = arith.addi %mul3A_2433, %add3A_2434 : i32
      %jit3A_2436 = arith.constant 16 : i32
      %div3A_2437 = arith.divsi %add3A_2435, %jit3A_2436 : i32
      %sign3A_2438 = arith.constant 0 : i32
      %sign3A_2439 = arith.cmpi sgt, %add3A_2435, %sign3A_2438 : i32
      %sign3A_2440 = arith.extui %sign3A_2439 : i1 to i32
      %sign3A_2441 = arith.constant 0 : i32
      %sign3A_2442 = arith.cmpi slt, %add3A_2435, %sign3A_2441 : i32
      %sign3A_2443 = arith.extui %sign3A_2442 : i1 to i32
      %sign3A_2444 = arith.subi %sign3A_2440, %sign3A_2443 : i32
      %sign3A_2445 = arith.constant 0 : i32
      %sign3A_2446 = arith.cmpi sgt, %jit3A_2436, %sign3A_2445 : i32
      %sign3A_2447 = arith.extui %sign3A_2446 : i1 to i32
      %sign3A_2448 = arith.constant 0 : i32
      %sign3A_2449 = arith.cmpi slt, %jit3A_2436, %sign3A_2448 : i32
      %sign3A_2450 = arith.extui %sign3A_2449 : i1 to i32
      %sign3A_2451 = arith.subi %sign3A_2447, %sign3A_2450 : i32
      %ne3A_2452 = arith.cmpi ne, %sign3A_2444, %sign3A_2451 : i32
      %rem3A_2453 = arith.remsi %add3A_2435, %jit3A_2436 : i32
      %ne3A_2454 = arith.constant 0 : i32
      %ne3A_2455 = arith.cmpi ne, %rem3A_2453, %ne3A_2454 : i32
      %and3A_2456 = arith.andi %ne3A_2452, %ne3A_2455 : i1
      %sub3A_2457 = arith.constant 1 : i32
      %sub3A_2458 = arith.subi %div3A_2437, %sub3A_2457 : i32
      %select_n3A_2459 = arith.select %and3A_2456, %sub3A_2458, %div3A_2437 : i32
      %jit3A_2460 = arith.constant 8 : i32
      %div3A_2461 = arith.divsi %add3A_2435, %jit3A_2460 : i32
      %sign3A_2462 = arith.constant 0 : i32
      %sign3A_2463 = arith.cmpi sgt, %add3A_2435, %sign3A_2462 : i32
      %sign3A_2464 = arith.extui %sign3A_2463 : i1 to i32
      %sign3A_2465 = arith.constant 0 : i32
      %sign3A_2466 = arith.cmpi slt, %add3A_2435, %sign3A_2465 : i32
      %sign3A_2467 = arith.extui %sign3A_2466 : i1 to i32
      %sign3A_2468 = arith.subi %sign3A_2464, %sign3A_2467 : i32
      %sign3A_2469 = arith.constant 0 : i32
      %sign3A_2470 = arith.cmpi sgt, %jit3A_2460, %sign3A_2469 : i32
      %sign3A_2471 = arith.extui %sign3A_2470 : i1 to i32
      %sign3A_2472 = arith.constant 0 : i32
      %sign3A_2473 = arith.cmpi slt, %jit3A_2460, %sign3A_2472 : i32
      %sign3A_2474 = arith.extui %sign3A_2473 : i1 to i32
      %sign3A_2475 = arith.subi %sign3A_2471, %sign3A_2474 : i32
      %ne3A_2476 = arith.cmpi ne, %sign3A_2468, %sign3A_2475 : i32
      %rem3A_2477 = arith.remsi %add3A_2435, %jit3A_2460 : i32
      %ne3A_2478 = arith.constant 0 : i32
      %ne3A_2479 = arith.cmpi ne, %rem3A_2477, %ne3A_2478 : i32
      %and3A_2480 = arith.andi %ne3A_2476, %ne3A_2479 : i1
      %sub3A_2481 = arith.constant 1 : i32
      %sub3A_2482 = arith.subi %div3A_2461, %sub3A_2481 : i32
      %select_n3A_2483 = arith.select %and3A_2480, %sub3A_2482, %div3A_2461 : i32
      %jit3A_2484 = arith.constant 2 : i32
      %eq3A_2485 = arith.constant 0 : i32
      %eq3A_2486 = arith.cmpi eq, %jit3A_2484, %eq3A_2485 : i32
      %jit3A_2487 = arith.constant 1 : i32
      %select_n3A_2488 = arith.select %eq3A_2486, %jit3A_2487, %jit3A_2484 : i32
      %rem3A_2489 = arith.remsi %select_n3A_2483, %select_n3A_2488 : i32
      %ne3A_2490 = arith.constant 0 : i32
      %ne3A_2491 = arith.cmpi ne, %rem3A_2489, %ne3A_2490 : i32
      %lt3A_2492 = arith.constant 0 : i32
      %lt3A_2493 = arith.cmpi slt, %rem3A_2489, %lt3A_2492 : i32
      %lt3A_2494 = arith.constant 0 : i32
      %lt3A_2495 = arith.cmpi slt, %select_n3A_2488, %lt3A_2494 : i32
      %ne3A_2496 = arith.xori %lt3A_2493, %lt3A_2495 : i1
      %and3A_2497 = arith.andi %ne3A_2496, %ne3A_2491 : i1
      %add3A_2498 = arith.addi %rem3A_2489, %select_n3A_2488 : i32
      %select_n3A_2499 = arith.select %and3A_2497, %add3A_2498, %rem3A_2489 : i32
      %jit3A_2500 = arith.constant 8 : i32
      %eq3A_2501 = arith.constant 0 : i32
      %eq3A_2502 = arith.cmpi eq, %jit3A_2500, %eq3A_2501 : i32
      %jit3A_2503 = arith.constant 1 : i32
      %select_n3A_2504 = arith.select %eq3A_2502, %jit3A_2503, %jit3A_2500 : i32
      %rem3A_2505 = arith.remsi %add3A_2435, %select_n3A_2504 : i32
      %ne3A_2506 = arith.constant 0 : i32
      %ne3A_2507 = arith.cmpi ne, %rem3A_2505, %ne3A_2506 : i32
      %lt3A_2508 = arith.constant 0 : i32
      %lt3A_2509 = arith.cmpi slt, %rem3A_2505, %lt3A_2508 : i32
      %lt3A_2510 = arith.constant 0 : i32
      %lt3A_2511 = arith.cmpi slt, %select_n3A_2504, %lt3A_2510 : i32
      %ne3A_2512 = arith.xori %lt3A_2509, %lt3A_2511 : i1
      %and3A_2513 = arith.andi %ne3A_2512, %ne3A_2507 : i1
      %add3A_2514 = arith.addi %rem3A_2505, %select_n3A_2504 : i32
      %select_n3A_2515 = arith.select %and3A_2513, %add3A_2514, %rem3A_2505 : i32
      %mul3A_2516 = arith.constant 4 : i32
      %mul3A_2517 = arith.muli %add3A, %mul3A_2516 : i32
      %add3A_2518 = arith.addi %mul3A_2517, %select_n3A_2459 : i32
      %sub3A_2519 = arith.constant 3 : i32
      %sub3A_2520 = arith.subi %add3A_2435, %sub3A_2519 : i32
      %jit3A_2521 = arith.constant 16 : i32
      %div3A_2522 = arith.divsi %sub3A_2520, %jit3A_2521 : i32
      %sign3A_2523 = arith.constant 0 : i32
      %sign3A_2524 = arith.cmpi sgt, %sub3A_2520, %sign3A_2523 : i32
      %sign3A_2525 = arith.extui %sign3A_2524 : i1 to i32
      %sign3A_2526 = arith.constant 0 : i32
      %sign3A_2527 = arith.cmpi slt, %sub3A_2520, %sign3A_2526 : i32
      %sign3A_2528 = arith.extui %sign3A_2527 : i1 to i32
      %sign3A_2529 = arith.subi %sign3A_2525, %sign3A_2528 : i32
      %sign3A_2530 = arith.constant 0 : i32
      %sign3A_2531 = arith.cmpi sgt, %jit3A_2521, %sign3A_2530 : i32
      %sign3A_2532 = arith.extui %sign3A_2531 : i1 to i32
      %sign3A_2533 = arith.constant 0 : i32
      %sign3A_2534 = arith.cmpi slt, %jit3A_2521, %sign3A_2533 : i32
      %sign3A_2535 = arith.extui %sign3A_2534 : i1 to i32
      %sign3A_2536 = arith.subi %sign3A_2532, %sign3A_2535 : i32
      %ne3A_2537 = arith.cmpi ne, %sign3A_2529, %sign3A_2536 : i32
      %rem3A_2538 = arith.remsi %sub3A_2520, %jit3A_2521 : i32
      %ne3A_2539 = arith.constant 0 : i32
      %ne3A_2540 = arith.cmpi ne, %rem3A_2538, %ne3A_2539 : i32
      %and3A_2541 = arith.andi %ne3A_2537, %ne3A_2540 : i1
      %sub3A_2542 = arith.constant 1 : i32
      %sub3A_2543 = arith.subi %div3A_2522, %sub3A_2542 : i32
      %select_n3A_2544 = arith.select %and3A_2541, %sub3A_2543, %div3A_2522 : i32
      %jit3A_2545 = arith.constant 8 : i32
      %div3A_2546 = arith.divsi %sub3A_2520, %jit3A_2545 : i32
      %sign3A_2547 = arith.constant 0 : i32
      %sign3A_2548 = arith.cmpi sgt, %sub3A_2520, %sign3A_2547 : i32
      %sign3A_2549 = arith.extui %sign3A_2548 : i1 to i32
      %sign3A_2550 = arith.constant 0 : i32
      %sign3A_2551 = arith.cmpi slt, %sub3A_2520, %sign3A_2550 : i32
      %sign3A_2552 = arith.extui %sign3A_2551 : i1 to i32
      %sign3A_2553 = arith.subi %sign3A_2549, %sign3A_2552 : i32
      %sign3A_2554 = arith.constant 0 : i32
      %sign3A_2555 = arith.cmpi sgt, %jit3A_2545, %sign3A_2554 : i32
      %sign3A_2556 = arith.extui %sign3A_2555 : i1 to i32
      %sign3A_2557 = arith.constant 0 : i32
      %sign3A_2558 = arith.cmpi slt, %jit3A_2545, %sign3A_2557 : i32
      %sign3A_2559 = arith.extui %sign3A_2558 : i1 to i32
      %sign3A_2560 = arith.subi %sign3A_2556, %sign3A_2559 : i32
      %ne3A_2561 = arith.cmpi ne, %sign3A_2553, %sign3A_2560 : i32
      %rem3A_2562 = arith.remsi %sub3A_2520, %jit3A_2545 : i32
      %ne3A_2563 = arith.constant 0 : i32
      %ne3A_2564 = arith.cmpi ne, %rem3A_2562, %ne3A_2563 : i32
      %and3A_2565 = arith.andi %ne3A_2561, %ne3A_2564 : i1
      %sub3A_2566 = arith.constant 1 : i32
      %sub3A_2567 = arith.subi %div3A_2546, %sub3A_2566 : i32
      %select_n3A_2568 = arith.select %and3A_2565, %sub3A_2567, %div3A_2546 : i32
      %jit3A_2569 = arith.constant 2 : i32
      %eq3A_2570 = arith.constant 0 : i32
      %eq3A_2571 = arith.cmpi eq, %jit3A_2569, %eq3A_2570 : i32
      %jit3A_2572 = arith.constant 1 : i32
      %select_n3A_2573 = arith.select %eq3A_2571, %jit3A_2572, %jit3A_2569 : i32
      %rem3A_2574 = arith.remsi %select_n3A_2568, %select_n3A_2573 : i32
      %ne3A_2575 = arith.constant 0 : i32
      %ne3A_2576 = arith.cmpi ne, %rem3A_2574, %ne3A_2575 : i32
      %lt3A_2577 = arith.constant 0 : i32
      %lt3A_2578 = arith.cmpi slt, %rem3A_2574, %lt3A_2577 : i32
      %lt3A_2579 = arith.constant 0 : i32
      %lt3A_2580 = arith.cmpi slt, %select_n3A_2573, %lt3A_2579 : i32
      %ne3A_2581 = arith.xori %lt3A_2578, %lt3A_2580 : i1
      %and3A_2582 = arith.andi %ne3A_2581, %ne3A_2576 : i1
      %add3A_2583 = arith.addi %rem3A_2574, %select_n3A_2573 : i32
      %select_n3A_2584 = arith.select %and3A_2582, %add3A_2583, %rem3A_2574 : i32
      %jit3A_2585 = arith.constant 8 : i32
      %eq3A_2586 = arith.constant 0 : i32
      %eq3A_2587 = arith.cmpi eq, %jit3A_2585, %eq3A_2586 : i32
      %jit3A_2588 = arith.constant 1 : i32
      %select_n3A_2589 = arith.select %eq3A_2587, %jit3A_2588, %jit3A_2585 : i32
      %rem3A_2590 = arith.remsi %sub3A_2520, %select_n3A_2589 : i32
      %ne3A_2591 = arith.constant 0 : i32
      %ne3A_2592 = arith.cmpi ne, %rem3A_2590, %ne3A_2591 : i32
      %lt3A_2593 = arith.constant 0 : i32
      %lt3A_2594 = arith.cmpi slt, %rem3A_2590, %lt3A_2593 : i32
      %lt3A_2595 = arith.constant 0 : i32
      %lt3A_2596 = arith.cmpi slt, %select_n3A_2589, %lt3A_2595 : i32
      %ne3A_2597 = arith.xori %lt3A_2594, %lt3A_2596 : i1
      %and3A_2598 = arith.andi %ne3A_2597, %ne3A_2592 : i1
      %add3A_2599 = arith.addi %rem3A_2590, %select_n3A_2589 : i32
      %select_n3A_2600 = arith.select %and3A_2598, %add3A_2599, %rem3A_2590 : i32
      %mul3A_2601 = arith.constant 64 : i32
      %mul3A_2602 = arith.muli %select_n3A_2515, %mul3A_2601 : i32
      %dma_wait3A_2603 = arith.constant 0 : i32
      %dma_wait3A_2604 = tpu.memref_slice %arg7[%add3A_2518, %select_n3A_2499, %mul3A_2602, %dma_wait3A_2603] : memref<128x2x512x512xf32, #tpu.memory_space<hbm>> -> memref<1x1x64x512xf32, #tpu.memory_space<hbm>>
      %dma_wait3A_2605 = tpu.memref_squeeze %dma_wait3A_2604 : memref<1x1x64x512xf32, #tpu.memory_space<hbm>> -> memref<64x512xf32, #tpu.memory_space<hbm>>
      %dma_wait3A_2606 = arith.constant 0 : i32
      %dma_wait3A_2607 = tpu.memref_slice %arg7[%add3A_2518, %select_n3A_2499, %mul3A_2602, %dma_wait3A_2606] : memref<128x2x512x512xf32, #tpu.memory_space<hbm>> -> memref<1x1x64x512xf32, #tpu.memory_space<hbm>>
      %dma_wait3A_2608 = tpu.memref_squeeze %dma_wait3A_2607 : memref<1x1x64x512xf32, #tpu.memory_space<hbm>> -> memref<64x512xf32, #tpu.memory_space<hbm>>
      tpu.wait_dma2 semaphore(%arg20 : memref<!tpu.dma_semaphore, #tpu.memory_space<semaphore_mem>>) src(%arg9 : memref<64x512xf32, #tpu.memory_space<vmem>>) dst(%dma_wait3A_2608 : memref<64x512xf32, #tpu.memory_space<hbm>>)
      %get3A_2609 = arith.index_cast %select_n3A_2544 : i32 to index
      %get3A_2610 = arith.constant 0 : index
      %get3A_2611 = tpu.vector_load %arg16[%get3A_2609, %get3A_2610] {strides = array<i32>} : memref<4x48xi32, #tpu.memory_space<vmem>>, vector<16xi32>,
      %get3A_2612 = arith.index_cast %select_n3A_2544 : i32 to index
      %get3A_2613 = arith.constant 0 : index
      %get3A_2614 = tpu.vector_load %arg17[%get3A_2612, %get3A_2613] {strides = array<i32>} : memref<4x48xi32, #tpu.memory_space<vmem>>, vector<16xi32>,
      %jit3A_2615 = arith.constant 64 : i32
      %div3A_2616 = vector.broadcast %jit3A_2615 : i32 to vector<16xi32>
      %div3A_2617 = arith.divsi %get3A_2614, %div3A_2616 : vector<16xi32>
      %sign3A_2618 = arith.constant 0 : i32
      %sign3A_2619 = vector.broadcast %sign3A_2618 : i32 to vector<16xi32>
      %sign3A_2620 = arith.cmpi sgt, %get3A_2614, %sign3A_2619 : vector<16xi32>
      %sign3A_2621 = arith.extui %sign3A_2620 : vector<16xi1> to vector<16xi32>
      %sign3A_2622 = arith.constant 0 : i32
      %sign3A_2623 = vector.broadcast %sign3A_2622 : i32 to vector<16xi32>
      %sign3A_2624 = arith.cmpi slt, %get3A_2614, %sign3A_2623 : vector<16xi32>
      %sign3A_2625 = arith.extui %sign3A_2624 : vector<16xi1> to vector<16xi32>
      %sign3A_2626 = arith.subi %sign3A_2621, %sign3A_2625 : vector<16xi32>
      %sign3A_2627 = arith.constant 0 : i32
      %sign3A_2628 = arith.cmpi sgt, %jit3A_2615, %sign3A_2627 : i32
      %sign3A_2629 = arith.extui %sign3A_2628 : i1 to i32
      %sign3A_2630 = arith.constant 0 : i32
      %sign3A_2631 = arith.cmpi slt, %jit3A_2615, %sign3A_2630 : i32
      %sign3A_2632 = arith.extui %sign3A_2631 : i1 to i32
      %sign3A_2633 = arith.subi %sign3A_2629, %sign3A_2632 : i32
      %ne3A_2634 = vector.broadcast %sign3A_2633 : i32 to vector<16xi32>
      %ne3A_2635 = arith.cmpi ne, %sign3A_2626, %ne3A_2634 : vector<16xi32>
      %rem3A_2636 = vector.broadcast %jit3A_2615 : i32 to vector<16xi32>
      %rem3A_2637 = arith.remsi %get3A_2614, %rem3A_2636 : vector<16xi32>
      %ne3A_2638 = arith.constant 0 : i32
      %ne3A_2639 = vector.broadcast %ne3A_2638 : i32 to vector<16xi32>
      %ne3A_2640 = arith.cmpi ne, %rem3A_2637, %ne3A_2639 : vector<16xi32>
      %and3A_2641 = arith.andi %ne3A_2635, %ne3A_2640 : vector<16xi1>
      %sub3A_2642 = arith.constant 1 : i32
      %sub3A_2643 = vector.broadcast %sub3A_2642 : i32 to vector<16xi32>
      %sub3A_2644 = arith.subi %div3A_2617, %sub3A_2643 : vector<16xi32>
      %select_n3A_2645 = arith.select %and3A_2641, %sub3A_2644, %div3A_2617 : vector<16xi1>, vector<16xi32>
      %eq3A_2646 = vector.broadcast %select_n3A_2600 : i32 to vector<16xi32>
      %eq3A_2647 = arith.cmpi eq, %select_n3A_2645, %eq3A_2646 : vector<16xi32>
      %broadcast_in_dim3A_2648 = arith.constant 0.000000e+00 : f32
      %broadcast_in_dim3A_2649 = vector.broadcast %broadcast_in_dim3A_2648 : f32 to vector<16xf32>
      %jit3A_2650 = arith.constant 64 : i32
      %eq3A_2651 = arith.constant 0 : i32
      %eq3A_2652 = arith.cmpi eq, %jit3A_2650, %eq3A_2651 : i32
      %jit3A_2653 = arith.constant 1 : i32
      %select_n3A_2654 = arith.select %eq3A_2652, %jit3A_2653, %jit3A_2650 : i32
      %rem3A_2655 = vector.broadcast %select_n3A_2654 : i32 to vector<16xi32>
      %rem3A_2656 = arith.remsi %get3A_2614, %rem3A_2655 : vector<16xi32>
      %ne3A_2657 = arith.constant 0 : i32
      %ne3A_2658 = vector.broadcast %ne3A_2657 : i32 to vector<16xi32>
      %ne3A_2659 = arith.cmpi ne, %rem3A_2656, %ne3A_2658 : vector<16xi32>
      %lt3A_2660 = arith.constant 0 : i32
      %lt3A_2661 = vector.broadcast %lt3A_2660 : i32 to vector<16xi32>
      %lt3A_2662 = arith.cmpi slt, %rem3A_2656, %lt3A_2661 : vector<16xi32>
      %lt3A_2663 = arith.constant 0 : i32
      %lt3A_2664 = arith.cmpi slt, %select_n3A_2654, %lt3A_2663 : i32
      %ne3A_2665 = vector.broadcast %lt3A_2664 : i1 to vector<16xi1>
      %ne3A_2666 = vector.broadcast %ne3A_2665 : vector<16xi1> to vector<16xi1>
      %ne3A_2667 = arith.xori %lt3A_2662, %ne3A_2666 : vector<16xi1>
      %and3A_2668 = arith.andi %ne3A_2667, %ne3A_2659 : vector<16xi1>
      %add3A_2669 = vector.broadcast %select_n3A_2654 : i32 to vector<16xi32>
      %add3A_2670 = arith.addi %rem3A_2656, %add3A_2669 : vector<16xi32>
      %select_n3A_2671 = arith.select %and3A_2668, %add3A_2670, %rem3A_2656 : vector<16xi1>, vector<16xi32>
      tpu.vector_store_idx %arg9[%select_n3A_2671, %get3A_2611], %broadcast_in_dim3A_2649 masked %eq3A_2647 : memref<64x512xf32, #tpu.memory_space<vmem>>[vector<16xi32>, vector<16xi32>], vector<16xf32>, vector<16xi1>
      %get3A_2672 = arith.index_cast %select_n3A_2544 : i32 to index
      %get3A_2673 = arith.constant 16 : index
      %get3A_2674 = tpu.vector_load %arg16[%get3A_2672, %get3A_2673] {strides = array<i32>} : memref<4x48xi32, #tpu.memory_space<vmem>>, vector<16xi32>,
      %get3A_2675 = arith.index_cast %select_n3A_2544 : i32 to index
      %get3A_2676 = arith.constant 16 : index
      %get3A_2677 = tpu.vector_load %arg17[%get3A_2675, %get3A_2676] {strides = array<i32>} : memref<4x48xi32, #tpu.memory_space<vmem>>, vector<16xi32>,
      %jit3A_2678 = arith.constant 64 : i32
      %div3A_2679 = vector.broadcast %jit3A_2678 : i32 to vector<16xi32>
      %div3A_2680 = arith.divsi %get3A_2677, %div3A_2679 : vector<16xi32>
      %sign3A_2681 = arith.constant 0 : i32
      %sign3A_2682 = vector.broadcast %sign3A_2681 : i32 to vector<16xi32>
      %sign3A_2683 = arith.cmpi sgt, %get3A_2677, %sign3A_2682 : vector<16xi32>
      %sign3A_2684 = arith.extui %sign3A_2683 : vector<16xi1> to vector<16xi32>
      %sign3A_2685 = arith.constant 0 : i32
      %sign3A_2686 = vector.broadcast %sign3A_2685 : i32 to vector<16xi32>
      %sign3A_2687 = arith.cmpi slt, %get3A_2677, %sign3A_2686 : vector<16xi32>
      %sign3A_2688 = arith.extui %sign3A_2687 : vector<16xi1> to vector<16xi32>
      %sign3A_2689 = arith.subi %sign3A_2684, %sign3A_2688 : vector<16xi32>
      %sign3A_2690 = arith.constant 0 : i32
      %sign3A_2691 = arith.cmpi sgt, %jit3A_2678, %sign3A_2690 : i32
      %sign3A_2692 = arith.extui %sign3A_2691 : i1 to i32
      %sign3A_2693 = arith.constant 0 : i32
      %sign3A_2694 = arith.cmpi slt, %jit3A_2678, %sign3A_2693 : i32
      %sign3A_2695 = arith.extui %sign3A_2694 : i1 to i32
      %sign3A_2696 = arith.subi %sign3A_2692, %sign3A_2695 : i32
      %ne3A_2697 = vector.broadcast %sign3A_2696 : i32 to vector<16xi32>
      %ne3A_2698 = arith.cmpi ne, %sign3A_2689, %ne3A_2697 : vector<16xi32>
      %rem3A_2699 = vector.broadcast %jit3A_2678 : i32 to vector<16xi32>
      %rem3A_2700 = arith.remsi %get3A_2677, %rem3A_2699 : vector<16xi32>
      %ne3A_2701 = arith.constant 0 : i32
      %ne3A_2702 = vector.broadcast %ne3A_2701 : i32 to vector<16xi32>
      %ne3A_2703 = arith.cmpi ne, %rem3A_2700, %ne3A_2702 : vector<16xi32>
      %and3A_2704 = arith.andi %ne3A_2698, %ne3A_2703 : vector<16xi1>
      %sub3A_2705 = arith.constant 1 : i32
      %sub3A_2706 = vector.broadcast %sub3A_2705 : i32 to vector<16xi32>
      %sub3A_2707 = arith.subi %div3A_2680, %sub3A_2706 : vector<16xi32>
      %select_n3A_2708 = arith.select %and3A_2704, %sub3A_2707, %div3A_2680 : vector<16xi1>, vector<16xi32>
      %eq3A_2709 = vector.broadcast %select_n3A_2600 : i32 to vector<16xi32>
      %eq3A_2710 = arith.cmpi eq, %select_n3A_2708, %eq3A_2709 : vector<16xi32>
      %broadcast_in_dim3A_2711 = arith.constant 0.000000e+00 : f32
      %broadcast_in_dim3A_2712 = vector.broadcast %broadcast_in_dim3A_2711 : f32 to vector<16xf32>
      %jit3A_2713 = arith.constant 64 : i32
      %eq3A_2714 = arith.constant 0 : i32
      %eq3A_2715 = arith.cmpi eq, %jit3A_2713, %eq3A_2714 : i32
      %jit3A_2716 = arith.constant 1 : i32
      %select_n3A_2717 = arith.select %eq3A_2715, %jit3A_2716, %jit3A_2713 : i32
      %rem3A_2718 = vector.broadcast %select_n3A_2717 : i32 to vector<16xi32>
      %rem3A_2719 = arith.remsi %get3A_2677, %rem3A_2718 : vector<16xi32>
      %ne3A_2720 = arith.constant 0 : i32
      %ne3A_2721 = vector.broadcast %ne3A_2720 : i32 to vector<16xi32>
      %ne3A_2722 = arith.cmpi ne, %rem3A_2719, %ne3A_2721 : vector<16xi32>
      %lt3A_2723 = arith.constant 0 : i32
      %lt3A_2724 = vector.broadcast %lt3A_2723 : i32 to vector<16xi32>
      %lt3A_2725 = arith.cmpi slt, %rem3A_2719, %lt3A_2724 : vector<16xi32>
      %lt3A_2726 = arith.constant 0 : i32
      %lt3A_2727 = arith.cmpi slt, %select_n3A_2717, %lt3A_2726 : i32
      %ne3A_2728 = vector.broadcast %lt3A_2727 : i1 to vector<16xi1>
      %ne3A_2729 = vector.broadcast %ne3A_2728 : vector<16xi1> to vector<16xi1>
      %ne3A_2730 = arith.xori %lt3A_2725, %ne3A_2729 : vector<16xi1>
      %and3A_2731 = arith.andi %ne3A_2730, %ne3A_2722 : vector<16xi1>
      %add3A_2732 = vector.broadcast %select_n3A_2717 : i32 to vector<16xi32>
      %add3A_2733 = arith.addi %rem3A_2719, %add3A_2732 : vector<16xi32>
      %select_n3A_2734 = arith.select %and3A_2731, %add3A_2733, %rem3A_2719 : vector<16xi1>, vector<16xi32>
      tpu.vector_store_idx %arg9[%select_n3A_2734, %get3A_2674], %broadcast_in_dim3A_2712 masked %eq3A_2710 : memref<64x512xf32, #tpu.memory_space<vmem>>[vector<16xi32>, vector<16xi32>], vector<16xf32>, vector<16xi1>
      %get3A_2735 = arith.index_cast %select_n3A_2544 : i32 to index
      %get3A_2736 = arith.constant 32 : index
      %get3A_2737 = tpu.vector_load %arg16[%get3A_2735, %get3A_2736] {strides = array<i32>} : memref<4x48xi32, #tpu.memory_space<vmem>>, vector<16xi32>,
      %get3A_2738 = arith.index_cast %select_n3A_2544 : i32 to index
      %get3A_2739 = arith.constant 32 : index
      %get3A_2740 = tpu.vector_load %arg17[%get3A_2738, %get3A_2739] {strides = array<i32>} : memref<4x48xi32, #tpu.memory_space<vmem>>, vector<16xi32>,
      %jit3A_2741 = arith.constant 64 : i32
      %div3A_2742 = vector.broadcast %jit3A_2741 : i32 to vector<16xi32>
      %div3A_2743 = arith.divsi %get3A_2740, %div3A_2742 : vector<16xi32>
      %sign3A_2744 = arith.constant 0 : i32
      %sign3A_2745 = vector.broadcast %sign3A_2744 : i32 to vector<16xi32>
      %sign3A_2746 = arith.cmpi sgt, %get3A_2740, %sign3A_2745 : vector<16xi32>
      %sign3A_2747 = arith.extui %sign3A_2746 : vector<16xi1> to vector<16xi32>
      %sign3A_2748 = arith.constant 0 : i32
      %sign3A_2749 = vector.broadcast %sign3A_2748 : i32 to vector<16xi32>
      %sign3A_2750 = arith.cmpi slt, %get3A_2740, %sign3A_2749 : vector<16xi32>
      %sign3A_2751 = arith.extui %sign3A_2750 : vector<16xi1> to vector<16xi32>
      %sign3A_2752 = arith.subi %sign3A_2747, %sign3A_2751 : vector<16xi32>
      %sign3A_2753 = arith.constant 0 : i32
      %sign3A_2754 = arith.cmpi sgt, %jit3A_2741, %sign3A_2753 : i32
      %sign3A_2755 = arith.extui %sign3A_2754 : i1 to i32
      %sign3A_2756 = arith.constant 0 : i32
      %sign3A_2757 = arith.cmpi slt, %jit3A_2741, %sign3A_2756 : i32
      %sign3A_2758 = arith.extui %sign3A_2757 : i1 to i32
      %sign3A_2759 = arith.subi %sign3A_2755, %sign3A_2758 : i32
      %ne3A_2760 = vector.broadcast %sign3A_2759 : i32 to vector<16xi32>
      %ne3A_2761 = arith.cmpi ne, %sign3A_2752, %ne3A_2760 : vector<16xi32>
      %rem3A_2762 = vector.broadcast %jit3A_2741 : i32 to vector<16xi32>
      %rem3A_2763 = arith.remsi %get3A_2740, %rem3A_2762 : vector<16xi32>
      %ne3A_2764 = arith.constant 0 : i32
      %ne3A_2765 = vector.broadcast %ne3A_2764 : i32 to vector<16xi32>
      %ne3A_2766 = arith.cmpi ne, %rem3A_2763, %ne3A_2765 : vector<16xi32>
      %and3A_2767 = arith.andi %ne3A_2761, %ne3A_2766 : vector<16xi1>
      %sub3A_2768 = arith.constant 1 : i32
      %sub3A_2769 = vector.broadcast %sub3A_2768 : i32 to vector<16xi32>
      %sub3A_2770 = arith.subi %div3A_2743, %sub3A_2769 : vector<16xi32>
      %select_n3A_2771 = arith.select %and3A_2767, %sub3A_2770, %div3A_2743 : vector<16xi1>, vector<16xi32>
      %eq3A_2772 = vector.broadcast %select_n3A_2600 : i32 to vector<16xi32>
      %eq3A_2773 = arith.cmpi eq, %select_n3A_2771, %eq3A_2772 : vector<16xi32>
      %broadcast_in_dim3A_2774 = arith.constant 0.000000e+00 : f32
      %broadcast_in_dim3A_2775 = vector.broadcast %broadcast_in_dim3A_2774 : f32 to vector<16xf32>
      %jit3A_2776 = arith.constant 64 : i32
      %eq3A_2777 = arith.constant 0 : i32
      %eq3A_2778 = arith.cmpi eq, %jit3A_2776, %eq3A_2777 : i32
      %jit3A_2779 = arith.constant 1 : i32
      %select_n3A_2780 = arith.select %eq3A_2778, %jit3A_2779, %jit3A_2776 : i32
      %rem3A_2781 = vector.broadcast %select_n3A_2780 : i32 to vector<16xi32>
      %rem3A_2782 = arith.remsi %get3A_2740, %rem3A_2781 : vector<16xi32>
      %ne3A_2783 = arith.constant 0 : i32
      %ne3A_2784 = vector.broadcast %ne3A_2783 : i32 to vector<16xi32>
      %ne3A_2785 = arith.cmpi ne, %rem3A_2782, %ne3A_2784 : vector<16xi32>
      %lt3A_2786 = arith.constant 0 : i32
      %lt3A_2787 = vector.broadcast %lt3A_2786 : i32 to vector<16xi32>
      %lt3A_2788 = arith.cmpi slt, %rem3A_2782, %lt3A_2787 : vector<16xi32>
      %lt3A_2789 = arith.constant 0 : i32
      %lt3A_2790 = arith.cmpi slt, %select_n3A_2780, %lt3A_2789 : i32
      %ne3A_2791 = vector.broadcast %lt3A_2790 : i1 to vector<16xi1>
      %ne3A_2792 = vector.broadcast %ne3A_2791 : vector<16xi1> to vector<16xi1>
      %ne3A_2793 = arith.xori %lt3A_2788, %ne3A_2792 : vector<16xi1>
      %and3A_2794 = arith.andi %ne3A_2793, %ne3A_2785 : vector<16xi1>
      %add3A_2795 = vector.broadcast %select_n3A_2780 : i32 to vector<16xi32>
      %add3A_2796 = arith.addi %rem3A_2782, %add3A_2795 : vector<16xi32>
      %select_n3A_2797 = arith.select %and3A_2794, %add3A_2796, %rem3A_2782 : vector<16xi1>, vector<16xi32>
      tpu.vector_store_idx %arg9[%select_n3A_2797, %get3A_2737], %broadcast_in_dim3A_2775 masked %eq3A_2773 : memref<64x512xf32, #tpu.memory_space<vmem>>[vector<16xi32>, vector<16xi32>], vector<16xf32>, vector<16xi1>
      %get3A_2798 = arith.index_cast %select_n3A_2459 : i32 to index
      %get3A_2799 = arith.constant 0 : index
      %get3A_2800 = tpu.vector_load %arg16[%get3A_2798, %get3A_2799] {strides = array<i32>} : memref<4x48xi32, #tpu.memory_space<vmem>>, vector<16xi32>,
      %get3A_2801 = arith.index_cast %select_n3A_2459 : i32 to index
      %get3A_2802 = arith.constant 0 : index
      %get3A_2803 = tpu.vector_load %arg17[%get3A_2801, %get3A_2802] {strides = array<i32>} : memref<4x48xi32, #tpu.memory_space<vmem>>, vector<16xi32>,
      %jit3A_2804 = arith.constant 64 : i32
      %div3A_2805 = vector.broadcast %jit3A_2804 : i32 to vector<16xi32>
      %div3A_2806 = arith.divsi %get3A_2803, %div3A_2805 : vector<16xi32>
      %sign3A_2807 = arith.constant 0 : i32
      %sign3A_2808 = vector.broadcast %sign3A_2807 : i32 to vector<16xi32>
      %sign3A_2809 = arith.cmpi sgt, %get3A_2803, %sign3A_2808 : vector<16xi32>
      %sign3A_2810 = arith.extui %sign3A_2809 : vector<16xi1> to vector<16xi32>
      %sign3A_2811 = arith.constant 0 : i32
      %sign3A_2812 = vector.broadcast %sign3A_2811 : i32 to vector<16xi32>
      %sign3A_2813 = arith.cmpi slt, %get3A_2803, %sign3A_2812 : vector<16xi32>
      %sign3A_2814 = arith.extui %sign3A_2813 : vector<16xi1> to vector<16xi32>
      %sign3A_2815 = arith.subi %sign3A_2810, %sign3A_2814 : vector<16xi32>
      %sign3A_2816 = arith.constant 0 : i32
      %sign3A_2817 = arith.cmpi sgt, %jit3A_2804, %sign3A_2816 : i32
      %sign3A_2818 = arith.extui %sign3A_2817 : i1 to i32
      %sign3A_2819 = arith.constant 0 : i32
      %sign3A_2820 = arith.cmpi slt, %jit3A_2804, %sign3A_2819 : i32
      %sign3A_2821 = arith.extui %sign3A_2820 : i1 to i32
      %sign3A_2822 = arith.subi %sign3A_2818, %sign3A_2821 : i32
      %ne3A_2823 = vector.broadcast %sign3A_2822 : i32 to vector<16xi32>
      %ne3A_2824 = arith.cmpi ne, %sign3A_2815, %ne3A_2823 : vector<16xi32>
      %rem3A_2825 = vector.broadcast %jit3A_2804 : i32 to vector<16xi32>
      %rem3A_2826 = arith.remsi %get3A_2803, %rem3A_2825 : vector<16xi32>
      %ne3A_2827 = arith.constant 0 : i32
      %ne3A_2828 = vector.broadcast %ne3A_2827 : i32 to vector<16xi32>
      %ne3A_2829 = arith.cmpi ne, %rem3A_2826, %ne3A_2828 : vector<16xi32>
      %and3A_2830 = arith.andi %ne3A_2824, %ne3A_2829 : vector<16xi1>
      %sub3A_2831 = arith.constant 1 : i32
      %sub3A_2832 = vector.broadcast %sub3A_2831 : i32 to vector<16xi32>
      %sub3A_2833 = arith.subi %div3A_2806, %sub3A_2832 : vector<16xi32>
      %select_n3A_2834 = arith.select %and3A_2830, %sub3A_2833, %div3A_2806 : vector<16xi1>, vector<16xi32>
      %eq3A_2835 = vector.broadcast %select_n3A_2515 : i32 to vector<16xi32>
      %eq3A_2836 = arith.cmpi eq, %select_n3A_2834, %eq3A_2835 : vector<16xi32>
      %mul3A_2837 = arith.constant 2 : i32
      %mul3A_2838 = arith.muli %mul3A_2837, %select_n3A_2459 : i32
      %add3A_2839 = arith.addi %mul3A_2838, %select_n3A_2499 : i32
      %get3A_2840 = arith.index_cast %add3A_2839 : i32 to index
      %get3A_2841 = arith.constant 0 : index
      %get3A_2842 = tpu.vector_load %arg18[%get3A_2840, %get3A_2841] {strides = array<i32>} : memref<8x48xf32, #tpu.memory_space<vmem>>, vector<16xf32>,
      %jit3A_2843 = arith.constant 64 : i32
      %eq3A_2844 = arith.constant 0 : i32
      %eq3A_2845 = arith.cmpi eq, %jit3A_2843, %eq3A_2844 : i32
      %jit3A_2846 = arith.constant 1 : i32
      %select_n3A_2847 = arith.select %eq3A_2845, %jit3A_2846, %jit3A_2843 : i32
      %rem3A_2848 = vector.broadcast %select_n3A_2847 : i32 to vector<16xi32>
      %rem3A_2849 = arith.remsi %get3A_2803, %rem3A_2848 : vector<16xi32>
      %ne3A_2850 = arith.constant 0 : i32
      %ne3A_2851 = vector.broadcast %ne3A_2850 : i32 to vector<16xi32>
      %ne3A_2852 = arith.cmpi ne, %rem3A_2849, %ne3A_2851 : vector<16xi32>
      %lt3A_2853 = arith.constant 0 : i32
      %lt3A_2854 = vector.broadcast %lt3A_2853 : i32 to vector<16xi32>
      %lt3A_2855 = arith.cmpi slt, %rem3A_2849, %lt3A_2854 : vector<16xi32>
      %lt3A_2856 = arith.constant 0 : i32
      %lt3A_2857 = arith.cmpi slt, %select_n3A_2847, %lt3A_2856 : i32
      %ne3A_2858 = vector.broadcast %lt3A_2857 : i1 to vector<16xi1>
      %ne3A_2859 = vector.broadcast %ne3A_2858 : vector<16xi1> to vector<16xi1>
      %ne3A_2860 = arith.xori %lt3A_2855, %ne3A_2859 : vector<16xi1>
      %and3A_2861 = arith.andi %ne3A_2860, %ne3A_2852 : vector<16xi1>
      %add3A_2862 = vector.broadcast %select_n3A_2847 : i32 to vector<16xi32>
      %add3A_2863 = arith.addi %rem3A_2849, %add3A_2862 : vector<16xi32>
      %select_n3A_2864 = arith.select %and3A_2861, %add3A_2863, %rem3A_2849 : vector<16xi1>, vector<16xi32>
      tpu.vector_store_idx %arg9[%select_n3A_2864, %get3A_2800], %get3A_2842 masked %eq3A_2836 : memref<64x512xf32, #tpu.memory_space<vmem>>[vector<16xi32>, vector<16xi32>], vector<16xf32>, vector<16xi1>
      %get3A_2865 = arith.index_cast %select_n3A_2459 : i32 to index
      %get3A_2866 = arith.constant 16 : index
      %get3A_2867 = tpu.vector_load %arg16[%get3A_2865, %get3A_2866] {strides = array<i32>} : memref<4x48xi32, #tpu.memory_space<vmem>>, vector<16xi32>,
      %get3A_2868 = arith.index_cast %select_n3A_2459 : i32 to index
      %get3A_2869 = arith.constant 16 : index
      %get3A_2870 = tpu.vector_load %arg17[%get3A_2868, %get3A_2869] {strides = array<i32>} : memref<4x48xi32, #tpu.memory_space<vmem>>, vector<16xi32>,
      %jit3A_2871 = arith.constant 64 : i32
      %div3A_2872 = vector.broadcast %jit3A_2871 : i32 to vector<16xi32>
      %div3A_2873 = arith.divsi %get3A_2870, %div3A_2872 : vector<16xi32>
      %sign3A_2874 = arith.constant 0 : i32
      %sign3A_2875 = vector.broadcast %sign3A_2874 : i32 to vector<16xi32>
      %sign3A_2876 = arith.cmpi sgt, %get3A_2870, %sign3A_2875 : vector<16xi32>
      %sign3A_2877 = arith.extui %sign3A_2876 : vector<16xi1> to vector<16xi32>
      %sign3A_2878 = arith.constant 0 : i32
      %sign3A_2879 = vector.broadcast %sign3A_2878 : i32 to vector<16xi32>
      %sign3A_2880 = arith.cmpi slt, %get3A_2870, %sign3A_2879 : vector<16xi32>
      %sign3A_2881 = arith.extui %sign3A_2880 : vector<16xi1> to vector<16xi32>
      %sign3A_2882 = arith.subi %sign3A_2877, %sign3A_2881 : vector<16xi32>
      %sign3A_2883 = arith.constant 0 : i32
      %sign3A_2884 = arith.cmpi sgt, %jit3A_2871, %sign3A_2883 : i32
      %sign3A_2885 = arith.extui %sign3A_2884 : i1 to i32
      %sign3A_2886 = arith.constant 0 : i32
      %sign3A_2887 = arith.cmpi slt, %jit3A_2871, %sign3A_2886 : i32
      %sign3A_2888 = arith.extui %sign3A_2887 : i1 to i32
      %sign3A_2889 = arith.subi %sign3A_2885, %sign3A_2888 : i32
      %ne3A_2890 = vector.broadcast %sign3A_2889 : i32 to vector<16xi32>
      %ne3A_2891 = arith.cmpi ne, %sign3A_2882, %ne3A_2890 : vector<16xi32>
      %rem3A_2892 = vector.broadcast %jit3A_2871 : i32 to vector<16xi32>
      %rem3A_2893 = arith.remsi %get3A_2870, %rem3A_2892 : vector<16xi32>
      %ne3A_2894 = arith.constant 0 : i32
      %ne3A_2895 = vector.broadcast %ne3A_2894 : i32 to vector<16xi32>
      %ne3A_2896 = arith.cmpi ne, %rem3A_2893, %ne3A_2895 : vector<16xi32>
      %and3A_2897 = arith.andi %ne3A_2891, %ne3A_2896 : vector<16xi1>
      %sub3A_2898 = arith.constant 1 : i32
      %sub3A_2899 = vector.broadcast %sub3A_2898 : i32 to vector<16xi32>
      %sub3A_2900 = arith.subi %div3A_2873, %sub3A_2899 : vector<16xi32>
      %select_n3A_2901 = arith.select %and3A_2897, %sub3A_2900, %div3A_2873 : vector<16xi1>, vector<16xi32>
      %eq3A_2902 = vector.broadcast %select_n3A_2515 : i32 to vector<16xi32>
      %eq3A_2903 = arith.cmpi eq, %select_n3A_2901, %eq3A_2902 : vector<16xi32>
      %mul3A_2904 = arith.constant 2 : i32
      %mul3A_2905 = arith.muli %mul3A_2904, %select_n3A_2459 : i32
      %add3A_2906 = arith.addi %mul3A_2905, %select_n3A_2499 : i32
      %get3A_2907 = arith.index_cast %add3A_2906 : i32 to index
      %get3A_2908 = arith.constant 16 : index
      %get3A_2909 = tpu.vector_load %arg18[%get3A_2907, %get3A_2908] {strides = array<i32>} : memref<8x48xf32, #tpu.memory_space<vmem>>, vector<16xf32>,
      %jit3A_2910 = arith.constant 64 : i32
      %eq3A_2911 = arith.constant 0 : i32
      %eq3A_2912 = arith.cmpi eq, %jit3A_2910, %eq3A_2911 : i32
      %jit3A_2913 = arith.constant 1 : i32
      %select_n3A_2914 = arith.select %eq3A_2912, %jit3A_2913, %jit3A_2910 : i32
      %rem3A_2915 = vector.broadcast %select_n3A_2914 : i32 to vector<16xi32>
      %rem3A_2916 = arith.remsi %get3A_2870, %rem3A_2915 : vector<16xi32>
      %ne3A_2917 = arith.constant 0 : i32
      %ne3A_2918 = vector.broadcast %ne3A_2917 : i32 to vector<16xi32>
      %ne3A_2919 = arith.cmpi ne, %rem3A_2916, %ne3A_2918 : vector<16xi32>
      %lt3A_2920 = arith.constant 0 : i32
      %lt3A_2921 = vector.broadcast %lt3A_2920 : i32 to vector<16xi32>
      %lt3A_2922 = arith.cmpi slt, %rem3A_2916, %lt3A_2921 : vector<16xi32>
      %lt3A_2923 = arith.constant 0 : i32
      %lt3A_2924 = arith.cmpi slt, %select_n3A_2914, %lt3A_2923 : i32
      %ne3A_2925 = vector.broadcast %lt3A_2924 : i1 to vector<16xi1>
      %ne3A_2926 = vector.broadcast %ne3A_2925 : vector<16xi1> to vector<16xi1>
      %ne3A_2927 = arith.xori %lt3A_2922, %ne3A_2926 : vector<16xi1>
      %and3A_2928 = arith.andi %ne3A_2927, %ne3A_2919 : vector<16xi1>
      %add3A_2929 = vector.broadcast %select_n3A_2914 : i32 to vector<16xi32>
      %add3A_2930 = arith.addi %rem3A_2916, %add3A_2929 : vector<16xi32>
      %select_n3A_2931 = arith.select %and3A_2928, %add3A_2930, %rem3A_2916 : vector<16xi1>, vector<16xi32>
      tpu.vector_store_idx %arg9[%select_n3A_2931, %get3A_2867], %get3A_2909 masked %eq3A_2903 : memref<64x512xf32, #tpu.memory_space<vmem>>[vector<16xi32>, vector<16xi32>], vector<16xf32>, vector<16xi1>
      %get3A_2932 = arith.index_cast %select_n3A_2459 : i32 to index
      %get3A_2933 = arith.constant 32 : index
      %get3A_2934 = tpu.vector_load %arg16[%get3A_2932, %get3A_2933] {strides = array<i32>} : memref<4x48xi32, #tpu.memory_space<vmem>>, vector<16xi32>,
      %get3A_2935 = arith.index_cast %select_n3A_2459 : i32 to index
      %get3A_2936 = arith.constant 32 : index
      %get3A_2937 = tpu.vector_load %arg17[%get3A_2935, %get3A_2936] {strides = array<i32>} : memref<4x48xi32, #tpu.memory_space<vmem>>, vector<16xi32>,
      %jit3A_2938 = arith.constant 64 : i32
      %div3A_2939 = vector.broadcast %jit3A_2938 : i32 to vector<16xi32>
      %div3A_2940 = arith.divsi %get3A_2937, %div3A_2939 : vector<16xi32>
      %sign3A_2941 = arith.constant 0 : i32
      %sign3A_2942 = vector.broadcast %sign3A_2941 : i32 to vector<16xi32>
      %sign3A_2943 = arith.cmpi sgt, %get3A_2937, %sign3A_2942 : vector<16xi32>
      %sign3A_2944 = arith.extui %sign3A_2943 : vector<16xi1> to vector<16xi32>
      %sign3A_2945 = arith.constant 0 : i32
      %sign3A_2946 = vector.broadcast %sign3A_2945 : i32 to vector<16xi32>
      %sign3A_2947 = arith.cmpi slt, %get3A_2937, %sign3A_2946 : vector<16xi32>
      %sign3A_2948 = arith.extui %sign3A_2947 : vector<16xi1> to vector<16xi32>
      %sign3A_2949 = arith.subi %sign3A_2944, %sign3A_2948 : vector<16xi32>
      %sign3A_2950 = arith.constant 0 : i32
      %sign3A_2951 = arith.cmpi sgt, %jit3A_2938, %sign3A_2950 : i32
      %sign3A_2952 = arith.extui %sign3A_2951 : i1 to i32
      %sign3A_2953 = arith.constant 0 : i32
      %sign3A_2954 = arith.cmpi slt, %jit3A_2938, %sign3A_2953 : i32
      %sign3A_2955 = arith.extui %sign3A_2954 : i1 to i32
      %sign3A_2956 = arith.subi %sign3A_2952, %sign3A_2955 : i32
      %ne3A_2957 = vector.broadcast %sign3A_2956 : i32 to vector<16xi32>
      %ne3A_2958 = arith.cmpi ne, %sign3A_2949, %ne3A_2957 : vector<16xi32>
      %rem3A_2959 = vector.broadcast %jit3A_2938 : i32 to vector<16xi32>
      %rem3A_2960 = arith.remsi %get3A_2937, %rem3A_2959 : vector<16xi32>
      %ne3A_2961 = arith.constant 0 : i32
      %ne3A_2962 = vector.broadcast %ne3A_2961 : i32 to vector<16xi32>
      %ne3A_2963 = arith.cmpi ne, %rem3A_2960, %ne3A_2962 : vector<16xi32>
      %and3A_2964 = arith.andi %ne3A_2958, %ne3A_2963 : vector<16xi1>
      %sub3A_2965 = arith.constant 1 : i32
      %sub3A_2966 = vector.broadcast %sub3A_2965 : i32 to vector<16xi32>
      %sub3A_2967 = arith.subi %div3A_2940, %sub3A_2966 : vector<16xi32>
      %select_n3A_2968 = arith.select %and3A_2964, %sub3A_2967, %div3A_2940 : vector<16xi1>, vector<16xi32>
      %eq3A_2969 = vector.broadcast %select_n3A_2515 : i32 to vector<16xi32>
      %eq3A_2970 = arith.cmpi eq, %select_n3A_2968, %eq3A_2969 : vector<16xi32>
      %mul3A_2971 = arith.constant 2 : i32
      %mul3A_2972 = arith.muli %mul3A_2971, %select_n3A_2459 : i32
      %add3A_2973 = arith.addi %mul3A_2972, %select_n3A_2499 : i32
      %get3A_2974 = arith.index_cast %add3A_2973 : i32 to index
      %get3A_2975 = arith.constant 32 : index
      %get3A_2976 = tpu.vector_load %arg18[%get3A_2974, %get3A_2975] {strides = array<i32>} : memref<8x48xf32, #tpu.memory_space<vmem>>, vector<16xf32>,
      %jit3A_2977 = arith.constant 64 : i32
      %eq3A_2978 = arith.constant 0 : i32
      %eq3A_2979 = arith.cmpi eq, %jit3A_2977, %eq3A_2978 : i32
      %jit3A_2980 = arith.constant 1 : i32
      %select_n3A_2981 = arith.select %eq3A_2979, %jit3A_2980, %jit3A_2977 : i32
      %rem3A_2982 = vector.broadcast %select_n3A_2981 : i32 to vector<16xi32>
      %rem3A_2983 = arith.remsi %get3A_2937, %rem3A_2982 : vector<16xi32>
      %ne3A_2984 = arith.constant 0 : i32
      %ne3A_2985 = vector.broadcast %ne3A_2984 : i32 to vector<16xi32>
      %ne3A_2986 = arith.cmpi ne, %rem3A_2983, %ne3A_2985 : vector<16xi32>
      %lt3A_2987 = arith.constant 0 : i32
      %lt3A_2988 = vector.broadcast %lt3A_2987 : i32 to vector<16xi32>
      %lt3A_2989 = arith.cmpi slt, %rem3A_2983, %lt3A_2988 : vector<16xi32>
      %lt3A_2990 = arith.constant 0 : i32
      %lt3A_2991 = arith.cmpi slt, %select_n3A_2981, %lt3A_2990 : i32
      %ne3A_2992 = vector.broadcast %lt3A_2991 : i1 to vector<16xi1>
      %ne3A_2993 = vector.broadcast %ne3A_2992 : vector<16xi1> to vector<16xi1>
      %ne3A_2994 = arith.xori %lt3A_2989, %ne3A_2993 : vector<16xi1>
      %and3A_2995 = arith.andi %ne3A_2994, %ne3A_2986 : vector<16xi1>
      %add3A_2996 = vector.broadcast %select_n3A_2981 : i32 to vector<16xi32>
      %add3A_2997 = arith.addi %rem3A_2983, %add3A_2996 : vector<16xi32>
      %select_n3A_2998 = arith.select %and3A_2995, %add3A_2997, %rem3A_2983 : vector<16xi1>, vector<16xi32>
      tpu.vector_store_idx %arg9[%select_n3A_2998, %get3A_2934], %get3A_2976 masked %eq3A_2970 : memref<64x512xf32, #tpu.memory_space<vmem>>[vector<16xi32>, vector<16xi32>], vector<16xf32>, vector<16xi1>
      %mul3A_2999 = arith.constant 64 : i32
      %mul3A_3000 = arith.muli %select_n3A_2515, %mul3A_2999 : i32
      %dma_start3A_3001 = arith.constant 0 : i32
      %dma_start3A_3002 = tpu.memref_slice %arg7[%add3A_2518, %select_n3A_2499, %mul3A_3000, %dma_start3A_3001] : memref<128x2x512x512xf32, #tpu.memory_space<hbm>> -> memref<1x1x64x512xf32, #tpu.memory_space<hbm>>
      %dma_start3A_3003 = tpu.memref_squeeze %dma_start3A_3002 : memref<1x1x64x512xf32, #tpu.memory_space<hbm>> -> memref<64x512xf32, #tpu.memory_space<hbm>>
      %dma_start3A_3004 = arith.constant 0 : i32
      %dma_start3A_3005 = tpu.memref_slice %arg7[%add3A_2518, %select_n3A_2499, %mul3A_3000, %dma_start3A_3004] : memref<128x2x512x512xf32, #tpu.memory_space<hbm>> -> memref<1x1x64x512xf32, #tpu.memory_space<hbm>>
      %dma_start3A_3006 = tpu.memref_squeeze %dma_start3A_3005 : memref<1x1x64x512xf32, #tpu.memory_space<hbm>> -> memref<64x512xf32, #tpu.memory_space<hbm>>
      tpu.enqueue_dma source(%arg9 : memref<64x512xf32, #tpu.memory_space<vmem>>) target(%dma_start3A_3006 : memref<64x512xf32, #tpu.memory_space<hbm>>) target_semaphore(%arg20 : memref<!tpu.dma_semaphore, #tpu.memory_space<semaphore_mem>>)
      %mul3A_3007 = arith.constant 3 : i32
      %mul3A_3008 = arith.muli %mul3A_3007, %scan3A_1858 : i32
      %add3A_3009 = arith.constant 2 : i32
      %add3A_3010 = arith.addi %mul3A_3008, %add3A_3009 : i32
      %jit3A_3011 = arith.constant 16 : i32
      %div3A_3012 = arith.divsi %add3A_3010, %jit3A_3011 : i32
      %sign3A_3013 = arith.constant 0 : i32
      %sign3A_3014 = arith.cmpi sgt, %add3A_3010, %sign3A_3013 : i32
      %sign3A_3015 = arith.extui %sign3A_3014 : i1 to i32
      %sign3A_3016 = arith.constant 0 : i32
      %sign3A_3017 = arith.cmpi slt, %add3A_3010, %sign3A_3016 : i32
      %sign3A_3018 = arith.extui %sign3A_3017 : i1 to i32
      %sign3A_3019 = arith.subi %sign3A_3015, %sign3A_3018 : i32
      %sign3A_3020 = arith.constant 0 : i32
      %sign3A_3021 = arith.cmpi sgt, %jit3A_3011, %sign3A_3020 : i32
      %sign3A_3022 = arith.extui %sign3A_3021 : i1 to i32
      %sign3A_3023 = arith.constant 0 : i32
      %sign3A_3024 = arith.cmpi slt, %jit3A_3011, %sign3A_3023 : i32
      %sign3A_3025 = arith.extui %sign3A_3024 : i1 to i32
      %sign3A_3026 = arith.subi %sign3A_3022, %sign3A_3025 : i32
      %ne3A_3027 = arith.cmpi ne, %sign3A_3019, %sign3A_3026 : i32
      %rem3A_3028 = arith.remsi %add3A_3010, %jit3A_3011 : i32
      %ne3A_3029 = arith.constant 0 : i32
      %ne3A_3030 = arith.cmpi ne, %rem3A_3028, %ne3A_3029 : i32
      %and3A_3031 = arith.andi %ne3A_3027, %ne3A_3030 : i1
      %sub3A_3032 = arith.constant 1 : i32
      %sub3A_3033 = arith.subi %div3A_3012, %sub3A_3032 : i32
      %select_n3A_3034 = arith.select %and3A_3031, %sub3A_3033, %div3A_3012 : i32
      %jit3A_3035 = arith.constant 8 : i32
      %div3A_3036 = arith.divsi %add3A_3010, %jit3A_3035 : i32
      %sign3A_3037 = arith.constant 0 : i32
      %sign3A_3038 = arith.cmpi sgt, %add3A_3010, %sign3A_3037 : i32
      %sign3A_3039 = arith.extui %sign3A_3038 : i1 to i32
      %sign3A_3040 = arith.constant 0 : i32
      %sign3A_3041 = arith.cmpi slt, %add3A_3010, %sign3A_3040 : i32
      %sign3A_3042 = arith.extui %sign3A_3041 : i1 to i32
      %sign3A_3043 = arith.subi %sign3A_3039, %sign3A_3042 : i32
      %sign3A_3044 = arith.constant 0 : i32
      %sign3A_3045 = arith.cmpi sgt, %jit3A_3035, %sign3A_3044 : i32
      %sign3A_3046 = arith.extui %sign3A_3045 : i1 to i32
      %sign3A_3047 = arith.constant 0 : i32
      %sign3A_3048 = arith.cmpi slt, %jit3A_3035, %sign3A_3047 : i32
      %sign3A_3049 = arith.extui %sign3A_3048 : i1 to i32
      %sign3A_3050 = arith.subi %sign3A_3046, %sign3A_3049 : i32
      %ne3A_3051 = arith.cmpi ne, %sign3A_3043, %sign3A_3050 : i32
      %rem3A_3052 = arith.remsi %add3A_3010, %jit3A_3035 : i32
      %ne3A_3053 = arith.constant 0 : i32
      %ne3A_3054 = arith.cmpi ne, %rem3A_3052, %ne3A_3053 : i32
      %and3A_3055 = arith.andi %ne3A_3051, %ne3A_3054 : i1
      %sub3A_3056 = arith.constant 1 : i32
      %sub3A_3057 = arith.subi %div3A_3036, %sub3A_3056 : i32
      %select_n3A_3058 = arith.select %and3A_3055, %sub3A_3057, %div3A_3036 : i32
      %jit3A_3059 = arith.constant 2 : i32
      %eq3A_3060 = arith.constant 0 : i32
      %eq3A_3061 = arith.cmpi eq, %jit3A_3059, %eq3A_3060 : i32
      %jit3A_3062 = arith.constant 1 : i32
      %select_n3A_3063 = arith.select %eq3A_3061, %jit3A_3062, %jit3A_3059 : i32
      %rem3A_3064 = arith.remsi %select_n3A_3058, %select_n3A_3063 : i32
      %ne3A_3065 = arith.constant 0 : i32
      %ne3A_3066 = arith.cmpi ne, %rem3A_3064, %ne3A_3065 : i32
      %lt3A_3067 = arith.constant 0 : i32
      %lt3A_3068 = arith.cmpi slt, %rem3A_3064, %lt3A_3067 : i32
      %lt3A_3069 = arith.constant 0 : i32
      %lt3A_3070 = arith.cmpi slt, %select_n3A_3063, %lt3A_3069 : i32
      %ne3A_3071 = arith.xori %lt3A_3068, %lt3A_3070 : i1
      %and3A_3072 = arith.andi %ne3A_3071, %ne3A_3066 : i1
      %add3A_3073 = arith.addi %rem3A_3064, %select_n3A_3063 : i32
      %select_n3A_3074 = arith.select %and3A_3072, %add3A_3073, %rem3A_3064 : i32
      %jit3A_3075 = arith.constant 8 : i32
      %eq3A_3076 = arith.constant 0 : i32
      %eq3A_3077 = arith.cmpi eq, %jit3A_3075, %eq3A_3076 : i32
      %jit3A_3078 = arith.constant 1 : i32
      %select_n3A_3079 = arith.select %eq3A_3077, %jit3A_3078, %jit3A_3075 : i32
      %rem3A_3080 = arith.remsi %add3A_3010, %select_n3A_3079 : i32
      %ne3A_3081 = arith.constant 0 : i32
      %ne3A_3082 = arith.cmpi ne, %rem3A_3080, %ne3A_3081 : i32
      %lt3A_3083 = arith.constant 0 : i32
      %lt3A_3084 = arith.cmpi slt, %rem3A_3080, %lt3A_3083 : i32
      %lt3A_3085 = arith.constant 0 : i32
      %lt3A_3086 = arith.cmpi slt, %select_n3A_3079, %lt3A_3085 : i32
      %ne3A_3087 = arith.xori %lt3A_3084, %lt3A_3086 : i1
      %and3A_3088 = arith.andi %ne3A_3087, %ne3A_3082 : i1
      %add3A_3089 = arith.addi %rem3A_3080, %select_n3A_3079 : i32
      %select_n3A_3090 = arith.select %and3A_3088, %add3A_3089, %rem3A_3080 : i32
      %mul3A_3091 = arith.constant 4 : i32
      %mul3A_3092 = arith.muli %add3A, %mul3A_3091 : i32
      %add3A_3093 = arith.addi %mul3A_3092, %select_n3A_3034 : i32
      %sub3A_3094 = arith.constant 3 : i32
      %sub3A_3095 = arith.subi %add3A_3010, %sub3A_3094 : i32
      %jit3A_3096 = arith.constant 16 : i32
      %div3A_3097 = arith.divsi %sub3A_3095, %jit3A_3096 : i32
      %sign3A_3098 = arith.constant 0 : i32
      %sign3A_3099 = arith.cmpi sgt, %sub3A_3095, %sign3A_3098 : i32
      %sign3A_3100 = arith.extui %sign3A_3099 : i1 to i32
      %sign3A_3101 = arith.constant 0 : i32
      %sign3A_3102 = arith.cmpi slt, %sub3A_3095, %sign3A_3101 : i32
      %sign3A_3103 = arith.extui %sign3A_3102 : i1 to i32
      %sign3A_3104 = arith.subi %sign3A_3100, %sign3A_3103 : i32
      %sign3A_3105 = arith.constant 0 : i32
      %sign3A_3106 = arith.cmpi sgt, %jit3A_3096, %sign3A_3105 : i32
      %sign3A_3107 = arith.extui %sign3A_3106 : i1 to i32
      %sign3A_3108 = arith.constant 0 : i32
      %sign3A_3109 = arith.cmpi slt, %jit3A_3096, %sign3A_3108 : i32
      %sign3A_3110 = arith.extui %sign3A_3109 : i1 to i32
      %sign3A_3111 = arith.subi %sign3A_3107, %sign3A_3110 : i32
      %ne3A_3112 = arith.cmpi ne, %sign3A_3104, %sign3A_3111 : i32
      %rem3A_3113 = arith.remsi %sub3A_3095, %jit3A_3096 : i32
      %ne3A_3114 = arith.constant 0 : i32
      %ne3A_3115 = arith.cmpi ne, %rem3A_3113, %ne3A_3114 : i32
      %and3A_3116 = arith.andi %ne3A_3112, %ne3A_3115 : i1
      %sub3A_3117 = arith.constant 1 : i32
      %sub3A_3118 = arith.subi %div3A_3097, %sub3A_3117 : i32
      %select_n3A_3119 = arith.select %and3A_3116, %sub3A_3118, %div3A_3097 : i32
      %jit3A_3120 = arith.constant 8 : i32
      %div3A_3121 = arith.divsi %sub3A_3095, %jit3A_3120 : i32
      %sign3A_3122 = arith.constant 0 : i32
      %sign3A_3123 = arith.cmpi sgt, %sub3A_3095, %sign3A_3122 : i32
      %sign3A_3124 = arith.extui %sign3A_3123 : i1 to i32
      %sign3A_3125 = arith.constant 0 : i32
      %sign3A_3126 = arith.cmpi slt, %sub3A_3095, %sign3A_3125 : i32
      %sign3A_3127 = arith.extui %sign3A_3126 : i1 to i32
      %sign3A_3128 = arith.subi %sign3A_3124, %sign3A_3127 : i32
      %sign3A_3129 = arith.constant 0 : i32
      %sign3A_3130 = arith.cmpi sgt, %jit3A_3120, %sign3A_3129 : i32
      %sign3A_3131 = arith.extui %sign3A_3130 : i1 to i32
      %sign3A_3132 = arith.constant 0 : i32
      %sign3A_3133 = arith.cmpi slt, %jit3A_3120, %sign3A_3132 : i32
      %sign3A_3134 = arith.extui %sign3A_3133 : i1 to i32
      %sign3A_3135 = arith.subi %sign3A_3131, %sign3A_3134 : i32
      %ne3A_3136 = arith.cmpi ne, %sign3A_3128, %sign3A_3135 : i32
      %rem3A_3137 = arith.remsi %sub3A_3095, %jit3A_3120 : i32
      %ne3A_3138 = arith.constant 0 : i32
      %ne3A_3139 = arith.cmpi ne, %rem3A_3137, %ne3A_3138 : i32
      %and3A_3140 = arith.andi %ne3A_3136, %ne3A_3139 : i1
      %sub3A_3141 = arith.constant 1 : i32
      %sub3A_3142 = arith.subi %div3A_3121, %sub3A_3141 : i32
      %select_n3A_3143 = arith.select %and3A_3140, %sub3A_3142, %div3A_3121 : i32
      %jit3A_3144 = arith.constant 2 : i32
      %eq3A_3145 = arith.constant 0 : i32
      %eq3A_3146 = arith.cmpi eq, %jit3A_3144, %eq3A_3145 : i32
      %jit3A_3147 = arith.constant 1 : i32
      %select_n3A_3148 = arith.select %eq3A_3146, %jit3A_3147, %jit3A_3144 : i32
      %rem3A_3149 = arith.remsi %select_n3A_3143, %select_n3A_3148 : i32
      %ne3A_3150 = arith.constant 0 : i32
      %ne3A_3151 = arith.cmpi ne, %rem3A_3149, %ne3A_3150 : i32
      %lt3A_3152 = arith.constant 0 : i32
      %lt3A_3153 = arith.cmpi slt, %rem3A_3149, %lt3A_3152 : i32
      %lt3A_3154 = arith.constant 0 : i32
      %lt3A_3155 = arith.cmpi slt, %select_n3A_3148, %lt3A_3154 : i32
      %ne3A_3156 = arith.xori %lt3A_3153, %lt3A_3155 : i1
      %and3A_3157 = arith.andi %ne3A_3156, %ne3A_3151 : i1
      %add3A_3158 = arith.addi %rem3A_3149, %select_n3A_3148 : i32
      %select_n3A_3159 = arith.select %and3A_3157, %add3A_3158, %rem3A_3149 : i32
      %jit3A_3160 = arith.constant 8 : i32
      %eq3A_3161 = arith.constant 0 : i32
      %eq3A_3162 = arith.cmpi eq, %jit3A_3160, %eq3A_3161 : i32
      %jit3A_3163 = arith.constant 1 : i32
      %select_n3A_3164 = arith.select %eq3A_3162, %jit3A_3163, %jit3A_3160 : i32
      %rem3A_3165 = arith.remsi %sub3A_3095, %select_n3A_3164 : i32
      %ne3A_3166 = arith.constant 0 : i32
      %ne3A_3167 = arith.cmpi ne, %rem3A_3165, %ne3A_3166 : i32
      %lt3A_3168 = arith.constant 0 : i32
      %lt3A_3169 = arith.cmpi slt, %rem3A_3165, %lt3A_3168 : i32
      %lt3A_3170 = arith.constant 0 : i32
      %lt3A_3171 = arith.cmpi slt, %select_n3A_3164, %lt3A_3170 : i32
      %ne3A_3172 = arith.xori %lt3A_3169, %lt3A_3171 : i1
      %and3A_3173 = arith.andi %ne3A_3172, %ne3A_3167 : i1
      %add3A_3174 = arith.addi %rem3A_3165, %select_n3A_3164 : i32
      %select_n3A_3175 = arith.select %and3A_3173, %add3A_3174, %rem3A_3165 : i32
      %mul3A_3176 = arith.constant 64 : i32
      %mul3A_3177 = arith.muli %select_n3A_3090, %mul3A_3176 : i32
      %dma_wait3A_3178 = arith.constant 0 : i32
      %dma_wait3A_3179 = tpu.memref_slice %arg7[%add3A_3093, %select_n3A_3074, %mul3A_3177, %dma_wait3A_3178] : memref<128x2x512x512xf32, #tpu.memory_space<hbm>> -> memref<1x1x64x512xf32, #tpu.memory_space<hbm>>
      %dma_wait3A_3180 = tpu.memref_squeeze %dma_wait3A_3179 : memref<1x1x64x512xf32, #tpu.memory_space<hbm>> -> memref<64x512xf32, #tpu.memory_space<hbm>>
      %dma_wait3A_3181 = arith.constant 0 : i32
      %dma_wait3A_3182 = tpu.memref_slice %arg7[%add3A_3093, %select_n3A_3074, %mul3A_3177, %dma_wait3A_3181] : memref<128x2x512x512xf32, #tpu.memory_space<hbm>> -> memref<1x1x64x512xf32, #tpu.memory_space<hbm>>
      %dma_wait3A_3183 = tpu.memref_squeeze %dma_wait3A_3182 : memref<1x1x64x512xf32, #tpu.memory_space<hbm>> -> memref<64x512xf32, #tpu.memory_space<hbm>>
      tpu.wait_dma2 semaphore(%arg21 : memref<!tpu.dma_semaphore, #tpu.memory_space<semaphore_mem>>) src(%arg10 : memref<64x512xf32, #tpu.memory_space<vmem>>) dst(%dma_wait3A_3183 : memref<64x512xf32, #tpu.memory_space<hbm>>)
      %get3A_3184 = arith.index_cast %select_n3A_3119 : i32 to index
      %get3A_3185 = arith.constant 0 : index
      %get3A_3186 = tpu.vector_load %arg16[%get3A_3184, %get3A_3185] {strides = array<i32>} : memref<4x48xi32, #tpu.memory_space<vmem>>, vector<16xi32>,
      %get3A_3187 = arith.index_cast %select_n3A_3119 : i32 to index
      %get3A_3188 = arith.constant 0 : index
      %get3A_3189 = tpu.vector_load %arg17[%get3A_3187, %get3A_3188] {strides = array<i32>} : memref<4x48xi32, #tpu.memory_space<vmem>>, vector<16xi32>,
      %jit3A_3190 = arith.constant 64 : i32
      %div3A_3191 = vector.broadcast %jit3A_3190 : i32 to vector<16xi32>
      %div3A_3192 = arith.divsi %get3A_3189, %div3A_3191 : vector<16xi32>
      %sign3A_3193 = arith.constant 0 : i32
      %sign3A_3194 = vector.broadcast %sign3A_3193 : i32 to vector<16xi32>
      %sign3A_3195 = arith.cmpi sgt, %get3A_3189, %sign3A_3194 : vector<16xi32>
      %sign3A_3196 = arith.extui %sign3A_3195 : vector<16xi1> to vector<16xi32>
      %sign3A_3197 = arith.constant 0 : i32
      %sign3A_3198 = vector.broadcast %sign3A_3197 : i32 to vector<16xi32>
      %sign3A_3199 = arith.cmpi slt, %get3A_3189, %sign3A_3198 : vector<16xi32>
      %sign3A_3200 = arith.extui %sign3A_3199 : vector<16xi1> to vector<16xi32>
      %sign3A_3201 = arith.subi %sign3A_3196, %sign3A_3200 : vector<16xi32>
      %sign3A_3202 = arith.constant 0 : i32
      %sign3A_3203 = arith.cmpi sgt, %jit3A_3190, %sign3A_3202 : i32
      %sign3A_3204 = arith.extui %sign3A_3203 : i1 to i32
      %sign3A_3205 = arith.constant 0 : i32
      %sign3A_3206 = arith.cmpi slt, %jit3A_3190, %sign3A_3205 : i32
      %sign3A_3207 = arith.extui %sign3A_3206 : i1 to i32
      %sign3A_3208 = arith.subi %sign3A_3204, %sign3A_3207 : i32
      %ne3A_3209 = vector.broadcast %sign3A_3208 : i32 to vector<16xi32>
      %ne3A_3210 = arith.cmpi ne, %sign3A_3201, %ne3A_3209 : vector<16xi32>
      %rem3A_3211 = vector.broadcast %jit3A_3190 : i32 to vector<16xi32>
      %rem3A_3212 = arith.remsi %get3A_3189, %rem3A_3211 : vector<16xi32>
      %ne3A_3213 = arith.constant 0 : i32
      %ne3A_3214 = vector.broadcast %ne3A_3213 : i32 to vector<16xi32>
      %ne3A_3215 = arith.cmpi ne, %rem3A_3212, %ne3A_3214 : vector<16xi32>
      %and3A_3216 = arith.andi %ne3A_3210, %ne3A_3215 : vector<16xi1>
      %sub3A_3217 = arith.constant 1 : i32
      %sub3A_3218 = vector.broadcast %sub3A_3217 : i32 to vector<16xi32>
      %sub3A_3219 = arith.subi %div3A_3192, %sub3A_3218 : vector<16xi32>
      %select_n3A_3220 = arith.select %and3A_3216, %sub3A_3219, %div3A_3192 : vector<16xi1>, vector<16xi32>
      %eq3A_3221 = vector.broadcast %select_n3A_3175 : i32 to vector<16xi32>
      %eq3A_3222 = arith.cmpi eq, %select_n3A_3220, %eq3A_3221 : vector<16xi32>
      %broadcast_in_dim3A_3223 = arith.constant 0.000000e+00 : f32
      %broadcast_in_dim3A_3224 = vector.broadcast %broadcast_in_dim3A_3223 : f32 to vector<16xf32>
      %jit3A_3225 = arith.constant 64 : i32
      %eq3A_3226 = arith.constant 0 : i32
      %eq3A_3227 = arith.cmpi eq, %jit3A_3225, %eq3A_3226 : i32
      %jit3A_3228 = arith.constant 1 : i32
      %select_n3A_3229 = arith.select %eq3A_3227, %jit3A_3228, %jit3A_3225 : i32
      %rem3A_3230 = vector.broadcast %select_n3A_3229 : i32 to vector<16xi32>
      %rem3A_3231 = arith.remsi %get3A_3189, %rem3A_3230 : vector<16xi32>
      %ne3A_3232 = arith.constant 0 : i32
      %ne3A_3233 = vector.broadcast %ne3A_3232 : i32 to vector<16xi32>
      %ne3A_3234 = arith.cmpi ne, %rem3A_3231, %ne3A_3233 : vector<16xi32>
      %lt3A_3235 = arith.constant 0 : i32
      %lt3A_3236 = vector.broadcast %lt3A_3235 : i32 to vector<16xi32>
      %lt3A_3237 = arith.cmpi slt, %rem3A_3231, %lt3A_3236 : vector<16xi32>
      %lt3A_3238 = arith.constant 0 : i32
      %lt3A_3239 = arith.cmpi slt, %select_n3A_3229, %lt3A_3238 : i32
      %ne3A_3240 = vector.broadcast %lt3A_3239 : i1 to vector<16xi1>
      %ne3A_3241 = vector.broadcast %ne3A_3240 : vector<16xi1> to vector<16xi1>
      %ne3A_3242 = arith.xori %lt3A_3237, %ne3A_3241 : vector<16xi1>
      %and3A_3243 = arith.andi %ne3A_3242, %ne3A_3234 : vector<16xi1>
      %add3A_3244 = vector.broadcast %select_n3A_3229 : i32 to vector<16xi32>
      %add3A_3245 = arith.addi %rem3A_3231, %add3A_3244 : vector<16xi32>
      %select_n3A_3246 = arith.select %and3A_3243, %add3A_3245, %rem3A_3231 : vector<16xi1>, vector<16xi32>
      tpu.vector_store_idx %arg10[%select_n3A_3246, %get3A_3186], %broadcast_in_dim3A_3224 masked %eq3A_3222 : memref<64x512xf32, #tpu.memory_space<vmem>>[vector<16xi32>, vector<16xi32>], vector<16xf32>, vector<16xi1>
      %get3A_3247 = arith.index_cast %select_n3A_3119 : i32 to index
      %get3A_3248 = arith.constant 16 : index
      %get3A_3249 = tpu.vector_load %arg16[%get3A_3247, %get3A_3248] {strides = array<i32>} : memref<4x48xi32, #tpu.memory_space<vmem>>, vector<16xi32>,
      %get3A_3250 = arith.index_cast %select_n3A_3119 : i32 to index
      %get3A_3251 = arith.constant 16 : index
      %get3A_3252 = tpu.vector_load %arg17[%get3A_3250, %get3A_3251] {strides = array<i32>} : memref<4x48xi32, #tpu.memory_space<vmem>>, vector<16xi32>,
      %jit3A_3253 = arith.constant 64 : i32
      %div3A_3254 = vector.broadcast %jit3A_3253 : i32 to vector<16xi32>
      %div3A_3255 = arith.divsi %get3A_3252, %div3A_3254 : vector<16xi32>
      %sign3A_3256 = arith.constant 0 : i32
      %sign3A_3257 = vector.broadcast %sign3A_3256 : i32 to vector<16xi32>
      %sign3A_3258 = arith.cmpi sgt, %get3A_3252, %sign3A_3257 : vector<16xi32>
      %sign3A_3259 = arith.extui %sign3A_3258 : vector<16xi1> to vector<16xi32>
      %sign3A_3260 = arith.constant 0 : i32
      %sign3A_3261 = vector.broadcast %sign3A_3260 : i32 to vector<16xi32>
      %sign3A_3262 = arith.cmpi slt, %get3A_3252, %sign3A_3261 : vector<16xi32>
      %sign3A_3263 = arith.extui %sign3A_3262 : vector<16xi1> to vector<16xi32>
      %sign3A_3264 = arith.subi %sign3A_3259, %sign3A_3263 : vector<16xi32>
      %sign3A_3265 = arith.constant 0 : i32
      %sign3A_3266 = arith.cmpi sgt, %jit3A_3253, %sign3A_3265 : i32
      %sign3A_3267 = arith.extui %sign3A_3266 : i1 to i32
      %sign3A_3268 = arith.constant 0 : i32
      %sign3A_3269 = arith.cmpi slt, %jit3A_3253, %sign3A_3268 : i32
      %sign3A_3270 = arith.extui %sign3A_3269 : i1 to i32
      %sign3A_3271 = arith.subi %sign3A_3267, %sign3A_3270 : i32
      %ne3A_3272 = vector.broadcast %sign3A_3271 : i32 to vector<16xi32>
      %ne3A_3273 = arith.cmpi ne, %sign3A_3264, %ne3A_3272 : vector<16xi32>
      %rem3A_3274 = vector.broadcast %jit3A_3253 : i32 to vector<16xi32>
      %rem3A_3275 = arith.remsi %get3A_3252, %rem3A_3274 : vector<16xi32>
      %ne3A_3276 = arith.constant 0 : i32
      %ne3A_3277 = vector.broadcast %ne3A_3276 : i32 to vector<16xi32>
      %ne3A_3278 = arith.cmpi ne, %rem3A_3275, %ne3A_3277 : vector<16xi32>
      %and3A_3279 = arith.andi %ne3A_3273, %ne3A_3278 : vector<16xi1>
      %sub3A_3280 = arith.constant 1 : i32
      %sub3A_3281 = vector.broadcast %sub3A_3280 : i32 to vector<16xi32>
      %sub3A_3282 = arith.subi %div3A_3255, %sub3A_3281 : vector<16xi32>
      %select_n3A_3283 = arith.select %and3A_3279, %sub3A_3282, %div3A_3255 : vector<16xi1>, vector<16xi32>
      %eq3A_3284 = vector.broadcast %select_n3A_3175 : i32 to vector<16xi32>
      %eq3A_3285 = arith.cmpi eq, %select_n3A_3283, %eq3A_3284 : vector<16xi32>
      %broadcast_in_dim3A_3286 = arith.constant 0.000000e+00 : f32
      %broadcast_in_dim3A_3287 = vector.broadcast %broadcast_in_dim3A_3286 : f32 to vector<16xf32>
      %jit3A_3288 = arith.constant 64 : i32
      %eq3A_3289 = arith.constant 0 : i32
      %eq3A_3290 = arith.cmpi eq, %jit3A_3288, %eq3A_3289 : i32
      %jit3A_3291 = arith.constant 1 : i32
      %select_n3A_3292 = arith.select %eq3A_3290, %jit3A_3291, %jit3A_3288 : i32
      %rem3A_3293 = vector.broadcast %select_n3A_3292 : i32 to vector<16xi32>
      %rem3A_3294 = arith.remsi %get3A_3252, %rem3A_3293 : vector<16xi32>
      %ne3A_3295 = arith.constant 0 : i32
      %ne3A_3296 = vector.broadcast %ne3A_3295 : i32 to vector<16xi32>
      %ne3A_3297 = arith.cmpi ne, %rem3A_3294, %ne3A_3296 : vector<16xi32>
      %lt3A_3298 = arith.constant 0 : i32
      %lt3A_3299 = vector.broadcast %lt3A_3298 : i32 to vector<16xi32>
      %lt3A_3300 = arith.cmpi slt, %rem3A_3294, %lt3A_3299 : vector<16xi32>
      %lt3A_3301 = arith.constant 0 : i32
      %lt3A_3302 = arith.cmpi slt, %select_n3A_3292, %lt3A_3301 : i32
      %ne3A_3303 = vector.broadcast %lt3A_3302 : i1 to vector<16xi1>
      %ne3A_3304 = vector.broadcast %ne3A_3303 : vector<16xi1> to vector<16xi1>
      %ne3A_3305 = arith.xori %lt3A_3300, %ne3A_3304 : vector<16xi1>
      %and3A_3306 = arith.andi %ne3A_3305, %ne3A_3297 : vector<16xi1>
      %add3A_3307 = vector.broadcast %select_n3A_3292 : i32 to vector<16xi32>
      %add3A_3308 = arith.addi %rem3A_3294, %add3A_3307 : vector<16xi32>
      %select_n3A_3309 = arith.select %and3A_3306, %add3A_3308, %rem3A_3294 : vector<16xi1>, vector<16xi32>
      tpu.vector_store_idx %arg10[%select_n3A_3309, %get3A_3249], %broadcast_in_dim3A_3287 masked %eq3A_3285 : memref<64x512xf32, #tpu.memory_space<vmem>>[vector<16xi32>, vector<16xi32>], vector<16xf32>, vector<16xi1>
      %get3A_3310 = arith.index_cast %select_n3A_3119 : i32 to index
      %get3A_3311 = arith.constant 32 : index
      %get3A_3312 = tpu.vector_load %arg16[%get3A_3310, %get3A_3311] {strides = array<i32>} : memref<4x48xi32, #tpu.memory_space<vmem>>, vector<16xi32>,
      %get3A_3313 = arith.index_cast %select_n3A_3119 : i32 to index
      %get3A_3314 = arith.constant 32 : index
      %get3A_3315 = tpu.vector_load %arg17[%get3A_3313, %get3A_3314] {strides = array<i32>} : memref<4x48xi32, #tpu.memory_space<vmem>>, vector<16xi32>,
      %jit3A_3316 = arith.constant 64 : i32
      %div3A_3317 = vector.broadcast %jit3A_3316 : i32 to vector<16xi32>
      %div3A_3318 = arith.divsi %get3A_3315, %div3A_3317 : vector<16xi32>
      %sign3A_3319 = arith.constant 0 : i32
      %sign3A_3320 = vector.broadcast %sign3A_3319 : i32 to vector<16xi32>
      %sign3A_3321 = arith.cmpi sgt, %get3A_3315, %sign3A_3320 : vector<16xi32>
      %sign3A_3322 = arith.extui %sign3A_3321 : vector<16xi1> to vector<16xi32>
      %sign3A_3323 = arith.constant 0 : i32
      %sign3A_3324 = vector.broadcast %sign3A_3323 : i32 to vector<16xi32>
      %sign3A_3325 = arith.cmpi slt, %get3A_3315, %sign3A_3324 : vector<16xi32>
      %sign3A_3326 = arith.extui %sign3A_3325 : vector<16xi1> to vector<16xi32>
      %sign3A_3327 = arith.subi %sign3A_3322, %sign3A_3326 : vector<16xi32>
      %sign3A_3328 = arith.constant 0 : i32
      %sign3A_3329 = arith.cmpi sgt, %jit3A_3316, %sign3A_3328 : i32
      %sign3A_3330 = arith.extui %sign3A_3329 : i1 to i32
      %sign3A_3331 = arith.constant 0 : i32
      %sign3A_3332 = arith.cmpi slt, %jit3A_3316, %sign3A_3331 : i32
      %sign3A_3333 = arith.extui %sign3A_3332 : i1 to i32
      %sign3A_3334 = arith.subi %sign3A_3330, %sign3A_3333 : i32
      %ne3A_3335 = vector.broadcast %sign3A_3334 : i32 to vector<16xi32>
      %ne3A_3336 = arith.cmpi ne, %sign3A_3327, %ne3A_3335 : vector<16xi32>
      %rem3A_3337 = vector.broadcast %jit3A_3316 : i32 to vector<16xi32>
      %rem3A_3338 = arith.remsi %get3A_3315, %rem3A_3337 : vector<16xi32>
      %ne3A_3339 = arith.constant 0 : i32
      %ne3A_3340 = vector.broadcast %ne3A_3339 : i32 to vector<16xi32>
      %ne3A_3341 = arith.cmpi ne, %rem3A_3338, %ne3A_3340 : vector<16xi32>
      %and3A_3342 = arith.andi %ne3A_3336, %ne3A_3341 : vector<16xi1>
      %sub3A_3343 = arith.constant 1 : i32
      %sub3A_3344 = vector.broadcast %sub3A_3343 : i32 to vector<16xi32>
      %sub3A_3345 = arith.subi %div3A_3318, %sub3A_3344 : vector<16xi32>
      %select_n3A_3346 = arith.select %and3A_3342, %sub3A_3345, %div3A_3318 : vector<16xi1>, vector<16xi32>
      %eq3A_3347 = vector.broadcast %select_n3A_3175 : i32 to vector<16xi32>
      %eq3A_3348 = arith.cmpi eq, %select_n3A_3346, %eq3A_3347 : vector<16xi32>
      %broadcast_in_dim3A_3349 = arith.constant 0.000000e+00 : f32
      %broadcast_in_dim3A_3350 = vector.broadcast %broadcast_in_dim3A_3349 : f32 to vector<16xf32>
      %jit3A_3351 = arith.constant 64 : i32
      %eq3A_3352 = arith.constant 0 : i32
      %eq3A_3353 = arith.cmpi eq, %jit3A_3351, %eq3A_3352 : i32
      %jit3A_3354 = arith.constant 1 : i32
      %select_n3A_3355 = arith.select %eq3A_3353, %jit3A_3354, %jit3A_3351 : i32
      %rem3A_3356 = vector.broadcast %select_n3A_3355 : i32 to vector<16xi32>
      %rem3A_3357 = arith.remsi %get3A_3315, %rem3A_3356 : vector<16xi32>
      %ne3A_3358 = arith.constant 0 : i32
      %ne3A_3359 = vector.broadcast %ne3A_3358 : i32 to vector<16xi32>
      %ne3A_3360 = arith.cmpi ne, %rem3A_3357, %ne3A_3359 : vector<16xi32>
      %lt3A_3361 = arith.constant 0 : i32
      %lt3A_3362 = vector.broadcast %lt3A_3361 : i32 to vector<16xi32>
      %lt3A_3363 = arith.cmpi slt, %rem3A_3357, %lt3A_3362 : vector<16xi32>
      %lt3A_3364 = arith.constant 0 : i32
      %lt3A_3365 = arith.cmpi slt, %select_n3A_3355, %lt3A_3364 : i32
      %ne3A_3366 = vector.broadcast %lt3A_3365 : i1 to vector<16xi1>
      %ne3A_3367 = vector.broadcast %ne3A_3366 : vector<16xi1> to vector<16xi1>
      %ne3A_3368 = arith.xori %lt3A_3363, %ne3A_3367 : vector<16xi1>
      %and3A_3369 = arith.andi %ne3A_3368, %ne3A_3360 : vector<16xi1>
      %add3A_3370 = vector.broadcast %select_n3A_3355 : i32 to vector<16xi32>
      %add3A_3371 = arith.addi %rem3A_3357, %add3A_3370 : vector<16xi32>
      %select_n3A_3372 = arith.select %and3A_3369, %add3A_3371, %rem3A_3357 : vector<16xi1>, vector<16xi32>
      tpu.vector_store_idx %arg10[%select_n3A_3372, %get3A_3312], %broadcast_in_dim3A_3350 masked %eq3A_3348 : memref<64x512xf32, #tpu.memory_space<vmem>>[vector<16xi32>, vector<16xi32>], vector<16xf32>, vector<16xi1>
      %get3A_3373 = arith.index_cast %select_n3A_3034 : i32 to index
      %get3A_3374 = arith.constant 0 : index
      %get3A_3375 = tpu.vector_load %arg16[%get3A_3373, %get3A_3374] {strides = array<i32>} : memref<4x48xi32, #tpu.memory_space<vmem>>, vector<16xi32>,
      %get3A_3376 = arith.index_cast %select_n3A_3034 : i32 to index
      %get3A_3377 = arith.constant 0 : index
      %get3A_3378 = tpu.vector_load %arg17[%get3A_3376, %get3A_3377] {strides = array<i32>} : memref<4x48xi32, #tpu.memory_space<vmem>>, vector<16xi32>,
      %jit3A_3379 = arith.constant 64 : i32
      %div3A_3380 = vector.broadcast %jit3A_3379 : i32 to vector<16xi32>
      %div3A_3381 = arith.divsi %get3A_3378, %div3A_3380 : vector<16xi32>
      %sign3A_3382 = arith.constant 0 : i32
      %sign3A_3383 = vector.broadcast %sign3A_3382 : i32 to vector<16xi32>
      %sign3A_3384 = arith.cmpi sgt, %get3A_3378, %sign3A_3383 : vector<16xi32>
      %sign3A_3385 = arith.extui %sign3A_3384 : vector<16xi1> to vector<16xi32>
      %sign3A_3386 = arith.constant 0 : i32
      %sign3A_3387 = vector.broadcast %sign3A_3386 : i32 to vector<16xi32>
      %sign3A_3388 = arith.cmpi slt, %get3A_3378, %sign3A_3387 : vector<16xi32>
      %sign3A_3389 = arith.extui %sign3A_3388 : vector<16xi1> to vector<16xi32>
      %sign3A_3390 = arith.subi %sign3A_3385, %sign3A_3389 : vector<16xi32>
      %sign3A_3391 = arith.constant 0 : i32
      %sign3A_3392 = arith.cmpi sgt, %jit3A_3379, %sign3A_3391 : i32
      %sign3A_3393 = arith.extui %sign3A_3392 : i1 to i32
      %sign3A_3394 = arith.constant 0 : i32
      %sign3A_3395 = arith.cmpi slt, %jit3A_3379, %sign3A_3394 : i32
      %sign3A_3396 = arith.extui %sign3A_3395 : i1 to i32
      %sign3A_3397 = arith.subi %sign3A_3393, %sign3A_3396 : i32
      %ne3A_3398 = vector.broadcast %sign3A_3397 : i32 to vector<16xi32>
      %ne3A_3399 = arith.cmpi ne, %sign3A_3390, %ne3A_3398 : vector<16xi32>
      %rem3A_3400 = vector.broadcast %jit3A_3379 : i32 to vector<16xi32>
      %rem3A_3401 = arith.remsi %get3A_3378, %rem3A_3400 : vector<16xi32>
      %ne3A_3402 = arith.constant 0 : i32
      %ne3A_3403 = vector.broadcast %ne3A_3402 : i32 to vector<16xi32>
      %ne3A_3404 = arith.cmpi ne, %rem3A_3401, %ne3A_3403 : vector<16xi32>
      %and3A_3405 = arith.andi %ne3A_3399, %ne3A_3404 : vector<16xi1>
      %sub3A_3406 = arith.constant 1 : i32
      %sub3A_3407 = vector.broadcast %sub3A_3406 : i32 to vector<16xi32>
      %sub3A_3408 = arith.subi %div3A_3381, %sub3A_3407 : vector<16xi32>
      %select_n3A_3409 = arith.select %and3A_3405, %sub3A_3408, %div3A_3381 : vector<16xi1>, vector<16xi32>
      %eq3A_3410 = vector.broadcast %select_n3A_3090 : i32 to vector<16xi32>
      %eq3A_3411 = arith.cmpi eq, %select_n3A_3409, %eq3A_3410 : vector<16xi32>
      %mul3A_3412 = arith.constant 2 : i32
      %mul3A_3413 = arith.muli %mul3A_3412, %select_n3A_3034 : i32
      %add3A_3414 = arith.addi %mul3A_3413, %select_n3A_3074 : i32
      %get3A_3415 = arith.index_cast %add3A_3414 : i32 to index
      %get3A_3416 = arith.constant 0 : index
      %get3A_3417 = tpu.vector_load %arg18[%get3A_3415, %get3A_3416] {strides = array<i32>} : memref<8x48xf32, #tpu.memory_space<vmem>>, vector<16xf32>,
      %jit3A_3418 = arith.constant 64 : i32
      %eq3A_3419 = arith.constant 0 : i32
      %eq3A_3420 = arith.cmpi eq, %jit3A_3418, %eq3A_3419 : i32
      %jit3A_3421 = arith.constant 1 : i32
      %select_n3A_3422 = arith.select %eq3A_3420, %jit3A_3421, %jit3A_3418 : i32
      %rem3A_3423 = vector.broadcast %select_n3A_3422 : i32 to vector<16xi32>
      %rem3A_3424 = arith.remsi %get3A_3378, %rem3A_3423 : vector<16xi32>
      %ne3A_3425 = arith.constant 0 : i32
      %ne3A_3426 = vector.broadcast %ne3A_3425 : i32 to vector<16xi32>
      %ne3A_3427 = arith.cmpi ne, %rem3A_3424, %ne3A_3426 : vector<16xi32>
      %lt3A_3428 = arith.constant 0 : i32
      %lt3A_3429 = vector.broadcast %lt3A_3428 : i32 to vector<16xi32>
      %lt3A_3430 = arith.cmpi slt, %rem3A_3424, %lt3A_3429 : vector<16xi32>
      %lt3A_3431 = arith.constant 0 : i32
      %lt3A_3432 = arith.cmpi slt, %select_n3A_3422, %lt3A_3431 : i32
      %ne3A_3433 = vector.broadcast %lt3A_3432 : i1 to vector<16xi1>
      %ne3A_3434 = vector.broadcast %ne3A_3433 : vector<16xi1> to vector<16xi1>
      %ne3A_3435 = arith.xori %lt3A_3430, %ne3A_3434 : vector<16xi1>
      %and3A_3436 = arith.andi %ne3A_3435, %ne3A_3427 : vector<16xi1>
      %add3A_3437 = vector.broadcast %select_n3A_3422 : i32 to vector<16xi32>
      %add3A_3438 = arith.addi %rem3A_3424, %add3A_3437 : vector<16xi32>
      %select_n3A_3439 = arith.select %and3A_3436, %add3A_3438, %rem3A_3424 : vector<16xi1>, vector<16xi32>
      tpu.vector_store_idx %arg10[%select_n3A_3439, %get3A_3375], %get3A_3417 masked %eq3A_3411 : memref<64x512xf32, #tpu.memory_space<vmem>>[vector<16xi32>, vector<16xi32>], vector<16xf32>, vector<16xi1>
      %get3A_3440 = arith.index_cast %select_n3A_3034 : i32 to index
      %get3A_3441 = arith.constant 16 : index
      %get3A_3442 = tpu.vector_load %arg16[%get3A_3440, %get3A_3441] {strides = array<i32>} : memref<4x48xi32, #tpu.memory_space<vmem>>, vector<16xi32>,
      %get3A_3443 = arith.index_cast %select_n3A_3034 : i32 to index
      %get3A_3444 = arith.constant 16 : index
      %get3A_3445 = tpu.vector_load %arg17[%get3A_3443, %get3A_3444] {strides = array<i32>} : memref<4x48xi32, #tpu.memory_space<vmem>>, vector<16xi32>,
      %jit3A_3446 = arith.constant 64 : i32
      %div3A_3447 = vector.broadcast %jit3A_3446 : i32 to vector<16xi32>
      %div3A_3448 = arith.divsi %get3A_3445, %div3A_3447 : vector<16xi32>
      %sign3A_3449 = arith.constant 0 : i32
      %sign3A_3450 = vector.broadcast %sign3A_3449 : i32 to vector<16xi32>
      %sign3A_3451 = arith.cmpi sgt, %get3A_3445, %sign3A_3450 : vector<16xi32>
      %sign3A_3452 = arith.extui %sign3A_3451 : vector<16xi1> to vector<16xi32>
      %sign3A_3453 = arith.constant 0 : i32
      %sign3A_3454 = vector.broadcast %sign3A_3453 : i32 to vector<16xi32>
      %sign3A_3455 = arith.cmpi slt, %get3A_3445, %sign3A_3454 : vector<16xi32>
      %sign3A_3456 = arith.extui %sign3A_3455 : vector<16xi1> to vector<16xi32>
      %sign3A_3457 = arith.subi %sign3A_3452, %sign3A_3456 : vector<16xi32>
      %sign3A_3458 = arith.constant 0 : i32
      %sign3A_3459 = arith.cmpi sgt, %jit3A_3446, %sign3A_3458 : i32
      %sign3A_3460 = arith.extui %sign3A_3459 : i1 to i32
      %sign3A_3461 = arith.constant 0 : i32
      %sign3A_3462 = arith.cmpi slt, %jit3A_3446, %sign3A_3461 : i32
      %sign3A_3463 = arith.extui %sign3A_3462 : i1 to i32
      %sign3A_3464 = arith.subi %sign3A_3460, %sign3A_3463 : i32
      %ne3A_3465 = vector.broadcast %sign3A_3464 : i32 to vector<16xi32>
      %ne3A_3466 = arith.cmpi ne, %sign3A_3457, %ne3A_3465 : vector<16xi32>
      %rem3A_3467 = vector.broadcast %jit3A_3446 : i32 to vector<16xi32>
      %rem3A_3468 = arith.remsi %get3A_3445, %rem3A_3467 : vector<16xi32>
      %ne3A_3469 = arith.constant 0 : i32
      %ne3A_3470 = vector.broadcast %ne3A_3469 : i32 to vector<16xi32>
      %ne3A_3471 = arith.cmpi ne, %rem3A_3468, %ne3A_3470 : vector<16xi32>
      %and3A_3472 = arith.andi %ne3A_3466, %ne3A_3471 : vector<16xi1>
      %sub3A_3473 = arith.constant 1 : i32
      %sub3A_3474 = vector.broadcast %sub3A_3473 : i32 to vector<16xi32>
      %sub3A_3475 = arith.subi %div3A_3448, %sub3A_3474 : vector<16xi32>
      %select_n3A_3476 = arith.select %and3A_3472, %sub3A_3475, %div3A_3448 : vector<16xi1>, vector<16xi32>
      %eq3A_3477 = vector.broadcast %select_n3A_3090 : i32 to vector<16xi32>
      %eq3A_3478 = arith.cmpi eq, %select_n3A_3476, %eq3A_3477 : vector<16xi32>
      %mul3A_3479 = arith.constant 2 : i32
      %mul3A_3480 = arith.muli %mul3A_3479, %select_n3A_3034 : i32
      %add3A_3481 = arith.addi %mul3A_3480, %select_n3A_3074 : i32
      %get3A_3482 = arith.index_cast %add3A_3481 : i32 to index
      %get3A_3483 = arith.constant 16 : index
      %get3A_3484 = tpu.vector_load %arg18[%get3A_3482, %get3A_3483] {strides = array<i32>} : memref<8x48xf32, #tpu.memory_space<vmem>>, vector<16xf32>,
      %jit3A_3485 = arith.constant 64 : i32
      %eq3A_3486 = arith.constant 0 : i32
      %eq3A_3487 = arith.cmpi eq, %jit3A_3485, %eq3A_3486 : i32
      %jit3A_3488 = arith.constant 1 : i32
      %select_n3A_3489 = arith.select %eq3A_3487, %jit3A_3488, %jit3A_3485 : i32
      %rem3A_3490 = vector.broadcast %select_n3A_3489 : i32 to vector<16xi32>
      %rem3A_3491 = arith.remsi %get3A_3445, %rem3A_3490 : vector<16xi32>
      %ne3A_3492 = arith.constant 0 : i32
      %ne3A_3493 = vector.broadcast %ne3A_3492 : i32 to vector<16xi32>
      %ne3A_3494 = arith.cmpi ne, %rem3A_3491, %ne3A_3493 : vector<16xi32>
      %lt3A_3495 = arith.constant 0 : i32
      %lt3A_3496 = vector.broadcast %lt3A_3495 : i32 to vector<16xi32>
      %lt3A_3497 = arith.cmpi slt, %rem3A_3491, %lt3A_3496 : vector<16xi32>
      %lt3A_3498 = arith.constant 0 : i32
      %lt3A_3499 = arith.cmpi slt, %select_n3A_3489, %lt3A_3498 : i32
      %ne3A_3500 = vector.broadcast %lt3A_3499 : i1 to vector<16xi1>
      %ne3A_3501 = vector.broadcast %ne3A_3500 : vector<16xi1> to vector<16xi1>
      %ne3A_3502 = arith.xori %lt3A_3497, %ne3A_3501 : vector<16xi1>
      %and3A_3503 = arith.andi %ne3A_3502, %ne3A_3494 : vector<16xi1>
      %add3A_3504 = vector.broadcast %select_n3A_3489 : i32 to vector<16xi32>
      %add3A_3505 = arith.addi %rem3A_3491, %add3A_3504 : vector<16xi32>
      %select_n3A_3506 = arith.select %and3A_3503, %add3A_3505, %rem3A_3491 : vector<16xi1>, vector<16xi32>
      tpu.vector_store_idx %arg10[%select_n3A_3506, %get3A_3442], %get3A_3484 masked %eq3A_3478 : memref<64x512xf32, #tpu.memory_space<vmem>>[vector<16xi32>, vector<16xi32>], vector<16xf32>, vector<16xi1>
      %get3A_3507 = arith.index_cast %select_n3A_3034 : i32 to index
      %get3A_3508 = arith.constant 32 : index
      %get3A_3509 = tpu.vector_load %arg16[%get3A_3507, %get3A_3508] {strides = array<i32>} : memref<4x48xi32, #tpu.memory_space<vmem>>, vector<16xi32>,
      %get3A_3510 = arith.index_cast %select_n3A_3034 : i32 to index
      %get3A_3511 = arith.constant 32 : index
      %get3A_3512 = tpu.vector_load %arg17[%get3A_3510, %get3A_3511] {strides = array<i32>} : memref<4x48xi32, #tpu.memory_space<vmem>>, vector<16xi32>,
      %jit3A_3513 = arith.constant 64 : i32
      %div3A_3514 = vector.broadcast %jit3A_3513 : i32 to vector<16xi32>
      %div3A_3515 = arith.divsi %get3A_3512, %div3A_3514 : vector<16xi32>
      %sign3A_3516 = arith.constant 0 : i32
      %sign3A_3517 = vector.broadcast %sign3A_3516 : i32 to vector<16xi32>
      %sign3A_3518 = arith.cmpi sgt, %get3A_3512, %sign3A_3517 : vector<16xi32>
      %sign3A_3519 = arith.extui %sign3A_3518 : vector<16xi1> to vector<16xi32>
      %sign3A_3520 = arith.constant 0 : i32
      %sign3A_3521 = vector.broadcast %sign3A_3520 : i32 to vector<16xi32>
      %sign3A_3522 = arith.cmpi slt, %get3A_3512, %sign3A_3521 : vector<16xi32>
      %sign3A_3523 = arith.extui %sign3A_3522 : vector<16xi1> to vector<16xi32>
      %sign3A_3524 = arith.subi %sign3A_3519, %sign3A_3523 : vector<16xi32>
      %sign3A_3525 = arith.constant 0 : i32
      %sign3A_3526 = arith.cmpi sgt, %jit3A_3513, %sign3A_3525 : i32
      %sign3A_3527 = arith.extui %sign3A_3526 : i1 to i32
      %sign3A_3528 = arith.constant 0 : i32
      %sign3A_3529 = arith.cmpi slt, %jit3A_3513, %sign3A_3528 : i32
      %sign3A_3530 = arith.extui %sign3A_3529 : i1 to i32
      %sign3A_3531 = arith.subi %sign3A_3527, %sign3A_3530 : i32
      %ne3A_3532 = vector.broadcast %sign3A_3531 : i32 to vector<16xi32>
      %ne3A_3533 = arith.cmpi ne, %sign3A_3524, %ne3A_3532 : vector<16xi32>
      %rem3A_3534 = vector.broadcast %jit3A_3513 : i32 to vector<16xi32>
      %rem3A_3535 = arith.remsi %get3A_3512, %rem3A_3534 : vector<16xi32>
      %ne3A_3536 = arith.constant 0 : i32
      %ne3A_3537 = vector.broadcast %ne3A_3536 : i32 to vector<16xi32>
      %ne3A_3538 = arith.cmpi ne, %rem3A_3535, %ne3A_3537 : vector<16xi32>
      %and3A_3539 = arith.andi %ne3A_3533, %ne3A_3538 : vector<16xi1>
      %sub3A_3540 = arith.constant 1 : i32
      %sub3A_3541 = vector.broadcast %sub3A_3540 : i32 to vector<16xi32>
      %sub3A_3542 = arith.subi %div3A_3515, %sub3A_3541 : vector<16xi32>
      %select_n3A_3543 = arith.select %and3A_3539, %sub3A_3542, %div3A_3515 : vector<16xi1>, vector<16xi32>
      %eq3A_3544 = vector.broadcast %select_n3A_3090 : i32 to vector<16xi32>
      %eq3A_3545 = arith.cmpi eq, %select_n3A_3543, %eq3A_3544 : vector<16xi32>
      %mul3A_3546 = arith.constant 2 : i32
      %mul3A_3547 = arith.muli %mul3A_3546, %select_n3A_3034 : i32
      %add3A_3548 = arith.addi %mul3A_3547, %select_n3A_3074 : i32
      %get3A_3549 = arith.index_cast %add3A_3548 : i32 to index
      %get3A_3550 = arith.constant 32 : index
      %get3A_3551 = tpu.vector_load %arg18[%get3A_3549, %get3A_3550] {strides = array<i32>} : memref<8x48xf32, #tpu.memory_space<vmem>>, vector<16xf32>,
      %jit3A_3552 = arith.constant 64 : i32
      %eq3A_3553 = arith.constant 0 : i32
      %eq3A_3554 = arith.cmpi eq, %jit3A_3552, %eq3A_3553 : i32
      %jit3A_3555 = arith.constant 1 : i32
      %select_n3A_3556 = arith.select %eq3A_3554, %jit3A_3555, %jit3A_3552 : i32
      %rem3A_3557 = vector.broadcast %select_n3A_3556 : i32 to vector<16xi32>
      %rem3A_3558 = arith.remsi %get3A_3512, %rem3A_3557 : vector<16xi32>
      %ne3A_3559 = arith.constant 0 : i32
      %ne3A_3560 = vector.broadcast %ne3A_3559 : i32 to vector<16xi32>
      %ne3A_3561 = arith.cmpi ne, %rem3A_3558, %ne3A_3560 : vector<16xi32>
      %lt3A_3562 = arith.constant 0 : i32
      %lt3A_3563 = vector.broadcast %lt3A_3562 : i32 to vector<16xi32>
      %lt3A_3564 = arith.cmpi slt, %rem3A_3558, %lt3A_3563 : vector<16xi32>
      %lt3A_3565 = arith.constant 0 : i32
      %lt3A_3566 = arith.cmpi slt, %select_n3A_3556, %lt3A_3565 : i32
      %ne3A_3567 = vector.broadcast %lt3A_3566 : i1 to vector<16xi1>
      %ne3A_3568 = vector.broadcast %ne3A_3567 : vector<16xi1> to vector<16xi1>
      %ne3A_3569 = arith.xori %lt3A_3564, %ne3A_3568 : vector<16xi1>
      %and3A_3570 = arith.andi %ne3A_3569, %ne3A_3561 : vector<16xi1>
      %add3A_3571 = vector.broadcast %select_n3A_3556 : i32 to vector<16xi32>
      %add3A_3572 = arith.addi %rem3A_3558, %add3A_3571 : vector<16xi32>
      %select_n3A_3573 = arith.select %and3A_3570, %add3A_3572, %rem3A_3558 : vector<16xi1>, vector<16xi32>
      tpu.vector_store_idx %arg10[%select_n3A_3573, %get3A_3509], %get3A_3551 masked %eq3A_3545 : memref<64x512xf32, #tpu.memory_space<vmem>>[vector<16xi32>, vector<16xi32>], vector<16xf32>, vector<16xi1>
      %mul3A_3574 = arith.constant 64 : i32
      %mul3A_3575 = arith.muli %select_n3A_3090, %mul3A_3574 : i32
      %dma_start3A_3576 = arith.constant 0 : i32
      %dma_start3A_3577 = tpu.memref_slice %arg7[%add3A_3093, %select_n3A_3074, %mul3A_3575, %dma_start3A_3576] : memref<128x2x512x512xf32, #tpu.memory_space<hbm>> -> memref<1x1x64x512xf32, #tpu.memory_space<hbm>>
      %dma_start3A_3578 = tpu.memref_squeeze %dma_start3A_3577 : memref<1x1x64x512xf32, #tpu.memory_space<hbm>> -> memref<64x512xf32, #tpu.memory_space<hbm>>
      %dma_start3A_3579 = arith.constant 0 : i32
      %dma_start3A_3580 = tpu.memref_slice %arg7[%add3A_3093, %select_n3A_3074, %mul3A_3575, %dma_start3A_3579] : memref<128x2x512x512xf32, #tpu.memory_space<hbm>> -> memref<1x1x64x512xf32, #tpu.memory_space<hbm>>
      %dma_start3A_3581 = tpu.memref_squeeze %dma_start3A_3580 : memref<1x1x64x512xf32, #tpu.memory_space<hbm>> -> memref<64x512xf32, #tpu.memory_space<hbm>>
      tpu.enqueue_dma source(%arg10 : memref<64x512xf32, #tpu.memory_space<vmem>>) target(%dma_start3A_3581 : memref<64x512xf32, #tpu.memory_space<hbm>>) target_semaphore(%arg21 : memref<!tpu.dma_semaphore, #tpu.memory_space<semaphore_mem>>)
    }
    %scan3A_1394 = arith.constant 20 : i32
    %mul3A_1395 = arith.constant 4 : i32
    %mul3A_1396 = arith.muli %add3A, %mul3A_1395 : i32
    %add3A_1397 = arith.constant 3 : i32
    %add3A_1398 = arith.addi %mul3A_1396, %add3A_1397 : i32
    %dma_wait3A_1399 = arith.constant 1 : i32
    %dma_wait3A_1400 = arith.constant 448 : i32
    %dma_wait3A_1401 = arith.constant 0 : i32
    %dma_wait3A_1402 = tpu.memref_slice %arg7[%add3A_1398, %dma_wait3A_1399, %dma_wait3A_1400, %dma_wait3A_1401] : memref<128x2x512x512xf32, #tpu.memory_space<hbm>> -> memref<1x1x64x512xf32, #tpu.memory_space<hbm>>
    %dma_wait3A_1403 = tpu.memref_squeeze %dma_wait3A_1402 : memref<1x1x64x512xf32, #tpu.memory_space<hbm>> -> memref<64x512xf32, #tpu.memory_space<hbm>>
    %dma_wait3A_1404 = arith.constant 448 : i32
    %dma_wait3A_1405 = arith.constant 0 : i32
    %dma_wait3A_1406 = tpu.memref_slice %arg7[%add3A_1398, %dma_wait3A_1399, %dma_wait3A_1404, %dma_wait3A_1405] : memref<128x2x512x512xf32, #tpu.memory_space<hbm>> -> memref<1x1x64x512xf32, #tpu.memory_space<hbm>>
    %dma_wait3A_1407 = tpu.memref_squeeze %dma_wait3A_1406 : memref<1x1x64x512xf32, #tpu.memory_space<hbm>> -> memref<64x512xf32, #tpu.memory_space<hbm>>
    tpu.wait_dma2 semaphore(%arg19 : memref<!tpu.dma_semaphore, #tpu.memory_space<semaphore_mem>>) src(%arg8 : memref<64x512xf32, #tpu.memory_space<vmem>>) dst(%dma_wait3A_1407 : memref<64x512xf32, #tpu.memory_space<hbm>>)
    %get3A_1408 = arith.constant 3 : i32
    %get3A_1409 = arith.index_cast %get3A_1408 : i32 to index
    %get3A_1410 = arith.constant 0 : index
    %get3A_1411 = tpu.vector_load %arg16[%get3A_1409, %get3A_1410] {strides = array<i32>} : memref<4x48xi32, #tpu.memory_space<vmem>>, vector<16xi32>,
    %get3A_1412 = arith.constant 3 : i32
    %get3A_1413 = arith.index_cast %get3A_1412 : i32 to index
    %get3A_1414 = arith.constant 0 : index
    %get3A_1415 = tpu.vector_load %arg17[%get3A_1413, %get3A_1414] {strides = array<i32>} : memref<4x48xi32, #tpu.memory_space<vmem>>, vector<16xi32>,
    %jit3A_1416 = arith.constant 64 : i32
    %div3A_1417 = vector.broadcast %jit3A_1416 : i32 to vector<16xi32>
    %div3A_1418 = arith.divsi %get3A_1415, %div3A_1417 : vector<16xi32>
    %sign3A_1419 = arith.constant 0 : i32
    %sign3A_1420 = vector.broadcast %sign3A_1419 : i32 to vector<16xi32>
    %sign3A_1421 = arith.cmpi sgt, %get3A_1415, %sign3A_1420 : vector<16xi32>
    %sign3A_1422 = arith.extui %sign3A_1421 : vector<16xi1> to vector<16xi32>
    %sign3A_1423 = arith.constant 0 : i32
    %sign3A_1424 = vector.broadcast %sign3A_1423 : i32 to vector<16xi32>
    %sign3A_1425 = arith.cmpi slt, %get3A_1415, %sign3A_1424 : vector<16xi32>
    %sign3A_1426 = arith.extui %sign3A_1425 : vector<16xi1> to vector<16xi32>
    %sign3A_1427 = arith.subi %sign3A_1422, %sign3A_1426 : vector<16xi32>
    %sign3A_1428 = arith.constant 0 : i32
    %sign3A_1429 = arith.cmpi sgt, %jit3A_1416, %sign3A_1428 : i32
    %sign3A_1430 = arith.extui %sign3A_1429 : i1 to i32
    %sign3A_1431 = arith.constant 0 : i32
    %sign3A_1432 = arith.cmpi slt, %jit3A_1416, %sign3A_1431 : i32
    %sign3A_1433 = arith.extui %sign3A_1432 : i1 to i32
    %sign3A_1434 = arith.subi %sign3A_1430, %sign3A_1433 : i32
    %ne3A_1435 = vector.broadcast %sign3A_1434 : i32 to vector<16xi32>
    %ne3A_1436 = arith.cmpi ne, %sign3A_1427, %ne3A_1435 : vector<16xi32>
    %rem3A_1437 = vector.broadcast %jit3A_1416 : i32 to vector<16xi32>
    %rem3A_1438 = arith.remsi %get3A_1415, %rem3A_1437 : vector<16xi32>
    %ne3A_1439 = arith.constant 0 : i32
    %ne3A_1440 = vector.broadcast %ne3A_1439 : i32 to vector<16xi32>
    %ne3A_1441 = arith.cmpi ne, %rem3A_1438, %ne3A_1440 : vector<16xi32>
    %and3A_1442 = arith.andi %ne3A_1436, %ne3A_1441 : vector<16xi1>
    %sub3A_1443 = arith.constant 1 : i32
    %sub3A_1444 = vector.broadcast %sub3A_1443 : i32 to vector<16xi32>
    %sub3A_1445 = arith.subi %div3A_1418, %sub3A_1444 : vector<16xi32>
    %select_n3A_1446 = arith.select %and3A_1442, %sub3A_1445, %div3A_1418 : vector<16xi1>, vector<16xi32>
    %eq3A_1447 = arith.constant 4 : i32
    %eq3A_1448 = vector.broadcast %eq3A_1447 : i32 to vector<16xi32>
    %eq3A_1449 = arith.cmpi eq, %select_n3A_1446, %eq3A_1448 : vector<16xi32>
    %broadcast_in_dim3A_1450 = arith.constant 0.000000e+00 : f32
    %broadcast_in_dim3A_1451 = vector.broadcast %broadcast_in_dim3A_1450 : f32 to vector<16xf32>
    %jit3A_1452 = arith.constant 64 : i32
    %eq3A_1453 = arith.constant 0 : i32
    %eq3A_1454 = arith.cmpi eq, %jit3A_1452, %eq3A_1453 : i32
    %jit3A_1455 = arith.constant 1 : i32
    %select_n3A_1456 = arith.select %eq3A_1454, %jit3A_1455, %jit3A_1452 : i32
    %rem3A_1457 = vector.broadcast %select_n3A_1456 : i32 to vector<16xi32>
    %rem3A_1458 = arith.remsi %get3A_1415, %rem3A_1457 : vector<16xi32>
    %ne3A_1459 = arith.constant 0 : i32
    %ne3A_1460 = vector.broadcast %ne3A_1459 : i32 to vector<16xi32>
    %ne3A_1461 = arith.cmpi ne, %rem3A_1458, %ne3A_1460 : vector<16xi32>
    %lt3A_1462 = arith.constant 0 : i32
    %lt3A_1463 = vector.broadcast %lt3A_1462 : i32 to vector<16xi32>
    %lt3A_1464 = arith.cmpi slt, %rem3A_1458, %lt3A_1463 : vector<16xi32>
    %lt3A_1465 = arith.constant 0 : i32
    %lt3A_1466 = arith.cmpi slt, %select_n3A_1456, %lt3A_1465 : i32
    %ne3A_1467 = vector.broadcast %lt3A_1466 : i1 to vector<16xi1>
    %ne3A_1468 = vector.broadcast %ne3A_1467 : vector<16xi1> to vector<16xi1>
    %ne3A_1469 = arith.xori %lt3A_1464, %ne3A_1468 : vector<16xi1>
    %and3A_1470 = arith.andi %ne3A_1469, %ne3A_1461 : vector<16xi1>
    %add3A_1471 = vector.broadcast %select_n3A_1456 : i32 to vector<16xi32>
    %add3A_1472 = arith.addi %rem3A_1458, %add3A_1471 : vector<16xi32>
    %select_n3A_1473 = arith.select %and3A_1470, %add3A_1472, %rem3A_1458 : vector<16xi1>, vector<16xi32>
    tpu.vector_store_idx %arg8[%select_n3A_1473, %get3A_1411], %broadcast_in_dim3A_1451 masked %eq3A_1449 : memref<64x512xf32, #tpu.memory_space<vmem>>[vector<16xi32>, vector<16xi32>], vector<16xf32>, vector<16xi1>
    %get3A_1474 = arith.constant 3 : i32
    %get3A_1475 = arith.index_cast %get3A_1474 : i32 to index
    %get3A_1476 = arith.constant 16 : index
    %get3A_1477 = tpu.vector_load %arg16[%get3A_1475, %get3A_1476] {strides = array<i32>} : memref<4x48xi32, #tpu.memory_space<vmem>>, vector<16xi32>,
    %get3A_1478 = arith.constant 3 : i32
    %get3A_1479 = arith.index_cast %get3A_1478 : i32 to index
    %get3A_1480 = arith.constant 16 : index
    %get3A_1481 = tpu.vector_load %arg17[%get3A_1479, %get3A_1480] {strides = array<i32>} : memref<4x48xi32, #tpu.memory_space<vmem>>, vector<16xi32>,
    %jit3A_1482 = arith.constant 64 : i32
    %div3A_1483 = vector.broadcast %jit3A_1482 : i32 to vector<16xi32>
    %div3A_1484 = arith.divsi %get3A_1481, %div3A_1483 : vector<16xi32>
    %sign3A_1485 = arith.constant 0 : i32
    %sign3A_1486 = vector.broadcast %sign3A_1485 : i32 to vector<16xi32>
    %sign3A_1487 = arith.cmpi sgt, %get3A_1481, %sign3A_1486 : vector<16xi32>
    %sign3A_1488 = arith.extui %sign3A_1487 : vector<16xi1> to vector<16xi32>
    %sign3A_1489 = arith.constant 0 : i32
    %sign3A_1490 = vector.broadcast %sign3A_1489 : i32 to vector<16xi32>
    %sign3A_1491 = arith.cmpi slt, %get3A_1481, %sign3A_1490 : vector<16xi32>
    %sign3A_1492 = arith.extui %sign3A_1491 : vector<16xi1> to vector<16xi32>
    %sign3A_1493 = arith.subi %sign3A_1488, %sign3A_1492 : vector<16xi32>
    %sign3A_1494 = arith.constant 0 : i32
    %sign3A_1495 = arith.cmpi sgt, %jit3A_1482, %sign3A_1494 : i32
    %sign3A_1496 = arith.extui %sign3A_1495 : i1 to i32
    %sign3A_1497 = arith.constant 0 : i32
    %sign3A_1498 = arith.cmpi slt, %jit3A_1482, %sign3A_1497 : i32
    %sign3A_1499 = arith.extui %sign3A_1498 : i1 to i32
    %sign3A_1500 = arith.subi %sign3A_1496, %sign3A_1499 : i32
    %ne3A_1501 = vector.broadcast %sign3A_1500 : i32 to vector<16xi32>
    %ne3A_1502 = arith.cmpi ne, %sign3A_1493, %ne3A_1501 : vector<16xi32>
    %rem3A_1503 = vector.broadcast %jit3A_1482 : i32 to vector<16xi32>
    %rem3A_1504 = arith.remsi %get3A_1481, %rem3A_1503 : vector<16xi32>
    %ne3A_1505 = arith.constant 0 : i32
    %ne3A_1506 = vector.broadcast %ne3A_1505 : i32 to vector<16xi32>
    %ne3A_1507 = arith.cmpi ne, %rem3A_1504, %ne3A_1506 : vector<16xi32>
    %and3A_1508 = arith.andi %ne3A_1502, %ne3A_1507 : vector<16xi1>
    %sub3A_1509 = arith.constant 1 : i32
    %sub3A_1510 = vector.broadcast %sub3A_1509 : i32 to vector<16xi32>
    %sub3A_1511 = arith.subi %div3A_1484, %sub3A_1510 : vector<16xi32>
    %select_n3A_1512 = arith.select %and3A_1508, %sub3A_1511, %div3A_1484 : vector<16xi1>, vector<16xi32>
    %eq3A_1513 = arith.constant 4 : i32
    %eq3A_1514 = vector.broadcast %eq3A_1513 : i32 to vector<16xi32>
    %eq3A_1515 = arith.cmpi eq, %select_n3A_1512, %eq3A_1514 : vector<16xi32>
    %broadcast_in_dim3A_1516 = arith.constant 0.000000e+00 : f32
    %broadcast_in_dim3A_1517 = vector.broadcast %broadcast_in_dim3A_1516 : f32 to vector<16xf32>
    %jit3A_1518 = arith.constant 64 : i32
    %eq3A_1519 = arith.constant 0 : i32
    %eq3A_1520 = arith.cmpi eq, %jit3A_1518, %eq3A_1519 : i32
    %jit3A_1521 = arith.constant 1 : i32
    %select_n3A_1522 = arith.select %eq3A_1520, %jit3A_1521, %jit3A_1518 : i32
    %rem3A_1523 = vector.broadcast %select_n3A_1522 : i32 to vector<16xi32>
    %rem3A_1524 = arith.remsi %get3A_1481, %rem3A_1523 : vector<16xi32>
    %ne3A_1525 = arith.constant 0 : i32
    %ne3A_1526 = vector.broadcast %ne3A_1525 : i32 to vector<16xi32>
    %ne3A_1527 = arith.cmpi ne, %rem3A_1524, %ne3A_1526 : vector<16xi32>
    %lt3A_1528 = arith.constant 0 : i32
    %lt3A_1529 = vector.broadcast %lt3A_1528 : i32 to vector<16xi32>
    %lt3A_1530 = arith.cmpi slt, %rem3A_1524, %lt3A_1529 : vector<16xi32>
    %lt3A_1531 = arith.constant 0 : i32
    %lt3A_1532 = arith.cmpi slt, %select_n3A_1522, %lt3A_1531 : i32
    %ne3A_1533 = vector.broadcast %lt3A_1532 : i1 to vector<16xi1>
    %ne3A_1534 = vector.broadcast %ne3A_1533 : vector<16xi1> to vector<16xi1>
    %ne3A_1535 = arith.xori %lt3A_1530, %ne3A_1534 : vector<16xi1>
    %and3A_1536 = arith.andi %ne3A_1535, %ne3A_1527 : vector<16xi1>
    %add3A_1537 = vector.broadcast %select_n3A_1522 : i32 to vector<16xi32>
    %add3A_1538 = arith.addi %rem3A_1524, %add3A_1537 : vector<16xi32>
    %select_n3A_1539 = arith.select %and3A_1536, %add3A_1538, %rem3A_1524 : vector<16xi1>, vector<16xi32>
    tpu.vector_store_idx %arg8[%select_n3A_1539, %get3A_1477], %broadcast_in_dim3A_1517 masked %eq3A_1515 : memref<64x512xf32, #tpu.memory_space<vmem>>[vector<16xi32>, vector<16xi32>], vector<16xf32>, vector<16xi1>
    %get3A_1540 = arith.constant 3 : i32
    %get3A_1541 = arith.index_cast %get3A_1540 : i32 to index
    %get3A_1542 = arith.constant 32 : index
    %get3A_1543 = tpu.vector_load %arg16[%get3A_1541, %get3A_1542] {strides = array<i32>} : memref<4x48xi32, #tpu.memory_space<vmem>>, vector<16xi32>,
    %get3A_1544 = arith.constant 3 : i32
    %get3A_1545 = arith.index_cast %get3A_1544 : i32 to index
    %get3A_1546 = arith.constant 32 : index
    %get3A_1547 = tpu.vector_load %arg17[%get3A_1545, %get3A_1546] {strides = array<i32>} : memref<4x48xi32, #tpu.memory_space<vmem>>, vector<16xi32>,
    %jit3A_1548 = arith.constant 64 : i32
    %div3A_1549 = vector.broadcast %jit3A_1548 : i32 to vector<16xi32>
    %div3A_1550 = arith.divsi %get3A_1547, %div3A_1549 : vector<16xi32>
    %sign3A_1551 = arith.constant 0 : i32
    %sign3A_1552 = vector.broadcast %sign3A_1551 : i32 to vector<16xi32>
    %sign3A_1553 = arith.cmpi sgt, %get3A_1547, %sign3A_1552 : vector<16xi32>
    %sign3A_1554 = arith.extui %sign3A_1553 : vector<16xi1> to vector<16xi32>
    %sign3A_1555 = arith.constant 0 : i32
    %sign3A_1556 = vector.broadcast %sign3A_1555 : i32 to vector<16xi32>
    %sign3A_1557 = arith.cmpi slt, %get3A_1547, %sign3A_1556 : vector<16xi32>
    %sign3A_1558 = arith.extui %sign3A_1557 : vector<16xi1> to vector<16xi32>
    %sign3A_1559 = arith.subi %sign3A_1554, %sign3A_1558 : vector<16xi32>
    %sign3A_1560 = arith.constant 0 : i32
    %sign3A_1561 = arith.cmpi sgt, %jit3A_1548, %sign3A_1560 : i32
    %sign3A_1562 = arith.extui %sign3A_1561 : i1 to i32
    %sign3A_1563 = arith.constant 0 : i32
    %sign3A_1564 = arith.cmpi slt, %jit3A_1548, %sign3A_1563 : i32
    %sign3A_1565 = arith.extui %sign3A_1564 : i1 to i32
    %sign3A_1566 = arith.subi %sign3A_1562, %sign3A_1565 : i32
    %ne3A_1567 = vector.broadcast %sign3A_1566 : i32 to vector<16xi32>
    %ne3A_1568 = arith.cmpi ne, %sign3A_1559, %ne3A_1567 : vector<16xi32>
    %rem3A_1569 = vector.broadcast %jit3A_1548 : i32 to vector<16xi32>
    %rem3A_1570 = arith.remsi %get3A_1547, %rem3A_1569 : vector<16xi32>
    %ne3A_1571 = arith.constant 0 : i32
    %ne3A_1572 = vector.broadcast %ne3A_1571 : i32 to vector<16xi32>
    %ne3A_1573 = arith.cmpi ne, %rem3A_1570, %ne3A_1572 : vector<16xi32>
    %and3A_1574 = arith.andi %ne3A_1568, %ne3A_1573 : vector<16xi1>
    %sub3A_1575 = arith.constant 1 : i32
    %sub3A_1576 = vector.broadcast %sub3A_1575 : i32 to vector<16xi32>
    %sub3A_1577 = arith.subi %div3A_1550, %sub3A_1576 : vector<16xi32>
    %select_n3A_1578 = arith.select %and3A_1574, %sub3A_1577, %div3A_1550 : vector<16xi1>, vector<16xi32>
    %eq3A_1579 = arith.constant 4 : i32
    %eq3A_1580 = vector.broadcast %eq3A_1579 : i32 to vector<16xi32>
    %eq3A_1581 = arith.cmpi eq, %select_n3A_1578, %eq3A_1580 : vector<16xi32>
    %broadcast_in_dim3A_1582 = arith.constant 0.000000e+00 : f32
    %broadcast_in_dim3A_1583 = vector.broadcast %broadcast_in_dim3A_1582 : f32 to vector<16xf32>
    %jit3A_1584 = arith.constant 64 : i32
    %eq3A_1585 = arith.constant 0 : i32
    %eq3A_1586 = arith.cmpi eq, %jit3A_1584, %eq3A_1585 : i32
    %jit3A_1587 = arith.constant 1 : i32
    %select_n3A_1588 = arith.select %eq3A_1586, %jit3A_1587, %jit3A_1584 : i32
    %rem3A_1589 = vector.broadcast %select_n3A_1588 : i32 to vector<16xi32>
    %rem3A_1590 = arith.remsi %get3A_1547, %rem3A_1589 : vector<16xi32>
    %ne3A_1591 = arith.constant 0 : i32
    %ne3A_1592 = vector.broadcast %ne3A_1591 : i32 to vector<16xi32>
    %ne3A_1593 = arith.cmpi ne, %rem3A_1590, %ne3A_1592 : vector<16xi32>
    %lt3A_1594 = arith.constant 0 : i32
    %lt3A_1595 = vector.broadcast %lt3A_1594 : i32 to vector<16xi32>
    %lt3A_1596 = arith.cmpi slt, %rem3A_1590, %lt3A_1595 : vector<16xi32>
    %lt3A_1597 = arith.constant 0 : i32
    %lt3A_1598 = arith.cmpi slt, %select_n3A_1588, %lt3A_1597 : i32
    %ne3A_1599 = vector.broadcast %lt3A_1598 : i1 to vector<16xi1>
    %ne3A_1600 = vector.broadcast %ne3A_1599 : vector<16xi1> to vector<16xi1>
    %ne3A_1601 = arith.xori %lt3A_1596, %ne3A_1600 : vector<16xi1>
    %and3A_1602 = arith.andi %ne3A_1601, %ne3A_1593 : vector<16xi1>
    %add3A_1603 = vector.broadcast %select_n3A_1588 : i32 to vector<16xi32>
    %add3A_1604 = arith.addi %rem3A_1590, %add3A_1603 : vector<16xi32>
    %select_n3A_1605 = arith.select %and3A_1602, %add3A_1604, %rem3A_1590 : vector<16xi1>, vector<16xi32>
    tpu.vector_store_idx %arg8[%select_n3A_1605, %get3A_1543], %broadcast_in_dim3A_1583 masked %eq3A_1581 : memref<64x512xf32, #tpu.memory_space<vmem>>[vector<16xi32>, vector<16xi32>], vector<16xf32>, vector<16xi1>
    %get3A_1606 = arith.constant 3 : i32
    %get3A_1607 = arith.index_cast %get3A_1606 : i32 to index
    %get3A_1608 = arith.constant 0 : index
    %get3A_1609 = tpu.vector_load %arg16[%get3A_1607, %get3A_1608] {strides = array<i32>} : memref<4x48xi32, #tpu.memory_space<vmem>>, vector<16xi32>,
    %get3A_1610 = arith.constant 3 : i32
    %get3A_1611 = arith.index_cast %get3A_1610 : i32 to index
    %get3A_1612 = arith.constant 0 : index
    %get3A_1613 = tpu.vector_load %arg17[%get3A_1611, %get3A_1612] {strides = array<i32>} : memref<4x48xi32, #tpu.memory_space<vmem>>, vector<16xi32>,
    %jit3A_1614 = arith.constant 64 : i32
    %div3A_1615 = vector.broadcast %jit3A_1614 : i32 to vector<16xi32>
    %div3A_1616 = arith.divsi %get3A_1613, %div3A_1615 : vector<16xi32>
    %sign3A_1617 = arith.constant 0 : i32
    %sign3A_1618 = vector.broadcast %sign3A_1617 : i32 to vector<16xi32>
    %sign3A_1619 = arith.cmpi sgt, %get3A_1613, %sign3A_1618 : vector<16xi32>
    %sign3A_1620 = arith.extui %sign3A_1619 : vector<16xi1> to vector<16xi32>
    %sign3A_1621 = arith.constant 0 : i32
    %sign3A_1622 = vector.broadcast %sign3A_1621 : i32 to vector<16xi32>
    %sign3A_1623 = arith.cmpi slt, %get3A_1613, %sign3A_1622 : vector<16xi32>
    %sign3A_1624 = arith.extui %sign3A_1623 : vector<16xi1> to vector<16xi32>
    %sign3A_1625 = arith.subi %sign3A_1620, %sign3A_1624 : vector<16xi32>
    %sign3A_1626 = arith.constant 0 : i32
    %sign3A_1627 = arith.cmpi sgt, %jit3A_1614, %sign3A_1626 : i32
    %sign3A_1628 = arith.extui %sign3A_1627 : i1 to i32
    %sign3A_1629 = arith.constant 0 : i32
    %sign3A_1630 = arith.cmpi slt, %jit3A_1614, %sign3A_1629 : i32
    %sign3A_1631 = arith.extui %sign3A_1630 : i1 to i32
    %sign3A_1632 = arith.subi %sign3A_1628, %sign3A_1631 : i32
    %ne3A_1633 = vector.broadcast %sign3A_1632 : i32 to vector<16xi32>
    %ne3A_1634 = arith.cmpi ne, %sign3A_1625, %ne3A_1633 : vector<16xi32>
    %rem3A_1635 = vector.broadcast %jit3A_1614 : i32 to vector<16xi32>
    %rem3A_1636 = arith.remsi %get3A_1613, %rem3A_1635 : vector<16xi32>
    %ne3A_1637 = arith.constant 0 : i32
    %ne3A_1638 = vector.broadcast %ne3A_1637 : i32 to vector<16xi32>
    %ne3A_1639 = arith.cmpi ne, %rem3A_1636, %ne3A_1638 : vector<16xi32>
    %and3A_1640 = arith.andi %ne3A_1634, %ne3A_1639 : vector<16xi1>
    %sub3A_1641 = arith.constant 1 : i32
    %sub3A_1642 = vector.broadcast %sub3A_1641 : i32 to vector<16xi32>
    %sub3A_1643 = arith.subi %div3A_1616, %sub3A_1642 : vector<16xi32>
    %select_n3A_1644 = arith.select %and3A_1640, %sub3A_1643, %div3A_1616 : vector<16xi1>, vector<16xi32>
    %eq3A_1645 = arith.constant 7 : i32
    %eq3A_1646 = vector.broadcast %eq3A_1645 : i32 to vector<16xi32>
    %eq3A_1647 = arith.cmpi eq, %select_n3A_1644, %eq3A_1646 : vector<16xi32>
    %get3A_1648 = arith.constant 7 : i32
    %get3A_1649 = arith.index_cast %get3A_1648 : i32 to index
    %get3A_1650 = arith.constant 0 : index
    %get3A_1651 = tpu.vector_load %arg18[%get3A_1649, %get3A_1650] {strides = array<i32>} : memref<8x48xf32, #tpu.memory_space<vmem>>, vector<16xf32>,
    %jit3A_1652 = arith.constant 64 : i32
    %eq3A_1653 = arith.constant 0 : i32
    %eq3A_1654 = arith.cmpi eq, %jit3A_1652, %eq3A_1653 : i32
    %jit3A_1655 = arith.constant 1 : i32
    %select_n3A_1656 = arith.select %eq3A_1654, %jit3A_1655, %jit3A_1652 : i32
    %rem3A_1657 = vector.broadcast %select_n3A_1656 : i32 to vector<16xi32>
    %rem3A_1658 = arith.remsi %get3A_1613, %rem3A_1657 : vector<16xi32>
    %ne3A_1659 = arith.constant 0 : i32
    %ne3A_1660 = vector.broadcast %ne3A_1659 : i32 to vector<16xi32>
    %ne3A_1661 = arith.cmpi ne, %rem3A_1658, %ne3A_1660 : vector<16xi32>
    %lt3A_1662 = arith.constant 0 : i32
    %lt3A_1663 = vector.broadcast %lt3A_1662 : i32 to vector<16xi32>
    %lt3A_1664 = arith.cmpi slt, %rem3A_1658, %lt3A_1663 : vector<16xi32>
    %lt3A_1665 = arith.constant 0 : i32
    %lt3A_1666 = arith.cmpi slt, %select_n3A_1656, %lt3A_1665 : i32
    %ne3A_1667 = vector.broadcast %lt3A_1666 : i1 to vector<16xi1>
    %ne3A_1668 = vector.broadcast %ne3A_1667 : vector<16xi1> to vector<16xi1>
    %ne3A_1669 = arith.xori %lt3A_1664, %ne3A_1668 : vector<16xi1>
    %and3A_1670 = arith.andi %ne3A_1669, %ne3A_1661 : vector<16xi1>
    %add3A_1671 = vector.broadcast %select_n3A_1656 : i32 to vector<16xi32>
    %add3A_1672 = arith.addi %rem3A_1658, %add3A_1671 : vector<16xi32>
    %select_n3A_1673 = arith.select %and3A_1670, %add3A_1672, %rem3A_1658 : vector<16xi1>, vector<16xi32>
    tpu.vector_store_idx %arg8[%select_n3A_1673, %get3A_1609], %get3A_1651 masked %eq3A_1647 : memref<64x512xf32, #tpu.memory_space<vmem>>[vector<16xi32>, vector<16xi32>], vector<16xf32>, vector<16xi1>
    %get3A_1674 = arith.constant 3 : i32
    %get3A_1675 = arith.index_cast %get3A_1674 : i32 to index
    %get3A_1676 = arith.constant 16 : index
    %get3A_1677 = tpu.vector_load %arg16[%get3A_1675, %get3A_1676] {strides = array<i32>} : memref<4x48xi32, #tpu.memory_space<vmem>>, vector<16xi32>,
    %get3A_1678 = arith.constant 3 : i32
    %get3A_1679 = arith.index_cast %get3A_1678 : i32 to index
    %get3A_1680 = arith.constant 16 : index
    %get3A_1681 = tpu.vector_load %arg17[%get3A_1679, %get3A_1680] {strides = array<i32>} : memref<4x48xi32, #tpu.memory_space<vmem>>, vector<16xi32>,
    %jit3A_1682 = arith.constant 64 : i32
    %div3A_1683 = vector.broadcast %jit3A_1682 : i32 to vector<16xi32>
    %div3A_1684 = arith.divsi %get3A_1681, %div3A_1683 : vector<16xi32>
    %sign3A_1685 = arith.constant 0 : i32
    %sign3A_1686 = vector.broadcast %sign3A_1685 : i32 to vector<16xi32>
    %sign3A_1687 = arith.cmpi sgt, %get3A_1681, %sign3A_1686 : vector<16xi32>
    %sign3A_1688 = arith.extui %sign3A_1687 : vector<16xi1> to vector<16xi32>
    %sign3A_1689 = arith.constant 0 : i32
    %sign3A_1690 = vector.broadcast %sign3A_1689 : i32 to vector<16xi32>
    %sign3A_1691 = arith.cmpi slt, %get3A_1681, %sign3A_1690 : vector<16xi32>
    %sign3A_1692 = arith.extui %sign3A_1691 : vector<16xi1> to vector<16xi32>
    %sign3A_1693 = arith.subi %sign3A_1688, %sign3A_1692 : vector<16xi32>
    %sign3A_1694 = arith.constant 0 : i32
    %sign3A_1695 = arith.cmpi sgt, %jit3A_1682, %sign3A_1694 : i32
    %sign3A_1696 = arith.extui %sign3A_1695 : i1 to i32
    %sign3A_1697 = arith.constant 0 : i32
    %sign3A_1698 = arith.cmpi slt, %jit3A_1682, %sign3A_1697 : i32
    %sign3A_1699 = arith.extui %sign3A_1698 : i1 to i32
    %sign3A_1700 = arith.subi %sign3A_1696, %sign3A_1699 : i32
    %ne3A_1701 = vector.broadcast %sign3A_1700 : i32 to vector<16xi32>
    %ne3A_1702 = arith.cmpi ne, %sign3A_1693, %ne3A_1701 : vector<16xi32>
    %rem3A_1703 = vector.broadcast %jit3A_1682 : i32 to vector<16xi32>
    %rem3A_1704 = arith.remsi %get3A_1681, %rem3A_1703 : vector<16xi32>
    %ne3A_1705 = arith.constant 0 : i32
    %ne3A_1706 = vector.broadcast %ne3A_1705 : i32 to vector<16xi32>
    %ne3A_1707 = arith.cmpi ne, %rem3A_1704, %ne3A_1706 : vector<16xi32>
    %and3A_1708 = arith.andi %ne3A_1702, %ne3A_1707 : vector<16xi1>
    %sub3A_1709 = arith.constant 1 : i32
    %sub3A_1710 = vector.broadcast %sub3A_1709 : i32 to vector<16xi32>
    %sub3A_1711 = arith.subi %div3A_1684, %sub3A_1710 : vector<16xi32>
    %select_n3A_1712 = arith.select %and3A_1708, %sub3A_1711, %div3A_1684 : vector<16xi1>, vector<16xi32>
    %eq3A_1713 = arith.constant 7 : i32
    %eq3A_1714 = vector.broadcast %eq3A_1713 : i32 to vector<16xi32>
    %eq3A_1715 = arith.cmpi eq, %select_n3A_1712, %eq3A_1714 : vector<16xi32>
    %get3A_1716 = arith.constant 7 : i32
    %get3A_1717 = arith.index_cast %get3A_1716 : i32 to index
    %get3A_1718 = arith.constant 16 : index
    %get3A_1719 = tpu.vector_load %arg18[%get3A_1717, %get3A_1718] {strides = array<i32>} : memref<8x48xf32, #tpu.memory_space<vmem>>, vector<16xf32>,
    %jit3A_1720 = arith.constant 64 : i32
    %eq3A_1721 = arith.constant 0 : i32
    %eq3A_1722 = arith.cmpi eq, %jit3A_1720, %eq3A_1721 : i32
    %jit3A_1723 = arith.constant 1 : i32
    %select_n3A_1724 = arith.select %eq3A_1722, %jit3A_1723, %jit3A_1720 : i32
    %rem3A_1725 = vector.broadcast %select_n3A_1724 : i32 to vector<16xi32>
    %rem3A_1726 = arith.remsi %get3A_1681, %rem3A_1725 : vector<16xi32>
    %ne3A_1727 = arith.constant 0 : i32
    %ne3A_1728 = vector.broadcast %ne3A_1727 : i32 to vector<16xi32>
    %ne3A_1729 = arith.cmpi ne, %rem3A_1726, %ne3A_1728 : vector<16xi32>
    %lt3A_1730 = arith.constant 0 : i32
    %lt3A_1731 = vector.broadcast %lt3A_1730 : i32 to vector<16xi32>
    %lt3A_1732 = arith.cmpi slt, %rem3A_1726, %lt3A_1731 : vector<16xi32>
    %lt3A_1733 = arith.constant 0 : i32
    %lt3A_1734 = arith.cmpi slt, %select_n3A_1724, %lt3A_1733 : i32
    %ne3A_1735 = vector.broadcast %lt3A_1734 : i1 to vector<16xi1>
    %ne3A_1736 = vector.broadcast %ne3A_1735 : vector<16xi1> to vector<16xi1>
    %ne3A_1737 = arith.xori %lt3A_1732, %ne3A_1736 : vector<16xi1>
    %and3A_1738 = arith.andi %ne3A_1737, %ne3A_1729 : vector<16xi1>
    %add3A_1739 = vector.broadcast %select_n3A_1724 : i32 to vector<16xi32>
    %add3A_1740 = arith.addi %rem3A_1726, %add3A_1739 : vector<16xi32>
    %select_n3A_1741 = arith.select %and3A_1738, %add3A_1740, %rem3A_1726 : vector<16xi1>, vector<16xi32>
    tpu.vector_store_idx %arg8[%select_n3A_1741, %get3A_1677], %get3A_1719 masked %eq3A_1715 : memref<64x512xf32, #tpu.memory_space<vmem>>[vector<16xi32>, vector<16xi32>], vector<16xf32>, vector<16xi1>
    %get3A_1742 = arith.constant 3 : i32
    %get3A_1743 = arith.index_cast %get3A_1742 : i32 to index
    %get3A_1744 = arith.constant 32 : index
    %get3A_1745 = tpu.vector_load %arg16[%get3A_1743, %get3A_1744] {strides = array<i32>} : memref<4x48xi32, #tpu.memory_space<vmem>>, vector<16xi32>,
    %get3A_1746 = arith.constant 3 : i32
    %get3A_1747 = arith.index_cast %get3A_1746 : i32 to index
    %get3A_1748 = arith.constant 32 : index
    %get3A_1749 = tpu.vector_load %arg17[%get3A_1747, %get3A_1748] {strides = array<i32>} : memref<4x48xi32, #tpu.memory_space<vmem>>, vector<16xi32>,
    %jit3A_1750 = arith.constant 64 : i32
    %div3A_1751 = vector.broadcast %jit3A_1750 : i32 to vector<16xi32>
    %div3A_1752 = arith.divsi %get3A_1749, %div3A_1751 : vector<16xi32>
    %sign3A_1753 = arith.constant 0 : i32
    %sign3A_1754 = vector.broadcast %sign3A_1753 : i32 to vector<16xi32>
    %sign3A_1755 = arith.cmpi sgt, %get3A_1749, %sign3A_1754 : vector<16xi32>
    %sign3A_1756 = arith.extui %sign3A_1755 : vector<16xi1> to vector<16xi32>
    %sign3A_1757 = arith.constant 0 : i32
    %sign3A_1758 = vector.broadcast %sign3A_1757 : i32 to vector<16xi32>
    %sign3A_1759 = arith.cmpi slt, %get3A_1749, %sign3A_1758 : vector<16xi32>
    %sign3A_1760 = arith.extui %sign3A_1759 : vector<16xi1> to vector<16xi32>
    %sign3A_1761 = arith.subi %sign3A_1756, %sign3A_1760 : vector<16xi32>
    %sign3A_1762 = arith.constant 0 : i32
    %sign3A_1763 = arith.cmpi sgt, %jit3A_1750, %sign3A_1762 : i32
    %sign3A_1764 = arith.extui %sign3A_1763 : i1 to i32
    %sign3A_1765 = arith.constant 0 : i32
    %sign3A_1766 = arith.cmpi slt, %jit3A_1750, %sign3A_1765 : i32
    %sign3A_1767 = arith.extui %sign3A_1766 : i1 to i32
    %sign3A_1768 = arith.subi %sign3A_1764, %sign3A_1767 : i32
    %ne3A_1769 = vector.broadcast %sign3A_1768 : i32 to vector<16xi32>
    %ne3A_1770 = arith.cmpi ne, %sign3A_1761, %ne3A_1769 : vector<16xi32>
    %rem3A_1771 = vector.broadcast %jit3A_1750 : i32 to vector<16xi32>
    %rem3A_1772 = arith.remsi %get3A_1749, %rem3A_1771 : vector<16xi32>
    %ne3A_1773 = arith.constant 0 : i32
    %ne3A_1774 = vector.broadcast %ne3A_1773 : i32 to vector<16xi32>
    %ne3A_1775 = arith.cmpi ne, %rem3A_1772, %ne3A_1774 : vector<16xi32>
    %and3A_1776 = arith.andi %ne3A_1770, %ne3A_1775 : vector<16xi1>
    %sub3A_1777 = arith.constant 1 : i32
    %sub3A_1778 = vector.broadcast %sub3A_1777 : i32 to vector<16xi32>
    %sub3A_1779 = arith.subi %div3A_1752, %sub3A_1778 : vector<16xi32>
    %select_n3A_1780 = arith.select %and3A_1776, %sub3A_1779, %div3A_1752 : vector<16xi1>, vector<16xi32>
    %eq3A_1781 = arith.constant 7 : i32
    %eq3A_1782 = vector.broadcast %eq3A_1781 : i32 to vector<16xi32>
    %eq3A_1783 = arith.cmpi eq, %select_n3A_1780, %eq3A_1782 : vector<16xi32>
    %get3A_1784 = arith.constant 7 : i32
    %get3A_1785 = arith.index_cast %get3A_1784 : i32 to index
    %get3A_1786 = arith.constant 32 : index
    %get3A_1787 = tpu.vector_load %arg18[%get3A_1785, %get3A_1786] {strides = array<i32>} : memref<8x48xf32, #tpu.memory_space<vmem>>, vector<16xf32>,
    %jit3A_1788 = arith.constant 64 : i32
    %eq3A_1789 = arith.constant 0 : i32
    %eq3A_1790 = arith.cmpi eq, %jit3A_1788, %eq3A_1789 : i32
    %jit3A_1791 = arith.constant 1 : i32
    %select_n3A_1792 = arith.select %eq3A_1790, %jit3A_1791, %jit3A_1788 : i32
    %rem3A_1793 = vector.broadcast %select_n3A_1792 : i32 to vector<16xi32>
    %rem3A_1794 = arith.remsi %get3A_1749, %rem3A_1793 : vector<16xi32>
    %ne3A_1795 = arith.constant 0 : i32
    %ne3A_1796 = vector.broadcast %ne3A_1795 : i32 to vector<16xi32>
    %ne3A_1797 = arith.cmpi ne, %rem3A_1794, %ne3A_1796 : vector<16xi32>
    %lt3A_1798 = arith.constant 0 : i32
    %lt3A_1799 = vector.broadcast %lt3A_1798 : i32 to vector<16xi32>
    %lt3A_1800 = arith.cmpi slt, %rem3A_1794, %lt3A_1799 : vector<16xi32>
    %lt3A_1801 = arith.constant 0 : i32
    %lt3A_1802 = arith.cmpi slt, %select_n3A_1792, %lt3A_1801 : i32
    %ne3A_1803 = vector.broadcast %lt3A_1802 : i1 to vector<16xi1>
    %ne3A_1804 = vector.broadcast %ne3A_1803 : vector<16xi1> to vector<16xi1>
    %ne3A_1805 = arith.xori %lt3A_1800, %ne3A_1804 : vector<16xi1>
    %and3A_1806 = arith.andi %ne3A_1805, %ne3A_1797 : vector<16xi1>
    %add3A_1807 = vector.broadcast %select_n3A_1792 : i32 to vector<16xi32>
    %add3A_1808 = arith.addi %rem3A_1794, %add3A_1807 : vector<16xi32>
    %select_n3A_1809 = arith.select %and3A_1806, %add3A_1808, %rem3A_1794 : vector<16xi1>, vector<16xi32>
    tpu.vector_store_idx %arg8[%select_n3A_1809, %get3A_1745], %get3A_1787 masked %eq3A_1783 : memref<64x512xf32, #tpu.memory_space<vmem>>[vector<16xi32>, vector<16xi32>], vector<16xf32>, vector<16xi1>
    %dma_start3A_1810 = arith.constant 1 : i32
    %dma_start3A_1811 = arith.constant 448 : i32
    %dma_start3A_1812 = arith.constant 0 : i32
    %dma_start3A_1813 = tpu.memref_slice %arg7[%add3A_1398, %dma_start3A_1810, %dma_start3A_1811, %dma_start3A_1812] : memref<128x2x512x512xf32, #tpu.memory_space<hbm>> -> memref<1x1x64x512xf32, #tpu.memory_space<hbm>>
    %dma_start3A_1814 = tpu.memref_squeeze %dma_start3A_1813 : memref<1x1x64x512xf32, #tpu.memory_space<hbm>> -> memref<64x512xf32, #tpu.memory_space<hbm>>
    %dma_start3A_1815 = arith.constant 448 : i32
    %dma_start3A_1816 = arith.constant 0 : i32
    %dma_start3A_1817 = tpu.memref_slice %arg7[%add3A_1398, %dma_start3A_1810, %dma_start3A_1815, %dma_start3A_1816] : memref<128x2x512x512xf32, #tpu.memory_space<hbm>> -> memref<1x1x64x512xf32, #tpu.memory_space<hbm>>
    %dma_start3A_1818 = tpu.memref_squeeze %dma_start3A_1817 : memref<1x1x64x512xf32, #tpu.memory_space<hbm>> -> memref<64x512xf32, #tpu.memory_space<hbm>>
    tpu.enqueue_dma source(%arg8 : memref<64x512xf32, #tpu.memory_space<vmem>>) target(%dma_start3A_1818 : memref<64x512xf32, #tpu.memory_space<hbm>>) target_semaphore(%arg19 : memref<!tpu.dma_semaphore, #tpu.memory_space<semaphore_mem>>)
    %mul3A_1819 = arith.constant 4 : i32
    %mul3A_1820 = arith.muli %add3A, %mul3A_1819 : i32
    %add3A_1821 = arith.constant 3 : i32
    %add3A_1822 = arith.addi %mul3A_1820, %add3A_1821 : i32
    %dma_wait3A_1823 = arith.constant 1 : i32
    %dma_wait3A_1824 = arith.constant 320 : i32
    %dma_wait3A_1825 = arith.constant 0 : i32
    %dma_wait3A_1826 = tpu.memref_slice %arg7[%add3A_1822, %dma_wait3A_1823, %dma_wait3A_1824, %dma_wait3A_1825] : memref<128x2x512x512xf32, #tpu.memory_space<hbm>> -> memref<1x1x64x512xf32, #tpu.memory_space<hbm>>
    %dma_wait3A_1827 = tpu.memref_squeeze %dma_wait3A_1826 : memref<1x1x64x512xf32, #tpu.memory_space<hbm>> -> memref<64x512xf32, #tpu.memory_space<hbm>>
    %dma_wait3A_1828 = arith.constant 320 : i32
    %dma_wait3A_1829 = arith.constant 0 : i32
    %dma_wait3A_1830 = tpu.memref_slice %arg7[%add3A_1822, %dma_wait3A_1823, %dma_wait3A_1828, %dma_wait3A_1829] : memref<128x2x512x512xf32, #tpu.memory_space<hbm>> -> memref<1x1x64x512xf32, #tpu.memory_space<hbm>>
    %dma_wait3A_1831 = tpu.memref_squeeze %dma_wait3A_1830 : memref<1x1x64x512xf32, #tpu.memory_space<hbm>> -> memref<64x512xf32, #tpu.memory_space<hbm>>
    tpu.wait_dma2 semaphore(%arg20 : memref<!tpu.dma_semaphore, #tpu.memory_space<semaphore_mem>>) src(%arg9 : memref<64x512xf32, #tpu.memory_space<vmem>>) dst(%dma_wait3A_1831 : memref<64x512xf32, #tpu.memory_space<hbm>>)
    %mul3A_1832 = arith.constant 4 : i32
    %mul3A_1833 = arith.muli %add3A, %mul3A_1832 : i32
    %add3A_1834 = arith.constant 3 : i32
    %add3A_1835 = arith.addi %mul3A_1833, %add3A_1834 : i32
    %dma_wait3A_1836 = arith.constant 1 : i32
    %dma_wait3A_1837 = arith.constant 384 : i32
    %dma_wait3A_1838 = arith.constant 0 : i32
    %dma_wait3A_1839 = tpu.memref_slice %arg7[%add3A_1835, %dma_wait3A_1836, %dma_wait3A_1837, %dma_wait3A_1838] : memref<128x2x512x512xf32, #tpu.memory_space<hbm>> -> memref<1x1x64x512xf32, #tpu.memory_space<hbm>>
    %dma_wait3A_1840 = tpu.memref_squeeze %dma_wait3A_1839 : memref<1x1x64x512xf32, #tpu.memory_space<hbm>> -> memref<64x512xf32, #tpu.memory_space<hbm>>
    %dma_wait3A_1841 = arith.constant 384 : i32
    %dma_wait3A_1842 = arith.constant 0 : i32
    %dma_wait3A_1843 = tpu.memref_slice %arg7[%add3A_1835, %dma_wait3A_1836, %dma_wait3A_1841, %dma_wait3A_1842] : memref<128x2x512x512xf32, #tpu.memory_space<hbm>> -> memref<1x1x64x512xf32, #tpu.memory_space<hbm>>
    %dma_wait3A_1844 = tpu.memref_squeeze %dma_wait3A_1843 : memref<1x1x64x512xf32, #tpu.memory_space<hbm>> -> memref<64x512xf32, #tpu.memory_space<hbm>>
    tpu.wait_dma2 semaphore(%arg21 : memref<!tpu.dma_semaphore, #tpu.memory_space<semaphore_mem>>) src(%arg10 : memref<64x512xf32, #tpu.memory_space<vmem>>) dst(%dma_wait3A_1844 : memref<64x512xf32, #tpu.memory_space<hbm>>)
    %mul3A_1845 = arith.constant 4 : i32
    %mul3A_1846 = arith.muli %add3A, %mul3A_1845 : i32
    %add3A_1847 = arith.constant 3 : i32
    %add3A_1848 = arith.addi %mul3A_1846, %add3A_1847 : i32
    %dma_wait3A_1849 = arith.constant 1 : i32
    %dma_wait3A_1850 = arith.constant 448 : i32
    %dma_wait3A_1851 = arith.constant 0 : i32
    %dma_wait3A_1852 = tpu.memref_slice %arg7[%add3A_1848, %dma_wait3A_1849, %dma_wait3A_1850, %dma_wait3A_1851] : memref<128x2x512x512xf32, #tpu.memory_space<hbm>> -> memref<1x1x64x512xf32, #tpu.memory_space<hbm>>
    %dma_wait3A_1853 = tpu.memref_squeeze %dma_wait3A_1852 : memref<1x1x64x512xf32, #tpu.memory_space<hbm>> -> memref<64x512xf32, #tpu.memory_space<hbm>>
    %dma_wait3A_1854 = arith.constant 448 : i32
    %dma_wait3A_1855 = arith.constant 0 : i32
    %dma_wait3A_1856 = tpu.memref_slice %arg7[%add3A_1848, %dma_wait3A_1849, %dma_wait3A_1854, %dma_wait3A_1855] : memref<128x2x512x512xf32, #tpu.memory_space<hbm>> -> memref<1x1x64x512xf32, #tpu.memory_space<hbm>>
    %dma_wait3A_1857 = tpu.memref_squeeze %dma_wait3A_1856 : memref<1x1x64x512xf32, #tpu.memory_space<hbm>> -> memref<64x512xf32, #tpu.memory_space<hbm>>
    tpu.wait_dma2 semaphore(%arg19 : memref<!tpu.dma_semaphore, #tpu.memory_space<semaphore_mem>>) src(%arg8 : memref<64x512xf32, #tpu.memory_space<vmem>>) dst(%dma_wait3A_1857 : memref<64x512xf32, #tpu.memory_space<hbm>>)
    return
  }
}

</mosaic_0001>

<sc_bundles>
// kernel: kernel.3.cloned.1.call-start
scs
__scs_entry_jumppad:
0x0: {  	(pc) =	sbr.rel $0x88, $3  }
0x1: {  	(tag) =	ssettag $0x0;
	lr =	simm.s32 $0x1  }
0x2: {  	[smem:$0x3F9C] =	sst lr;
	_ =	strace $0xD0000000  }
0x3: {  	_ = 	snop  }
0x4: {  	_ = 	snop  }
0x5: {  	_ = 	snop  }
0x6: {  	_ = 	snop  }
0x7: {  	_ = 	snop  }
__scs_overlays_trampoline_lowered:
0x8: {  	[smem:$0x3FAB] =	sst s0  }
0x9: {  	[smem:$0x3FAC] =	sst s1  }
0xa: {  	[smem:$0x3FAD] =	sst s2  }
0xb: {  	[smem:$0x3FAE] =	sst s3  }
0xc: {  	[smem:$0x3FAF] =	sst s4  }
0xd: {  	[smem:$0x3FB0] =	sst s5  }
0xe: {  	[smem:$0x3FB1] =	sst s6  }
0xf: {  	[smem:$0x3FB2] =	sst s7  }
0x10: {  	[smem:$0x3FB3] =	sst s8  }
0x11: {  	[smem:$0x3FB4] =	sst s9;
	s0 =	simm.s32 @!p0 $0x0  }
0x12: {  	s1 =	sld [smem:$0x3F9A];
	s0 =	simm.s32 @p0 $0x1  }
0x13: {  	[smem:$0x3FB5] =	sst s0;
	s0 =	simm.s32 @!p1 $0x0  }
0x14: {  	s2 =	sld [smem:$0x3F99];
	s0 =	simm.s32 @p1 $0x1  }
0x15: {  	[smem:$0x3FB6] =	sst s0;
	s0 =	simm.s32 @!p2 $0x0  }
0x16: {  	s3 =	sld [smem:$0x3FDB];
	s0 =	simm.s32 @p2 $0x1  }
0x17: {  	s4 =	simm.s32 $0x1BF5;
	[smem:$0x3FB8] =	sst s0  }
0x18: {  	s0 =	sld [smem:$0x3F9B];
	_ =	swait.ge [sflag:s4], $0x0  }
0x19: {  	s7 =	sld [smem:$0x3F9C]  }
0x1a: {  	s8 =	sadd.s32 $0xFFFFE003, lr  }
0x1b: {  	s9 =	sadd.s32 $0xFFFFFEF7, lr;
	s5 =	simm.s32 $0xFFFFFFFF;
	p2 =	slt.u32 s8, $0xFFFFF086  }
0x1c: {  	p1 =	slt.u32 s9, $0xF7A;
	s5 =	simm.s32 @!p2 $0x0  }
0x1d: {  	s5 =	simm.s32 @p1 $0x1;
	p0 =	seq.s32 s7, s2  }
0x1e: {  	s7 =	smul.u32 @!p0 $0xF7A, s2;
	p2 =	seq.s32 @!p0 s5, $0x0  }
0x1f: {  	s9 =	smul.u32 $0xF7A, s1;
	s8 =	simm.s32 @!p0 $0x1BF5;
	p2 =	por !p2, p0  }
0x20: {  	[sflag:s8] =	ssyncset.s32 @!p0 $0xFFFFF086;
	s6 =	sadd.s32 @!p0 s3, s7;
	s7 =	simm.s32 @!p0 $0x108  }
0x21: {  	s3 =	sadd.s32 s3, s9;
	s6 =	sadd.s32 @!p0 $0x88, s6;
	s7 =	simm.s32 @p2 $0x1082  }
0x22: {  	[simem:s7], [sflag:s8] =	dma.local @!p0 [hbm:s6], $0xF7A  }
0x23: {  	s9 =	sor.u32 $0xD0000000, s2;
	s6 =	simm.s32 $0x108;
	_ =	swait.ge @!p0 [sflag:s8], $0x0  }
0x24: {  	s3 =	sadd.s32 $0x88, s3;
	s6 =	simm.s32 @!p1 $0x1082;
	[sflag:s4] =	ssyncset.s32 $0xFFFFF086  }
0x25: {  	[simem:s6], [sflag:s4] =	dma.local [hbm:s3], $0xF7A  }
0x26: {  	[smem:$0x3F9C] =	sst s1;
	(tag) =	ssettag s2;
	_ =	strace s9  }
0x27: {  	s1 =	sld [smem:$0x3FAC]  }
0x28: {  	s2 =	sld [smem:$0x3FAD]  }
0x29: {  	s4 =	sld [smem:$0x3FAF]  }
0x2a: {  	p0 =	seq.s32 s5, $0x0;
	s5 =	sld [smem:$0x3FB0]  }
0x2b: {  	s6 =	sld [smem:$0x3FB1]  }
0x2c: {  	s7 =	sld [smem:$0x3FB2]  }
0x2d: {  	s3 =	simm.s32 $0x108;
	s8 =	sld [smem:$0x3FB3]  }
0x2e: {  	s3 =	simm.s32 @!p0 $0x1082;
	s9 =	sld [smem:$0x3FB4]  }
0x2f: {  	lr =	sadd.s32 s0, s3;
	s0 =	sld [smem:$0x3FAB]  }
0x30: {  	s3 =	sld [smem:$0x3FAE]  }
0x31: {  	[smem:$0x3FB7] =	sst s10  }
0x32: {  	s10 =	sld [smem:$0x3FB5];
	_ =	sdelay $0x3  }
0x33: {  	p0 =	seq.s32 s10, $0x1;
	s10 =	sld [smem:$0x3FB7];
	_ =	sdelay $0x3  }
0x34: {  	[smem:$0x3FB7] =	sst s10  }
0x35: {  	s10 =	sld [smem:$0x3FB6];
	_ =	sdelay $0x3  }
0x36: {  	p1 =	seq.s32 s10, $0x1;
	s10 =	sld [smem:$0x3FB7];
	_ =	sdelay $0x3  }
0x37: {  	[smem:$0x3FB7] =	sst s10  }
0x38: {  	s10 =	sld [smem:$0x3FB8]  }
0x39: {  	_ = 	snop;
	(pc) =	sbr.ind lr, $3  }
0x3a: {  	_ = 	snop  }
0x3b: {  	_ = 	snop  }
0x3c: {  	p2 =	seq.s32 s10, $0x1;
	s10 =	sld [smem:$0x3FB7]  }
0x3d: {  	_ =	shalt  }
0x3e: {  	_ =	shalt  }
0x3f: {  	_ =	shalt  }
0x40: {  	_ =	shalt  }
0x41: {  	_ =	shalt  }
0x42: {  	_ =	shalt  }
0x43: {  	_ =	shalt  }
0x44: {  	_ =	shalt  }
0x45: {  	_ =	shalt  }
0x46: {  	_ =	shalt  }
0x47: {  	_ =	shalt  }
0x48: {  	_ =	shalt  }
0x49: {  	_ =	shalt  }
0x4a: {  	_ =	shalt  }
0x4b: {  	_ =	shalt  }
0x4c: {  	_ =	shalt  }
0x4d: {  	_ =	shalt  }
0x4e: {  	_ =	shalt  }
0x4f: {  	_ =	shalt  }
0x50: {  	_ =	shalt  }
0x51: {  	_ =	shalt  }
0x52: {  	_ =	shalt  }
0x53: {  	_ =	shalt  }
0x54: {  	_ =	shalt  }
0x55: {  	_ =	shalt  }
0x56: {  	_ =	shalt  }
0x57: {  	_ =	shalt  }
0x58: {  	_ =	shalt  }
0x59: {  	_ =	shalt  }
0x5a: {  	_ =	shalt  }
0x5b: {  	_ =	shalt  }
0x5c: {  	_ =	shalt  }
0x5d: {  	_ =	shalt  }
0x5e: {  	_ =	shalt  }
0x5f: {  	_ =	shalt  }
0x60: {  	_ =	shalt  }
0x61: {  	_ =	shalt  }
0x62: {  	_ =	shalt  }
0x63: {  	_ =	shalt  }
0x64: {  	_ =	shalt  }
0x65: {  	_ =	shalt  }
0x66: {  	_ =	shalt  }
0x67: {  	_ =	shalt  }
0x68: {  	_ =	shalt  }
0x69: {  	_ =	shalt  }
0x6a: {  	_ =	shalt  }
0x6b: {  	_ =	shalt  }
0x6c: {  	_ =	shalt  }
0x6d: {  	_ =	shalt  }
0x6e: {  	_ =	shalt  }
0x6f: {  	_ =	shalt  }
0x70: {  	_ =	shalt  }
0x71: {  	_ =	shalt  }
0x72: {  	_ =	shalt  }
0x73: {  	_ =	shalt  }
0x74: {  	_ =	shalt  }
0x75: {  	_ =	shalt  }
0x76: {  	_ =	shalt  }
0x77: {  	_ =	shalt  }
0x78: {  	_ =	shalt  }
0x79: {  	_ =	shalt  }
0x7a: {  	_ =	shalt  }
0x7b: {  	_ =	shalt  }
0x7c: {  	_ =	shalt  }
0x7d: {  	_ =	shalt  }
0x7e: {  	_ =	shalt  }
0x7f: {  	_ =	shalt  }
0x80: {  	_ =	shalt  }
0x81: {  	_ =	shalt  }
0x82: {  	_ =	shalt  }
0x83: {  	_ =	shalt  }
0x84: {  	_ =	shalt  }
0x85: {  	_ =	shalt  }
0x86: {  	_ =	shalt  }
0x87: {  	_ =	shalt  }
.Lfunc_end0:
.L_simem_size_0:
called_computation_lowered:
.L_overlay_start_0:
0x88: {  	s2 =	sld [smem:$0x3FD9]  }
0x89: {  	s3 =	sld [smem:$0x3FFE];
	_ =	sdelay $0x1  }
0x8a: {  	s1 =	srdreg.scid  }
0x8b: {  	s0 =	sand.u32 $0x1, s1  }
0x8c: {  	s17 =	sshll.u32 s0, $0xA;
	s2 =	sadd.s32 s3, s2  }
0x8d: {  	s2 =	sadd.s32 s2, s17  }
0x8e: {  	[smem:$0x3FC3] =	sst s2  }
0x8f: {  	_ = 	snop  }
0x90: {  	s2 =	sld [smem:$0x3FC8]  }
0x91: {  	s18 =	sld [smem:$0x3FC7]  }
0x92: {  	s4 =	sld [smem:$0x3FC6]  }
0x93: {  	s5 =	sld [smem:$0x3FC5]  }
0x94: {  	s6 =	sld [smem:$0x3FD0];
	(tm) =	ssettm $0x1  }
0x95: {  	s7 =	sld [smem:$0x3FFB];
	_ =	sdelay $0x3  }
0x96: {  	_ =	strace s7  }
0x97: {  	s7 =	sld [smem:$0x3FFC];
	_ =	sdelay $0x3  }
0x98: {  	_ =	strace s7  }
0x99: {  	s7 =	sld [smem:$0x3FFD];
	_ =	sdelay $0x3  }
0x9a: {  	_ =	strace s7  }
0x9b: {  	_ =	strace $0x8FFFFFFF  }
0x9c: {  	s19 =	sld [smem:$0x3FDB];
	_ =	sdelay $0x1  }
0x9d: {  	s8 =	simm.s32 $_scs_section_size  }
0x9e: {  	s9 =	simm.s32 $_size__tile_overlayer_lowered;
	s10 =	simm.s32 $_tile_overlayer_lowered  }
0x9f: {  	s22 =	simm.s32 $0x1BFF;
	s21 =	sshll.u32 s10, $0x1;
	s7 =	sadd.s32 s8, s19  }
0xa0: {  	s11 =	simm.s32 $0x0;
	s20 =	sshll.u32 s9, $0x1;
	s9 =	sadd.s32 s21, s7  }
0xa1: {  	[timem:s11], [sflag:s22] =	dma.local [hbm:s9], s20  }
0xa2: {  	_ =	swait.ge [sflag:s22], s20  }
0xa3: {  	s8 =	ssub.s32 $0x0, s20;
	[sflag:s22] =	ssyncset.done $0x0  }
0xa4: {  	[sflag:s22] =	ssyncadd.s32 s8;
	_ =	sdelay $0x1  }
0xa5: {  	s23 =	simm.s32 $0x1B8B  }
0xa6: {  	_ =	swait.ge [sflag:s23], $0x1  }
0xa7: {  	[sflag:s23] =	ssyncset.done $0x0  }
0xa8: {  	s25 =	simm.s32 $0x1B8E;
	s24 =	sld [smem:$0x3FFE];
	[sflag:s23] =	ssyncadd.s32 $0xFFFFFFFF  }
0xa9: {  	s26 =	simm.s32 $execute0_lowered;
	[smem:$0x3FD2] =	sst s25  }
0xaa: {  	s9 =	sshll.u32 s26, $0x1;
	_ =	strace $0x80000046;
	[dreg:$0x1] =	wrdreg $0xFFFFFFFF  }
0xab: {  	s28 =	simm.s32 $_size_execute0_lowered;
	s7 =	sadd.s32 s7, s9;
	[dreg:$0x0] =	wrdreg $0x0  }
0xac: {  	s9 =	sshll.u32 s28, $0x1;
	[dreg:$0x2] =	wrdreg s7  }
0xad: {  	[dreg:$0x3] =	wrdreg s9  }
0xae: {  	[dreg:$0x4] =	wrdreg $0xC0  }
0xaf: {  	_ =	task [dreg:s11], $0x5FFFF  }
0xb0: {  	[dreg:$0x1] =	wrdreg $0xFFFFFFFF  }
0xb1: {  	[dreg:$0x0] =	wrdreg $0x60  }
0xb2: {  	[dreg:$0x2] =	wrdreg s24  }
0xb3: {  	[dreg:$0x3] =	wrdreg s2  }
0xb4: {  	[dreg:$0x4] =	wrdreg s18  }
0xb5: {  	[dreg:$0x5] =	wrdreg s4  }
0xb6: {  	[dreg:$0x6] =	wrdreg s5  }
0xb7: {  	[dreg:$0x7] =	wrdreg s6  }
0xb8: {  	[dreg:$0x8] =	wrdreg $0x9  }
0xb9: {  	_ =	task.clear_ibuf [dreg:s11], $0x9FFFF;
	_ =	strace $0x90000046  }
0xba: {  	s29 =	simm.s32 $0x9;
	_ =	strace $0x80000048  }
0xbb: {  	_ =	swait.ge [sflag:s29], $0x1  }
0xbc: {  	[sflag:s29] =	ssyncadd.s32 $0xFFFFFFFF  }
0xbd: {  	_ =	strace $0x90000048  }
0xbe: {  	_ =	sfence  }
0xbf: {  	s30 =	sld [smem:$0x0];
	_ =	sdelay $0x2  }
0xc0: {  	s31 =	sshll.u32 s1, $0xD;
	s1 =	sshrl.u32 s1, $0x2  }
0xc1: {  	s3 =	sand.u32 $0x4000, s31;
	s1 =	sadd.s32 s1, s30  }
0xc2: {  	s0 =	sor.u32 s3, s0;
	s1 =	sshll.u32 s1, $0x11  }
0xc3: {  	s0 =	sor.u32 s1, s0  }
0xc4: {  	s0 =	sadd.s32 $0x8F2B, s0  }
0xc5: {  	[sflag:s0] =	ssyncadd.remote.s32 $0x1  }
0xc6: {  	_ =	sfence.sel $0xFFFF  }
0xc7: {  	[dreg:$0x0] =	wrdreg $0xFFFFFFFF;
	(pc) =	sbr.abs _section_cstart, $3  }
0xc8: {  	[dreg:$0x1] =	wrdreg $0xFFFFFFFF  }
0xc9: {  	_ =	task.clear_ibuf [dreg:s11], $0x2FFFF;
	_ =	strace $0x9FFFFFFF  }
0xca: {  	(tm) =	ssettm $0x7FFFFFFF  }
0xcb: {  	_ =	shalt  }
tec
execute0_lowered:
.L_overlay_start_1:
0x0: {  	(tag) =	ssettag $0x1  }
0x1: {  	v0 =	vlaneseq.u32;
	v2 =	vimm.f32 $0.0e+00  }
0x2: {  	v11 =	vimm.s32 $0x84;
	vm0 =	vcmask $0x300;
	v12 =	vimm.s32 $0x85  }
0x3: {  	v13 =	vimm.s32 $0x86;
	v14 =	vimm.s32 $0x87;
	v15 =	vimm.s32 $0x21  }
0x4: {  	v24 =	vimm.s32 $0x10C;
	v25 =	vimm.s32 $0x10D;
	v26 =	vimm.s32 $0x10E  }
0x5: {  	v27 =	vimm.s32 $0x10F;
	v36 =	vimm.s32 $0x194;
	v37 =	vimm.s32 $0x195  }
0x6: {  	v38 =	vimm.s32 $0x196;
	v39 =	vimm.s32 $0x197;
	v48 =	vimm.s32 $0x21C  }
0x7: {  	v49 =	vimm.s32 $0x21D;
	v50 =	vimm.s32 $0x21E;
	v51 =	vimm.s32 $0x21F  }
0x8: {  	v52 =	vimm.s32 $0x0;
	v1 =	vmul.u32 $0x4, v0;
	v10 =	vor.u32 $0x10, v0  }
0x9: {  	v11 =	vsel vm0, $0x80, v11;
	v12 =	vsel vm0, $0x81, v12;
	v13 =	vsel vm0, $0x82, v13  }
0xa: {  	v14 =	vsel vm0, $0x83, v14;
	v15 =	vsel vm0, $0x20, v15;
	v24 =	vsel vm0, $0x108, v24  }
0xb: {  	v25 =	vsel vm0, $0x109, v25;
	v26 =	vsel vm0, $0x10A, v26;
	v27 =	vsel vm0, $0x10B, v27  }
0xc: {  	v36 =	vsel vm0, $0x190, v36;
	v37 =	vsel vm0, $0x191, v37;
	v38 =	vsel vm0, $0x192, v38  }
0xd: {  	s0 =	rddreg [dreg:$0x0];
	s4 =	srdreg.scid;
	v39 =	vsel vm0, $0x193, v39;
	v48 =	vsel vm0, $0x218, v48;
	v49 =	vsel vm0, $0x219, v49  }
0xe: {  	s1 =	stileid.u32;
	s6 =	rddreg [dreg:$0x5];
	v50 =	vsel vm0, $0x21A, v50;
	v51 =	vsel vm0, $0x21B, v51;
	v3 =	vor.u32 $0x1, v1  }
0xf: {  	s7 =	simm.s32 $0x0;
	s16 =	simm.s32 $0x18280;
	s17 =	simm.s32 $0x18300;
	v4 =	vor.u32 $0x2, v1;
	v5 =	vor.u32 $0x3, v1;
	v6 =	vor.u32 $0x40, v1  }
0x10: {  	s18 =	simm.s32 $0x18380;
	s19 =	simm.s32 $0x18400;
	s20 =	simm.s32 $0x4;
	v7 =	vor.u32 $0x41, v1;
	v8 =	vor.u32 $0x42, v1;
	v9 =	vor.u32 $0x43, v1  }
0x11: {  	s21 =	simm.s32 $0x8000;
	s22 =	simm.s32 $0x10000;
	s23 =	simm.s32 $0x1;
	v16 =	vadd.s32 $0x88, v1;
	v17 =	vadd.s32 $0x89, v1;
	v18 =	vadd.s32 $0x8A, v1  }
0x12: {  	s24 =	simm.s32 $0x2;
	s4 =	sand.u32 $0x1, s4;
	s5 =	sshll.u32 s1, $0x1;
	v19 =	vadd.s32 $0x8B, v1;
	v20 =	vadd.s32 $0xC8, v1;
	v21 =	vadd.s32 $0xC9, v1  }
0x13: {  	s25 =	simm.s32 $0x3;
	s26 =	simm.s32 $0x0;
	s5 =	sor.u32 s4, s5;
	v22 =	vadd.s32 $0xCA, v1;
	v23 =	vadd.s32 $0xCB, v1;
	v28 =	vadd.s32 $0x110, v1  }
0x14: {  	[smem:$0x7FF] =	sst s7;
	s4 =	ssub.s32 $0x2, s4;
	v29 =	vadd.s32 $0x111, v1;
	v30 =	vadd.s32 $0x112, v1;
	v31 =	vadd.s32 $0x113, v1;
	s8 =	smul.u32 $0x44, s5  }
0x15: {  	_ =	strace $0x80000047;
	v32 =	vadd.s32 $0x150, v1;
	v33 =	vadd.s32 $0x151, v1;
	v34 =	vadd.s32 $0x152, v1;
	s9 =	sshrl.u32 s4, $0x1;
	s10 =	sshll.u32 s5, $0x12  }
0x16: {  	v35 =	vadd.s32 $0x153, v1;
	v40 =	vadd.s32 $0x198, v1;
	v41 =	vadd.s32 $0x199, v1;
	s4 =	ssub.s32 s4, s9;
	s0 =	sadd.s32 s8, s0;
	s8 =	sadd.s32 s6, s10  }
0x17: {  	v42 =	vadd.s32 $0x19A, v1;
	v43 =	vadd.s32 $0x19B, v1;
	v44 =	vadd.s32 $0x1D8, v1;
	s10 =	sshll.u32 s5, $0x2;
	s14 =	smax.u32 s4, $0x1;
	s9 =	sadd.s32 $0x400, s0  }
0x18: {  	v45 =	vadd.s32 $0x1D9, v1;
	v46 =	vadd.s32 $0x1DA, v1;
	v47 =	vadd.s32 $0x1DB, v1;
	s11 =	sadd.s32 $0x1000, s8;
	s12 =	sadd.s32 $0x2000, s8;
	s13 =	sadd.s32 $0x3F000, s8  }
.LBB2_1:
0x19: {  	s0 =	simm.s32 $0x18000  }
0x1a: {  	[tilespmem:s0], [sflag:$0x4] =	stream.linear.gather [hbm4b:s9+s7], $0x220, $0x38;
	[tilespmem:$0x18C80] =	vst v63  }
0x1b: {  	s3 =	rddreg [dreg:$0x1]  }
0x1c: {  	[tilespmem:s16], [sflag:$0x4] =	stream.linear.gather [hbm4b:s3+s7], $0x80, $0x38;
	[tilespmem:$0x18C80] =	vst v63  }
0x1d: {  	s4 =	rddreg [dreg:$0x2]  }
0x1e: {  	[tilespmem:s17], [sflag:$0x4] =	stream.linear.gather [hbm4b:s4+s7], $0x80, $0x38;
	[tilespmem:$0x18C80] =	vst v63  }
0x1f: {  	s5 =	rddreg [dreg:$0x3];
	s30 =	sand.u32 $0x7000, s7;
	s4 =	sand.u32 $0x380, s7  }
0x20: {  	[tilespmem:s18], [sflag:$0x4] =	stream.linear.gather [hbm4b:s5+s7], $0x80, $0x38;
	[tilespmem:$0x18C80] =	vst v63  }
0x21: {  	s15 =	rddreg [dreg:$0x4];
	s4 =	sor.u32 s4, s30  }
0x22: {  	[tilespmem:s19], [sflag:$0x4] =	stream.linear.gather [hbm4b:s15+s7], $0x80, $0x38;
	[tilespmem:$0x18C80] =	vst v63  }
0x23: {  	[tilespmem:s4+$0x10C70] =	vst v2  }
0x24: {  	[tilespmem:s4+$0x0] =	vst v2  }
0x25: {  	[tilespmem:s4+$0x8000] =	vst v2  }
0x26: {  	[tilespmem:s4+$0x10000] =	vst v2  }
0x27: {  	[tilespmem:s4+$0x10] =	vst v2  }
0x28: {  	[tilespmem:s4+$0x8010] =	vst v2  }
0x29: {  	[tilespmem:s4+$0x10010] =	vst v2  }
0x2a: {  	[tilespmem:s4+$0x20] =	vst v2  }
0x2b: {  	[tilespmem:s4+$0x8020] =	vst v2  }
0x2c: {  	[tilespmem:s4+$0x10020] =	vst v2  }
0x2d: {  	[tilespmem:s4+$0x30] =	vst v2  }
0x2e: {  	[tilespmem:s4+$0x8030] =	vst v2  }
0x2f: {  	[tilespmem:s4+$0x10030] =	vst v2  }
0x30: {  	[tilespmem:s4+$0x40] =	vst v2  }
0x31: {  	[tilespmem:s4+$0x8040] =	vst v2  }
0x32: {  	[tilespmem:s4+$0x10040] =	vst v2  }
0x33: {  	[tilespmem:s4+$0x50] =	vst v2  }
0x34: {  	[tilespmem:s4+$0x8050] =	vst v2  }
0x35: {  	[tilespmem:s4+$0x10050] =	vst v2  }
0x36: {  	[tilespmem:s4+$0x60] =	vst v2  }
0x37: {  	[tilespmem:s4+$0x8060] =	vst v2  }
0x38: {  	[tilespmem:s4+$0x10060] =	vst v2  }
0x39: {  	[tilespmem:s4+$0x70] =	vst v2  }
0x3a: {  	[tilespmem:s4+$0x8070] =	vst v2  }
0x3b: {  	[tilespmem:s4+$0x10070] =	vst v2  }
0x3c: {  	[tilespmem:s4+$0x400] =	vst v2  }
0x3d: {  	[tilespmem:s4+$0x8400] =	vst v2  }
0x3e: {  	[tilespmem:s4+$0x10400] =	vst v2  }
0x3f: {  	[tilespmem:s4+$0x410] =	vst v2  }
0x40: {  	[tilespmem:s4+$0x8410] =	vst v2  }
0x41: {  	[tilespmem:s4+$0x10410] =	vst v2  }
0x42: {  	[tilespmem:s4+$0x420] =	vst v2  }
0x43: {  	[tilespmem:s4+$0x8420] =	vst v2  }
0x44: {  	[tilespmem:s4+$0x10420] =	vst v2  }
0x45: {  	[tilespmem:s4+$0x430] =	vst v2  }
0x46: {  	[tilespmem:s4+$0x8430] =	vst v2  }
0x47: {  	[tilespmem:s4+$0x10430] =	vst v2  }
0x48: {  	[tilespmem:s4+$0x440] =	vst v2  }
0x49: {  	[tilespmem:s4+$0x8440] =	vst v2  }
0x4a: {  	[tilespmem:s4+$0x10440] =	vst v2  }
0x4b: {  	[tilespmem:s4+$0x450] =	vst v2  }
0x4c: {  	[tilespmem:s4+$0x8450] =	vst v2  }
0x4d: {  	[tilespmem:s4+$0x10450] =	vst v2  }
0x4e: {  	[tilespmem:s4+$0x460] =	vst v2  }
0x4f: {  	[tilespmem:s4+$0x8460] =	vst v2  }
0x50: {  	[tilespmem:s4+$0x10460] =	vst v2  }
0x51: {  	[tilespmem:s4+$0x470] =	vst v2  }
0x52: {  	[tilespmem:s4+$0x8470] =	vst v2  }
0x53: {  	[tilespmem:s4+$0x10470] =	vst v2  }
0x54: {  	[tilespmem:s4+$0x800] =	vst v2  }
0x55: {  	[tilespmem:s4+$0x8800] =	vst v2  }
0x56: {  	[tilespmem:s4+$0x10800] =	vst v2  }
0x57: {  	[tilespmem:s4+$0x810] =	vst v2  }
0x58: {  	[tilespmem:s4+$0x8810] =	vst v2  }
0x59: {  	[tilespmem:s4+$0x10810] =	vst v2  }
0x5a: {  	[tilespmem:s4+$0x820] =	vst v2  }
0x5b: {  	[tilespmem:s4+$0x8820] =	vst v2  }
0x5c: {  	[tilespmem:s4+$0x10820] =	vst v2  }
0x5d: {  	[tilespmem:s4+$0x830] =	vst v2  }
0x5e: {  	[tilespmem:s4+$0x8830] =	vst v2  }
0x5f: {  	[tilespmem:s4+$0x10830] =	vst v2  }
0x60: {  	[tilespmem:s4+$0x840] =	vst v2  }
0x61: {  	[tilespmem:s4+$0x8840] =	vst v2  }
0x62: {  	[tilespmem:s4+$0x10840] =	vst v2  }
0x63: {  	[tilespmem:s4+$0x850] =	vst v2  }
0x64: {  	[tilespmem:s4+$0x8850] =	vst v2  }
0x65: {  	[tilespmem:s4+$0x10850] =	vst v2  }
0x66: {  	[tilespmem:s4+$0x860] =	vst v2  }
0x67: {  	[tilespmem:s4+$0x8860] =	vst v2  }
0x68: {  	[tilespmem:s4+$0x10860] =	vst v2  }
0x69: {  	[tilespmem:s4+$0x870] =	vst v2  }
0x6a: {  	[tilespmem:s4+$0x8870] =	vst v2  }
0x6b: {  	[tilespmem:s4+$0x10870] =	vst v2  }
0x6c: {  	[tilespmem:s4+$0xC00] =	vst v2  }
0x6d: {  	[tilespmem:s4+$0x8C00] =	vst v2  }
0x6e: {  	[tilespmem:s4+$0x10C00] =	vst v2  }
0x6f: {  	[tilespmem:s4+$0xC10] =	vst v2  }
0x70: {  	[tilespmem:s4+$0x8C10] =	vst v2  }
0x71: {  	[tilespmem:s4+$0x10C10] =	vst v2  }
0x72: {  	[tilespmem:s4+$0xC20] =	vst v2  }
0x73: {  	[tilespmem:s4+$0x8C20] =	vst v2  }
0x74: {  	[tilespmem:s4+$0x10C20] =	vst v2  }
0x75: {  	[tilespmem:s4+$0xC30] =	vst v2  }
0x76: {  	[tilespmem:s4+$0x8C30] =	vst v2  }
0x77: {  	[tilespmem:s4+$0x10C30] =	vst v2  }
0x78: {  	[tilespmem:s4+$0xC40] =	vst v2  }
0x79: {  	[tilespmem:s4+$0x8C40] =	vst v2  }
0x7a: {  	[tilespmem:s4+$0x10C40] =	vst v2  }
0x7b: {  	[tilespmem:s4+$0xC50] =	vst v2  }
0x7c: {  	[tilespmem:s4+$0x8C50] =	vst v2  }
0x7d: {  	[tilespmem:s4+$0x10C50] =	vst v2  }
0x7e: {  	[tilespmem:s4+$0xC60] =	vst v2  }
0x7f: {  	[tilespmem:s4+$0x8C60] =	vst v2  }
0x80: {  	s31 =	simm.s32 $0x200;
	s5 =	simm.s32 $0x80;
	[tilespmem:s4+$0x10C60] =	vst v2  }
0x81: {  	s28 =	simm.s32 $0x400;
	s0 =	sand.u32 $0x7000, s31;
	s29 =	sand.u32 $0x380, s5;
	[tilespmem:s4+$0xC70] =	vst v2  }
.LBB2_2:
0x82: {  	p0 =	sne.s32 s28, $0x7E00;
	[tilespmem:s4+$0x8C70] =	vst v2;
	s4 =	sor.u32 s29, s0  }
0x83: {  	[tilespmem:s4+$0x10C70] =	vst v2  }
0x84: {  	[tilespmem:s4+$0x0] =	vst v2  }
0x85: {  	[tilespmem:s4+$0x8000] =	vst v2  }
0x86: {  	[tilespmem:s4+$0x10000] =	vst v2  }
0x87: {  	[tilespmem:s4+$0x10] =	vst v2  }
0x88: {  	[tilespmem:s4+$0x8010] =	vst v2  }
0x89: {  	[tilespmem:s4+$0x10010] =	vst v2  }
0x8a: {  	[tilespmem:s4+$0x20] =	vst v2  }
0x8b: {  	[tilespmem:s4+$0x8020] =	vst v2  }
0x8c: {  	[tilespmem:s4+$0x10020] =	vst v2  }
0x8d: {  	[tilespmem:s4+$0x30] =	vst v2  }
0x8e: {  	[tilespmem:s4+$0x8030] =	vst v2  }
0x8f: {  	[tilespmem:s4+$0x10030] =	vst v2  }
0x90: {  	[tilespmem:s4+$0x40] =	vst v2  }
0x91: {  	[tilespmem:s4+$0x8040] =	vst v2  }
0x92: {  	[tilespmem:s4+$0x10040] =	vst v2  }
0x93: {  	[tilespmem:s4+$0x50] =	vst v2  }
0x94: {  	[tilespmem:s4+$0x8050] =	vst v2  }
0x95: {  	[tilespmem:s4+$0x10050] =	vst v2  }
0x96: {  	[tilespmem:s4+$0x60] =	vst v2  }
0x97: {  	[tilespmem:s4+$0x8060] =	vst v2  }
0x98: {  	[tilespmem:s4+$0x10060] =	vst v2  }
0x99: {  	[tilespmem:s4+$0x70] =	vst v2  }
0x9a: {  	[tilespmem:s4+$0x8070] =	vst v2  }
0x9b: {  	[tilespmem:s4+$0x10070] =	vst v2  }
0x9c: {  	[tilespmem:s4+$0x400] =	vst v2  }
0x9d: {  	[tilespmem:s4+$0x8400] =	vst v2  }
0x9e: {  	[tilespmem:s4+$0x10400] =	vst v2  }
0x9f: {  	[tilespmem:s4+$0x410] =	vst v2  }
0xa0: {  	[tilespmem:s4+$0x8410] =	vst v2  }
0xa1: {  	[tilespmem:s4+$0x10410] =	vst v2  }
0xa2: {  	[tilespmem:s4+$0x420] =	vst v2  }
0xa3: {  	[tilespmem:s4+$0x8420] =	vst v2  }
0xa4: {  	[tilespmem:s4+$0x10420] =	vst v2  }
0xa5: {  	[tilespmem:s4+$0x430] =	vst v2  }
0xa6: {  	[tilespmem:s4+$0x8430] =	vst v2  }
0xa7: {  	[tilespmem:s4+$0x10430] =	vst v2  }
0xa8: {  	[tilespmem:s4+$0x440] =	vst v2  }
0xa9: {  	[tilespmem:s4+$0x8440] =	vst v2  }
0xaa: {  	[tilespmem:s4+$0x10440] =	vst v2  }
0xab: {  	[tilespmem:s4+$0x450] =	vst v2  }
0xac: {  	[tilespmem:s4+$0x8450] =	vst v2  }
0xad: {  	[tilespmem:s4+$0x10450] =	vst v2  }
0xae: {  	[tilespmem:s4+$0x460] =	vst v2  }
0xaf: {  	[tilespmem:s4+$0x8460] =	vst v2  }
0xb0: {  	[tilespmem:s4+$0x10460] =	vst v2  }
0xb1: {  	[tilespmem:s4+$0x470] =	vst v2  }
0xb2: {  	[tilespmem:s4+$0x8470] =	vst v2  }
0xb3: {  	[tilespmem:s4+$0x10470] =	vst v2  }
0xb4: {  	[tilespmem:s4+$0x800] =	vst v2  }
0xb5: {  	[tilespmem:s4+$0x8800] =	vst v2  }
0xb6: {  	[tilespmem:s4+$0x10800] =	vst v2  }
0xb7: {  	[tilespmem:s4+$0x810] =	vst v2  }
0xb8: {  	[tilespmem:s4+$0x8810] =	vst v2  }
0xb9: {  	[tilespmem:s4+$0x10810] =	vst v2  }
0xba: {  	[tilespmem:s4+$0x820] =	vst v2  }
0xbb: {  	[tilespmem:s4+$0x8820] =	vst v2  }
0xbc: {  	[tilespmem:s4+$0x10820] =	vst v2  }
0xbd: {  	[tilespmem:s4+$0x830] =	vst v2  }
0xbe: {  	[tilespmem:s4+$0x8830] =	vst v2  }
0xbf: {  	[tilespmem:s4+$0x10830] =	vst v2  }
0xc0: {  	[tilespmem:s4+$0x840] =	vst v2  }
0xc1: {  	[tilespmem:s4+$0x8840] =	vst v2  }
0xc2: {  	[tilespmem:s4+$0x10840] =	vst v2  }
0xc3: {  	[tilespmem:s4+$0x850] =	vst v2  }
0xc4: {  	[tilespmem:s4+$0x8850] =	vst v2  }
0xc5: {  	[tilespmem:s4+$0x10850] =	vst v2  }
0xc6: {  	[tilespmem:s4+$0x860] =	vst v2  }
0xc7: {  	[tilespmem:s4+$0x8860] =	vst v2  }
0xc8: {  	[tilespmem:s4+$0x10860] =	vst v2  }
0xc9: {  	[tilespmem:s4+$0x870] =	vst v2  }
0xca: {  	[tilespmem:s4+$0x8870] =	vst v2  }
0xcb: {  	[tilespmem:s4+$0x10870] =	vst v2  }
0xcc: {  	[tilespmem:s4+$0xC00] =	vst v2  }
0xcd: {  	[tilespmem:s4+$0x8C00] =	vst v2  }
0xce: {  	[tilespmem:s4+$0x10C00] =	vst v2  }
0xcf: {  	[tilespmem:s4+$0xC10] =	vst v2  }
0xd0: {  	[tilespmem:s4+$0x8C10] =	vst v2  }
0xd1: {  	[tilespmem:s4+$0x10C10] =	vst v2  }
0xd2: {  	[tilespmem:s4+$0xC20] =	vst v2  }
0xd3: {  	[tilespmem:s4+$0x8C20] =	vst v2  }
0xd4: {  	[tilespmem:s4+$0x10C20] =	vst v2  }
0xd5: {  	[tilespmem:s4+$0xC30] =	vst v2  }
0xd6: {  	[tilespmem:s4+$0x8C30] =	vst v2  }
0xd7: {  	[tilespmem:s4+$0x10C30] =	vst v2  }
0xd8: {  	[tilespmem:s4+$0xC40] =	vst v2  }
0xd9: {  	[tilespmem:s4+$0x8C40] =	vst v2  }
0xda: {  	[tilespmem:s4+$0x10C40] =	vst v2  }
0xdb: {  	[tilespmem:s4+$0xC50] =	vst v2  }
0xdc: {  	[tilespmem:s4+$0x8C50] =	vst v2  }
.Ltmp0:
0xdd: {  	[tilespmem:s4+$0x10C50] =	vst v2;
	(pc) =	sbr.rel @p0 .LBB2_2-.Ltmp0, $4  }
0xde: {  	[tilespmem:s4+$0xC60] =	vst v2  }
0xdf: {  	[tilespmem:s4+$0x8C60] =	vst v2  }
0xe0: {  	s5 =	sadd.s32 $0x80, s5;
	[tilespmem:s4+$0x10C60] =	vst v2  }
0xe1: {  	s0 =	sand.u32 $0x7000, s28;
	s28 =	sadd.s32 $0x200, s28;
	s29 =	sand.u32 $0x380, s5;
	[tilespmem:s4+$0xC70] =	vst v2  }
0xe2: {  	s5 =	sor.u32 s29, s0;
	[tilespmem:s4+$0x8C70] =	vst v2  }
0xe3: {  	[tilespmem:s5+$0x10C70] =	vst v2  }
0xe4: {  	[tilespmem:s5+$0x0] =	vst v2  }
0xe5: {  	[tilespmem:s5+$0x8000] =	vst v2  }
0xe6: {  	[tilespmem:s5+$0x10000] =	vst v2  }
0xe7: {  	[tilespmem:s5+$0x10] =	vst v2  }
0xe8: {  	[tilespmem:s5+$0x8010] =	vst v2  }
0xe9: {  	[tilespmem:s5+$0x10010] =	vst v2  }
0xea: {  	[tilespmem:s5+$0x20] =	vst v2  }
0xeb: {  	[tilespmem:s5+$0x8020] =	vst v2  }
0xec: {  	[tilespmem:s5+$0x10020] =	vst v2  }
0xed: {  	[tilespmem:s5+$0x30] =	vst v2  }
0xee: {  	[tilespmem:s5+$0x8030] =	vst v2  }
0xef: {  	[tilespmem:s5+$0x10030] =	vst v2  }
0xf0: {  	[tilespmem:s5+$0x40] =	vst v2  }
0xf1: {  	[tilespmem:s5+$0x8040] =	vst v2  }
0xf2: {  	[tilespmem:s5+$0x10040] =	vst v2  }
0xf3: {  	[tilespmem:s5+$0x50] =	vst v2  }
0xf4: {  	[tilespmem:s5+$0x8050] =	vst v2  }
0xf5: {  	[tilespmem:s5+$0x10050] =	vst v2  }
0xf6: {  	[tilespmem:s5+$0x60] =	vst v2  }
0xf7: {  	[tilespmem:s5+$0x8060] =	vst v2  }
0xf8: {  	[tilespmem:s5+$0x10060] =	vst v2  }
0xf9: {  	[tilespmem:s5+$0x70] =	vst v2  }
0xfa: {  	[tilespmem:s5+$0x8070] =	vst v2  }
0xfb: {  	[tilespmem:s5+$0x10070] =	vst v2  }
0xfc: {  	[tilespmem:s5+$0x400] =	vst v2  }
0xfd: {  	[tilespmem:s5+$0x8400] =	vst v2  }
0xfe: {  	[tilespmem:s5+$0x10400] =	vst v2  }
0xff: {  	[tilespmem:s5+$0x410] =	vst v2  }
0x100: {  	[tilespmem:s5+$0x8410] =	vst v2  }
0x101: {  	[tilespmem:s5+$0x10410] =	vst v2  }
0x102: {  	[tilespmem:s5+$0x420] =	vst v2  }
0x103: {  	[tilespmem:s5+$0x8420] =	vst v2  }
0x104: {  	[tilespmem:s5+$0x10420] =	vst v2  }
0x105: {  	[tilespmem:s5+$0x430] =	vst v2  }
0x106: {  	[tilespmem:s5+$0x8430] =	vst v2  }
0x107: {  	[tilespmem:s5+$0x10430] =	vst v2  }
0x108: {  	[tilespmem:s5+$0x440] =	vst v2  }
0x109: {  	[tilespmem:s5+$0x8440] =	vst v2  }
0x10a: {  	[tilespmem:s5+$0x10440] =	vst v2  }
0x10b: {  	[tilespmem:s5+$0x450] =	vst v2  }
0x10c: {  	[tilespmem:s5+$0x8450] =	vst v2  }
0x10d: {  	[tilespmem:s5+$0x10450] =	vst v2  }
0x10e: {  	[tilespmem:s5+$0x460] =	vst v2  }
0x10f: {  	[tilespmem:s5+$0x8460] =	vst v2  }
0x110: {  	[tilespmem:s5+$0x10460] =	vst v2  }
0x111: {  	[tilespmem:s5+$0x470] =	vst v2  }
0x112: {  	[tilespmem:s5+$0x8470] =	vst v2  }
0x113: {  	[tilespmem:s5+$0x10470] =	vst v2  }
0x114: {  	[tilespmem:s5+$0x800] =	vst v2  }
0x115: {  	[tilespmem:s5+$0x8800] =	vst v2  }
0x116: {  	[tilespmem:s5+$0x10800] =	vst v2  }
0x117: {  	[tilespmem:s5+$0x810] =	vst v2  }
0x118: {  	[tilespmem:s5+$0x8810] =	vst v2  }
0x119: {  	[tilespmem:s5+$0x10810] =	vst v2  }
0x11a: {  	[tilespmem:s5+$0x820] =	vst v2  }
0x11b: {  	[tilespmem:s5+$0x8820] =	vst v2  }
0x11c: {  	[tilespmem:s5+$0x10820] =	vst v2  }
0x11d: {  	[tilespmem:s5+$0x830] =	vst v2  }
0x11e: {  	[tilespmem:s5+$0x8830] =	vst v2  }
0x11f: {  	[tilespmem:s5+$0x10830] =	vst v2  }
0x120: {  	[tilespmem:s5+$0x840] =	vst v2  }
0x121: {  	[tilespmem:s5+$0x8840] =	vst v2  }
0x122: {  	[tilespmem:s5+$0x10840] =	vst v2  }
0x123: {  	[tilespmem:s5+$0x850] =	vst v2  }
0x124: {  	[tilespmem:s5+$0x8850] =	vst v2  }
0x125: {  	[tilespmem:s5+$0x10850] =	vst v2  }
0x126: {  	[tilespmem:s5+$0x860] =	vst v2  }
0x127: {  	[tilespmem:s5+$0x8860] =	vst v2  }
0x128: {  	[tilespmem:s5+$0x10860] =	vst v2  }
0x129: {  	[tilespmem:s5+$0x870] =	vst v2  }
0x12a: {  	[tilespmem:s5+$0x8870] =	vst v2  }
0x12b: {  	[tilespmem:s5+$0x10870] =	vst v2  }
0x12c: {  	[tilespmem:s5+$0xC00] =	vst v2  }
0x12d: {  	[tilespmem:s5+$0x8C00] =	vst v2  }
0x12e: {  	[tilespmem:s5+$0x10C00] =	vst v2  }
0x12f: {  	[tilespmem:s5+$0xC10] =	vst v2  }
0x130: {  	[tilespmem:s5+$0x8C10] =	vst v2  }
0x131: {  	[tilespmem:s5+$0x10C10] =	vst v2  }
0x132: {  	[tilespmem:s5+$0xC20] =	vst v2  }
0x133: {  	[tilespmem:s5+$0x8C20] =	vst v2  }
0x134: {  	[tilespmem:s5+$0x10C20] =	vst v2  }
0x135: {  	[tilespmem:s5+$0xC30] =	vst v2  }
0x136: {  	[tilespmem:s5+$0x8C30] =	vst v2  }
0x137: {  	[tilespmem:s5+$0x10C30] =	vst v2  }
0x138: {  	[tilespmem:s5+$0xC40] =	vst v2  }
0x139: {  	[tilespmem:s5+$0x8C40] =	vst v2  }
0x13a: {  	[tilespmem:s5+$0x10C40] =	vst v2  }
0x13b: {  	[tilespmem:s5+$0xC50] =	vst v2  }
0x13c: {  	[tilespmem:s5+$0x8C50] =	vst v2  }
0x13d: {  	[tilespmem:s5+$0x10C50] =	vst v2  }
0x13e: {  	[tilespmem:s5+$0xC60] =	vst v2  }
0x13f: {  	[tilespmem:s5+$0x8C60] =	vst v2  }
0x140: {  	[tilespmem:s5+$0x10C60] =	vst v2  }
0x141: {  	[tilespmem:s5+$0xC70] =	vst v2  }
0x142: {  	[tilespmem:s5+$0x8C70] =	vst v2  }
0x143: {  	_ =	swait.ge [sflag:s20], $0x220  }
0x144: {  	[sflag:s20] =	ssyncset.done $0x0  }
0x145: {  	[sflag:s20] =	ssyncadd.s32 $0xFFFFFDE0  }
0x146: {  	_ =	swait.ge [sflag:s20], $0x80  }
0x147: {  	[sflag:s20] =	ssyncset.done $0x0  }
0x148: {  	[sflag:s20] =	ssyncadd.s32 $0xFFFFFF80  }
0x149: {  	_ =	swait.ge [sflag:s20], $0x80  }
0x14a: {  	[sflag:s20] =	ssyncset.done $0x0  }
0x14b: {  	[sflag:s20] =	ssyncadd.s32 $0xFFFFFF80  }
0x14c: {  	_ =	swait.ge [sflag:s20], $0x80  }
0x14d: {  	[sflag:s20] =	ssyncset.done $0x0  }
0x14e: {  	[sflag:s20] =	ssyncadd.s32 $0xFFFFFF80  }
0x14f: {  	_ =	swait.ge [sflag:s20], $0x80  }
0x150: {  	[sflag:s20] =	ssyncset.done $0x0  }
0x151: {  	s28 =	simm.s32 $0x18000;
	[sflag:s20] =	ssyncadd.s32 $0xFFFFFF80  }
0x152: {  	v53 =	vld.idx.msk [tilespmem:v5+s28+$0x0], $0xffff;
	_ =	sdelay $0x4  }
0x153: {  	v53 =	vtrunc.f32 v53  }
0x154: {  	v54 =	vld.idx.msk [tilespmem:v1+s28+$0x0], $0xffff;
	v53 =	vcvt.f32.s32 v53;
	_ =	sdelay $0x1  }
0x155: {  	v55 =	vld.idx.msk [tilespmem:v0+s16+$0x0], $0xffff  }
0x156: {  	v56 =	vld.idx.msk [tilespmem:v0+s17+$0x0], $0xffff  }
0x157: {  	v57 =	vld.idx.msk [tilespmem:v3+s28+$0x0], $0xffff  }
0x158: {  	v60 =	vld.idx.msk [tilespmem:v4+s28+$0x0], $0xffff;
	vm0 =	vlt.f32 v54, $0.0e+00;
	vm1 =	vgt.f32 v54, $0.0e+00  }
0x159: {  	vm0 =	vmor vm1, vm0;
	v58 =	vld.idx.msk [tilespmem:v53+s18+$0x0], $0xffff  }
0x15a: {  	v59 =	vsel vm0, $0x3F800000, v2;
	v53 =	vld.idx.msk [tilespmem:v53+s19+$0x0], $0xffff  }
0x15b: {  	v55 =	vmul.f32 v55, v54;
	v56 =	vmul.f32 v56, v59;
	_ =	sdelay $0x1  }
0x15c: {  	v63 =	vtrunc.f32 v57;
	v61 =	vtrunc.f32 v60;
	v55 =	vadd.f32 v56, v55  }
0x15d: {  	v57 =	vcvt.f32.s32 v61;
	v56 =	vcvt.f32.s32 v63  }
0x15e: {  	v55 =	vmul.f32 v55, v58;
	v53 =	vmul.f32 v53, v59  }
0x15f: {  	[tilespmem:$0x18480] =	vst v56  }
0x160: {  	[tilespmem:$0x18680] =	vst v57;
	v53 =	vadd.f32 v53, v55  }
0x161: {  	[tilespmem:$0x18900] =	vst v54  }
0x162: {  	[tilespmem:$0x18880] =	vst v53  }
0x163: {  	v53 =	vld.idx.msk [tilespmem:v9+s28+$0x0], $0xffff;
	_ =	sdelay $0x4  }
0x164: {  	v53 =	vtrunc.f32 v53  }
0x165: {  	v54 =	vld.idx.msk [tilespmem:v6+s28+$0x0], $0xffff;
	v53 =	vcvt.f32.s32 v53;
	_ =	sdelay $0x1  }
0x166: {  	v62 =	vld.idx.msk [tilespmem:v10+s16+$0x0], $0xffff  }
0x167: {  	v56 =	vld.idx.msk [tilespmem:v10+s17+$0x0], $0xffff  }
0x168: {  	v57 =	vld.idx.msk [tilespmem:v7+s28+$0x0], $0xffff  }
0x169: {  	v60 =	vld.idx.msk [tilespmem:v8+s28+$0x0], $0xffff;
	vm6 =	vlt.f32 v54, $0.0e+00;
	vm7 =	vgt.f32 v54, $0.0e+00  }
0x16a: {  	vm0 =	vmor vm7, vm6;
	v58 =	vld.idx.msk [tilespmem:v53+s18+$0x0], $0xffff  }
0x16b: {  	v59 =	vsel vm0, $0x3F800000, v2;
	v53 =	vld.idx.msk [tilespmem:v53+s19+$0x0], $0xffff  }
0x16c: {  	v55 =	vmul.f32 v62, v54;
	v56 =	vmul.f32 v56, v59;
	_ =	sdelay $0x1  }
0x16d: {  	v63 =	vtrunc.f32 v57;
	v61 =	vtrunc.f32 v60;
	v55 =	vadd.f32 v56, v55  }
0x16e: {  	v57 =	vcvt.f32.s32 v61;
	v56 =	vcvt.f32.s32 v63  }
0x16f: {  	v55 =	vmul.f32 v55, v58;
	v53 =	vmul.f32 v53, v59  }
0x170: {  	[tilespmem:$0x18490] =	vst v56  }
0x171: {  	[tilespmem:$0x18690] =	vst v57;
	v53 =	vadd.f32 v53, v55  }
0x172: {  	[tilespmem:$0x18910] =	vst v54  }
0x173: {  	[tilespmem:$0x18890] =	vst v53  }
0x174: {  	v53 =	vld.idx.msk [tilespmem:v14+s28+$0x0], $0xffff;
	_ =	sdelay $0x4  }
0x175: {  	v53 =	vtrunc.f32 v53  }
0x176: {  	v54 =	vld.idx.msk [tilespmem:v11+s28+$0x0], $0xffff;
	v53 =	vcvt.f32.s32 v53;
	_ =	sdelay $0x1  }
0x177: {  	v62 =	vld.idx.msk [tilespmem:v15+s16+$0x0], $0xffff  }
0x178: {  	v56 =	vld.idx.msk [tilespmem:v15+s17+$0x0], $0xffff  }
0x179: {  	v57 =	vld.idx.msk [tilespmem:v12+s28+$0x0], $0xffff  }
0x17a: {  	v60 =	vld.idx.msk [tilespmem:v13+s28+$0x0], $0xffff;
	vm8 =	vlt.f32 v54, $0.0e+00;
	vm9 =	vgt.f32 v54, $0.0e+00  }
0x17b: {  	vm0 =	vmor vm9, vm8;
	v58 =	vld.idx.msk [tilespmem:v53+s18+$0x0], $0xffff  }
0x17c: {  	v59 =	vsel vm0, $0x3F800000, v2;
	v53 =	vld.idx.msk [tilespmem:v53+s19+$0x0], $0xffff  }
0x17d: {  	v55 =	vmul.f32 v62, v54;
	v56 =	vmul.f32 v56, v59;
	_ =	sdelay $0x1  }
0x17e: {  	v63 =	vtrunc.f32 v57;
	v61 =	vtrunc.f32 v60;
	v55 =	vadd.f32 v56, v55  }
0x17f: {  	v57 =	vcvt.f32.s32 v61;
	v56 =	vcvt.f32.s32 v63  }
0x180: {  	v55 =	vmul.f32 v55, v58;
	v53 =	vmul.f32 v53, v59  }
0x181: {  	[tilespmem:$0x184A0] =	vst v56  }
0x182: {  	[tilespmem:$0x186A0] =	vst v57;
	v53 =	vadd.f32 v53, v55  }
0x183: {  	[tilespmem:$0x18920] =	vst v54  }
0x184: {  	[tilespmem:$0x188A0] =	vst v53  }
0x185: {  	v53 =	vld.idx.msk [tilespmem:v19+s28+$0x0], $0xffff;
	_ =	sdelay $0x4  }
0x186: {  	v53 =	vtrunc.f32 v53  }
0x187: {  	v54 =	vld.idx.msk [tilespmem:v16+s28+$0x0], $0xffff;
	v53 =	vcvt.f32.s32 v53;
	_ =	sdelay $0x1  }
0x188: {  	v62 =	vld.idx.msk [tilespmem:v0+s16+$0x0], $0xffff  }
0x189: {  	v56 =	vld.idx.msk [tilespmem:v0+s17+$0x0], $0xffff  }
0x18a: {  	v57 =	vld.idx.msk [tilespmem:v17+s28+$0x0], $0xffff  }
0x18b: {  	v60 =	vld.idx.msk [tilespmem:v18+s28+$0x0], $0xffff;
	vm10 =	vlt.f32 v54, $0.0e+00;
	vm11 =	vgt.f32 v54, $0.0e+00  }
0x18c: {  	vm0 =	vmor vm11, vm10;
	v58 =	vld.idx.msk [tilespmem:v53+s18+$0x0], $0xffff  }
0x18d: {  	v59 =	vsel vm0, $0x3F800000, v2;
	v53 =	vld.idx.msk [tilespmem:v53+s19+$0x0], $0xffff  }
0x18e: {  	v55 =	vmul.f32 v62, v54;
	v56 =	vmul.f32 v56, v59;
	_ =	sdelay $0x1  }
0x18f: {  	v63 =	vtrunc.f32 v57;
	v61 =	vtrunc.f32 v60;
	v55 =	vadd.f32 v56, v55  }
0x190: {  	v57 =	vcvt.f32.s32 v61;
	v56 =	vcvt.f32.s32 v63  }
0x191: {  	v55 =	vmul.f32 v55, v58;
	v53 =	vmul.f32 v53, v59  }
0x192: {  	[tilespmem:$0x18500] =	vst v56  }
0x193: {  	[tilespmem:$0x18700] =	vst v57;
	v53 =	vadd.f32 v53, v55  }
0x194: {  	[tilespmem:$0x18A00] =	vst v54  }
0x195: {  	[tilespmem:$0x18980] =	vst v53  }
0x196: {  	v53 =	vld.idx.msk [tilespmem:v23+s28+$0x0], $0xffff;
	_ =	sdelay $0x4  }
0x197: {  	v53 =	vtrunc.f32 v53  }
0x198: {  	v54 =	vld.idx.msk [tilespmem:v20+s28+$0x0], $0xffff;
	v53 =	vcvt.f32.s32 v53;
	_ =	sdelay $0x1  }
0x199: {  	v62 =	vld.idx.msk [tilespmem:v10+s16+$0x0], $0xffff  }
0x19a: {  	v56 =	vld.idx.msk [tilespmem:v10+s17+$0x0], $0xffff  }
0x19b: {  	v57 =	vld.idx.msk [tilespmem:v21+s28+$0x0], $0xffff  }
0x19c: {  	v60 =	vld.idx.msk [tilespmem:v22+s28+$0x0], $0xffff;
	vm12 =	vlt.f32 v54, $0.0e+00;
	vm13 =	vgt.f32 v54, $0.0e+00  }
0x19d: {  	vm0 =	vmor vm13, vm12;
	v58 =	vld.idx.msk [tilespmem:v53+s18+$0x0], $0xffff  }
0x19e: {  	v59 =	vsel vm0, $0x3F800000, v2;
	v53 =	vld.idx.msk [tilespmem:v53+s19+$0x0], $0xffff  }
0x19f: {  	v55 =	vmul.f32 v62, v54;
	v56 =	vmul.f32 v56, v59;
	_ =	sdelay $0x1  }
0x1a0: {  	v63 =	vtrunc.f32 v57;
	v61 =	vtrunc.f32 v60;
	v55 =	vadd.f32 v56, v55  }
0x1a1: {  	v57 =	vcvt.f32.s32 v61;
	v56 =	vcvt.f32.s32 v63  }
0x1a2: {  	v55 =	vmul.f32 v55, v58;
	v53 =	vmul.f32 v53, v59  }
0x1a3: {  	[tilespmem:$0x18510] =	vst v56  }
0x1a4: {  	[tilespmem:$0x18710] =	vst v57;
	v53 =	vadd.f32 v53, v55  }
0x1a5: {  	[tilespmem:$0x18A10] =	vst v54  }
0x1a6: {  	[tilespmem:$0x18990] =	vst v53  }
0x1a7: {  	v53 =	vld.idx.msk [tilespmem:v27+s28+$0x0], $0xffff;
	_ =	sdelay $0x4  }
0x1a8: {  	v53 =	vtrunc.f32 v53  }
0x1a9: {  	v54 =	vld.idx.msk [tilespmem:v24+s28+$0x0], $0xffff;
	v53 =	vcvt.f32.s32 v53;
	_ =	sdelay $0x1  }
0x1aa: {  	v62 =	vld.idx.msk [tilespmem:v15+s16+$0x0], $0xffff  }
0x1ab: {  	v56 =	vld.idx.msk [tilespmem:v15+s17+$0x0], $0xffff  }
0x1ac: {  	v57 =	vld.idx.msk [tilespmem:v25+s28+$0x0], $0xffff  }
0x1ad: {  	v60 =	vld.idx.msk [tilespmem:v26+s28+$0x0], $0xffff;
	vm14 =	vlt.f32 v54, $0.0e+00;
	vm15 =	vgt.f32 v54, $0.0e+00  }
0x1ae: {  	vm0 =	vmor vm15, vm14;
	v58 =	vld.idx.msk [tilespmem:v53+s18+$0x0], $0xffff  }
0x1af: {  	v59 =	vsel vm0, $0x3F800000, v2;
	v53 =	vld.idx.msk [tilespmem:v53+s19+$0x0], $0xffff  }
0x1b0: {  	v55 =	vmul.f32 v62, v54;
	v56 =	vmul.f32 v56, v59;
	_ =	sdelay $0x1  }
0x1b1: {  	v63 =	vtrunc.f32 v57;
	v61 =	vtrunc.f32 v60;
	v55 =	vadd.f32 v56, v55  }
0x1b2: {  	v57 =	vcvt.f32.s32 v61;
	v56 =	vcvt.f32.s32 v63  }
0x1b3: {  	v55 =	vmul.f32 v55, v58;
	v53 =	vmul.f32 v53, v59  }
0x1b4: {  	[tilespmem:$0x18520] =	vst v56  }
0x1b5: {  	[tilespmem:$0x18720] =	vst v57;
	v53 =	vadd.f32 v53, v55  }
0x1b6: {  	[tilespmem:$0x18A20] =	vst v54  }
0x1b7: {  	[tilespmem:$0x189A0] =	vst v53  }
0x1b8: {  	v53 =	vld.idx.msk [tilespmem:v31+s28+$0x0], $0xffff;
	_ =	sdelay $0x4  }
0x1b9: {  	v53 =	vtrunc.f32 v53  }
0x1ba: {  	v54 =	vld.idx.msk [tilespmem:v28+s28+$0x0], $0xffff;
	v53 =	vcvt.f32.s32 v53;
	_ =	sdelay $0x1  }
0x1bb: {  	v62 =	vld.idx.msk [tilespmem:v0+s16+$0x0], $0xffff  }
0x1bc: {  	v56 =	vld.idx.msk [tilespmem:v0+s17+$0x0], $0xffff  }
0x1bd: {  	v57 =	vld.idx.msk [tilespmem:v29+s28+$0x0], $0xffff  }
0x1be: {  	v60 =	vld.idx.msk [tilespmem:v30+s28+$0x0], $0xffff;
	vm4 =	vlt.f32 v54, $0.0e+00;
	vm5 =	vgt.f32 v54, $0.0e+00  }
0x1bf: {  	vm0 =	vmor vm5, vm4;
	v58 =	vld.idx.msk [tilespmem:v53+s18+$0x0], $0xffff  }
0x1c0: {  	v59 =	vsel vm0, $0x3F800000, v2;
	v53 =	vld.idx.msk [tilespmem:v53+s19+$0x0], $0xffff  }
0x1c1: {  	v55 =	vmul.f32 v62, v54;
	v56 =	vmul.f32 v56, v59;
	_ =	sdelay $0x1  }
0x1c2: {  	v63 =	vtrunc.f32 v57;
	v61 =	vtrunc.f32 v60;
	v55 =	vadd.f32 v56, v55  }
0x1c3: {  	v57 =	vcvt.f32.s32 v61;
	v56 =	vcvt.f32.s32 v63  }
0x1c4: {  	v55 =	vmul.f32 v55, v58;
	v53 =	vmul.f32 v53, v59  }
0x1c5: {  	[tilespmem:$0x18580] =	vst v56  }
0x1c6: {  	[tilespmem:$0x18780] =	vst v57;
	v53 =	vadd.f32 v53, v55  }
0x1c7: {  	[tilespmem:$0x18B00] =	vst v54  }
0x1c8: {  	[tilespmem:$0x18A80] =	vst v53  }
0x1c9: {  	v53 =	vld.idx.msk [tilespmem:v35+s28+$0x0], $0xffff;
	_ =	sdelay $0x4  }
0x1ca: {  	v53 =	vtrunc.f32 v53  }
0x1cb: {  	v54 =	vld.idx.msk [tilespmem:v32+s28+$0x0], $0xffff;
	v53 =	vcvt.f32.s32 v53;
	_ =	sdelay $0x1  }
0x1cc: {  	v62 =	vld.idx.msk [tilespmem:v10+s16+$0x0], $0xffff  }
0x1cd: {  	v56 =	vld.idx.msk [tilespmem:v10+s17+$0x0], $0xffff  }
0x1ce: {  	v57 =	vld.idx.msk [tilespmem:v33+s28+$0x0], $0xffff  }
0x1cf: {  	v60 =	vld.idx.msk [tilespmem:v34+s28+$0x0], $0xffff;
	vm6 =	vlt.f32 v54, $0.0e+00;
	vm7 =	vgt.f32 v54, $0.0e+00  }
0x1d0: {  	vm0 =	vmor vm7, vm6;
	v58 =	vld.idx.msk [tilespmem:v53+s18+$0x0], $0xffff  }
0x1d1: {  	v59 =	vsel vm0, $0x3F800000, v2;
	v53 =	vld.idx.msk [tilespmem:v53+s19+$0x0], $0xffff  }
0x1d2: {  	v55 =	vmul.f32 v62, v54;
	v56 =	vmul.f32 v56, v59;
	_ =	sdelay $0x1  }
0x1d3: {  	v63 =	vtrunc.f32 v57;
	v61 =	vtrunc.f32 v60;
	v55 =	vadd.f32 v56, v55  }
0x1d4: {  	v57 =	vcvt.f32.s32 v61;
	v56 =	vcvt.f32.s32 v63  }
0x1d5: {  	v55 =	vmul.f32 v55, v58;
	v53 =	vmul.f32 v53, v59  }
0x1d6: {  	[tilespmem:$0x18590] =	vst v56  }
0x1d7: {  	[tilespmem:$0x18790] =	vst v57;
	v53 =	vadd.f32 v53, v55  }
0x1d8: {  	[tilespmem:$0x18B10] =	vst v54  }
0x1d9: {  	[tilespmem:$0x18A90] =	vst v53  }
0x1da: {  	v53 =	vld.idx.msk [tilespmem:v39+s28+$0x0], $0xffff;
	_ =	sdelay $0x4  }
0x1db: {  	v53 =	vtrunc.f32 v53  }
0x1dc: {  	v54 =	vld.idx.msk [tilespmem:v36+s28+$0x0], $0xffff;
	v53 =	vcvt.f32.s32 v53;
	_ =	sdelay $0x1  }
0x1dd: {  	v62 =	vld.idx.msk [tilespmem:v15+s16+$0x0], $0xffff  }
0x1de: {  	v56 =	vld.idx.msk [tilespmem:v15+s17+$0x0], $0xffff  }
0x1df: {  	v57 =	vld.idx.msk [tilespmem:v37+s28+$0x0], $0xffff  }
0x1e0: {  	v60 =	vld.idx.msk [tilespmem:v38+s28+$0x0], $0xffff;
	vm8 =	vlt.f32 v54, $0.0e+00;
	vm9 =	vgt.f32 v54, $0.0e+00  }
0x1e1: {  	vm0 =	vmor vm9, vm8;
	v58 =	vld.idx.msk [tilespmem:v53+s18+$0x0], $0xffff  }
0x1e2: {  	v59 =	vsel vm0, $0x3F800000, v2;
	v53 =	vld.idx.msk [tilespmem:v53+s19+$0x0], $0xffff  }
0x1e3: {  	v55 =	vmul.f32 v62, v54;
	v56 =	vmul.f32 v56, v59;
	_ =	sdelay $0x1  }
0x1e4: {  	v63 =	vtrunc.f32 v57;
	v60 =	vtrunc.f32 v60;
	v55 =	vadd.f32 v56, v55  }
0x1e5: {  	v57 =	vcvt.f32.s32 v60;
	v56 =	vcvt.f32.s32 v63  }
0x1e6: {  	v55 =	vmul.f32 v55, v58;
	v53 =	vmul.f32 v53, v59  }
0x1e7: {  	[tilespmem:$0x185A0] =	vst v56  }
0x1e8: {  	[tilespmem:$0x187A0] =	vst v57;
	v53 =	vadd.f32 v53, v55  }
0x1e9: {  	[tilespmem:$0x18B20] =	vst v54  }
0x1ea: {  	[tilespmem:$0x18AA0] =	vst v53  }
0x1eb: {  	v53 =	vld.idx.msk [tilespmem:v43+s28+$0x0], $0xffff;
	_ =	sdelay $0x4  }
0x1ec: {  	v53 =	vtrunc.f32 v53  }
0x1ed: {  	v54 =	vld.idx.msk [tilespmem:v40+s28+$0x0], $0xffff;
	v53 =	vcvt.f32.s32 v53;
	_ =	sdelay $0x1  }
0x1ee: {  	v61 =	vld.idx.msk [tilespmem:v0+s16+$0x0], $0xffff  }
0x1ef: {  	v56 =	vld.idx.msk [tilespmem:v0+s17+$0x0], $0xffff  }
0x1f0: {  	v57 =	vld.idx.msk [tilespmem:v41+s28+$0x0], $0xffff  }
0x1f1: {  	v60 =	vld.idx.msk [tilespmem:v42+s28+$0x0], $0xffff;
	vm10 =	vlt.f32 v54, $0.0e+00;
	vm11 =	vgt.f32 v54, $0.0e+00  }
0x1f2: {  	vm0 =	vmor vm11, vm10;
	v58 =	vld.idx.msk [tilespmem:v53+s18+$0x0], $0xffff  }
0x1f3: {  	v59 =	vsel vm0, $0x3F800000, v2;
	v53 =	vld.idx.msk [tilespmem:v53+s19+$0x0], $0xffff  }
0x1f4: {  	v55 =	vmul.f32 v61, v54;
	v56 =	vmul.f32 v56, v59;
	_ =	sdelay $0x1  }
0x1f5: {  	v62 =	vtrunc.f32 v57;
	v63 =	vtrunc.f32 v60;
	v55 =	vadd.f32 v56, v55  }
0x1f6: {  	v57 =	vcvt.f32.s32 v63;
	v56 =	vcvt.f32.s32 v62  }
0x1f7: {  	v55 =	vmul.f32 v55, v58;
	v53 =	vmul.f32 v53, v59  }
0x1f8: {  	[tilespmem:$0x18600] =	vst v56  }
0x1f9: {  	[tilespmem:$0x18800] =	vst v57;
	v53 =	vadd.f32 v53, v55  }
0x1fa: {  	[tilespmem:$0x18C00] =	vst v54  }
0x1fb: {  	[tilespmem:$0x18B80] =	vst v53  }
0x1fc: {  	v53 =	vld.idx.msk [tilespmem:v47+s28+$0x0], $0xffff;
	_ =	sdelay $0x4  }
0x1fd: {  	v54 =	vld.idx.msk [tilespmem:v44+s28+$0x0], $0xffff;
	v53 =	vtrunc.f32 v53  }
0x1fe: {  	v60 =	vld.idx.msk [tilespmem:v10+s16+$0x0], $0xffff;
	v53 =	vcvt.f32.s32 v53;
	_ =	sdelay $0x2  }
0x1ff: {  	v56 =	vld.idx.msk [tilespmem:v10+s17+$0x0], $0xffff  }
0x200: {  	v57 =	vld.idx.msk [tilespmem:v45+s28+$0x0], $0xffff  }
0x201: {  	vm12 =	vlt.f32 v54, $0.0e+00;
	vm13 =	vgt.f32 v54, $0.0e+00;
	v55 =	vmul.f32 v60, v54;
	v60 =	vld.idx.msk [tilespmem:v46+s28+$0x0], $0xffff  }
0x202: {  	vm0 =	vmor vm13, vm12;
	v58 =	vld.idx.msk [tilespmem:v53+s18+$0x0], $0xffff  }
0x203: {  	v59 =	vsel vm0, $0x3F800000, v2;
	v53 =	vld.idx.msk [tilespmem:v53+s19+$0x0], $0xffff  }
0x204: {  	v56 =	vmul.f32 v56, v59;
	_ =	sdelay $0x1  }
0x205: {  	v61 =	vtrunc.f32 v57;
	v55 =	vadd.f32 v56, v55  }
0x206: {  	v56 =	vcvt.f32.s32 v61;
	v62 =	vtrunc.f32 v60  }
0x207: {  	v55 =	vmul.f32 v55, v58;
	v53 =	vmul.f32 v53, v59  }
0x208: {  	v57 =	vcvt.f32.s32 v62;
	[tilespmem:$0x18610] =	vst v56  }
0x209: {  	[tilespmem:$0x18C10] =	vst v54;
	v53 =	vadd.f32 v53, v55  }
0x20a: {  	[tilespmem:$0x18810] =	vst v57  }
0x20b: {  	[tilespmem:$0x18B90] =	vst v53  }
0x20c: {  	v53 =	vld.idx.msk [tilespmem:v51+s28+$0x0], $0xffff;
	_ =	sdelay $0x2  }
0x20d: {  	v54 =	vld.idx.msk [tilespmem:v48+s28+$0x0], $0xffff  }
0x20e: {  	v55 =	vld [tilespmem:$0x18680]  }
0x20f: {  	v56 =	vld.idx.msk [tilespmem:v15+s16+$0x0], $0xffff;
	v53 =	vtrunc.f32 v53  }
0x210: {  	v57 =	vld.idx.msk [tilespmem:v15+s17+$0x0], $0xffff;
	v53 =	vcvt.f32.s32 v53;
	_ =	sdelay $0x1  }
0x211: {  	vm14 =	vlt.f32 v54, $0.0e+00;
	vm15 =	vgt.f32 v54, $0.0e+00  }
0x212: {  	v59 =	vshra.s32 v55, $0x1F;
	vm0 =	vmor vm15, vm14  }
0x213: {  	v62 =	vld [tilespmem:$0x18480];
	v59 =	vshrl.u32 v59, $0x1A;
	v60 =	vsel vm0, $0x3F800000, v2  }
0x214: {  	v61 =	vld.idx.msk [tilespmem:v49+s28+$0x0], $0xffff;
	v59 =	vadd.s32 v59, v55;
	v56 =	vmul.f32 v56, v54;
	v57 =	vmul.f32 v57, v60  }
0x215: {  	v59 =	vshra.s32 v59, $0x6;
	v58 =	vld.idx.msk [tilespmem:v53+s18+$0x0], $0xffff  }
0x216: {  	v56 =	vadd.f32 v57, v56;
	v57 =	vshll.u32 v59, $0x6;
	v53 =	vld.idx.msk [tilespmem:v53+s19+$0x0], $0xffff  }
0x217: {  	vm4 =	vlt.s32 v55, $0x1;
	vm5 =	vne.s32 v55, v57  }
0x218: {  	vm0 =	vmand vm4, vm5  }
0x219: {  	v55 =	vsub.s32 v55, v57;
	v63 =	vsel vm0, $0x1, v52  }
0x21a: {  	vm0 =	veq.s32 v59, v63;
	v63 =	vshll.u32 v62, $0x3;
	v56 =	vmul.f32 v56, v58  }
0x21b: {  	v53 =	vmul.f32 v53, v60;
	v58 =	vld.idx.msk [tilespmem:v50+s28+$0x0], $0xffff;
	v60 =	vtrunc.f32 v61;
	v61 =	vshll.u32 v55, $0x9  }
0x21c: {  	v59 =	vand.u32 $0xFFFFFC00, v63;
	v55 =	vshll.u32 v55, $0x7;
	v57 =	vand.u32 $0x7000, v61  }
0x21d: {  	v55 =	vand.u32 $0x380, v55;
	v57 =	vadd.s32 v59, v57  }
0x21e: {  	v59 =	vcvt.f32.s32 v60;
	v60 =	vand.u32 $0x7F, v62;
	v55 =	vor.u32 v55, v57  }
0x21f: {  	v62 =	vld [tilespmem:$0x18880];
	v55 =	vor.u32 v60, v55  }
0x220: {  	[tilespmem:$0x18C20] =	vst v54;
	v53 =	vadd.f32 v53, v56;
	v58 =	vtrunc.f32 v58  }
0x221: {  	[tilespmem:$0x18620] =	vst v59;
	v61 =	vcvt.f32.s32 v58  }
0x222: {  	[tilespmem:$0x18BA0] =	vst v53  }
0x223: {  	s29 =	simm.s32 $0x0;
	[tilespmem:$0x18820] =	vst v61  }
0x224: {  	[tilespmem:v55+s29+$0x0] =	vst.idx.msk vm0, v62  }
0x225: {  	v63 =	vld [tilespmem:$0x18690];
	_ =	sdelay $0x3  }
0x226: {  	v54 =	vld [tilespmem:$0x18490]  }
0x227: {  	v59 =	vshra.s32 v63, $0x1F  }
0x228: {  	v55 =	vshrl.u32 v59, $0x1A  }
0x229: {  	v55 =	vadd.s32 v55, v63  }
0x22a: {  	v56 =	vshra.s32 v55, $0x6;
	v55 =	vand.u32 $0xFFFFFFC0, v55  }
0x22b: {  	vm6 =	vlt.s32 v63, $0x1;
	v62 =	vshll.u32 v54, $0x3;
	v60 =	vsub.s32 v63, v55  }
0x22c: {  	vm7 =	vne.s32 v63, v55;
	v55 =	vand.u32 $0xFFFFFC00, v62;
	v61 =	vshll.u32 v60, $0x9  }
0x22d: {  	vm0 =	vmand vm6, vm7;
	v57 =	vshll.u32 v60, $0x7;
	v53 =	vand.u32 $0x7000, v61  }
0x22e: {  	v63 =	vsel vm0, $0x1, v52;
	v57 =	vand.u32 $0x380, v57;
	v53 =	vadd.s32 v55, v53  }
0x22f: {  	v54 =	vand.u32 $0x7F, v54;
	vm0 =	veq.s32 v56, v63;
	v53 =	vor.u32 v57, v53  }
0x230: {  	v58 =	vld [tilespmem:$0x18890];
	v53 =	vor.u32 v54, v53;
	_ =	sdelay $0x4  }
0x231: {  	[tilespmem:v53+s29+$0x0] =	vst.idx.msk vm0, v58  }
0x232: {  	v53 =	vld [tilespmem:$0x186A0];
	_ =	sdelay $0x3  }
0x233: {  	v54 =	vld [tilespmem:$0x184A0]  }
0x234: {  	v59 =	vshra.s32 v53, $0x1F  }
0x235: {  	v55 =	vshrl.u32 v59, $0x1A  }
0x236: {  	v55 =	vadd.s32 v55, v53  }
0x237: {  	v56 =	vshra.s32 v55, $0x6;
	v55 =	vand.u32 $0xFFFFFFC0, v55  }
0x238: {  	vm8 =	vlt.s32 v53, $0x1;
	v62 =	vshll.u32 v54, $0x3;
	v60 =	vsub.s32 v53, v55  }
0x239: {  	vm9 =	vne.s32 v53, v55;
	v55 =	vand.u32 $0xFFFFFC00, v62;
	v61 =	vshll.u32 v60, $0x9  }
0x23a: {  	vm0 =	vmand vm8, vm9;
	v57 =	vshll.u32 v60, $0x7;
	v53 =	vand.u32 $0x7000, v61  }
0x23b: {  	v63 =	vsel vm0, $0x1, v52;
	v60 =	vand.u32 $0x380, v57;
	v53 =	vadd.s32 v55, v53  }
0x23c: {  	v54 =	vand.u32 $0x7F, v54;
	vm0 =	veq.s32 v56, v63;
	v53 =	vor.u32 v60, v53  }
0x23d: {  	v61 =	vld [tilespmem:$0x188A0];
	v53 =	vor.u32 v54, v53;
	_ =	sdelay $0x4  }
0x23e: {  	[tilespmem:v53+s29+$0x0] =	vst.idx.msk vm0, v61  }
0x23f: {  	[hbm4b:s8+s29] =	stream.linear.scatter [tilespmem:s29], [sflag:$0x1], $0x8000, $0x38;
	[tilespmem:$0x18C80] =	vst v63  }
0x240: {  	v53 =	vld [tilespmem:$0x18680];
	_ =	sdelay $0x2  }
0x241: {  	v55 =	vld [tilespmem:$0x18480];
	_ =	sdelay $0x1  }
0x242: {  	v62 =	vshra.s32 v53, $0x1F  }
0x243: {  	v54 =	vshrl.u32 v62, $0x1A  }
0x244: {  	v54 =	vadd.s32 v54, v53  }
0x245: {  	vm10 =	vlt.s32 v53, $0x1;
	v62 =	vshll.u32 v55, $0x3;
	v63 =	vand.u32 $0xFFFFFFC0, v54  }
0x246: {  	v58 =	vand.u32 $0xFFFFFC00, v62;
	vm11 =	vne.s32 v53, v63;
	v53 =	vsub.s32 v53, v63  }
0x247: {  	v54 =	vshra.s32 v54, $0x6;
	vm0 =	vmand vm10, vm11;
	v61 =	vshll.u32 v53, $0x9  }
0x248: {  	v53 =	vshll.u32 v53, $0x7;
	v60 =	vsel vm0, $0xFFFFFFFF, v52;
	v57 =	vand.u32 $0x7000, v61  }
0x249: {  	v53 =	vand.u32 $0x380, v53;
	v54 =	vadd.s32 v60, v54;
	v63 =	vadd.s32 v58, v57  }
0x24a: {  	v60 =	vand.u32 $0x7F, v55;
	vm12 =	veq.s32 v54, $0x1;
	v53 =	vor.u32 v53, v63  }
0x24b: {  	v61 =	vld [tilespmem:$0x18880];
	v53 =	vor.u32 v60, v53;
	_ =	sdelay $0x4  }
0x24c: {  	[tilespmem:v53+s21+$0x0] =	vst.idx.msk vm12, v61  }
0x24d: {  	v53 =	vld [tilespmem:$0x18690];
	_ =	sdelay $0x2  }
0x24e: {  	v55 =	vld [tilespmem:$0x18490];
	_ =	sdelay $0x1  }
0x24f: {  	v62 =	vshra.s32 v53, $0x1F  }
0x250: {  	v54 =	vshrl.u32 v62, $0x1A  }
0x251: {  	v54 =	vadd.s32 v54, v53  }
0x252: {  	vm13 =	vlt.s32 v53, $0x1;
	v62 =	vshll.u32 v55, $0x3;
	v63 =	vand.u32 $0xFFFFFFC0, v54  }
0x253: {  	v58 =	vand.u32 $0xFFFFFC00, v62;
	vm14 =	vne.s32 v53, v63;
	v53 =	vsub.s32 v53, v63  }
0x254: {  	v54 =	vshra.s32 v54, $0x6;
	vm0 =	vmand vm13, vm14;
	v61 =	vshll.u32 v53, $0x9  }
0x255: {  	v53 =	vshll.u32 v53, $0x7;
	v60 =	vsel vm0, $0xFFFFFFFF, v52;
	v57 =	vand.u32 $0x7000, v61  }
0x256: {  	v53 =	vand.u32 $0x380, v53;
	v54 =	vadd.s32 v60, v54;
	v63 =	vadd.s32 v58, v57  }
0x257: {  	v60 =	vand.u32 $0x7F, v55;
	vm15 =	veq.s32 v54, $0x1;
	v53 =	vor.u32 v53, v63  }
0x258: {  	v61 =	vld [tilespmem:$0x18890];
	v53 =	vor.u32 v60, v53;
	_ =	sdelay $0x4  }
0x259: {  	[tilespmem:v53+s21+$0x0] =	vst.idx.msk vm15, v61  }
0x25a: {  	v53 =	vld [tilespmem:$0x186A0];
	_ =	sdelay $0x2  }
0x25b: {  	v55 =	vld [tilespmem:$0x184A0];
	_ =	sdelay $0x1  }
0x25c: {  	v62 =	vshra.s32 v53, $0x1F  }
0x25d: {  	v54 =	vshrl.u32 v62, $0x1A  }
0x25e: {  	v54 =	vadd.s32 v54, v53  }
0x25f: {  	vm4 =	vlt.s32 v53, $0x1;
	v62 =	vshll.u32 v55, $0x3;
	v63 =	vand.u32 $0xFFFFFFC0, v54  }
0x260: {  	v58 =	vand.u32 $0xFFFFFC00, v62;
	vm5 =	vne.s32 v53, v63;
	v53 =	vsub.s32 v53, v63  }
0x261: {  	v54 =	vshra.s32 v54, $0x6;
	vm0 =	vmand vm4, vm5;
	v61 =	vshll.u32 v53, $0x9  }
0x262: {  	v53 =	vshll.u32 v53, $0x7;
	v60 =	vsel vm0, $0xFFFFFFFF, v52;
	v57 =	vand.u32 $0x7000, v61  }
0x263: {  	v53 =	vand.u32 $0x380, v53;
	v54 =	vadd.s32 v60, v54;
	v63 =	vadd.s32 v58, v57  }
0x264: {  	v60 =	vand.u32 $0x7F, v55;
	vm6 =	veq.s32 v54, $0x1;
	v53 =	vor.u32 v53, v63  }
0x265: {  	v61 =	vld [tilespmem:$0x188A0];
	v53 =	vor.u32 v60, v53;
	_ =	sdelay $0x4  }
0x266: {  	[tilespmem:v53+s21+$0x0] =	vst.idx.msk vm6, v61  }
0x267: {  	[hbm4b:s11+s29] =	stream.linear.scatter [tilespmem:s21], [sflag:$0x2], $0x8000, $0x38;
	[tilespmem:$0x18C80] =	vst v63  }
0x268: {  	v53 =	vld [tilespmem:$0x18680];
	_ =	sdelay $0x2  }
0x269: {  	v55 =	vld [tilespmem:$0x18480];
	_ =	sdelay $0x1  }
0x26a: {  	v62 =	vshra.s32 v53, $0x1F  }
0x26b: {  	v54 =	vshrl.u32 v62, $0x1A  }
0x26c: {  	v54 =	vadd.s32 v54, v53  }
0x26d: {  	vm7 =	vlt.s32 v53, $0x1;
	v62 =	vshll.u32 v55, $0x3;
	v63 =	vand.u32 $0xFFFFFFC0, v54  }
0x26e: {  	v58 =	vand.u32 $0xFFFFFC00, v62;
	vm8 =	vne.s32 v53, v63;
	v53 =	vsub.s32 v53, v63  }
0x26f: {  	v54 =	vshra.s32 v54, $0x6;
	vm0 =	vmand vm7, vm8;
	v61 =	vshll.u32 v53, $0x9  }
0x270: {  	v53 =	vshll.u32 v53, $0x7;
	v60 =	vsel vm0, $0xFFFFFFFF, v52;
	v57 =	vand.u32 $0x7000, v61  }
0x271: {  	v53 =	vand.u32 $0x380, v53;
	v54 =	vadd.s32 v60, v54;
	v63 =	vadd.s32 v58, v57  }
0x272: {  	v60 =	vand.u32 $0x7F, v55;
	vm9 =	veq.s32 v54, $0x2;
	v53 =	vor.u32 v53, v63  }
0x273: {  	v61 =	vld [tilespmem:$0x18880];
	v53 =	vor.u32 v60, v53;
	_ =	sdelay $0x4  }
0x274: {  	[tilespmem:v53+s22+$0x0] =	vst.idx.msk vm9, v61  }
0x275: {  	v53 =	vld [tilespmem:$0x18690];
	_ =	sdelay $0x2  }
0x276: {  	v55 =	vld [tilespmem:$0x18490];
	_ =	sdelay $0x1  }
0x277: {  	v62 =	vshra.s32 v53, $0x1F  }
0x278: {  	v54 =	vshrl.u32 v62, $0x1A  }
0x279: {  	v54 =	vadd.s32 v54, v53  }
0x27a: {  	vm10 =	vlt.s32 v53, $0x1;
	v62 =	vshll.u32 v55, $0x3;
	v63 =	vand.u32 $0xFFFFFFC0, v54  }
0x27b: {  	v58 =	vand.u32 $0xFFFFFC00, v62;
	vm11 =	vne.s32 v53, v63;
	v53 =	vsub.s32 v53, v63  }
0x27c: {  	v54 =	vshra.s32 v54, $0x6;
	vm0 =	vmand vm10, vm11;
	v61 =	vshll.u32 v53, $0x9  }
0x27d: {  	v53 =	vshll.u32 v53, $0x7;
	v60 =	vsel vm0, $0xFFFFFFFF, v52;
	v57 =	vand.u32 $0x7000, v61  }
0x27e: {  	v53 =	vand.u32 $0x380, v53;
	v54 =	vadd.s32 v60, v54;
	v63 =	vadd.s32 v58, v57  }
0x27f: {  	v58 =	vand.u32 $0x7F, v55;
	vm12 =	veq.s32 v54, $0x2;
	v53 =	vor.u32 v53, v63  }
0x280: {  	v59 =	vld [tilespmem:$0x18890];
	v53 =	vor.u32 v58, v53;
	_ =	sdelay $0x4  }
0x281: {  	[tilespmem:v53+s22+$0x0] =	vst.idx.msk vm12, v59  }
0x282: {  	v53 =	vld [tilespmem:$0x186A0];
	_ =	sdelay $0x2  }
0x283: {  	v55 =	vld [tilespmem:$0x184A0];
	_ =	sdelay $0x1  }
0x284: {  	v60 =	vshra.s32 v53, $0x1F  }
0x285: {  	v54 =	vshrl.u32 v60, $0x1A  }
0x286: {  	v54 =	vadd.s32 v54, v53  }
0x287: {  	vm13 =	vlt.s32 v53, $0x1;
	v60 =	vshll.u32 v55, $0x3;
	v61 =	vand.u32 $0xFFFFFFC0, v54  }
0x288: {  	v58 =	vand.u32 $0xFFFFFC00, v60;
	vm14 =	vne.s32 v53, v61;
	v53 =	vsub.s32 v53, v61  }
0x289: {  	v54 =	vshra.s32 v54, $0x6;
	vm0 =	vmand vm13, vm14;
	v63 =	vshll.u32 v53, $0x9  }
0x28a: {  	v53 =	vshll.u32 v53, $0x7;
	v62 =	vsel vm0, $0xFFFFFFFF, v52;
	v57 =	vand.u32 $0x7000, v63  }
0x28b: {  	v53 =	vand.u32 $0x380, v53;
	v54 =	vadd.s32 v62, v54;
	v61 =	vadd.s32 v58, v57  }
0x28c: {  	v62 =	vand.u32 $0x7F, v55;
	vm15 =	veq.s32 v54, $0x2;
	v53 =	vor.u32 v53, v61  }
0x28d: {  	v63 =	vld [tilespmem:$0x188A0];
	v53 =	vor.u32 v62, v53;
	_ =	sdelay $0x4  }
0x28e: {  	s30 =	simm.s32 $0x1;
	s31 =	simm.s32 $0x50;
	s5 =	simm.s32 $0x5000;
	[tilespmem:v53+s22+$0x0] =	vst.idx.msk vm15, v63  }
0x28f: {  	[hbm4b:s12+s29] =	stream.linear.scatter [tilespmem:s22], [sflag:$0x3], $0x8000, $0x38;
	[tilespmem:$0x18C80] =	vst v63  }
.LBB2_4:
0x290: {  	s0 =	sshll.u32 s29, $0x18  }
0x291: {  	s4 =	sand.u32 $0xF, s29;
	s0 =	sshra.s32 s0, $0x1F  }
0x292: {  	p0 =	slt.u32 s30, $0x2;
	p1 =	sne.s32 s4, $0x0;
	s0 =	sand.u32 $0xF, s0  }
0x293: {  	p0 =	por !p0, !p1;
	s0 =	sadd.s32 s0, s29  }
0x294: {  	s4 =	simm.s32 $0x1;
	p0 =	por !p0, !p0;
	s0 =	sshll.u32 s0, $0x18  }
0x295: {  	_ =	swait.ge [sflag:s23], $0x8000;
	s4 =	simm.s32 @!p0 $0x0;
	s0 =	sshra.s32 s0, $0x1C  }
0x296: {  	[sflag:s23] =	ssyncset.done $0x0;
	s0 =	ssub.s32 s0, s4  }
0x297: {  	[sflag:s23] =	ssyncadd.s32 $0xFFFF8000;
	s0 =	sshll.u32 s0, $0x7  }
0x298: {  	v53 =	vld [tilespmem:s0+$0x18680];
	_ =	sdelay $0x4  }
0x299: {  	v55 =	vld [tilespmem:s0+$0x18480];
	v54 =	vshra.s32 v53, $0x1F  }
0x29a: {  	v54 =	vshrl.u32 v54, $0x1A  }
0x29b: {  	v54 =	vadd.s32 v54, v53  }
0x29c: {  	v54 =	vshra.s32 v54, $0x6  }
0x29d: {  	vm0 =	vlt.s32 v53, $0x1;
	v56 =	vshll.u32 v54, $0x6  }
0x29e: {  	v58 =	vshll.u32 v55, $0x3;
	vm1 =	vne.s32 v53, v56;
	v53 =	vsub.s32 v53, v56  }
0x29f: {  	v58 =	vand.u32 $0xFFFFFC00, v58;
	vm0 =	vmand vm0, vm1;
	v57 =	vshll.u32 v53, $0x9  }
0x2a0: {  	v53 =	vshll.u32 v53, $0x7;
	v63 =	vsel vm0, $0xFFFFFFFF, v52;
	v57 =	vand.u32 $0x7000, v57  }
0x2a1: {  	s3 =	sand.u32 $0x7, s29;
	v53 =	vand.u32 $0x380, v53;
	v54 =	vadd.s32 v63, v54;
	v60 =	vadd.s32 v58, v57  }
0x2a2: {  	v61 =	vand.u32 $0x7F, v55;
	vm12 =	veq.s32 v54, s3;
	v53 =	vor.u32 v53, v60  }
0x2a3: {  	v53 =	vor.u32 v61, v53;
	_ =	sdelay $0x4  }
0x2a4: {  	[tilespmem:v53+s7+$0x0] =	vst.idx.msk vm12, v2  }
0x2a5: {  	v53 =	vld [tilespmem:s0+$0x18690];
	_ =	sdelay $0x2  }
0x2a6: {  	v55 =	vld [tilespmem:s0+$0x18490];
	_ =	sdelay $0x1  }
0x2a7: {  	v62 =	vshra.s32 v53, $0x1F  }
0x2a8: {  	v54 =	vshrl.u32 v62, $0x1A  }
0x2a9: {  	v54 =	vadd.s32 v54, v53  }
0x2aa: {  	vm13 =	vlt.s32 v53, $0x1;
	v62 =	vshll.u32 v55, $0x3;
	v63 =	vand.u32 $0xFFFFFFC0, v54  }
0x2ab: {  	v58 =	vand.u32 $0xFFFFFC00, v62;
	vm14 =	vne.s32 v53, v63;
	v53 =	vsub.s32 v53, v63  }
0x2ac: {  	v54 =	vshra.s32 v54, $0x6;
	vm0 =	vmand vm13, vm14;
	v61 =	vshll.u32 v53, $0x9  }
0x2ad: {  	v53 =	vshll.u32 v53, $0x7;
	v60 =	vsel vm0, $0xFFFFFFFF, v52;
	v57 =	vand.u32 $0x7000, v61  }
0x2ae: {  	v53 =	vand.u32 $0x380, v53;
	v54 =	vadd.s32 v60, v54;
	v63 =	vadd.s32 v58, v57  }
0x2af: {  	v58 =	vand.u32 $0x7F, v55;
	vm15 =	veq.s32 v54, s3;
	v53 =	vor.u32 v53, v63  }
0x2b0: {  	v53 =	vor.u32 v58, v53;
	_ =	sdelay $0x4  }
0x2b1: {  	[tilespmem:v53+s7+$0x0] =	vst.idx.msk vm15, v2  }
0x2b2: {  	v53 =	vld [tilespmem:s0+$0x186A0];
	_ =	sdelay $0x2  }
0x2b3: {  	v55 =	vld [tilespmem:s0+$0x184A0];
	_ =	sdelay $0x1  }
0x2b4: {  	v59 =	vshra.s32 v53, $0x1F  }
0x2b5: {  	v54 =	vshrl.u32 v59, $0x1A  }
0x2b6: {  	v54 =	vadd.s32 v54, v53  }
0x2b7: {  	vm4 =	vlt.s32 v53, $0x1;
	v63 =	vshll.u32 v55, $0x3;
	v60 =	vand.u32 $0xFFFFFFC0, v54  }
0x2b8: {  	v58 =	vand.u32 $0xFFFFFC00, v63;
	vm5 =	vne.s32 v53, v60;
	v53 =	vsub.s32 v53, v60  }
0x2b9: {  	v54 =	vshra.s32 v54, $0x6;
	vm0 =	vmand vm4, vm5;
	v62 =	vshll.u32 v53, $0x9  }
0x2ba: {  	v53 =	vshll.u32 v53, $0x7;
	v61 =	vsel vm0, $0xFFFFFFFF, v52;
	v57 =	vand.u32 $0x7000, v62  }
0x2bb: {  	v53 =	vand.u32 $0x380, v53;
	v54 =	vadd.s32 v61, v54;
	v60 =	vadd.s32 v58, v57  }
0x2bc: {  	v61 =	vand.u32 $0x7F, v55;
	vm6 =	veq.s32 v54, s3;
	v53 =	vor.u32 v53, v60  }
0x2bd: {  	v53 =	vor.u32 v61, v53;
	_ =	sdelay $0x2  }
0x2be: {  	s4 =	sadd.s32 $0x3, s29  }
0x2bf: {  	s0 =	sshrl.u32 s4, $0x4  }
0x2c0: {  	s1 =	sshll.u32 s0, $0x7;
	[tilespmem:v53+s7+$0x0] =	vst.idx.msk vm6, v2  }
0x2c1: {  	v53 =	vld [tilespmem:s1+$0x18680];
	_ =	sdelay $0x2  }
0x2c2: {  	v55 =	vld [tilespmem:s1+$0x18480];
	_ =	sdelay $0x1  }
0x2c3: {  	v62 =	vshra.s32 v53, $0x1F  }
0x2c4: {  	v54 =	vshrl.u32 v62, $0x1A  }
0x2c5: {  	v54 =	vadd.s32 v54, v53  }
0x2c6: {  	vm7 =	vlt.s32 v53, $0x1;
	v62 =	vshll.u32 v55, $0x3;
	v63 =	vand.u32 $0xFFFFFFC0, v54  }
0x2c7: {  	v58 =	vand.u32 $0xFFFFFC00, v62;
	vm8 =	vne.s32 v53, v63;
	v53 =	vsub.s32 v53, v63  }
0x2c8: {  	v54 =	vshra.s32 v54, $0x6;
	vm0 =	vmand vm7, vm8;
	v61 =	vshll.u32 v53, $0x9  }
0x2c9: {  	s2 =	sadd.s32 $0xFFFFFFE0, s31;
	s3 =	sshll.u32 s4, $0x4;
	v53 =	vshll.u32 v53, $0x7;
	v60 =	vsel vm0, $0xFFFFFFFF, v52;
	v57 =	vand.u32 $0x7000, v61  }
0x2ca: {  	s2 =	sand.u32 $0x80, s2;
	s15 =	sand.u32 $0x7, s4;
	s3 =	sand.u32 $0x3FFFFF00, s3;
	v53 =	vand.u32 $0x380, v53;
	v54 =	vadd.s32 v60, v54;
	v63 =	vadd.s32 v58, v57  }
0x2cb: {  	s2 =	sor.u32 s2, s3;
	v60 =	vand.u32 $0x7F, v55;
	vm9 =	veq.s32 v54, s15;
	v53 =	vor.u32 v53, v63  }
0x2cc: {  	v61 =	vld [tilespmem:s2+$0x18880];
	v53 =	vor.u32 v60, v53;
	_ =	sdelay $0x4  }
0x2cd: {  	[tilespmem:v53+s7+$0x0] =	vst.idx.msk vm9, v61  }
0x2ce: {  	v53 =	vld [tilespmem:s1+$0x18690];
	_ =	sdelay $0x2  }
0x2cf: {  	v55 =	vld [tilespmem:s1+$0x18490];
	_ =	sdelay $0x1  }
0x2d0: {  	v62 =	vshra.s32 v53, $0x1F  }
0x2d1: {  	v54 =	vshrl.u32 v62, $0x1A  }
0x2d2: {  	v54 =	vadd.s32 v54, v53  }
0x2d3: {  	vm10 =	vlt.s32 v53, $0x1;
	v62 =	vshll.u32 v55, $0x3;
	v63 =	vand.u32 $0xFFFFFFC0, v54  }
0x2d4: {  	v58 =	vand.u32 $0xFFFFFC00, v62;
	vm11 =	vne.s32 v53, v63;
	v53 =	vsub.s32 v53, v63  }
0x2d5: {  	v54 =	vshra.s32 v54, $0x6;
	vm0 =	vmand vm10, vm11;
	v61 =	vshll.u32 v53, $0x9  }
0x2d6: {  	v53 =	vshll.u32 v53, $0x7;
	v60 =	vsel vm0, $0xFFFFFFFF, v52;
	v57 =	vand.u32 $0x7000, v61  }
0x2d7: {  	v53 =	vand.u32 $0x380, v53;
	v54 =	vadd.s32 v60, v54;
	v63 =	vadd.s32 v58, v57  }
0x2d8: {  	s2 =	sadd.s32 $0x18880, s2;
	v57 =	vand.u32 $0x7F, v55;
	vm12 =	veq.s32 v54, s15;
	v53 =	vor.u32 v53, v63  }
0x2d9: {  	v58 =	vld [tilespmem:s2+$0x10];
	v53 =	vor.u32 v57, v53;
	_ =	sdelay $0x4  }
0x2da: {  	[tilespmem:v53+s7+$0x0] =	vst.idx.msk vm12, v58  }
0x2db: {  	v53 =	vld [tilespmem:s1+$0x186A0];
	_ =	sdelay $0x2  }
0x2dc: {  	v55 =	vld [tilespmem:s1+$0x184A0];
	_ =	sdelay $0x1  }
0x2dd: {  	v59 =	vshra.s32 v53, $0x1F  }
0x2de: {  	v54 =	vshrl.u32 v59, $0x1A  }
0x2df: {  	v54 =	vadd.s32 v54, v53  }
0x2e0: {  	vm13 =	vlt.s32 v53, $0x1;
	v63 =	vshll.u32 v55, $0x3;
	v60 =	vand.u32 $0xFFFFFFC0, v54  }
0x2e1: {  	v58 =	vand.u32 $0xFFFFFC00, v63;
	vm14 =	vne.s32 v53, v60;
	v53 =	vsub.s32 v53, v60  }
0x2e2: {  	v54 =	vshra.s32 v54, $0x6;
	vm0 =	vmand vm13, vm14;
	v62 =	vshll.u32 v53, $0x9  }
0x2e3: {  	v53 =	vshll.u32 v53, $0x7;
	v61 =	vsel vm0, $0xFFFFFFFF, v52;
	v57 =	vand.u32 $0x7000, v62  }
0x2e4: {  	v53 =	vand.u32 $0x380, v53;
	v54 =	vadd.s32 v61, v54;
	v60 =	vadd.s32 v58, v57  }
0x2e5: {  	v61 =	vand.u32 $0x7F, v55;
	vm15 =	veq.s32 v54, s15;
	v53 =	vor.u32 v53, v60  }
0x2e6: {  	v62 =	vld [tilespmem:s2+$0x20];
	s2 =	sadd.s32 $0x1, s29;
	v53 =	vor.u32 v61, v53  }
0x2e7: {  	s0 =	sadd.s32 s10, s0;
	s3 =	sshll.u32 s2, $0x18  }
0x2e8: {  	s0 =	sshll.u32 s0, $0x13;
	s15 =	sand.u32 $0x78000, s28;
	s1 =	sshra.s32 s3, $0x1F  }
0x2e9: {  	s0 =	sor.u32 s15, s0;
	s1 =	sand.u32 $0xF, s1  }
0x2ea: {  	s0 =	sshrl.u32 s0, $0x3;
	s1 =	sadd.s32 s1, s2  }
0x2eb: {  	s0 =	sadd.s32 s6, s0;
	s1 =	sshll.u32 s1, $0x18;
	[tilespmem:v53+s7+$0x0] =	vst.idx.msk vm15, v62  }
0x2ec: {  	[hbm4b:s0+s7] =	stream.linear.scatter [tilespmem:s7], [sflag:$0x1], $0x8000, $0x38;
	[tilespmem:$0x18C80] =	vst v63  }
0x2ed: {  	s1 =	sshra.s32 s1, $0x18;
	_ =	swait.ge [sflag:s24], $0x8000  }
0x2ee: {  	s1 =	sshll.u32 s1, $0x3;
	[sflag:s24] =	ssyncset.done $0x0  }
0x2ef: {  	s1 =	sand.u32 $0xFFFFFF80, s1;
	[sflag:s24] =	ssyncadd.s32 $0xFFFF8000  }
0x2f0: {  	v63 =	vld [tilespmem:s1+$0x18680];
	_ =	sdelay $0x3  }
0x2f1: {  	v55 =	vld [tilespmem:s1+$0x18480]  }
0x2f2: {  	v59 =	vshra.s32 v63, $0x1F  }
0x2f3: {  	v54 =	vshrl.u32 v59, $0x1A  }
0x2f4: {  	v54 =	vadd.s32 v54, v63  }
0x2f5: {  	vm4 =	vlt.s32 v63, $0x1;
	v60 =	vand.u32 $0xFFFFFFC0, v54;
	v54 =	vshra.s32 v54, $0x6  }
0x2f6: {  	vm5 =	vne.s32 v63, v60;
	v53 =	vsub.s32 v63, v60;
	v63 =	vshll.u32 v55, $0x3  }
0x2f7: {  	vm0 =	vmand vm4, vm5;
	v62 =	vshll.u32 v53, $0x9;
	v58 =	vand.u32 $0xFFFFFC00, v63  }
0x2f8: {  	v53 =	vshll.u32 v53, $0x7;
	v61 =	vsel vm0, $0xFFFFFFFF, v52;
	v57 =	vand.u32 $0x7000, v62  }
0x2f9: {  	s0 =	sand.u32 $0x7, s2;
	v53 =	vand.u32 $0x380, v53;
	v54 =	vadd.s32 v61, v54;
	v60 =	vadd.s32 v58, v57  }
0x2fa: {  	v61 =	vand.u32 $0x7F, v55;
	vm6 =	veq.s32 v54, s0;
	v53 =	vor.u32 v53, v60  }
0x2fb: {  	v53 =	vor.u32 v61, v53;
	_ =	sdelay $0x4  }
0x2fc: {  	[tilespmem:v53+s21+$0x0] =	vst.idx.msk vm6, v2  }
0x2fd: {  	v53 =	vld [tilespmem:s1+$0x18690];
	_ =	sdelay $0x2  }
0x2fe: {  	v55 =	vld [tilespmem:s1+$0x18490];
	_ =	sdelay $0x1  }
0x2ff: {  	v62 =	vshra.s32 v53, $0x1F  }
0x300: {  	v54 =	vshrl.u32 v62, $0x1A  }
0x301: {  	v54 =	vadd.s32 v54, v53  }
0x302: {  	vm7 =	vlt.s32 v53, $0x1;
	v62 =	vshll.u32 v55, $0x3;
	v63 =	vand.u32 $0xFFFFFFC0, v54  }
0x303: {  	v58 =	vand.u32 $0xFFFFFC00, v62;
	vm8 =	vne.s32 v53, v63;
	v53 =	vsub.s32 v53, v63  }
0x304: {  	v54 =	vshra.s32 v54, $0x6;
	vm0 =	vmand vm7, vm8;
	v61 =	vshll.u32 v53, $0x9  }
0x305: {  	v53 =	vshll.u32 v53, $0x7;
	v60 =	vsel vm0, $0xFFFFFFFF, v52;
	v57 =	vand.u32 $0x7000, v61  }
0x306: {  	v53 =	vand.u32 $0x380, v53;
	v54 =	vadd.s32 v60, v54;
	v63 =	vadd.s32 v58, v57  }
0x307: {  	v58 =	vand.u32 $0x7F, v55;
	vm9 =	veq.s32 v54, s0;
	v53 =	vor.u32 v53, v63  }
0x308: {  	v53 =	vor.u32 v58, v53;
	_ =	sdelay $0x4  }
0x309: {  	[tilespmem:v53+s21+$0x0] =	vst.idx.msk vm9, v2  }
0x30a: {  	v53 =	vld [tilespmem:s1+$0x186A0];
	_ =	sdelay $0x2  }
0x30b: {  	v55 =	vld [tilespmem:s1+$0x184A0];
	_ =	sdelay $0x1  }
0x30c: {  	v59 =	vshra.s32 v53, $0x1F  }
0x30d: {  	v54 =	vshrl.u32 v59, $0x1A  }
0x30e: {  	v54 =	vadd.s32 v54, v53  }
0x30f: {  	vm10 =	vlt.s32 v53, $0x1;
	v63 =	vshll.u32 v55, $0x3;
	v60 =	vand.u32 $0xFFFFFFC0, v54  }
0x310: {  	v58 =	vand.u32 $0xFFFFFC00, v63;
	vm11 =	vne.s32 v53, v60;
	v53 =	vsub.s32 v53, v60  }
0x311: {  	v54 =	vshra.s32 v54, $0x6;
	vm0 =	vmand vm10, vm11;
	v62 =	vshll.u32 v53, $0x9  }
0x312: {  	v53 =	vshll.u32 v53, $0x7;
	v61 =	vsel vm0, $0xFFFFFFFF, v52;
	v57 =	vand.u32 $0x7000, v62  }
0x313: {  	v53 =	vand.u32 $0x380, v53;
	v54 =	vadd.s32 v61, v54;
	v60 =	vadd.s32 v58, v57  }
0x314: {  	v61 =	vand.u32 $0x7F, v55;
	vm12 =	veq.s32 v54, s0;
	v53 =	vor.u32 v53, v60  }
0x315: {  	v53 =	vor.u32 v61, v53;
	_ =	sdelay $0x2  }
0x316: {  	s1 =	sadd.s32 $0x4, s29  }
0x317: {  	s0 =	sshrl.u32 s1, $0x4  }
0x318: {  	s2 =	sshll.u32 s0, $0x7;
	[tilespmem:v53+s21+$0x0] =	vst.idx.msk vm12, v2  }
0x319: {  	v53 =	vld [tilespmem:s2+$0x18680];
	_ =	sdelay $0x2  }
0x31a: {  	v55 =	vld [tilespmem:s2+$0x18480];
	_ =	sdelay $0x1  }
0x31b: {  	v62 =	vshra.s32 v53, $0x1F  }
0x31c: {  	v54 =	vshrl.u32 v62, $0x1A  }
0x31d: {  	v54 =	vadd.s32 v54, v53  }
0x31e: {  	vm13 =	vlt.s32 v53, $0x1;
	v62 =	vshll.u32 v55, $0x3;
	v63 =	vand.u32 $0xFFFFFFC0, v54  }
0x31f: {  	v58 =	vand.u32 $0xFFFFFC00, v62;
	vm14 =	vne.s32 v53, v63;
	v53 =	vsub.s32 v53, v63  }
0x320: {  	v54 =	vshra.s32 v54, $0x6;
	vm0 =	vmand vm13, vm14;
	v61 =	vshll.u32 v53, $0x9  }
0x321: {  	s3 =	sadd.s32 $0xFFFFFFF0, s31;
	s15 =	sshll.u32 s1, $0x4;
	v53 =	vshll.u32 v53, $0x7;
	v60 =	vsel vm0, $0xFFFFFFFF, v52;
	v57 =	vand.u32 $0x7000, v61  }
0x322: {  	s3 =	sand.u32 $0x80, s3;
	s15 =	sand.u32 $0x3FFFFF00, s15;
	s1 =	sand.u32 $0x7, s1;
	v53 =	vand.u32 $0x380, v53;
	v54 =	vadd.s32 v60, v54;
	v63 =	vadd.s32 v58, v57  }
0x323: {  	s3 =	sor.u32 s3, s15;
	v60 =	vand.u32 $0x7F, v55;
	vm15 =	veq.s32 v54, s1;
	v53 =	vor.u32 v53, v63  }
0x324: {  	v61 =	vld [tilespmem:s3+$0x18880];
	v53 =	vor.u32 v60, v53;
	_ =	sdelay $0x4  }
0x325: {  	[tilespmem:v53+s21+$0x0] =	vst.idx.msk vm15, v61  }
0x326: {  	v53 =	vld [tilespmem:s2+$0x18690];
	_ =	sdelay $0x2  }
0x327: {  	v55 =	vld [tilespmem:s2+$0x18490];
	_ =	sdelay $0x1  }
0x328: {  	v62 =	vshra.s32 v53, $0x1F  }
0x329: {  	v54 =	vshrl.u32 v62, $0x1A  }
0x32a: {  	v54 =	vadd.s32 v54, v53  }
0x32b: {  	vm4 =	vlt.s32 v53, $0x1;
	v62 =	vshll.u32 v55, $0x3;
	v63 =	vand.u32 $0xFFFFFFC0, v54  }
0x32c: {  	v58 =	vand.u32 $0xFFFFFC00, v62;
	vm5 =	vne.s32 v53, v63;
	v53 =	vsub.s32 v53, v63  }
0x32d: {  	v54 =	vshra.s32 v54, $0x6;
	vm0 =	vmand vm4, vm5;
	v61 =	vshll.u32 v53, $0x9  }
0x32e: {  	v53 =	vshll.u32 v53, $0x7;
	v60 =	vsel vm0, $0xFFFFFFFF, v52;
	v57 =	vand.u32 $0x7000, v61  }
0x32f: {  	v53 =	vand.u32 $0x380, v53;
	v54 =	vadd.s32 v60, v54;
	v63 =	vadd.s32 v58, v57  }
0x330: {  	s3 =	sadd.s32 $0x18880, s3;
	v57 =	vand.u32 $0x7F, v55;
	vm6 =	veq.s32 v54, s1;
	v53 =	vor.u32 v53, v63  }
0x331: {  	v58 =	vld [tilespmem:s3+$0x10];
	v53 =	vor.u32 v57, v53;
	_ =	sdelay $0x4  }
0x332: {  	[tilespmem:v53+s21+$0x0] =	vst.idx.msk vm6, v58  }
0x333: {  	v53 =	vld [tilespmem:s2+$0x186A0];
	_ =	sdelay $0x2  }
0x334: {  	v55 =	vld [tilespmem:s2+$0x184A0];
	_ =	sdelay $0x1  }
0x335: {  	v59 =	vshra.s32 v53, $0x1F  }
0x336: {  	v54 =	vshrl.u32 v59, $0x1A  }
0x337: {  	v54 =	vadd.s32 v54, v53  }
0x338: {  	vm7 =	vlt.s32 v53, $0x1;
	v63 =	vshll.u32 v55, $0x3;
	v60 =	vand.u32 $0xFFFFFFC0, v54  }
0x339: {  	v58 =	vand.u32 $0xFFFFFC00, v63;
	vm8 =	vne.s32 v53, v60;
	v53 =	vsub.s32 v53, v60  }
0x33a: {  	v54 =	vshra.s32 v54, $0x6;
	vm0 =	vmand vm7, vm8;
	v62 =	vshll.u32 v53, $0x9  }
0x33b: {  	v53 =	vshll.u32 v53, $0x7;
	v61 =	vsel vm0, $0xFFFFFFFF, v52;
	v57 =	vand.u32 $0x7000, v62  }
0x33c: {  	v53 =	vand.u32 $0x380, v53;
	v54 =	vadd.s32 v61, v54;
	v60 =	vadd.s32 v58, v57  }
0x33d: {  	s15 =	sadd.s32 $0xFFFFF000, s5;
	v61 =	vand.u32 $0x7F, v55;
	vm9 =	veq.s32 v54, s1;
	v53 =	vor.u32 v53, v60  }
0x33e: {  	s0 =	sadd.s32 s10, s0;
	s2 =	sadd.s32 $0x2, s29;
	v62 =	vld [tilespmem:s3+$0x20];
	s1 =	sand.u32 $0xF000, s15;
	v53 =	vor.u32 v61, v53  }
0x33f: {  	s0 =	sshll.u32 s0, $0x10;
	s3 =	sshll.u32 s2, $0x18;
	s1 =	sadd.s32 s6, s1  }
0x340: {  	s0 =	sadd.s32 s0, s1;
	s1 =	sshra.s32 s3, $0x1F  }
0x341: {  	s1 =	sand.u32 $0xF, s1  }
0x342: {  	s1 =	sadd.s32 s1, s2  }
0x343: {  	s1 =	sshll.u32 s1, $0x18;
	[tilespmem:v53+s21+$0x0] =	vst.idx.msk vm9, v62  }
0x344: {  	[hbm4b:s0+s7] =	stream.linear.scatter [tilespmem:s21], [sflag:$0x2], $0x8000, $0x38;
	[tilespmem:$0x18C80] =	vst v63  }
0x345: {  	s1 =	sshra.s32 s1, $0x18;
	_ =	swait.ge [sflag:s25], $0x8000  }
0x346: {  	s1 =	sshll.u32 s1, $0x3;
	[sflag:s25] =	ssyncset.done $0x0  }
0x347: {  	s1 =	sand.u32 $0xFFFFFF80, s1;
	[sflag:s25] =	ssyncadd.s32 $0xFFFF8000  }
0x348: {  	v63 =	vld [tilespmem:s1+$0x18680];
	_ =	sdelay $0x3  }
0x349: {  	v55 =	vld [tilespmem:s1+$0x18480]  }
0x34a: {  	v59 =	vshra.s32 v63, $0x1F  }
0x34b: {  	v54 =	vshrl.u32 v59, $0x1A  }
0x34c: {  	v54 =	vadd.s32 v54, v63  }
0x34d: {  	vm10 =	vlt.s32 v63, $0x1;
	v60 =	vand.u32 $0xFFFFFFC0, v54;
	v54 =	vshra.s32 v54, $0x6  }
0x34e: {  	vm11 =	vne.s32 v63, v60;
	v53 =	vsub.s32 v63, v60;
	v63 =	vshll.u32 v55, $0x3  }
0x34f: {  	vm0 =	vmand vm10, vm11;
	v62 =	vshll.u32 v53, $0x9;
	v58 =	vand.u32 $0xFFFFFC00, v63  }
0x350: {  	v53 =	vshll.u32 v53, $0x7;
	v61 =	vsel vm0, $0xFFFFFFFF, v52;
	v57 =	vand.u32 $0x7000, v62  }
0x351: {  	s0 =	sand.u32 $0x7, s2;
	v53 =	vand.u32 $0x380, v53;
	v54 =	vadd.s32 v61, v54;
	v60 =	vadd.s32 v58, v57  }
0x352: {  	v61 =	vand.u32 $0x7F, v55;
	vm12 =	veq.s32 v54, s0;
	v53 =	vor.u32 v53, v60  }
0x353: {  	v53 =	vor.u32 v61, v53;
	_ =	sdelay $0x4  }
0x354: {  	[tilespmem:v53+s22+$0x0] =	vst.idx.msk vm12, v2  }
0x355: {  	v53 =	vld [tilespmem:s1+$0x18690];
	_ =	sdelay $0x2  }
0x356: {  	v55 =	vld [tilespmem:s1+$0x18490];
	_ =	sdelay $0x1  }
0x357: {  	v62 =	vshra.s32 v53, $0x1F  }
0x358: {  	v54 =	vshrl.u32 v62, $0x1A  }
0x359: {  	v54 =	vadd.s32 v54, v53  }
0x35a: {  	vm13 =	vlt.s32 v53, $0x1;
	v62 =	vshll.u32 v55, $0x3;
	v63 =	vand.u32 $0xFFFFFFC0, v54  }
0x35b: {  	v58 =	vand.u32 $0xFFFFFC00, v62;
	vm14 =	vne.s32 v53, v63;
	v53 =	vsub.s32 v53, v63  }
0x35c: {  	v54 =	vshra.s32 v54, $0x6;
	vm0 =	vmand vm13, vm14;
	v61 =	vshll.u32 v53, $0x9  }
0x35d: {  	v53 =	vshll.u32 v53, $0x7;
	v60 =	vsel vm0, $0xFFFFFFFF, v52;
	v57 =	vand.u32 $0x7000, v61  }
0x35e: {  	v53 =	vand.u32 $0x380, v53;
	v54 =	vadd.s32 v60, v54;
	v63 =	vadd.s32 v58, v57  }
0x35f: {  	v58 =	vand.u32 $0x7F, v55;
	vm15 =	veq.s32 v54, s0;
	v53 =	vor.u32 v53, v63  }
0x360: {  	v53 =	vor.u32 v58, v53;
	_ =	sdelay $0x4  }
0x361: {  	[tilespmem:v53+s22+$0x0] =	vst.idx.msk vm15, v2  }
0x362: {  	v53 =	vld [tilespmem:s1+$0x186A0];
	_ =	sdelay $0x2  }
0x363: {  	v55 =	vld [tilespmem:s1+$0x184A0];
	_ =	sdelay $0x1  }
0x364: {  	v59 =	vshra.s32 v53, $0x1F  }
0x365: {  	v54 =	vshrl.u32 v59, $0x1A  }
0x366: {  	v54 =	vadd.s32 v54, v53  }
0x367: {  	vm4 =	vlt.s32 v53, $0x1;
	v63 =	vshll.u32 v55, $0x3;
	v60 =	vand.u32 $0xFFFFFFC0, v54  }
0x368: {  	v58 =	vand.u32 $0xFFFFFC00, v63;
	vm5 =	vne.s32 v53, v60;
	v53 =	vsub.s32 v53, v60  }
0x369: {  	v54 =	vshra.s32 v54, $0x6;
	vm0 =	vmand vm4, vm5;
	v62 =	vshll.u32 v53, $0x9  }
0x36a: {  	v53 =	vshll.u32 v53, $0x7;
	v61 =	vsel vm0, $0xFFFFFFFF, v52;
	v57 =	vand.u32 $0x7000, v62  }
0x36b: {  	v53 =	vand.u32 $0x380, v53;
	v54 =	vadd.s32 v61, v54;
	v60 =	vadd.s32 v58, v57  }
0x36c: {  	v61 =	vand.u32 $0x7F, v55;
	vm6 =	veq.s32 v54, s0;
	v53 =	vor.u32 v53, v60  }
0x36d: {  	v53 =	vor.u32 v61, v53;
	_ =	sdelay $0x2  }
0x36e: {  	s15 =	sadd.s32 $0x5, s29  }
0x36f: {  	s0 =	sshrl.u32 s15, $0x4  }
0x370: {  	s2 =	sshll.u32 s0, $0x7;
	[tilespmem:v53+s22+$0x0] =	vst.idx.msk vm6, v2  }
0x371: {  	v53 =	vld [tilespmem:s2+$0x18680];
	_ =	sdelay $0x2  }
0x372: {  	v55 =	vld [tilespmem:s2+$0x18480];
	_ =	sdelay $0x1  }
0x373: {  	v62 =	vshra.s32 v53, $0x1F  }
0x374: {  	v54 =	vshrl.u32 v62, $0x1A  }
0x375: {  	v54 =	vadd.s32 v54, v53  }
0x376: {  	vm7 =	vlt.s32 v53, $0x1;
	v62 =	vshll.u32 v55, $0x3;
	v63 =	vand.u32 $0xFFFFFFC0, v54  }
0x377: {  	v58 =	vand.u32 $0xFFFFFC00, v62;
	vm8 =	vne.s32 v53, v63;
	v53 =	vsub.s32 v53, v63  }
0x378: {  	v54 =	vshra.s32 v54, $0x6;
	vm0 =	vmand vm7, vm8;
	v61 =	vshll.u32 v53, $0x9  }
0x379: {  	s3 =	sshll.u32 s15, $0x4;
	v53 =	vshll.u32 v53, $0x7;
	v60 =	vsel vm0, $0xFFFFFFFF, v52;
	v57 =	vand.u32 $0x7000, v61  }
0x37a: {  	s3 =	sand.u32 $0x3FFFFF00, s3;
	s1 =	sand.u32 $0x7, s15;
	s15 =	sand.u32 $0x80, s31;
	v53 =	vand.u32 $0x380, v53;
	v54 =	vadd.s32 v60, v54;
	v63 =	vadd.s32 v58, v57  }
0x37b: {  	s3 =	sor.u32 s15, s3;
	v60 =	vand.u32 $0x7F, v55;
	vm9 =	veq.s32 v54, s1;
	v53 =	vor.u32 v53, v63  }
0x37c: {  	v61 =	vld [tilespmem:s3+$0x18880];
	v53 =	vor.u32 v60, v53;
	_ =	sdelay $0x4  }
0x37d: {  	[tilespmem:v53+s22+$0x0] =	vst.idx.msk vm9, v61  }
0x37e: {  	v53 =	vld [tilespmem:s2+$0x18690];
	_ =	sdelay $0x2  }
0x37f: {  	v55 =	vld [tilespmem:s2+$0x18490];
	_ =	sdelay $0x1  }
0x380: {  	v62 =	vshra.s32 v53, $0x1F  }
0x381: {  	v54 =	vshrl.u32 v62, $0x1A  }
0x382: {  	v54 =	vadd.s32 v54, v53  }
0x383: {  	vm10 =	vlt.s32 v53, $0x1;
	v62 =	vshll.u32 v55, $0x3;
	v63 =	vand.u32 $0xFFFFFFC0, v54  }
0x384: {  	v58 =	vand.u32 $0xFFFFFC00, v62;
	vm11 =	vne.s32 v53, v63;
	v53 =	vsub.s32 v53, v63  }
0x385: {  	v54 =	vshra.s32 v54, $0x6;
	vm0 =	vmand vm10, vm11;
	v61 =	vshll.u32 v53, $0x9  }
0x386: {  	v53 =	vshll.u32 v53, $0x7;
	v60 =	vsel vm0, $0xFFFFFFFF, v52;
	v57 =	vand.u32 $0x7000, v61  }
0x387: {  	v53 =	vand.u32 $0x380, v53;
	v54 =	vadd.s32 v60, v54;
	v63 =	vadd.s32 v58, v57  }
0x388: {  	s3 =	sadd.s32 $0x18880, s3;
	v58 =	vand.u32 $0x7F, v55;
	vm12 =	veq.s32 v54, s1;
	v53 =	vor.u32 v53, v63  }
0x389: {  	v59 =	vld [tilespmem:s3+$0x10];
	v53 =	vor.u32 v58, v53;
	_ =	sdelay $0x4  }
0x38a: {  	[tilespmem:v53+s22+$0x0] =	vst.idx.msk vm12, v59  }
0x38b: {  	v53 =	vld [tilespmem:s2+$0x186A0];
	_ =	sdelay $0x2  }
0x38c: {  	v55 =	vld [tilespmem:s2+$0x184A0];
	_ =	sdelay $0x1  }
0x38d: {  	v60 =	vshra.s32 v53, $0x1F  }
0x38e: {  	v54 =	vshrl.u32 v60, $0x1A  }
0x38f: {  	v54 =	vadd.s32 v54, v53  }
0x390: {  	vm13 =	vlt.s32 v53, $0x1;
	v60 =	vshll.u32 v55, $0x3;
	v61 =	vand.u32 $0xFFFFFFC0, v54  }
0x391: {  	v58 =	vand.u32 $0xFFFFFC00, v60;
	vm14 =	vne.s32 v53, v61;
	v53 =	vsub.s32 v53, v61  }
0x392: {  	v54 =	vshra.s32 v54, $0x6;
	vm0 =	vmand vm13, vm14;
	v63 =	vshll.u32 v53, $0x9  }
0x393: {  	v53 =	vshll.u32 v53, $0x7;
	v62 =	vsel vm0, $0xFFFFFFFF, v52;
	v57 =	vand.u32 $0x7000, v63  }
0x394: {  	v53 =	vand.u32 $0x380, v53;
	v54 =	vadd.s32 v62, v54;
	v61 =	vadd.s32 v58, v57  }
0x395: {  	v62 =	vand.u32 $0x7F, v55;
	vm15 =	veq.s32 v54, s1;
	v53 =	vor.u32 v53, v61  }
0x396: {  	v63 =	vld [tilespmem:s3+$0x20];
	v53 =	vor.u32 v62, v53  }
0x397: {  	p0 =	sne.s32 s29, $0x39  }
.Ltmp1:
0x398: {  	s30 =	sadd.s32 $0x1, s30;
	(pc) =	sbr.rel @p0 .LBB2_4-.Ltmp1, $4  }
0x399: {  	s28 =	sadd.s32 $0x18000, s28;
	s0 =	sadd.s32 s10, s0;
	s15 =	sand.u32 $0xF000, s5  }
0x39a: {  	s29 =	smov.u32 s4;
	s0 =	sshll.u32 s0, $0x10;
	s1 =	sadd.s32 s6, s15  }
0x39b: {  	s31 =	sadd.s32 $0x30, s31;
	s5 =	sadd.s32 $0x3000, s5;
	s0 =	sadd.s32 s0, s1;
	[tilespmem:v53+s22+$0x0] =	vst.idx.msk vm15, v63  }
0x39c: {  	[hbm4b:s0+s7] =	stream.linear.scatter [tilespmem:s22], [sflag:$0x3], $0x8000, $0x38;
	[tilespmem:$0x18C80] =	vst v63  }
0x39d: {  	_ =	swait.ge [sflag:s23], $0x8000  }
0x39e: {  	[sflag:s23] =	ssyncset.done $0x0  }
0x39f: {  	[sflag:s23] =	ssyncadd.s32 $0xFFFF8000  }
0x3a0: {  	v53 =	vld [tilespmem:$0x18800];
	_ =	sdelay $0x4  }
0x3a1: {  	v55 =	vld [tilespmem:$0x18600];
	v54 =	vshra.s32 v53, $0x1F  }
0x3a2: {  	v54 =	vshrl.u32 v54, $0x1A  }
0x3a3: {  	v54 =	vadd.s32 v54, v53  }
0x3a4: {  	v54 =	vshra.s32 v54, $0x6  }
0x3a5: {  	vm0 =	vlt.s32 v53, $0x1;
	v56 =	vshll.u32 v54, $0x6  }
0x3a6: {  	v58 =	vshll.u32 v55, $0x3;
	vm1 =	vne.s32 v53, v56;
	v53 =	vsub.s32 v53, v56  }
0x3a7: {  	v58 =	vand.u32 $0xFFFFFC00, v58;
	vm0 =	vmand vm0, vm1;
	v57 =	vshll.u32 v53, $0x9  }
0x3a8: {  	v53 =	vshll.u32 v53, $0x7;
	v63 =	vsel vm0, $0xFFFFFFFF, v52;
	v57 =	vand.u32 $0x7000, v57  }
0x3a9: {  	v53 =	vand.u32 $0x380, v53;
	v54 =	vadd.s32 v63, v54;
	v60 =	vadd.s32 v58, v57  }
0x3aa: {  	v61 =	vand.u32 $0x7F, v55;
	vm12 =	veq.s32 v54, $0x4;
	v53 =	vor.u32 v53, v60  }
0x3ab: {  	v53 =	vor.u32 v61, v53;
	_ =	sdelay $0x4  }
0x3ac: {  	[tilespmem:v53+s7+$0x0] =	vst.idx.msk vm12, v2  }
0x3ad: {  	v53 =	vld [tilespmem:$0x18810];
	_ =	sdelay $0x2  }
0x3ae: {  	v55 =	vld [tilespmem:$0x18610];
	_ =	sdelay $0x1  }
0x3af: {  	v62 =	vshra.s32 v53, $0x1F  }
0x3b0: {  	v54 =	vshrl.u32 v62, $0x1A  }
0x3b1: {  	v54 =	vadd.s32 v54, v53  }
0x3b2: {  	vm13 =	vlt.s32 v53, $0x1;
	v62 =	vshll.u32 v55, $0x3;
	v63 =	vand.u32 $0xFFFFFFC0, v54  }
0x3b3: {  	v58 =	vand.u32 $0xFFFFFC00, v62;
	vm14 =	vne.s32 v53, v63;
	v53 =	vsub.s32 v53, v63  }
0x3b4: {  	v54 =	vshra.s32 v54, $0x6;
	vm0 =	vmand vm13, vm14;
	v61 =	vshll.u32 v53, $0x9  }
0x3b5: {  	v53 =	vshll.u32 v53, $0x7;
	v60 =	vsel vm0, $0xFFFFFFFF, v52;
	v57 =	vand.u32 $0x7000, v61  }
0x3b6: {  	v53 =	vand.u32 $0x380, v53;
	v54 =	vadd.s32 v60, v54;
	v63 =	vadd.s32 v58, v57  }
0x3b7: {  	v58 =	vand.u32 $0x7F, v55;
	vm15 =	veq.s32 v54, $0x4;
	v53 =	vor.u32 v53, v63  }
0x3b8: {  	v53 =	vor.u32 v58, v53;
	_ =	sdelay $0x4  }
0x3b9: {  	[tilespmem:v53+s7+$0x0] =	vst.idx.msk vm15, v2  }
0x3ba: {  	v53 =	vld [tilespmem:$0x18820];
	_ =	sdelay $0x2  }
0x3bb: {  	v55 =	vld [tilespmem:$0x18620];
	_ =	sdelay $0x1  }
0x3bc: {  	v59 =	vshra.s32 v53, $0x1F  }
0x3bd: {  	v54 =	vshrl.u32 v59, $0x1A  }
0x3be: {  	v54 =	vadd.s32 v54, v53  }
0x3bf: {  	vm4 =	vlt.s32 v53, $0x1;
	v63 =	vshll.u32 v55, $0x3;
	v60 =	vand.u32 $0xFFFFFFC0, v54  }
0x3c0: {  	v58 =	vand.u32 $0xFFFFFC00, v63;
	vm5 =	vne.s32 v53, v60;
	v53 =	vsub.s32 v53, v60  }
0x3c1: {  	v54 =	vshra.s32 v54, $0x6;
	vm0 =	vmand vm4, vm5;
	v62 =	vshll.u32 v53, $0x9  }
0x3c2: {  	v53 =	vshll.u32 v53, $0x7;
	v61 =	vsel vm0, $0xFFFFFFFF, v52;
	v57 =	vand.u32 $0x7000, v62  }
0x3c3: {  	v53 =	vand.u32 $0x380, v53;
	v54 =	vadd.s32 v61, v54;
	v60 =	vadd.s32 v58, v57  }
0x3c4: {  	v61 =	vand.u32 $0x7F, v55;
	vm6 =	veq.s32 v54, $0x4;
	v53 =	vor.u32 v53, v60  }
0x3c5: {  	v53 =	vor.u32 v61, v53;
	_ =	sdelay $0x4  }
0x3c6: {  	[tilespmem:v53+s7+$0x0] =	vst.idx.msk vm6, v2  }
0x3c7: {  	v53 =	vld [tilespmem:$0x18800];
	_ =	sdelay $0x2  }
0x3c8: {  	v55 =	vld [tilespmem:$0x18600];
	_ =	sdelay $0x1  }
0x3c9: {  	v62 =	vshra.s32 v53, $0x1F  }
0x3ca: {  	v54 =	vshrl.u32 v62, $0x1A  }
0x3cb: {  	v54 =	vadd.s32 v54, v53  }
0x3cc: {  	vm7 =	vlt.s32 v53, $0x1;
	v62 =	vshll.u32 v55, $0x3;
	v63 =	vand.u32 $0xFFFFFFC0, v54  }
0x3cd: {  	v58 =	vand.u32 $0xFFFFFC00, v62;
	vm8 =	vne.s32 v53, v63;
	v53 =	vsub.s32 v53, v63  }
0x3ce: {  	v54 =	vshra.s32 v54, $0x6;
	vm0 =	vmand vm7, vm8;
	v61 =	vshll.u32 v53, $0x9  }
0x3cf: {  	v53 =	vshll.u32 v53, $0x7;
	v60 =	vsel vm0, $0xFFFFFFFF, v52;
	v57 =	vand.u32 $0x7000, v61  }
0x3d0: {  	v53 =	vand.u32 $0x380, v53;
	v54 =	vadd.s32 v60, v54;
	v63 =	vadd.s32 v58, v57  }
0x3d1: {  	v60 =	vand.u32 $0x7F, v55;
	vm9 =	veq.s32 v54, $0x7;
	v53 =	vor.u32 v53, v63  }
0x3d2: {  	v61 =	vld [tilespmem:$0x18C00];
	v53 =	vor.u32 v60, v53;
	_ =	sdelay $0x4  }
0x3d3: {  	[tilespmem:v53+s7+$0x0] =	vst.idx.msk vm9, v61  }
0x3d4: {  	v53 =	vld [tilespmem:$0x18810];
	_ =	sdelay $0x2  }
0x3d5: {  	v55 =	vld [tilespmem:$0x18610];
	_ =	sdelay $0x1  }
0x3d6: {  	v62 =	vshra.s32 v53, $0x1F  }
0x3d7: {  	v54 =	vshrl.u32 v62, $0x1A  }
0x3d8: {  	v54 =	vadd.s32 v54, v53  }
0x3d9: {  	vm10 =	vlt.s32 v53, $0x1;
	v62 =	vshll.u32 v55, $0x3;
	v63 =	vand.u32 $0xFFFFFFC0, v54  }
0x3da: {  	v58 =	vand.u32 $0xFFFFFC00, v62;
	vm11 =	vne.s32 v53, v63;
	v53 =	vsub.s32 v53, v63  }
0x3db: {  	v54 =	vshra.s32 v54, $0x6;
	vm0 =	vmand vm10, vm11;
	v61 =	vshll.u32 v53, $0x9  }
0x3dc: {  	v53 =	vshll.u32 v53, $0x7;
	v60 =	vsel vm0, $0xFFFFFFFF, v52;
	v57 =	vand.u32 $0x7000, v61  }
0x3dd: {  	v53 =	vand.u32 $0x380, v53;
	v54 =	vadd.s32 v60, v54;
	v63 =	vadd.s32 v58, v57  }
0x3de: {  	v58 =	vand.u32 $0x7F, v55;
	vm12 =	veq.s32 v54, $0x7;
	v53 =	vor.u32 v53, v63  }
0x3df: {  	v59 =	vld [tilespmem:$0x18C10];
	v53 =	vor.u32 v58, v53;
	_ =	sdelay $0x4  }
0x3e0: {  	[tilespmem:v53+s7+$0x0] =	vst.idx.msk vm12, v59  }
0x3e1: {  	v53 =	vld [tilespmem:$0x18820];
	_ =	sdelay $0x2  }
0x3e2: {  	v55 =	vld [tilespmem:$0x18620];
	_ =	sdelay $0x1  }
0x3e3: {  	v60 =	vshra.s32 v53, $0x1F  }
0x3e4: {  	v54 =	vshrl.u32 v60, $0x1A  }
0x3e5: {  	v54 =	vadd.s32 v54, v53  }
0x3e6: {  	vm13 =	vlt.s32 v53, $0x1;
	v60 =	vshll.u32 v55, $0x3;
	v61 =	vand.u32 $0xFFFFFFC0, v54  }
0x3e7: {  	v58 =	vand.u32 $0xFFFFFC00, v60;
	vm14 =	vne.s32 v53, v61;
	v53 =	vsub.s32 v53, v61  }
0x3e8: {  	v54 =	vshra.s32 v54, $0x6;
	vm0 =	vmand vm13, vm14;
	v63 =	vshll.u32 v53, $0x9  }
0x3e9: {  	v53 =	vshll.u32 v53, $0x7;
	v62 =	vsel vm0, $0xFFFFFFFF, v52;
	v57 =	vand.u32 $0x7000, v63  }
0x3ea: {  	v53 =	vand.u32 $0x380, v53;
	v54 =	vadd.s32 v62, v54;
	v61 =	vadd.s32 v58, v57  }
0x3eb: {  	v62 =	vand.u32 $0x7F, v55;
	vm15 =	veq.s32 v54, $0x7;
	v53 =	vor.u32 v53, v61  }
0x3ec: {  	v63 =	vld [tilespmem:$0x18C20];
	v53 =	vor.u32 v62, v53;
	_ =	sdelay $0x4  }
0x3ed: {  	[tilespmem:v53+s7+$0x0] =	vst.idx.msk vm15, v63  }
0x3ee: {  	[hbm4b:s13+s7] =	stream.linear.scatter [tilespmem:s7], [sflag:$0x1], $0x8000, $0x38;
	[tilespmem:$0x18C80] =	vst v63  }
0x3ef: {  	_ =	swait.ge [sflag:s24], $0x8000  }
0x3f0: {  	[sflag:s24] =	ssyncset.done $0x0  }
0x3f1: {  	s26 =	sadd.s32 $0x1, s26;
	[sflag:s24] =	ssyncadd.s32 $0xFFFF8000  }
0x3f2: {  	p0 =	sne.s32 s26, s14;
	_ =	swait.ge [sflag:s25], $0x8000  }
.Ltmp2:
0x3f3: {  	[sflag:s25] =	ssyncset.done $0x0;
	(pc) =	sbr.rel @p0 .LBB2_1-.Ltmp2, $4  }
0x3f4: {  	[sflag:s25] =	ssyncadd.s32 $0xFFFF8000  }
0x3f5: {  	_ =	swait.ge [sflag:s23], $0x8000  }
0x3f6: {  	[sflag:s23] =	ssyncset.done $0x0  }
0x3f7: {  	[sflag:s23] =	ssyncadd.s32 $0xFFFF8000  }
0x3f8: {  	_ =	sfence.sel $0x180000  }
0x3f9: {  	[bflag:$0x0] =	sbarrier.arrive $0xFFFF  }
0x3fa: {  	_ =	strace $0x90000047  }
0x3fb: {  	s0 =	stileid.u32;
	[bflag:$0x2] =	sbarrier.arrive $0xFFFF  }
0x3fc: {  	p0 =	sne.s32 s0, $0x0;
	s0 =	rddreg [dreg:$0x6]  }
0x3fd: {  	s0 =	sadd.s32 @!p0 $0x100000, s0  }
0x3fe: {  	[sflag:s0] =	ssyncadd.tile.s32 @!p0 $0x1;
	_ =	shalt  }
.Lfunc_end2:
_tile_overlayer_lowered:
.L_overlay_start_2:
0x3ff: {  	(tag) =	ssettag $0x2  }
0x400: {  	s0 =	rddreg [dreg:$0x0];
	s2 =	stileid.u32  }
0x401: {  	s1 =	rddreg [dreg:$0x1];
	p0 =	sne.s32 s2, $0x0  }
0x402: {  	s3 =	rddreg [dreg:$0x2];
	[bflag:$0x3] =	sbarrier.arrive $0xFFFF;
	s2 =	simm.s32 @!p0 $0x1C05  }
0x403: {  	[timem:s3], [sflag:s2] =	dma.local @!p0 [hbm:s0], s1  }
0x404: {  	s0 =	simm.s32 @!p0 $0x5  }
0x405: {  	_ =	swait.ge @!p0 [sflag:s0], s1  }
0x406: {  	s1 =	ssub.s32 @!p0 $0x0, s1;
	[sflag:s0] =	ssyncset.done @!p0 $0x0  }
0x407: {  	[sflag:s0] =	ssyncadd.s32 @!p0 s1  }
0x408: {  	[bflag:$0x3] =	sbarrier.arrive $0xFFFF  }
0x409: {  	_ =	shalt  }

</sc_bundles>
